<compile_context>
chip_gen: v7x
topology: tpu7x:2x2x1
jax: 0.10.2.dev20260603
libtpu: 0.0.44.dev20260713+nightly
codegen_flags: <defaults>
</compile_context>

<pallas_src>
import functools

import jax
import jax.numpy as jnp
from jax import lax
from jax.experimental import pallas as pl
from jax.experimental.pallas import tpu as pltpu
from jax.experimental.pallas import tpu_sc as plsc

_HID = 16
_NW = 32
_CH = 128
_LANES = 16


def _ceil_to(v, m):
    return (v + m - 1) // m * m


def _sc_mesh():
    return plsc.VectorSubcoreMesh(core_axis_name="c", subcore_axis_name="s")


_SC_PARAMS = pltpu.CompilerParams(use_tc_tiling_on_sc=False)


def _sc_gather(table, idx2d):
    nch_total, _ = idx2d.shape
    w = table.shape[1]
    ep = nch_total * _CH
    per = ep // _NW
    nch = per // _CH

    @functools.partial(
        pl.kernel,
        out_type=jax.ShapeDtypeStruct((ep, w), jnp.float32),
        mesh=_sc_mesh(),
        scratch_types=[
            pltpu.VMEM((nch, _CH), jnp.int32),
            pltpu.VMEM((per, w), jnp.float32),
            pltpu.SemaphoreType.DMA,
            pltpu.SemaphoreType.DMA,
        ],
        compiler_params=_SC_PARAMS,
    )
    def k(table_hbm, idx_hbm, out_hbm, idx_v, rows_v, sem, sem_st):
        wid = lax.axis_index("s") * 2 + lax.axis_index("c")
        base = wid * per
        hn = nch // 2
        hrows = hn * _CH
        pltpu.sync_copy(idx_hbm.at[pl.ds(wid * nch, nch)], idx_v)

        def issue(j, carry):
            pltpu.async_copy(table_hbm.at[idx_v.at[j]],
                             rows_v.at[pl.ds(j * _CH, _CH)], sem)
            return carry

        lax.fori_loop(0, hn, issue, 0)
        pltpu.make_async_copy(table_hbm.at[pl.ds(0, hrows)],
                              rows_v.at[pl.ds(0, hrows)], sem).wait()
        pltpu.async_copy(rows_v.at[pl.ds(0, hrows)],
                         out_hbm.at[pl.ds(base, hrows)], sem_st)
        lax.fori_loop(hn, nch, issue, 0)
        pltpu.make_async_copy(table_hbm.at[pl.ds(0, hrows)],
                              rows_v.at[pl.ds(0, hrows)], sem).wait()
        pltpu.async_copy(rows_v.at[pl.ds(hrows, hrows)],
                         out_hbm.at[pl.ds(base + hrows, hrows)], sem_st)
        pltpu.make_async_copy(rows_v.at[pl.ds(0, hrows)],
                              out_hbm.at[pl.ds(0, hrows)], sem_st).wait()
        pltpu.make_async_copy(rows_v.at[pl.ds(0, hrows)],
                              out_hbm.at[pl.ds(0, hrows)], sem_st).wait()

    return k(table, idx2d)


def _sc_scatter(msg, dst, npad, wide):
    nch_total = dst.shape[0]
    ep = nch_total * _CH
    per = ep // _NW
    nch = per // _CH
    rpt = npad // 16

    if wide:
        agg_shape = (2 * npad, _HID)
        sh_agg_t = pltpu.VMEM_SHARED((npad, _HID), jnp.float32)
        rows_t = pltpu.VMEM((per, _HID), jnp.float32)
    else:
        agg_shape = (2 * npad,)
        sh_agg_t = pltpu.VMEM_SHARED((npad,), jnp.float32)
        rows_t = pltpu.VMEM((per,), jnp.float32)

    @functools.partial(
        pl.kernel,
        out_type=(jax.ShapeDtypeStruct(agg_shape, jnp.float32),
                  jax.ShapeDtypeStruct((2 * npad,), jnp.float32)),
        mesh=_sc_mesh(),
        scratch_types=[
            pltpu.VMEM((nch, _CH), jnp.int32),
            rows_t,
            pltpu.VMEM((_CH,), jnp.float32),
            pltpu.VMEM((per,), jnp.float32),
            sh_agg_t,
            pltpu.VMEM_SHARED((npad,), jnp.float32),
            pltpu.SemaphoreType.DMA,
            pltpu.SemaphoreType.DMA,
        ],
        compiler_params=_SC_PARAMS,
    )
    def k(msg_hbm, dst_hbm, zrow_hbm, zcnt_hbm, agg_hbm, cnt_hbm,
          idx_v, rows_v, ones_v, dummy_v, sh_agg, sh_cnt, sem_a, sem_c):
        cid = lax.axis_index("c")
        sid = lax.axis_index("s")
        wid = sid * 2 + cid
        base = wid * per

        for i in range(_CH // _LANES):
            ones_v[pl.ds(i * _LANES, _LANES)] = jnp.ones((_LANES,), jnp.float32)

        r0 = sid * rpt
        pltpu.sync_copy(dst_hbm.at[pl.ds(wid * nch, nch)], idx_v)
        msg_cp = pltpu.async_copy(msg_hbm.at[pl.ds(base, per)], rows_v, sem_a)
        if wide:
            pltpu.sync_copy(zrow_hbm.at[pl.ds(r0, rpt)], sh_agg.at[pl.ds(r0, rpt)])
        else:
            pltpu.sync_copy(zcnt_hbm.at[pl.ds(r0, rpt)], sh_agg.at[pl.ds(r0, rpt)])
        pltpu.sync_copy(zcnt_hbm.at[pl.ds(r0, rpt)], sh_cnt.at[pl.ds(r0, rpt)])
        plsc.subcore_barrier()
        msg_cp.wait()

        def body(j, carry):
            sl = pl.ds(j * _CH, _CH)
            pltpu.async_copy(rows_v.at[sl], sh_agg.at[idx_v.at[j]], sem_a,
                             add=True)
            pltpu.async_copy(ones_v, sh_cnt.at[idx_v.at[j]], sem_c, add=True)
            return carry

        lax.fori_loop(0, nch, body, 0)
        pltpu.make_async_copy(msg_hbm.at[pl.ds(base, per)], rows_v,
                              sem_a).wait()
        pltpu.make_async_copy(zcnt_hbm.at[pl.ds(0, per)], dummy_v,
                              sem_c).wait()
        plsc.subcore_barrier()

        o0 = cid * npad + r0
        pltpu.sync_copy(sh_agg.at[pl.ds(r0, rpt)], agg_hbm.at[pl.ds(o0, rpt)])
        pltpu.sync_copy(sh_cnt.at[pl.ds(r0, rpt)], cnt_hbm.at[pl.ds(o0, rpt)])

    zrow = jnp.zeros((npad, _HID), jnp.float32)
    zcnt = jnp.zeros((npad,), jnp.float32)
    return k(msg, dst, zrow, zcnt)


def _tc_msg(stim2d, xs, w1, b1, w2, b2, out_f):
    ep, d = xs.shape[0], w2.shape[0]
    wx = xs.shape[1]
    blk = 2048
    grid = ep // blk

    def body(stim_ref, xs_ref, w1_ref, b1_ref, w2_ref, b2_ref, out_ref):
        s = stim_ref[...]
        h = jnp.maximum(s * w1_ref[...] + b1_ref[...], 0.0)
        w = jnp.dot(h.astype(jnp.bfloat16), w2_ref[...].astype(jnp.bfloat16),
                    preferred_element_type=jnp.float32) + b2_ref[...]
        jj = lax.broadcasted_iota(jnp.int32, (wx, d), 1)
        ii = lax.broadcasted_iota(jnp.int32, (wx, d), 0)
        r = (jj // out_f == ii).astype(jnp.float32)
        xr = jnp.dot(xs_ref[...], r, preferred_element_type=jnp.float32)
        jo = lax.broadcasted_iota(jnp.int32, (d, out_f), 0)
        oo = lax.broadcasted_iota(jnp.int32, (d, out_f), 1)
        sred = (jo % out_f == oo).astype(jnp.float32)
        out_ref[...] = jnp.dot(xr * w, sred,
                               preferred_element_type=jnp.float32)

    return pl.pallas_call(
        body,
        grid=(grid,),
        in_specs=[
            pl.BlockSpec((blk, 1), lambda i: (i, 0)),
            pl.BlockSpec((blk, wx), lambda i: (i, 0)),
            pl.BlockSpec((1, d), lambda i: (0, 0)),
            pl.BlockSpec((1, d), lambda i: (0, 0)),
            pl.BlockSpec((d, d), lambda i: (0, 0)),
            pl.BlockSpec((1, d), lambda i: (0, 0)),
        ],
        out_specs=pl.BlockSpec((blk, out_f), lambda i: (i, 0)),
        out_shape=jax.ShapeDtypeStruct((ep, out_f), jnp.float32),
    )(stim2d, xs, w1, b1.reshape(1, d), w2, b2.reshape(1, d))


def _tc_norm(a0, a1, c0, c1, bias, g, beta):
    npad = a0.shape[0]
    blk = 512

    def body(a0_ref, a1_ref, c0_ref, c1_ref, bi_ref, g_ref, be_ref, out_ref):
        agg = a0_ref[...] + a1_ref[...]
        cnt = jnp.maximum(c0_ref[...] + c1_ref[...], 1.0)
        h = agg / cnt + bi_ref[...]
        mu = jnp.mean(h, axis=-1, keepdims=True)
        var = jnp.mean((h - mu) ** 2, axis=-1, keepdims=True)
        hn = (h - mu) / jnp.sqrt(var + 1e-5) * g_ref[...] + be_ref[...]
        out_ref[...] = jnp.maximum(hn, 0.0)

    return pl.pallas_call(
        body,
        grid=(npad // blk,),
        in_specs=[
            pl.BlockSpec((blk, _HID), lambda i: (i, 0)),
            pl.BlockSpec((blk, _HID), lambda i: (i, 0)),
            pl.BlockSpec((blk, 1), lambda i: (i, 0)),
            pl.BlockSpec((blk, 1), lambda i: (i, 0)),
            pl.BlockSpec((1, _HID), lambda i: (0, 0)),
            pl.BlockSpec((1, _HID), lambda i: (0, 0)),
            pl.BlockSpec((1, _HID), lambda i: (0, 0)),
        ],
        out_specs=pl.BlockSpec((blk, _HID), lambda i: (i, 0)),
        out_shape=jax.ShapeDtypeStruct((npad, _HID), jnp.float32),
    )(a0, a1, c0, c1, bias.reshape(1, _HID), g.reshape(1, _HID),
      beta.reshape(1, _HID))


def _tc_final(a0, a1, c0, c1, bias):
    npad = a0.shape[0]
    blk = 512

    def body(a0_ref, a1_ref, c0_ref, c1_ref, bi_ref, out_ref):
        agg = a0_ref[...] + a1_ref[...]
        cnt = jnp.maximum(c0_ref[...] + c1_ref[...], 1.0)
        h = agg / cnt + bi_ref[...]
        out_ref[...] = jnp.log1p(jnp.exp(-jnp.abs(h))) + jnp.maximum(h, 0.0)

    return pl.pallas_call(
        body,
        grid=(npad // blk,),
        in_specs=[
            pl.BlockSpec((blk, 1), lambda i: (i, 0)),
            pl.BlockSpec((blk, 1), lambda i: (i, 0)),
            pl.BlockSpec((blk, 1), lambda i: (i, 0)),
            pl.BlockSpec((blk, 1), lambda i: (i, 0)),
            pl.BlockSpec((1, 1), lambda i: (0, 0)),
        ],
        out_specs=pl.BlockSpec((blk, 1), lambda i: (i, 0)),
        out_shape=jax.ShapeDtypeStruct((npad, 1), jnp.float32),
    )(a0, a1, c0, c1, bias.reshape(1, 1))


def kernel(x, edge_index1, stim1, edge_index2, stim2, edge_index3, stim3,
           mlp1_W1, mlp1_b1, mlp1_W2, mlp1_b2, conv1_b, norm1_g, norm1_b,
           mlp2_W1, mlp2_b1, mlp2_W2, mlp2_b2, conv2_b, norm2_g, norm2_b,
           mlp3_W1, mlp3_b1, mlp3_W2, mlp3_b2, conv3_b):
    n, in_f = x.shape
    e = edge_index1.shape[1]
    npad = _ceil_to(n + 1, 512)
    epad = _ceil_to(e, _NW * _CH)

    def pad_edges(ei, stim):
        pe = epad - e
        src = jnp.concatenate([ei[0], jnp.zeros((pe,), jnp.int32)])
        dst = jnp.concatenate([ei[1], jnp.full((pe,), n, jnp.int32)])
        st = jnp.concatenate([stim, jnp.zeros((pe,), jnp.float32)])
        return (src.reshape(epad // _CH, _CH), dst.reshape(epad // _CH, _CH),
                st.reshape(epad, 1))

    src1, dst1, st1 = pad_edges(edge_index1, stim1)
    src2, dst2, st2 = pad_edges(edge_index2, stim2)
    src3, dst3, st3 = pad_edges(edge_index3, stim3)

    xpad = jnp.zeros((npad, _HID), jnp.float32).at[:n, :in_f].set(x)

    def layer(table, src, dst, st, w1, b1, w2, b2):
        xs = _sc_gather(table, src)
        msg = _tc_msg(st, xs, w1, b1, w2, b2, _HID)
        aggp, cntp = _sc_scatter(msg, dst, npad, wide=True)
        return aggp, cntp

    def split(aggp, cntp, wide):
        if wide:
            a0, a1 = aggp[:npad], aggp[npad:]
        else:
            a0, a1 = aggp[:npad, None], aggp[npad:, None]
        c0, c1 = cntp[:npad, None], cntp[npad:, None]
        return a0, a1, c0, c1

    aggp, cntp = layer(xpad, src1, dst1, st1, mlp1_W1, mlp1_b1, mlp1_W2, mlp1_b2)
    h1 = _tc_norm(*split(aggp, cntp, True), conv1_b, norm1_g, norm1_b)

    aggp, cntp = layer(h1, src2, dst2, st2, mlp2_W1, mlp2_b1, mlp2_W2, mlp2_b2)
    h2 = _tc_norm(*split(aggp, cntp, True), conv2_b, norm2_g, norm2_b)

    xs3 = _sc_gather(h2, src3)
    msg3 = _tc_msg(st3, xs3, mlp3_W1, mlp3_b1, mlp3_W2, mlp3_b2, 1)
    aggp3, cntp3 = _sc_scatter(msg3.reshape(epad), dst3, npad, wide=False)
    out = _tc_final(*split(aggp3, cntp3, False), conv3_b)
    return out[:n]

# --- scband reference (transcript-rebuilt; emitter-appended) ---
"""Pipeline reference for scband-edge-aware-gnn-20684562497885 (READ-ONLY COPY).

The authoritative reference and input builder live on the scoring server;
editing this copy changes nothing except your own understanding.
"""

import jax, jax.numpy as jnp
import numpy as np

N = 10000
E = 160000
IN_F = 6
HID = 16
OUT_F = 1
D1 = IN_F * HID
D2 = HID * HID
D3 = HID * OUT_F


def _p(k, shape):
    return jax.random.normal(k, shape, dtype=jnp.float32) * 0.1


def setup_inputs(seed: int = 0):
    key = jax.random.key(seed)
    ks = jax.random.split(key, 32)
    inp = {}
    inp["x"] = jax.random.normal(ks[0], (N, IN_F), dtype=jnp.float32)
    inp["edge_index1"] = jax.random.randint(ks[1], (2, E), 0, N, dtype=jnp.int32)
    inp["stim1"] = jax.random.normal(ks[2], (E,), dtype=jnp.float32)
    inp["edge_index2"] = jax.random.randint(ks[3], (2, E), 0, N, dtype=jnp.int32)
    inp["stim2"] = jax.random.normal(ks[4], (E,), dtype=jnp.float32)
    inp["edge_index3"] = jax.random.randint(ks[5], (2, E), 0, N, dtype=jnp.int32)
    inp["stim3"] = jax.random.normal(ks[6], (E,), dtype=jnp.float32)
    inp["mlp1_W1"] = _p(ks[7], (1, D1)); inp["mlp1_b1"] = _p(ks[8], (D1,))
    inp["mlp1_W2"] = _p(ks[9], (D1, D1)); inp["mlp1_b2"] = _p(ks[10], (D1,))
    inp["conv1_b"] = _p(ks[11], (HID,))
    inp["norm1_g"] = jnp.ones((HID,), jnp.float32); inp["norm1_b"] = jnp.zeros((HID,), jnp.float32)
    inp["mlp2_W1"] = _p(ks[12], (1, D2)); inp["mlp2_b1"] = _p(ks[13], (D2,))
    inp["mlp2_W2"] = _p(ks[14], (D2, D2)); inp["mlp2_b2"] = _p(ks[15], (D2,))
    inp["conv2_b"] = _p(ks[16], (HID,))
    inp["norm2_g"] = jnp.ones((HID,), jnp.float32); inp["norm2_b"] = jnp.zeros((HID,), jnp.float32)
    inp["mlp3_W1"] = _p(ks[17], (1, D3)); inp["mlp3_b1"] = _p(ks[18], (D3,))
    inp["mlp3_W2"] = _p(ks[19], (D3, D3)); inp["mlp3_b2"] = _p(ks[20], (D3,))
    inp["conv3_b"] = _p(ks[21], (OUT_F,))
    return inp


def _edge_mlp(e, W1, b1, W2, b2):
    h = jax.nn.relu(e @ W1 + b1)
    return h @ W2 + b2


def _nnconv(x, src, dst, w_flat, bias, out_f):
    in_f = x.shape[1]
    W = w_flat.reshape(-1, in_f, out_f)
    msg = jnp.einsum('ei,eio->eo', x[src], W)
    agg = jax.ops.segment_sum(msg, dst, num_segments=N)
    cnt = jax.ops.segment_sum(jnp.ones((dst.shape[0],), jnp.float32), dst, num_segments=N)
    return agg / jnp.maximum(cnt, 1.0)[:, None] + bias


def _layer_norm(h, g, b):
    mu = jnp.mean(h, axis=-1, keepdims=True)
    var = jnp.mean((h - mu) ** 2, axis=-1, keepdims=True)
    return (h - mu) / jnp.sqrt(var + 1e-5) * g + b


def reference(x, edge_index1, stim1, edge_index2, stim2, edge_index3, stim3,
              mlp1_W1, mlp1_b1, mlp1_W2, mlp1_b2, conv1_b, norm1_g, norm1_b,
              mlp2_W1, mlp2_b1, mlp2_W2, mlp2_b2, conv2_b, norm2_g, norm2_b,
              mlp3_W1, mlp3_b1, mlp3_W2, mlp3_b2, conv3_b):
    e1 = stim1[:, None]
    w1 = _edge_mlp(e1, mlp1_W1, mlp1_b1, mlp1_W2, mlp1_b2)
    h = _nnconv(x, edge_index1[0], edge_index1[1], w1, conv1_b, HID)
    h = jax.nn.relu(_layer_norm(h, norm1_g, norm1_b))
    e2 = stim2[:, None]
    w2 = _edge_mlp(e2, mlp2_W1, mlp2_b1, mlp2_W2, mlp2_b2)
    h = _nnconv(h, edge_index2[0], edge_index2[1], w2, conv2_b, HID)
    h = jax.nn.relu(_layer_norm(h, norm2_g, norm2_b))
    e3 = stim3[:, None]
    w3 = _edge_mlp(e3, mlp3_W1, mlp3_b1, mlp3_W2, mlp3_b2)
    h = _nnconv(h, edge_index3[0], edge_index3[1], w3, conv3_b, OUT_F)
    return jax.nn.softplus(h)

if __name__ == "__main__":
    import jax
    _d = setup_inputs()
    print(jax.jit(kernel)(*tuple(_d.values())))

</pallas_src>

<mosaic_0001>
#map = affine_map<(d0, d1) -> (0, 0)>
module attributes {stable_mosaic.version = 14 : i64} {
  func.func @k(%arg0: i32, %arg1: i32, %arg2: memref<10240x16xf32, #tpu.memory_space<hbm>>, %arg3: memref<1280x128xi32, #tpu.memory_space<hbm>>, %arg4: memref<163840x16xf32, #tpu.memory_space<hbm>>, %arg5: memref<40x128xi32, #tpu.memory_space<vmem>>, %arg6: memref<5120x16xf32, #tpu.memory_space<vmem>>, %arg7: memref<!tpu.dma_semaphore, #tpu.memory_space<semaphore_mem>>, %arg8: memref<!tpu.dma_semaphore, #tpu.memory_space<semaphore_mem>>) attributes {dimension_semantics = [#tpu.dimension_semantics<core_parallel>, #tpu.dimension_semantics<subcore_parallel>], iteration_bounds = array<i64: 2, 16>, scalar_prefetch = 0 : i64, scratch_operands = 4 : i64, tpu.core_type = #tpu.core_type<sc_vector_subcore>, window_params = [{transform_indices = #map}, {transform_indices = #map}, {transform_indices = #map}]} {
    %mul3A = arith.constant 2 : i32
    %mul3A_0 = arith.muli %arg1, %mul3A : i32
    %add3A = arith.addi %mul3A_0, %arg0 : i32
    %mul3A_1 = arith.constant 5120 : i32
    %mul3A_2 = arith.muli %add3A, %mul3A_1 : i32
    %mul3A_3 = arith.constant 40 : i32
    %mul3A_4 = arith.muli %add3A, %mul3A_3 : i32
    "tpu.region"() ({
      %run_scoped3A = tpu.sem_alloc : memref<!tpu.dma_semaphore, #tpu.memory_space<semaphore_mem>>
      %dma_start3A_84 = arith.constant 0 : i32
      %dma_start3A_85 = tpu.memref_slice %arg3[%mul3A_4, %dma_start3A_84] : memref<1280x128xi32, #tpu.memory_space<hbm>> -> memref<40x128xi32, #tpu.memory_space<hbm>>
      %dma_start3A_86 = arith.constant 0 : i32
      %dma_start3A_87 = tpu.memref_slice %arg3[%mul3A_4, %dma_start3A_86] : memref<1280x128xi32, #tpu.memory_space<hbm>> -> memref<40x128xi32, #tpu.memory_space<hbm>>
      tpu.enqueue_dma source(%dma_start3A_87 : memref<40x128xi32, #tpu.memory_space<hbm>>) target(%arg5 : memref<40x128xi32, #tpu.memory_space<vmem>>) target_semaphore(%run_scoped3A : memref<!tpu.dma_semaphore, #tpu.memory_space<semaphore_mem>>)
      %dma_wait3A_88 = arith.constant 0 : i32
      %dma_wait3A_89 = tpu.memref_slice %arg3[%mul3A_4, %dma_wait3A_88] : memref<1280x128xi32, #tpu.memory_space<hbm>> -> memref<40x128xi32, #tpu.memory_space<hbm>>
      %dma_wait3A_90 = arith.constant 0 : i32
      %dma_wait3A_91 = tpu.memref_slice %arg3[%mul3A_4, %dma_wait3A_90] : memref<1280x128xi32, #tpu.memory_space<hbm>> -> memref<40x128xi32, #tpu.memory_space<hbm>>
      tpu.wait_dma2 semaphore(%run_scoped3A : memref<!tpu.dma_semaphore, #tpu.memory_space<semaphore_mem>>) src(%dma_wait3A_91 : memref<40x128xi32, #tpu.memory_space<hbm>>) dst(%arg5 : memref<40x128xi32, #tpu.memory_space<vmem>>)
      tpu.yield
    }) : () -> ()
    %scan3A = arith.constant 0 : i32
    %scan3A_5 = arith.constant 0 : i32
    %scan3A_6 = arith.constant 20 : i32
    %scan3A_7 = arith.addi %scan3A_5, %scan3A_6 : i32
    %scan3A_8 = arith.constant 1 : i32
    scf.for %scan3A_84 = %scan3A_5 to %scan3A_7 step %scan3A_8  : i32 {
      %mul3A_85 = arith.constant 128 : i32
      %mul3A_86 = arith.muli %scan3A_84, %mul3A_85 : i32
      %dma_start3A_87 = arith.constant 0 : i32
      %dma_start3A_88 = tpu.memref_slice %arg6[%mul3A_86, %dma_start3A_87] : memref<5120x16xf32, #tpu.memory_space<vmem>> -> memref<128x16xf32, #tpu.memory_space<vmem>>
      %dma_start3A_89 = arith.constant 0 : i32
      %dma_start3A_90 = tpu.memref_slice %arg5[%scan3A_84, %dma_start3A_89] : memref<40x128xi32, #tpu.memory_space<vmem>> -> memref<1x128xi32, #tpu.memory_space<vmem>>
      %dma_start3A_91 = tpu.memref_squeeze %dma_start3A_90 : memref<1x128xi32, #tpu.memory_space<vmem>> -> memref<128xi32, #tpu.memory_space<vmem>>
      %dma_start3A_92 = arith.constant 0 : i32
      %dma_start3A_93 = arith.constant 0 : i32
      %dma_start3A_94 = tpu.memref_slice %arg2[%dma_start3A_92, %dma_start3A_93] : memref<10240x16xf32, #tpu.memory_space<hbm>> -> memref<10240x16xf32, #tpu.memory_space<hbm>>
      tpu.enqueue_indirect_dma source(%dma_start3A_94 : memref<10240x16xf32, #tpu.memory_space<hbm>>) target(%dma_start3A_88 : memref<128x16xf32, #tpu.memory_space<vmem>>) offsets(%dma_start3A_91 : memref<128xi32, #tpu.memory_space<vmem>>) semaphore(%arg7 : memref<!tpu.dma_semaphore, #tpu.memory_space<semaphore_mem>>)
    }
    %scan3A_9 = arith.constant 20 : i32
    %dma_wait3A = arith.constant 0 : i32
    %dma_wait3A_10 = arith.constant 0 : i32
    %dma_wait3A_11 = tpu.memref_slice %arg6[%dma_wait3A, %dma_wait3A_10] : memref<5120x16xf32, #tpu.memory_space<vmem>> -> memref<2560x16xf32, #tpu.memory_space<vmem>>
    %dma_wait3A_12 = arith.constant 0 : i32
    %dma_wait3A_13 = arith.constant 0 : i32
    %dma_wait3A_14 = tpu.memref_slice %arg2[%dma_wait3A_12, %dma_wait3A_13] : memref<10240x16xf32, #tpu.memory_space<hbm>> -> memref<2560x16xf32, #tpu.memory_space<hbm>>
    %dma_wait3A_15 = arith.constant 0 : i32
    %dma_wait3A_16 = arith.constant 0 : i32
    %dma_wait3A_17 = tpu.memref_slice %arg6[%dma_wait3A_15, %dma_wait3A_16] : memref<5120x16xf32, #tpu.memory_space<vmem>> -> memref<2560x16xf32, #tpu.memory_space<vmem>>
    %dma_wait3A_18 = arith.constant 0 : i32
    %dma_wait3A_19 = arith.constant 0 : i32
    %dma_wait3A_20 = tpu.memref_slice %arg2[%dma_wait3A_18, %dma_wait3A_19] : memref<10240x16xf32, #tpu.memory_space<hbm>> -> memref<2560x16xf32, #tpu.memory_space<hbm>>
    tpu.wait_dma2 semaphore(%arg7 : memref<!tpu.dma_semaphore, #tpu.memory_space<semaphore_mem>>) src(%dma_wait3A_20 : memref<2560x16xf32, #tpu.memory_space<hbm>>) dst(%dma_wait3A_17 : memref<2560x16xf32, #tpu.memory_space<vmem>>)
    %dma_start3A = arith.constant 0 : i32
    %dma_start3A_21 = arith.constant 0 : i32
    %dma_start3A_22 = tpu.memref_slice %arg6[%dma_start3A, %dma_start3A_21] : memref<5120x16xf32, #tpu.memory_space<vmem>> -> memref<2560x16xf32, #tpu.memory_space<vmem>>
    %dma_start3A_23 = arith.constant 0 : i32
    %dma_start3A_24 = tpu.memref_slice %arg4[%mul3A_2, %dma_start3A_23] : memref<163840x16xf32, #tpu.memory_space<hbm>> -> memref<2560x16xf32, #tpu.memory_space<hbm>>
    %dma_start3A_25 = arith.constant 0 : i32
    %dma_start3A_26 = tpu.memref_slice %arg4[%mul3A_2, %dma_start3A_25] : memref<163840x16xf32, #tpu.memory_space<hbm>> -> memref<2560x16xf32, #tpu.memory_space<hbm>>
    %dma_start3A_27 = arith.constant 0 : i32
    %dma_start3A_28 = arith.constant 0 : i32
    %dma_start3A_29 = tpu.memref_slice %arg6[%dma_start3A_27, %dma_start3A_28] : memref<5120x16xf32, #tpu.memory_space<vmem>> -> memref<2560x16xf32, #tpu.memory_space<vmem>>
    tpu.enqueue_dma source(%dma_start3A_29 : memref<2560x16xf32, #tpu.memory_space<vmem>>) target(%dma_start3A_26 : memref<2560x16xf32, #tpu.memory_space<hbm>>) target_semaphore(%arg8 : memref<!tpu.dma_semaphore, #tpu.memory_space<semaphore_mem>>)
    %scan3A_30 = arith.constant 0 : i32
    %scan3A_31 = arith.constant 20 : i32
    %scan3A_32 = arith.constant 20 : i32
    %scan3A_33 = arith.addi %scan3A_31, %scan3A_32 : i32
    %scan3A_34 = arith.constant 1 : i32
    scf.for %scan3A_84 = %scan3A_31 to %scan3A_33 step %scan3A_34  : i32 {
      %mul3A_85 = arith.constant 128 : i32
      %mul3A_86 = arith.muli %scan3A_84, %mul3A_85 : i32
      %dma_start3A_87 = arith.constant 0 : i32
      %dma_start3A_88 = tpu.memref_slice %arg6[%mul3A_86, %dma_start3A_87] : memref<5120x16xf32, #tpu.memory_space<vmem>> -> memref<128x16xf32, #tpu.memory_space<vmem>>
      %dma_start3A_89 = arith.constant 0 : i32
      %dma_start3A_90 = tpu.memref_slice %arg5[%scan3A_84, %dma_start3A_89] : memref<40x128xi32, #tpu.memory_space<vmem>> -> memref<1x128xi32, #tpu.memory_space<vmem>>
      %dma_start3A_91 = tpu.memref_squeeze %dma_start3A_90 : memref<1x128xi32, #tpu.memory_space<vmem>> -> memref<128xi32, #tpu.memory_space<vmem>>
      %dma_start3A_92 = arith.constant 0 : i32
      %dma_start3A_93 = arith.constant 0 : i32
      %dma_start3A_94 = tpu.memref_slice %arg2[%dma_start3A_92, %dma_start3A_93] : memref<10240x16xf32, #tpu.memory_space<hbm>> -> memref<10240x16xf32, #tpu.memory_space<hbm>>
      tpu.enqueue_indirect_dma source(%dma_start3A_94 : memref<10240x16xf32, #tpu.memory_space<hbm>>) target(%dma_start3A_88 : memref<128x16xf32, #tpu.memory_space<vmem>>) offsets(%dma_start3A_91 : memref<128xi32, #tpu.memory_space<vmem>>) semaphore(%arg7 : memref<!tpu.dma_semaphore, #tpu.memory_space<semaphore_mem>>)
    }
    %scan3A_35 = arith.constant 20 : i32
    %dma_wait3A_36 = arith.constant 0 : i32
    %dma_wait3A_37 = arith.constant 0 : i32
    %dma_wait3A_38 = tpu.memref_slice %arg6[%dma_wait3A_36, %dma_wait3A_37] : memref<5120x16xf32, #tpu.memory_space<vmem>> -> memref<2560x16xf32, #tpu.memory_space<vmem>>
    %dma_wait3A_39 = arith.constant 0 : i32
    %dma_wait3A_40 = arith.constant 0 : i32
    %dma_wait3A_41 = tpu.memref_slice %arg2[%dma_wait3A_39, %dma_wait3A_40] : memref<10240x16xf32, #tpu.memory_space<hbm>> -> memref<2560x16xf32, #tpu.memory_space<hbm>>
    %dma_wait3A_42 = arith.constant 0 : i32
    %dma_wait3A_43 = arith.constant 0 : i32
    %dma_wait3A_44 = tpu.memref_slice %arg6[%dma_wait3A_42, %dma_wait3A_43] : memref<5120x16xf32, #tpu.memory_space<vmem>> -> memref<2560x16xf32, #tpu.memory_space<vmem>>
    %dma_wait3A_45 = arith.constant 0 : i32
    %dma_wait3A_46 = arith.constant 0 : i32
    %dma_wait3A_47 = tpu.memref_slice %arg2[%dma_wait3A_45, %dma_wait3A_46] : memref<10240x16xf32, #tpu.memory_space<hbm>> -> memref<2560x16xf32, #tpu.memory_space<hbm>>
    tpu.wait_dma2 semaphore(%arg7 : memref<!tpu.dma_semaphore, #tpu.memory_space<semaphore_mem>>) src(%dma_wait3A_47 : memref<2560x16xf32, #tpu.memory_space<hbm>>) dst(%dma_wait3A_44 : memref<2560x16xf32, #tpu.memory_space<vmem>>)
    %add3A_48 = arith.constant 2560 : i32
    %add3A_49 = arith.addi %mul3A_2, %add3A_48 : i32
    %dma_start3A_50 = arith.constant 2560 : i32
    %dma_start3A_51 = arith.constant 0 : i32
    %dma_start3A_52 = tpu.memref_slice %arg6[%dma_start3A_50, %dma_start3A_51] : memref<5120x16xf32, #tpu.memory_space<vmem>> -> memref<2560x16xf32, #tpu.memory_space<vmem>>
    %dma_start3A_53 = arith.constant 0 : i32
    %dma_start3A_54 = tpu.memref_slice %arg4[%add3A_49, %dma_start3A_53] : memref<163840x16xf32, #tpu.memory_space<hbm>> -> memref<2560x16xf32, #tpu.memory_space<hbm>>
    %dma_start3A_55 = arith.constant 0 : i32
    %dma_start3A_56 = tpu.memref_slice %arg4[%add3A_49, %dma_start3A_55] : memref<163840x16xf32, #tpu.memory_space<hbm>> -> memref<2560x16xf32, #tpu.memory_space<hbm>>
    %dma_start3A_57 = arith.constant 2560 : i32
    %dma_start3A_58 = arith.constant 0 : i32
    %dma_start3A_59 = tpu.memref_slice %arg6[%dma_start3A_57, %dma_start3A_58] : memref<5120x16xf32, #tpu.memory_space<vmem>> -> memref<2560x16xf32, #tpu.memory_space<vmem>>
    tpu.enqueue_dma source(%dma_start3A_59 : memref<2560x16xf32, #tpu.memory_space<vmem>>) target(%dma_start3A_56 : memref<2560x16xf32, #tpu.memory_space<hbm>>) target_semaphore(%arg8 : memref<!tpu.dma_semaphore, #tpu.memory_space<semaphore_mem>>)
    %dma_wait3A_60 = arith.constant 0 : i32
    %dma_wait3A_61 = arith.constant 0 : i32
    %dma_wait3A_62 = tpu.memref_slice %arg6[%dma_wait3A_60, %dma_wait3A_61] : memref<5120x16xf32, #tpu.memory_space<vmem>> -> memref<2560x16xf32, #tpu.memory_space<vmem>>
    %dma_wait3A_63 = arith.constant 0 : i32
    %dma_wait3A_64 = arith.constant 0 : i32
    %dma_wait3A_65 = tpu.memref_slice %arg4[%dma_wait3A_63, %dma_wait3A_64] : memref<163840x16xf32, #tpu.memory_space<hbm>> -> memref<2560x16xf32, #tpu.memory_space<hbm>>
    %dma_wait3A_66 = arith.constant 0 : i32
    %dma_wait3A_67 = arith.constant 0 : i32
    %dma_wait3A_68 = tpu.memref_slice %arg4[%dma_wait3A_66, %dma_wait3A_67] : memref<163840x16xf32, #tpu.memory_space<hbm>> -> memref<2560x16xf32, #tpu.memory_space<hbm>>
    %dma_wait3A_69 = arith.constant 0 : i32
    %dma_wait3A_70 = arith.constant 0 : i32
    %dma_wait3A_71 = tpu.memref_slice %arg6[%dma_wait3A_69, %dma_wait3A_70] : memref<5120x16xf32, #tpu.memory_space<vmem>> -> memref<2560x16xf32, #tpu.memory_space<vmem>>
    tpu.wait_dma2 semaphore(%arg8 : memref<!tpu.dma_semaphore, #tpu.memory_space<semaphore_mem>>) src(%dma_wait3A_71 : memref<2560x16xf32, #tpu.memory_space<vmem>>) dst(%dma_wait3A_68 : memref<2560x16xf32, #tpu.memory_space<hbm>>)
    %dma_wait3A_72 = arith.constant 0 : i32
    %dma_wait3A_73 = arith.constant 0 : i32
    %dma_wait3A_74 = tpu.memref_slice %arg6[%dma_wait3A_72, %dma_wait3A_73] : memref<5120x16xf32, #tpu.memory_space<vmem>> -> memref<2560x16xf32, #tpu.memory_space<vmem>>
    %dma_wait3A_75 = arith.constant 0 : i32
    %dma_wait3A_76 = arith.constant 0 : i32
    %dma_wait3A_77 = tpu.memref_slice %arg4[%dma_wait3A_75, %dma_wait3A_76] : memref<163840x16xf32, #tpu.memory_space<hbm>> -> memref<2560x16xf32, #tpu.memory_space<hbm>>
    %dma_wait3A_78 = arith.constant 0 : i32
    %dma_wait3A_79 = arith.constant 0 : i32
    %dma_wait3A_80 = tpu.memref_slice %arg4[%dma_wait3A_78, %dma_wait3A_79] : memref<163840x16xf32, #tpu.memory_space<hbm>> -> memref<2560x16xf32, #tpu.memory_space<hbm>>
    %dma_wait3A_81 = arith.constant 0 : i32
    %dma_wait3A_82 = arith.constant 0 : i32
    %dma_wait3A_83 = tpu.memref_slice %arg6[%dma_wait3A_81, %dma_wait3A_82] : memref<5120x16xf32, #tpu.memory_space<vmem>> -> memref<2560x16xf32, #tpu.memory_space<vmem>>
    tpu.wait_dma2 semaphore(%arg8 : memref<!tpu.dma_semaphore, #tpu.memory_space<semaphore_mem>>) src(%dma_wait3A_83 : memref<2560x16xf32, #tpu.memory_space<vmem>>) dst(%dma_wait3A_80 : memref<2560x16xf32, #tpu.memory_space<hbm>>)
    return
  }
}

#map = affine_map<(d0, d1) -> (0, 0)>
module attributes {stable_mosaic.version = 14 : i64} {
  func.func @k(%arg0: i32, %arg1: i32, %arg2: memref<10240x16xf32, #tpu.memory_space<hbm>>, %arg3: memref<1280x128xi32, #tpu.memory_space<hbm>>, %arg4: memref<163840x16xf32, #tpu.memory_space<hbm>>, %arg5: memref<40x128xi32, #tpu.memory_space<vmem>>, %arg6: memref<5120x16xf32, #tpu.memory_space<vmem>>, %arg7: memref<!tpu.dma_semaphore, #tpu.memory_space<semaphore_mem>>, %arg8: memref<!tpu.dma_semaphore, #tpu.memory_space<semaphore_mem>>) attributes {dimension_semantics = [#tpu.dimension_semantics<core_parallel>, #tpu.dimension_semantics<subcore_parallel>], iteration_bounds = array<i64: 2, 16>, scalar_prefetch = 0 : i64, scratch_operands = 4 : i64, tpu.core_type = #tpu.core_type<sc_vector_subcore>, window_params = [{transform_indices = #map}, {transform_indices = #map}, {transform_indices = #map}]} {
    %mul3A = arith.constant 2 : i32
    %mul3A_0 = arith.muli %arg1, %mul3A : i32
    %add3A = arith.addi %mul3A_0, %arg0 : i32
    %mul3A_1 = arith.constant 5120 : i32
    %mul3A_2 = arith.muli %add3A, %mul3A_1 : i32
    %mul3A_3 = arith.constant 40 : i32
    %mul3A_4 = arith.muli %add3A, %mul3A_3 : i32
    "tpu.region"() ({
      %run_scoped3A = tpu.sem_alloc : memref<!tpu.dma_semaphore, #tpu.memory_space<semaphore_mem>>
      %dma_start3A_84 = arith.constant 0 : i32
      %dma_start3A_85 = tpu.memref_slice %arg3[%mul3A_4, %dma_start3A_84] : memref<1280x128xi32, #tpu.memory_space<hbm>> -> memref<40x128xi32, #tpu.memory_space<hbm>>
      %dma_start3A_86 = arith.constant 0 : i32
      %dma_start3A_87 = tpu.memref_slice %arg3[%mul3A_4, %dma_start3A_86] : memref<1280x128xi32, #tpu.memory_space<hbm>> -> memref<40x128xi32, #tpu.memory_space<hbm>>
      tpu.enqueue_dma source(%dma_start3A_87 : memref<40x128xi32, #tpu.memory_space<hbm>>) target(%arg5 : memref<40x128xi32, #tpu.memory_space<vmem>>) target_semaphore(%run_scoped3A : memref<!tpu.dma_semaphore, #tpu.memory_space<semaphore_mem>>)
      %dma_wait3A_88 = arith.constant 0 : i32
      %dma_wait3A_89 = tpu.memref_slice %arg3[%mul3A_4, %dma_wait3A_88] : memref<1280x128xi32, #tpu.memory_space<hbm>> -> memref<40x128xi32, #tpu.memory_space<hbm>>
      %dma_wait3A_90 = arith.constant 0 : i32
      %dma_wait3A_91 = tpu.memref_slice %arg3[%mul3A_4, %dma_wait3A_90] : memref<1280x128xi32, #tpu.memory_space<hbm>> -> memref<40x128xi32, #tpu.memory_space<hbm>>
      tpu.wait_dma2 semaphore(%run_scoped3A : memref<!tpu.dma_semaphore, #tpu.memory_space<semaphore_mem>>) src(%dma_wait3A_91 : memref<40x128xi32, #tpu.memory_space<hbm>>) dst(%arg5 : memref<40x128xi32, #tpu.memory_space<vmem>>)
      tpu.yield
    }) : () -> ()
    %scan3A = arith.constant 0 : i32
    %scan3A_5 = arith.constant 0 : i32
    %scan3A_6 = arith.constant 20 : i32
    %scan3A_7 = arith.addi %scan3A_5, %scan3A_6 : i32
    %scan3A_8 = arith.constant 1 : i32
    scf.for %scan3A_84 = %scan3A_5 to %scan3A_7 step %scan3A_8  : i32 {
      %mul3A_85 = arith.constant 128 : i32
      %mul3A_86 = arith.muli %scan3A_84, %mul3A_85 : i32
      %dma_start3A_87 = arith.constant 0 : i32
      %dma_start3A_88 = tpu.memref_slice %arg6[%mul3A_86, %dma_start3A_87] : memref<5120x16xf32, #tpu.memory_space<vmem>> -> memref<128x16xf32, #tpu.memory_space<vmem>>
      %dma_start3A_89 = arith.constant 0 : i32
      %dma_start3A_90 = tpu.memref_slice %arg5[%scan3A_84, %dma_start3A_89] : memref<40x128xi32, #tpu.memory_space<vmem>> -> memref<1x128xi32, #tpu.memory_space<vmem>>
      %dma_start3A_91 = tpu.memref_squeeze %dma_start3A_90 : memref<1x128xi32, #tpu.memory_space<vmem>> -> memref<128xi32, #tpu.memory_space<vmem>>
      %dma_start3A_92 = arith.constant 0 : i32
      %dma_start3A_93 = arith.constant 0 : i32
      %dma_start3A_94 = tpu.memref_slice %arg2[%dma_start3A_92, %dma_start3A_93] : memref<10240x16xf32, #tpu.memory_space<hbm>> -> memref<10240x16xf32, #tpu.memory_space<hbm>>
      tpu.enqueue_indirect_dma source(%dma_start3A_94 : memref<10240x16xf32, #tpu.memory_space<hbm>>) target(%dma_start3A_88 : memref<128x16xf32, #tpu.memory_space<vmem>>) offsets(%dma_start3A_91 : memref<128xi32, #tpu.memory_space<vmem>>) semaphore(%arg7 : memref<!tpu.dma_semaphore, #tpu.memory_space<semaphore_mem>>)
    }
    %scan3A_9 = arith.constant 20 : i32
    %dma_wait3A = arith.constant 0 : i32
    %dma_wait3A_10 = arith.constant 0 : i32
    %dma_wait3A_11 = tpu.memref_slice %arg6[%dma_wait3A, %dma_wait3A_10] : memref<5120x16xf32, #tpu.memory_space<vmem>> -> memref<2560x16xf32, #tpu.memory_space<vmem>>
    %dma_wait3A_12 = arith.constant 0 : i32
    %dma_wait3A_13 = arith.constant 0 : i32
    %dma_wait3A_14 = tpu.memref_slice %arg2[%dma_wait3A_12, %dma_wait3A_13] : memref<10240x16xf32, #tpu.memory_space<hbm>> -> memref<2560x16xf32, #tpu.memory_space<hbm>>
    %dma_wait3A_15 = arith.constant 0 : i32
    %dma_wait3A_16 = arith.constant 0 : i32
    %dma_wait3A_17 = tpu.memref_slice %arg6[%dma_wait3A_15, %dma_wait3A_16] : memref<5120x16xf32, #tpu.memory_space<vmem>> -> memref<2560x16xf32, #tpu.memory_space<vmem>>
    %dma_wait3A_18 = arith.constant 0 : i32
    %dma_wait3A_19 = arith.constant 0 : i32
    %dma_wait3A_20 = tpu.memref_slice %arg2[%dma_wait3A_18, %dma_wait3A_19] : memref<10240x16xf32, #tpu.memory_space<hbm>> -> memref<2560x16xf32, #tpu.memory_space<hbm>>
    tpu.wait_dma2 semaphore(%arg7 : memref<!tpu.dma_semaphore, #tpu.memory_space<semaphore_mem>>) src(%dma_wait3A_20 : memref<2560x16xf32, #tpu.memory_space<hbm>>) dst(%dma_wait3A_17 : memref<2560x16xf32, #tpu.memory_space<vmem>>)
    %dma_start3A = arith.constant 0 : i32
    %dma_start3A_21 = arith.constant 0 : i32
    %dma_start3A_22 = tpu.memref_slice %arg6[%dma_start3A, %dma_start3A_21] : memref<5120x16xf32, #tpu.memory_space<vmem>> -> memref<2560x16xf32, #tpu.memory_space<vmem>>
    %dma_start3A_23 = arith.constant 0 : i32
    %dma_start3A_24 = tpu.memref_slice %arg4[%mul3A_2, %dma_start3A_23] : memref<163840x16xf32, #tpu.memory_space<hbm>> -> memref<2560x16xf32, #tpu.memory_space<hbm>>
    %dma_start3A_25 = arith.constant 0 : i32
    %dma_start3A_26 = tpu.memref_slice %arg4[%mul3A_2, %dma_start3A_25] : memref<163840x16xf32, #tpu.memory_space<hbm>> -> memref<2560x16xf32, #tpu.memory_space<hbm>>
    %dma_start3A_27 = arith.constant 0 : i32
    %dma_start3A_28 = arith.constant 0 : i32
    %dma_start3A_29 = tpu.memref_slice %arg6[%dma_start3A_27, %dma_start3A_28] : memref<5120x16xf32, #tpu.memory_space<vmem>> -> memref<2560x16xf32, #tpu.memory_space<vmem>>
    tpu.enqueue_dma source(%dma_start3A_29 : memref<2560x16xf32, #tpu.memory_space<vmem>>) target(%dma_start3A_26 : memref<2560x16xf32, #tpu.memory_space<hbm>>) target_semaphore(%arg8 : memref<!tpu.dma_semaphore, #tpu.memory_space<semaphore_mem>>)
    %scan3A_30 = arith.constant 0 : i32
    %scan3A_31 = arith.constant 20 : i32
    %scan3A_32 = arith.constant 20 : i32
    %scan3A_33 = arith.addi %scan3A_31, %scan3A_32 : i32
    %scan3A_34 = arith.constant 1 : i32
    scf.for %scan3A_84 = %scan3A_31 to %scan3A_33 step %scan3A_34  : i32 {
      %mul3A_85 = arith.constant 128 : i32
      %mul3A_86 = arith.muli %scan3A_84, %mul3A_85 : i32
      %dma_start3A_87 = arith.constant 0 : i32
      %dma_start3A_88 = tpu.memref_slice %arg6[%mul3A_86, %dma_start3A_87] : memref<5120x16xf32, #tpu.memory_space<vmem>> -> memref<128x16xf32, #tpu.memory_space<vmem>>
      %dma_start3A_89 = arith.constant 0 : i32
      %dma_start3A_90 = tpu.memref_slice %arg5[%scan3A_84, %dma_start3A_89] : memref<40x128xi32, #tpu.memory_space<vmem>> -> memref<1x128xi32, #tpu.memory_space<vmem>>
      %dma_start3A_91 = tpu.memref_squeeze %dma_start3A_90 : memref<1x128xi32, #tpu.memory_space<vmem>> -> memref<128xi32, #tpu.memory_space<vmem>>
      %dma_start3A_92 = arith.constant 0 : i32
      %dma_start3A_93 = arith.constant 0 : i32
      %dma_start3A_94 = tpu.memref_slice %arg2[%dma_start3A_92, %dma_start3A_93] : memref<10240x16xf32, #tpu.memory_space<hbm>> -> memref<10240x16xf32, #tpu.memory_space<hbm>>
      tpu.enqueue_indirect_dma source(%dma_start3A_94 : memref<10240x16xf32, #tpu.memory_space<hbm>>) target(%dma_start3A_88 : memref<128x16xf32, #tpu.memory_space<vmem>>) offsets(%dma_start3A_91 : memref<128xi32, #tpu.memory_space<vmem>>) semaphore(%arg7 : memref<!tpu.dma_semaphore, #tpu.memory_space<semaphore_mem>>)
    }
    %scan3A_35 = arith.constant 20 : i32
    %dma_wait3A_36 = arith.constant 0 : i32
    %dma_wait3A_37 = arith.constant 0 : i32
    %dma_wait3A_38 = tpu.memref_slice %arg6[%dma_wait3A_36, %dma_wait3A_37] : memref<5120x16xf32, #tpu.memory_space<vmem>> -> memref<2560x16xf32, #tpu.memory_space<vmem>>
    %dma_wait3A_39 = arith.constant 0 : i32
    %dma_wait3A_40 = arith.constant 0 : i32
    %dma_wait3A_41 = tpu.memref_slice %arg2[%dma_wait3A_39, %dma_wait3A_40] : memref<10240x16xf32, #tpu.memory_space<hbm>> -> memref<2560x16xf32, #tpu.memory_space<hbm>>
    %dma_wait3A_42 = arith.constant 0 : i32
    %dma_wait3A_43 = arith.constant 0 : i32
    %dma_wait3A_44 = tpu.memref_slice %arg6[%dma_wait3A_42, %dma_wait3A_43] : memref<5120x16xf32, #tpu.memory_space<vmem>> -> memref<2560x16xf32, #tpu.memory_space<vmem>>
    %dma_wait3A_45 = arith.constant 0 : i32
    %dma_wait3A_46 = arith.constant 0 : i32
    %dma_wait3A_47 = tpu.memref_slice %arg2[%dma_wait3A_45, %dma_wait3A_46] : memref<10240x16xf32, #tpu.memory_space<hbm>> -> memref<2560x16xf32, #tpu.memory_space<hbm>>
    tpu.wait_dma2 semaphore(%arg7 : memref<!tpu.dma_semaphore, #tpu.memory_space<semaphore_mem>>) src(%dma_wait3A_47 : memref<2560x16xf32, #tpu.memory_space<hbm>>) dst(%dma_wait3A_44 : memref<2560x16xf32, #tpu.memory_space<vmem>>)
    %add3A_48 = arith.constant 2560 : i32
    %add3A_49 = arith.addi %mul3A_2, %add3A_48 : i32
    %dma_start3A_50 = arith.constant 2560 : i32
    %dma_start3A_51 = arith.constant 0 : i32
    %dma_start3A_52 = tpu.memref_slice %arg6[%dma_start3A_50, %dma_start3A_51] : memref<5120x16xf32, #tpu.memory_space<vmem>> -> memref<2560x16xf32, #tpu.memory_space<vmem>>
    %dma_start3A_53 = arith.constant 0 : i32
    %dma_start3A_54 = tpu.memref_slice %arg4[%add3A_49, %dma_start3A_53] : memref<163840x16xf32, #tpu.memory_space<hbm>> -> memref<2560x16xf32, #tpu.memory_space<hbm>>
    %dma_start3A_55 = arith.constant 0 : i32
    %dma_start3A_56 = tpu.memref_slice %arg4[%add3A_49, %dma_start3A_55] : memref<163840x16xf32, #tpu.memory_space<hbm>> -> memref<2560x16xf32, #tpu.memory_space<hbm>>
    %dma_start3A_57 = arith.constant 2560 : i32
    %dma_start3A_58 = arith.constant 0 : i32
    %dma_start3A_59 = tpu.memref_slice %arg6[%dma_start3A_57, %dma_start3A_58] : memref<5120x16xf32, #tpu.memory_space<vmem>> -> memref<2560x16xf32, #tpu.memory_space<vmem>>
    tpu.enqueue_dma source(%dma_start3A_59 : memref<2560x16xf32, #tpu.memory_space<vmem>>) target(%dma_start3A_56 : memref<2560x16xf32, #tpu.memory_space<hbm>>) target_semaphore(%arg8 : memref<!tpu.dma_semaphore, #tpu.memory_space<semaphore_mem>>)
    %dma_wait3A_60 = arith.constant 0 : i32
    %dma_wait3A_61 = arith.constant 0 : i32
    %dma_wait3A_62 = tpu.memref_slice %arg6[%dma_wait3A_60, %dma_wait3A_61] : memref<5120x16xf32, #tpu.memory_space<vmem>> -> memref<2560x16xf32, #tpu.memory_space<vmem>>
    %dma_wait3A_63 = arith.constant 0 : i32
    %dma_wait3A_64 = arith.constant 0 : i32
    %dma_wait3A_65 = tpu.memref_slice %arg4[%dma_wait3A_63, %dma_wait3A_64] : memref<163840x16xf32, #tpu.memory_space<hbm>> -> memref<2560x16xf32, #tpu.memory_space<hbm>>
    %dma_wait3A_66 = arith.constant 0 : i32
    %dma_wait3A_67 = arith.constant 0 : i32
    %dma_wait3A_68 = tpu.memref_slice %arg4[%dma_wait3A_66, %dma_wait3A_67] : memref<163840x16xf32, #tpu.memory_space<hbm>> -> memref<2560x16xf32, #tpu.memory_space<hbm>>
    %dma_wait3A_69 = arith.constant 0 : i32
    %dma_wait3A_70 = arith.constant 0 : i32
    %dma_wait3A_71 = tpu.memref_slice %arg6[%dma_wait3A_69, %dma_wait3A_70] : memref<5120x16xf32, #tpu.memory_space<vmem>> -> memref<2560x16xf32, #tpu.memory_space<vmem>>
    tpu.wait_dma2 semaphore(%arg8 : memref<!tpu.dma_semaphore, #tpu.memory_space<semaphore_mem>>) src(%dma_wait3A_71 : memref<2560x16xf32, #tpu.memory_space<vmem>>) dst(%dma_wait3A_68 : memref<2560x16xf32, #tpu.memory_space<hbm>>)
    %dma_wait3A_72 = arith.constant 0 : i32
    %dma_wait3A_73 = arith.constant 0 : i32
    %dma_wait3A_74 = tpu.memref_slice %arg6[%dma_wait3A_72, %dma_wait3A_73] : memref<5120x16xf32, #tpu.memory_space<vmem>> -> memref<2560x16xf32, #tpu.memory_space<vmem>>
    %dma_wait3A_75 = arith.constant 0 : i32
    %dma_wait3A_76 = arith.constant 0 : i32
    %dma_wait3A_77 = tpu.memref_slice %arg4[%dma_wait3A_75, %dma_wait3A_76] : memref<163840x16xf32, #tpu.memory_space<hbm>> -> memref<2560x16xf32, #tpu.memory_space<hbm>>
    %dma_wait3A_78 = arith.constant 0 : i32
    %dma_wait3A_79 = arith.constant 0 : i32
    %dma_wait3A_80 = tpu.memref_slice %arg4[%dma_wait3A_78, %dma_wait3A_79] : memref<163840x16xf32, #tpu.memory_space<hbm>> -> memref<2560x16xf32, #tpu.memory_space<hbm>>
    %dma_wait3A_81 = arith.constant 0 : i32
    %dma_wait3A_82 = arith.constant 0 : i32
    %dma_wait3A_83 = tpu.memref_slice %arg6[%dma_wait3A_81, %dma_wait3A_82] : memref<5120x16xf32, #tpu.memory_space<vmem>> -> memref<2560x16xf32, #tpu.memory_space<vmem>>
    tpu.wait_dma2 semaphore(%arg8 : memref<!tpu.dma_semaphore, #tpu.memory_space<semaphore_mem>>) src(%dma_wait3A_83 : memref<2560x16xf32, #tpu.memory_space<vmem>>) dst(%dma_wait3A_80 : memref<2560x16xf32, #tpu.memory_space<hbm>>)
    return
  }
}

#map = affine_map<(d0, d1) -> (0, 0)>
#map1 = affine_map<(d0, d1) -> (0)>
module attributes {stable_mosaic.version = 14 : i64} {
  func.func @k(%arg0: i32, %arg1: i32, %arg2: memref<163840x16xf32, #tpu.memory_space<hbm>>, %arg3: memref<1280x128xi32, #tpu.memory_space<hbm>>, %arg4: memref<10240x16xf32, #tpu.memory_space<hbm>>, %arg5: memref<10240xf32, #tpu.memory_space<hbm>>, %arg6: memref<20480x16xf32, #tpu.memory_space<hbm>>, %arg7: memref<20480xf32, #tpu.memory_space<hbm>>, %arg8: memref<40x128xi32, #tpu.memory_space<vmem>>, %arg9: memref<5120x16xf32, #tpu.memory_space<vmem>>, %arg10: memref<128xf32, #tpu.memory_space<vmem>>, %arg11: memref<5120xf32, #tpu.memory_space<vmem>>, %arg12: memref<10240x16xf32, #tpu.memory_space<vmem_shared>>, %arg13: memref<10240xf32, #tpu.memory_space<vmem_shared>>, %arg14: memref<!tpu.dma_semaphore, #tpu.memory_space<semaphore_mem>>, %arg15: memref<!tpu.dma_semaphore, #tpu.memory_space<semaphore_mem>>) attributes {dimension_semantics = [#tpu.dimension_semantics<core_parallel>, #tpu.dimension_semantics<subcore_parallel>], iteration_bounds = array<i64: 2, 16>, scalar_prefetch = 0 : i64, scratch_operands = 8 : i64, tpu.core_type = #tpu.core_type<sc_vector_subcore>, window_params = [{transform_indices = #map}, {transform_indices = #map}, {transform_indices = #map}, {transform_indices = #map1}, {transform_indices = #map}, {transform_indices = #map1}]} {
    %mul3A = arith.constant 2 : i32
    %mul3A_0 = arith.muli %arg1, %mul3A : i32
    %add3A = arith.addi %mul3A_0, %arg0 : i32
    %mul3A_1 = arith.constant 5120 : i32
    %mul3A_2 = arith.muli %add3A, %mul3A_1 : i32
    %broadcast_in_dim3A = arith.constant 1.000000e+00 : f32
    %broadcast_in_dim3A_3 = vector.broadcast %broadcast_in_dim3A : f32 to vector<16xf32>
    %swap3A = arith.constant 0 : index
    %swap3A_4 = tpu.vector_load %arg10[%swap3A] {strides = array<i32>} : memref<128xf32, #tpu.memory_space<vmem>>, vector<16xf32>,
    %swap3A_5 = vector.shape_cast %swap3A_4 : vector<16xf32> to vector<16xf32>
    %swap3A_6 = vector.shape_cast %broadcast_in_dim3A_3 : vector<16xf32> to vector<16xf32>
    tpu.vector_store %arg10[%swap3A], %swap3A_6 {strides = array<i32>} : memref<128xf32, #tpu.memory_space<vmem>>, vector<16xf32>,
    %broadcast_in_dim3A_7 = arith.constant 1.000000e+00 : f32
    %broadcast_in_dim3A_8 = vector.broadcast %broadcast_in_dim3A_7 : f32 to vector<16xf32>
    %swap3A_9 = arith.constant 16 : index
    %swap3A_10 = tpu.vector_load %arg10[%swap3A_9] {strides = array<i32>} : memref<128xf32, #tpu.memory_space<vmem>>, vector<16xf32>,
    %swap3A_11 = vector.shape_cast %swap3A_10 : vector<16xf32> to vector<16xf32>
    %swap3A_12 = vector.shape_cast %broadcast_in_dim3A_8 : vector<16xf32> to vector<16xf32>
    tpu.vector_store %arg10[%swap3A_9], %swap3A_12 {strides = array<i32>} : memref<128xf32, #tpu.memory_space<vmem>>, vector<16xf32>,
    %broadcast_in_dim3A_13 = arith.constant 1.000000e+00 : f32
    %broadcast_in_dim3A_14 = vector.broadcast %broadcast_in_dim3A_13 : f32 to vector<16xf32>
    %swap3A_15 = arith.constant 32 : index
    %swap3A_16 = tpu.vector_load %arg10[%swap3A_15] {strides = array<i32>} : memref<128xf32, #tpu.memory_space<vmem>>, vector<16xf32>,
    %swap3A_17 = vector.shape_cast %swap3A_16 : vector<16xf32> to vector<16xf32>
    %swap3A_18 = vector.shape_cast %broadcast_in_dim3A_14 : vector<16xf32> to vector<16xf32>
    tpu.vector_store %arg10[%swap3A_15], %swap3A_18 {strides = array<i32>} : memref<128xf32, #tpu.memory_space<vmem>>, vector<16xf32>,
    %broadcast_in_dim3A_19 = arith.constant 1.000000e+00 : f32
    %broadcast_in_dim3A_20 = vector.broadcast %broadcast_in_dim3A_19 : f32 to vector<16xf32>
    %swap3A_21 = arith.constant 48 : index
    %swap3A_22 = tpu.vector_load %arg10[%swap3A_21] {strides = array<i32>} : memref<128xf32, #tpu.memory_space<vmem>>, vector<16xf32>,
    %swap3A_23 = vector.shape_cast %swap3A_22 : vector<16xf32> to vector<16xf32>
    %swap3A_24 = vector.shape_cast %broadcast_in_dim3A_20 : vector<16xf32> to vector<16xf32>
    tpu.vector_store %arg10[%swap3A_21], %swap3A_24 {strides = array<i32>} : memref<128xf32, #tpu.memory_space<vmem>>, vector<16xf32>,
    %broadcast_in_dim3A_25 = arith.constant 1.000000e+00 : f32
    %broadcast_in_dim3A_26 = vector.broadcast %broadcast_in_dim3A_25 : f32 to vector<16xf32>
    %swap3A_27 = arith.constant 64 : index
    %swap3A_28 = tpu.vector_load %arg10[%swap3A_27] {strides = array<i32>} : memref<128xf32, #tpu.memory_space<vmem>>, vector<16xf32>,
    %swap3A_29 = vector.shape_cast %swap3A_28 : vector<16xf32> to vector<16xf32>
    %swap3A_30 = vector.shape_cast %broadcast_in_dim3A_26 : vector<16xf32> to vector<16xf32>
    tpu.vector_store %arg10[%swap3A_27], %swap3A_30 {strides = array<i32>} : memref<128xf32, #tpu.memory_space<vmem>>, vector<16xf32>,
    %broadcast_in_dim3A_31 = arith.constant 1.000000e+00 : f32
    %broadcast_in_dim3A_32 = vector.broadcast %broadcast_in_dim3A_31 : f32 to vector<16xf32>
    %swap3A_33 = arith.constant 80 : index
    %swap3A_34 = tpu.vector_load %arg10[%swap3A_33] {strides = array<i32>} : memref<128xf32, #tpu.memory_space<vmem>>, vector<16xf32>,
    %swap3A_35 = vector.shape_cast %swap3A_34 : vector<16xf32> to vector<16xf32>
    %swap3A_36 = vector.shape_cast %broadcast_in_dim3A_32 : vector<16xf32> to vector<16xf32>
    tpu.vector_store %arg10[%swap3A_33], %swap3A_36 {strides = array<i32>} : memref<128xf32, #tpu.memory_space<vmem>>, vector<16xf32>,
    %broadcast_in_dim3A_37 = arith.constant 1.000000e+00 : f32
    %broadcast_in_dim3A_38 = vector.broadcast %broadcast_in_dim3A_37 : f32 to vector<16xf32>
    %swap3A_39 = arith.constant 96 : index
    %swap3A_40 = tpu.vector_load %arg10[%swap3A_39] {strides = array<i32>} : memref<128xf32, #tpu.memory_space<vmem>>, vector<16xf32>,
    %swap3A_41 = vector.shape_cast %swap3A_40 : vector<16xf32> to vector<16xf32>
    %swap3A_42 = vector.shape_cast %broadcast_in_dim3A_38 : vector<16xf32> to vector<16xf32>
    tpu.vector_store %arg10[%swap3A_39], %swap3A_42 {strides = array<i32>} : memref<128xf32, #tpu.memory_space<vmem>>, vector<16xf32>,
    %broadcast_in_dim3A_43 = arith.constant 1.000000e+00 : f32
    %broadcast_in_dim3A_44 = vector.broadcast %broadcast_in_dim3A_43 : f32 to vector<16xf32>
    %swap3A_45 = arith.constant 112 : index
    %swap3A_46 = tpu.vector_load %arg10[%swap3A_45] {strides = array<i32>} : memref<128xf32, #tpu.memory_space<vmem>>, vector<16xf32>,
    %swap3A_47 = vector.shape_cast %swap3A_46 : vector<16xf32> to vector<16xf32>
    %swap3A_48 = vector.shape_cast %broadcast_in_dim3A_44 : vector<16xf32> to vector<16xf32>
    tpu.vector_store %arg10[%swap3A_45], %swap3A_48 {strides = array<i32>} : memref<128xf32, #tpu.memory_space<vmem>>, vector<16xf32>,
    %mul3A_49 = arith.constant 640 : i32
    %mul3A_50 = arith.muli %arg1, %mul3A_49 : i32
    %mul3A_51 = arith.constant 40 : i32
    %mul3A_52 = arith.muli %add3A, %mul3A_51 : i32
    "tpu.region"() ({
      %run_scoped3A = tpu.sem_alloc : memref<!tpu.dma_semaphore, #tpu.memory_space<semaphore_mem>>
      %dma_start3A_76 = arith.constant 0 : i32
      %dma_start3A_77 = tpu.memref_slice %arg3[%mul3A_52, %dma_start3A_76] : memref<1280x128xi32, #tpu.memory_space<hbm>> -> memref<40x128xi32, #tpu.memory_space<hbm>>
      %dma_start3A_78 = arith.constant 0 : i32
      %dma_start3A_79 = tpu.memref_slice %arg3[%mul3A_52, %dma_start3A_78] : memref<1280x128xi32, #tpu.memory_space<hbm>> -> memref<40x128xi32, #tpu.memory_space<hbm>>
      tpu.enqueue_dma source(%dma_start3A_79 : memref<40x128xi32, #tpu.memory_space<hbm>>) target(%arg8 : memref<40x128xi32, #tpu.memory_space<vmem>>) target_semaphore(%run_scoped3A : memref<!tpu.dma_semaphore, #tpu.memory_space<semaphore_mem>>)
      %dma_wait3A_80 = arith.constant 0 : i32
      %dma_wait3A_81 = tpu.memref_slice %arg3[%mul3A_52, %dma_wait3A_80] : memref<1280x128xi32, #tpu.memory_space<hbm>> -> memref<40x128xi32, #tpu.memory_space<hbm>>
      %dma_wait3A_82 = arith.constant 0 : i32
      %dma_wait3A_83 = tpu.memref_slice %arg3[%mul3A_52, %dma_wait3A_82] : memref<1280x128xi32, #tpu.memory_space<hbm>> -> memref<40x128xi32, #tpu.memory_space<hbm>>
      tpu.wait_dma2 semaphore(%run_scoped3A : memref<!tpu.dma_semaphore, #tpu.memory_space<semaphore_mem>>) src(%dma_wait3A_83 : memref<40x128xi32, #tpu.memory_space<hbm>>) dst(%arg8 : memref<40x128xi32, #tpu.memory_space<vmem>>)
      tpu.yield
    }) : () -> ()
    %dma_start3A = arith.constant 0 : i32
    %dma_start3A_53 = tpu.memref_slice %arg2[%mul3A_2, %dma_start3A] : memref<163840x16xf32, #tpu.memory_space<hbm>> -> memref<5120x16xf32, #tpu.memory_space<hbm>>
    %dma_start3A_54 = arith.constant 0 : i32
    %dma_start3A_55 = tpu.memref_slice %arg2[%mul3A_2, %dma_start3A_54] : memref<163840x16xf32, #tpu.memory_space<hbm>> -> memref<5120x16xf32, #tpu.memory_space<hbm>>
    tpu.enqueue_dma source(%dma_start3A_55 : memref<5120x16xf32, #tpu.memory_space<hbm>>) target(%arg9 : memref<5120x16xf32, #tpu.memory_space<vmem>>) target_semaphore(%arg14 : memref<!tpu.dma_semaphore, #tpu.memory_space<semaphore_mem>>)
    "tpu.region"() ({
      %run_scoped3A = tpu.sem_alloc : memref<!tpu.dma_semaphore, #tpu.memory_space<semaphore_mem>>
      %dma_start3A_76 = arith.constant 0 : i32
      %dma_start3A_77 = tpu.memref_slice %arg12[%mul3A_50, %dma_start3A_76] : memref<10240x16xf32, #tpu.memory_space<vmem_shared>> -> memref<640x16xf32, #tpu.memory_space<vmem_shared>>
      %dma_start3A_78 = arith.constant 0 : i32
      %dma_start3A_79 = tpu.memref_slice %arg4[%mul3A_50, %dma_start3A_78] : memref<10240x16xf32, #tpu.memory_space<hbm>> -> memref<640x16xf32, #tpu.memory_space<hbm>>
      tpu.enqueue_dma source(%dma_start3A_79 : memref<640x16xf32, #tpu.memory_space<hbm>>) target(%dma_start3A_77 : memref<640x16xf32, #tpu.memory_space<vmem_shared>>) target_semaphore(%run_scoped3A : memref<!tpu.dma_semaphore, #tpu.memory_space<semaphore_mem>>)
      %dma_wait3A_80 = arith.constant 0 : i32
      %dma_wait3A_81 = tpu.memref_slice %arg12[%mul3A_50, %dma_wait3A_80] : memref<10240x16xf32, #tpu.memory_space<vmem_shared>> -> memref<640x16xf32, #tpu.memory_space<vmem_shared>>
      %dma_wait3A_82 = arith.constant 0 : i32
      %dma_wait3A_83 = tpu.memref_slice %arg4[%mul3A_50, %dma_wait3A_82] : memref<10240x16xf32, #tpu.memory_space<hbm>> -> memref<640x16xf32, #tpu.memory_space<hbm>>
      tpu.wait_dma2 semaphore(%run_scoped3A : memref<!tpu.dma_semaphore, #tpu.memory_space<semaphore_mem>>) src(%dma_wait3A_83 : memref<640x16xf32, #tpu.memory_space<hbm>>) dst(%dma_wait3A_81 : memref<640x16xf32, #tpu.memory_space<vmem_shared>>)
      tpu.yield
    }) : () -> ()
    "tpu.region"() ({
      %run_scoped3A = tpu.sem_alloc : memref<!tpu.dma_semaphore, #tpu.memory_space<semaphore_mem>>
      %dma_start3A_76 = tpu.memref_slice %arg13[%mul3A_50] : memref<10240xf32, #tpu.memory_space<vmem_shared>> -> memref<640xf32, #tpu.memory_space<vmem_shared>>
      %dma_start3A_77 = tpu.memref_slice %arg5[%mul3A_50] : memref<10240xf32, #tpu.memory_space<hbm>> -> memref<640xf32, #tpu.memory_space<hbm>>
      tpu.enqueue_dma source(%dma_start3A_77 : memref<640xf32, #tpu.memory_space<hbm>>) target(%dma_start3A_76 : memref<640xf32, #tpu.memory_space<vmem_shared>>) target_semaphore(%run_scoped3A : memref<!tpu.dma_semaphore, #tpu.memory_space<semaphore_mem>>)
      %dma_wait3A_78 = tpu.memref_slice %arg13[%mul3A_50] : memref<10240xf32, #tpu.memory_space<vmem_shared>> -> memref<640xf32, #tpu.memory_space<vmem_shared>>
      %dma_wait3A_79 = tpu.memref_slice %arg5[%mul3A_50] : memref<10240xf32, #tpu.memory_space<hbm>> -> memref<640xf32, #tpu.memory_space<hbm>>
      tpu.wait_dma2 semaphore(%run_scoped3A : memref<!tpu.dma_semaphore, #tpu.memory_space<semaphore_mem>>) src(%dma_wait3A_79 : memref<640xf32, #tpu.memory_space<hbm>>) dst(%dma_wait3A_78 : memref<640xf32, #tpu.memory_space<vmem_shared>>)
      tpu.yield
    }) : () -> ()
    %barrier3A = arith.constant 0 : index
    tpu.barrier barrier_id(%barrier3A)
    %dma_wait3A = arith.constant 0 : i32
    %dma_wait3A_56 = tpu.memref_slice %arg2[%mul3A_2, %dma_wait3A] : memref<163840x16xf32, #tpu.memory_space<hbm>> -> memref<5120x16xf32, #tpu.memory_space<hbm>>
    %dma_wait3A_57 = arith.constant 0 : i32
    %dma_wait3A_58 = tpu.memref_slice %arg2[%mul3A_2, %dma_wait3A_57] : memref<163840x16xf32, #tpu.memory_space<hbm>> -> memref<5120x16xf32, #tpu.memory_space<hbm>>
    tpu.wait_dma2 semaphore(%arg14 : memref<!tpu.dma_semaphore, #tpu.memory_space<semaphore_mem>>) src(%dma_wait3A_58 : memref<5120x16xf32, #tpu.memory_space<hbm>>) dst(%arg9 : memref<5120x16xf32, #tpu.memory_space<vmem>>)
    %scan3A = arith.constant 0 : i32
    %scan3A_59 = arith.constant 0 : i32
    %scan3A_60 = arith.constant 40 : i32
    %scan3A_61 = arith.addi %scan3A_59, %scan3A_60 : i32
    %scan3A_62 = arith.constant 1 : i32
    scf.for %scan3A_76 = %scan3A_59 to %scan3A_61 step %scan3A_62  : i32 {
      %mul3A_77 = arith.constant 128 : i32
      %mul3A_78 = arith.muli %scan3A_76, %mul3A_77 : i32
      %dma_start3A_79 = arith.constant 0 : i32
      %dma_start3A_80 = tpu.memref_slice %arg9[%mul3A_78, %dma_start3A_79] : memref<5120x16xf32, #tpu.memory_space<vmem>> -> memref<128x16xf32, #tpu.memory_space<vmem>>
      %dma_start3A_81 = arith.constant 0 : i32
      %dma_start3A_82 = tpu.memref_slice %arg8[%scan3A_76, %dma_start3A_81] : memref<40x128xi32, #tpu.memory_space<vmem>> -> memref<1x128xi32, #tpu.memory_space<vmem>>
      %dma_start3A_83 = tpu.memref_squeeze %dma_start3A_82 : memref<1x128xi32, #tpu.memory_space<vmem>> -> memref<128xi32, #tpu.memory_space<vmem>>
      %dma_start3A_84 = arith.constant 0 : i32
      %dma_start3A_85 = arith.constant 0 : i32
      %dma_start3A_86 = tpu.memref_slice %arg12[%dma_start3A_84, %dma_start3A_85] : memref<10240x16xf32, #tpu.memory_space<vmem_shared>> -> memref<10240x16xf32, #tpu.memory_space<vmem_shared>>
      tpu.enqueue_indirect_dma source(%dma_start3A_80 : memref<128x16xf32, #tpu.memory_space<vmem>>) target(%dma_start3A_86 : memref<10240x16xf32, #tpu.memory_space<vmem_shared>>) offsets(%dma_start3A_83 : memref<128xi32, #tpu.memory_space<vmem>>) semaphore(%arg14 : memref<!tpu.dma_semaphore, #tpu.memory_space<semaphore_mem>>) {add = true}
      %dma_start3A_87 = arith.constant 0 : i32
      %dma_start3A_88 = tpu.memref_slice %arg8[%scan3A_76, %dma_start3A_87] : memref<40x128xi32, #tpu.memory_space<vmem>> -> memref<1x128xi32, #tpu.memory_space<vmem>>
      %dma_start3A_89 = tpu.memref_squeeze %dma_start3A_88 : memref<1x128xi32, #tpu.memory_space<vmem>> -> memref<128xi32, #tpu.memory_space<vmem>>
      %dma_start3A_90 = arith.constant 0 : i32
      %dma_start3A_91 = tpu.memref_slice %arg13[%dma_start3A_90] : memref<10240xf32, #tpu.memory_space<vmem_shared>> -> memref<10240xf32, #tpu.memory_space<vmem_shared>>
      tpu.enqueue_indirect_dma source(%arg10 : memref<128xf32, #tpu.memory_space<vmem>>) target(%dma_start3A_91 : memref<10240xf32, #tpu.memory_space<vmem_shared>>) offsets(%dma_start3A_89 : memref<128xi32, #tpu.memory_space<vmem>>) semaphore(%arg15 : memref<!tpu.dma_semaphore, #tpu.memory_space<semaphore_mem>>) {add = true}
    }
    %scan3A_63 = arith.constant 40 : i32
    %dma_wait3A_64 = arith.constant 0 : i32
    %dma_wait3A_65 = tpu.memref_slice %arg2[%mul3A_2, %dma_wait3A_64] : memref<163840x16xf32, #tpu.memory_space<hbm>> -> memref<5120x16xf32, #tpu.memory_space<hbm>>
    %dma_wait3A_66 = arith.constant 0 : i32
    %dma_wait3A_67 = tpu.memref_slice %arg2[%mul3A_2, %dma_wait3A_66] : memref<163840x16xf32, #tpu.memory_space<hbm>> -> memref<5120x16xf32, #tpu.memory_space<hbm>>
    tpu.wait_dma2 semaphore(%arg14 : memref<!tpu.dma_semaphore, #tpu.memory_space<semaphore_mem>>) src(%dma_wait3A_67 : memref<5120x16xf32, #tpu.memory_space<hbm>>) dst(%arg9 : memref<5120x16xf32, #tpu.memory_space<vmem>>)
    %dma_wait3A_68 = arith.constant 0 : i32
    %dma_wait3A_69 = tpu.memref_slice %arg5[%dma_wait3A_68] : memref<10240xf32, #tpu.memory_space<hbm>> -> memref<5120xf32, #tpu.memory_space<hbm>>
    %dma_wait3A_70 = arith.constant 0 : i32
    %dma_wait3A_71 = tpu.memref_slice %arg5[%dma_wait3A_70] : memref<10240xf32, #tpu.memory_space<hbm>> -> memref<5120xf32, #tpu.memory_space<hbm>>
    tpu.wait_dma2 semaphore(%arg15 : memref<!tpu.dma_semaphore, #tpu.memory_space<semaphore_mem>>) src(%dma_wait3A_71 : memref<5120xf32, #tpu.memory_space<hbm>>) dst(%arg11 : memref<5120xf32, #tpu.memory_space<vmem>>)
    %barrier3A_72 = arith.constant 0 : index
    tpu.barrier barrier_id(%barrier3A_72)
    %mul3A_73 = arith.constant 10240 : i32
    %mul3A_74 = arith.muli %arg0, %mul3A_73 : i32
    %add3A_75 = arith.addi %mul3A_74, %mul3A_50 : i32
    "tpu.region"() ({
      %run_scoped3A = tpu.sem_alloc : memref<!tpu.dma_semaphore, #tpu.memory_space<semaphore_mem>>
      %dma_start3A_76 = arith.constant 0 : i32
      %dma_start3A_77 = tpu.memref_slice %arg6[%add3A_75, %dma_start3A_76] : memref<20480x16xf32, #tpu.memory_space<hbm>> -> memref<640x16xf32, #tpu.memory_space<hbm>>
      %dma_start3A_78 = arith.constant 0 : i32
      %dma_start3A_79 = tpu.memref_slice %arg12[%mul3A_50, %dma_start3A_78] : memref<10240x16xf32, #tpu.memory_space<vmem_shared>> -> memref<640x16xf32, #tpu.memory_space<vmem_shared>>
      tpu.enqueue_dma source(%dma_start3A_79 : memref<640x16xf32, #tpu.memory_space<vmem_shared>>) target(%dma_start3A_77 : memref<640x16xf32, #tpu.memory_space<hbm>>) target_semaphore(%run_scoped3A : memref<!tpu.dma_semaphore, #tpu.memory_space<semaphore_mem>>)
      %dma_wait3A_80 = arith.constant 0 : i32
      %dma_wait3A_81 = tpu.memref_slice %arg6[%add3A_75, %dma_wait3A_80] : memref<20480x16xf32, #tpu.memory_space<hbm>> -> memref<640x16xf32, #tpu.memory_space<hbm>>
      %dma_wait3A_82 = arith.constant 0 : i32
      %dma_wait3A_83 = tpu.memref_slice %arg12[%mul3A_50, %dma_wait3A_82] : memref<10240x16xf32, #tpu.memory_space<vmem_shared>> -> memref<640x16xf32, #tpu.memory_space<vmem_shared>>
      tpu.wait_dma2 semaphore(%run_scoped3A : memref<!tpu.dma_semaphore, #tpu.memory_space<semaphore_mem>>) src(%dma_wait3A_83 : memref<640x16xf32, #tpu.memory_space<vmem_shared>>) dst(%dma_wait3A_81 : memref<640x16xf32, #tpu.memory_space<hbm>>)
      tpu.yield
    }) : () -> ()
    "tpu.region"() ({
      %run_scoped3A = tpu.sem_alloc : memref<!tpu.dma_semaphore, #tpu.memory_space<semaphore_mem>>
      %dma_start3A_76 = tpu.memref_slice %arg7[%add3A_75] : memref<20480xf32, #tpu.memory_space<hbm>> -> memref<640xf32, #tpu.memory_space<hbm>>
      %dma_start3A_77 = tpu.memref_slice %arg13[%mul3A_50] : memref<10240xf32, #tpu.memory_space<vmem_shared>> -> memref<640xf32, #tpu.memory_space<vmem_shared>>
      tpu.enqueue_dma source(%dma_start3A_77 : memref<640xf32, #tpu.memory_space<vmem_shared>>) target(%dma_start3A_76 : memref<640xf32, #tpu.memory_space<hbm>>) target_semaphore(%run_scoped3A : memref<!tpu.dma_semaphore, #tpu.memory_space<semaphore_mem>>)
      %dma_wait3A_78 = tpu.memref_slice %arg7[%add3A_75] : memref<20480xf32, #tpu.memory_space<hbm>> -> memref<640xf32, #tpu.memory_space<hbm>>
      %dma_wait3A_79 = tpu.memref_slice %arg13[%mul3A_50] : memref<10240xf32, #tpu.memory_space<vmem_shared>> -> memref<640xf32, #tpu.memory_space<vmem_shared>>
      tpu.wait_dma2 semaphore(%run_scoped3A : memref<!tpu.dma_semaphore, #tpu.memory_space<semaphore_mem>>) src(%dma_wait3A_79 : memref<640xf32, #tpu.memory_space<vmem_shared>>) dst(%dma_wait3A_78 : memref<640xf32, #tpu.memory_space<hbm>>)
      tpu.yield
    }) : () -> ()
    return
  }
}

#map = affine_map<(d0, d1) -> (0, 0)>
#map1 = affine_map<(d0, d1) -> (0)>
module attributes {stable_mosaic.version = 14 : i64} {
  func.func @k(%arg0: i32, %arg1: i32, %arg2: memref<163840x16xf32, #tpu.memory_space<hbm>>, %arg3: memref<1280x128xi32, #tpu.memory_space<hbm>>, %arg4: memref<10240x16xf32, #tpu.memory_space<hbm>>, %arg5: memref<10240xf32, #tpu.memory_space<hbm>>, %arg6: memref<20480x16xf32, #tpu.memory_space<hbm>>, %arg7: memref<20480xf32, #tpu.memory_space<hbm>>, %arg8: memref<40x128xi32, #tpu.memory_space<vmem>>, %arg9: memref<5120x16xf32, #tpu.memory_space<vmem>>, %arg10: memref<128xf32, #tpu.memory_space<vmem>>, %arg11: memref<5120xf32, #tpu.memory_space<vmem>>, %arg12: memref<10240x16xf32, #tpu.memory_space<vmem_shared>>, %arg13: memref<10240xf32, #tpu.memory_space<vmem_shared>>, %arg14: memref<!tpu.dma_semaphore, #tpu.memory_space<semaphore_mem>>, %arg15: memref<!tpu.dma_semaphore, #tpu.memory_space<semaphore_mem>>) attributes {dimension_semantics = [#tpu.dimension_semantics<core_parallel>, #tpu.dimension_semantics<subcore_parallel>], iteration_bounds = array<i64: 2, 16>, scalar_prefetch = 0 : i64, scratch_operands = 8 : i64, tpu.core_type = #tpu.core_type<sc_vector_subcore>, window_params = [{transform_indices = #map}, {transform_indices = #map}, {transform_indices = #map}, {transform_indices = #map1}, {transform_indices = #map}, {transform_indices = #map1}]} {
    %mul3A = arith.constant 2 : i32
    %mul3A_0 = arith.muli %arg1, %mul3A : i32
    %add3A = arith.addi %mul3A_0, %arg0 : i32
    %mul3A_1 = arith.constant 5120 : i32
    %mul3A_2 = arith.muli %add3A, %mul3A_1 : i32
    %broadcast_in_dim3A = arith.constant 1.000000e+00 : f32
    %broadcast_in_dim3A_3 = vector.broadcast %broadcast_in_dim3A : f32 to vector<16xf32>
    %swap3A = arith.constant 0 : index
    %swap3A_4 = tpu.vector_load %arg10[%swap3A] {strides = array<i32>} : memref<128xf32, #tpu.memory_space<vmem>>, vector<16xf32>,
    %swap3A_5 = vector.shape_cast %swap3A_4 : vector<16xf32> to vector<16xf32>
    %swap3A_6 = vector.shape_cast %broadcast_in_dim3A_3 : vector<16xf32> to vector<16xf32>
    tpu.vector_store %arg10[%swap3A], %swap3A_6 {strides = array<i32>} : memref<128xf32, #tpu.memory_space<vmem>>, vector<16xf32>,
    %broadcast_in_dim3A_7 = arith.constant 1.000000e+00 : f32
    %broadcast_in_dim3A_8 = vector.broadcast %broadcast_in_dim3A_7 : f32 to vector<16xf32>
    %swap3A_9 = arith.constant 16 : index
    %swap3A_10 = tpu.vector_load %arg10[%swap3A_9] {strides = array<i32>} : memref<128xf32, #tpu.memory_space<vmem>>, vector<16xf32>,
    %swap3A_11 = vector.shape_cast %swap3A_10 : vector<16xf32> to vector<16xf32>
    %swap3A_12 = vector.shape_cast %broadcast_in_dim3A_8 : vector<16xf32> to vector<16xf32>
    tpu.vector_store %arg10[%swap3A_9], %swap3A_12 {strides = array<i32>} : memref<128xf32, #tpu.memory_space<vmem>>, vector<16xf32>,
    %broadcast_in_dim3A_13 = arith.constant 1.000000e+00 : f32
    %broadcast_in_dim3A_14 = vector.broadcast %broadcast_in_dim3A_13 : f32 to vector<16xf32>
    %swap3A_15 = arith.constant 32 : index
    %swap3A_16 = tpu.vector_load %arg10[%swap3A_15] {strides = array<i32>} : memref<128xf32, #tpu.memory_space<vmem>>, vector<16xf32>,
    %swap3A_17 = vector.shape_cast %swap3A_16 : vector<16xf32> to vector<16xf32>
    %swap3A_18 = vector.shape_cast %broadcast_in_dim3A_14 : vector<16xf32> to vector<16xf32>
    tpu.vector_store %arg10[%swap3A_15], %swap3A_18 {strides = array<i32>} : memref<128xf32, #tpu.memory_space<vmem>>, vector<16xf32>,
    %broadcast_in_dim3A_19 = arith.constant 1.000000e+00 : f32
    %broadcast_in_dim3A_20 = vector.broadcast %broadcast_in_dim3A_19 : f32 to vector<16xf32>
    %swap3A_21 = arith.constant 48 : index
    %swap3A_22 = tpu.vector_load %arg10[%swap3A_21] {strides = array<i32>} : memref<128xf32, #tpu.memory_space<vmem>>, vector<16xf32>,
    %swap3A_23 = vector.shape_cast %swap3A_22 : vector<16xf32> to vector<16xf32>
    %swap3A_24 = vector.shape_cast %broadcast_in_dim3A_20 : vector<16xf32> to vector<16xf32>
    tpu.vector_store %arg10[%swap3A_21], %swap3A_24 {strides = array<i32>} : memref<128xf32, #tpu.memory_space<vmem>>, vector<16xf32>,
    %broadcast_in_dim3A_25 = arith.constant 1.000000e+00 : f32
    %broadcast_in_dim3A_26 = vector.broadcast %broadcast_in_dim3A_25 : f32 to vector<16xf32>
    %swap3A_27 = arith.constant 64 : index
    %swap3A_28 = tpu.vector_load %arg10[%swap3A_27] {strides = array<i32>} : memref<128xf32, #tpu.memory_space<vmem>>, vector<16xf32>,
    %swap3A_29 = vector.shape_cast %swap3A_28 : vector<16xf32> to vector<16xf32>
    %swap3A_30 = vector.shape_cast %broadcast_in_dim3A_26 : vector<16xf32> to vector<16xf32>
    tpu.vector_store %arg10[%swap3A_27], %swap3A_30 {strides = array<i32>} : memref<128xf32, #tpu.memory_space<vmem>>, vector<16xf32>,
    %broadcast_in_dim3A_31 = arith.constant 1.000000e+00 : f32
    %broadcast_in_dim3A_32 = vector.broadcast %broadcast_in_dim3A_31 : f32 to vector<16xf32>
    %swap3A_33 = arith.constant 80 : index
    %swap3A_34 = tpu.vector_load %arg10[%swap3A_33] {strides = array<i32>} : memref<128xf32, #tpu.memory_space<vmem>>, vector<16xf32>,
    %swap3A_35 = vector.shape_cast %swap3A_34 : vector<16xf32> to vector<16xf32>
    %swap3A_36 = vector.shape_cast %broadcast_in_dim3A_32 : vector<16xf32> to vector<16xf32>
    tpu.vector_store %arg10[%swap3A_33], %swap3A_36 {strides = array<i32>} : memref<128xf32, #tpu.memory_space<vmem>>, vector<16xf32>,
    %broadcast_in_dim3A_37 = arith.constant 1.000000e+00 : f32
    %broadcast_in_dim3A_38 = vector.broadcast %broadcast_in_dim3A_37 : f32 to vector<16xf32>
    %swap3A_39 = arith.constant 96 : index
    %swap3A_40 = tpu.vector_load %arg10[%swap3A_39] {strides = array<i32>} : memref<128xf32, #tpu.memory_space<vmem>>, vector<16xf32>,
    %swap3A_41 = vector.shape_cast %swap3A_40 : vector<16xf32> to vector<16xf32>
    %swap3A_42 = vector.shape_cast %broadcast_in_dim3A_38 : vector<16xf32> to vector<16xf32>
    tpu.vector_store %arg10[%swap3A_39], %swap3A_42 {strides = array<i32>} : memref<128xf32, #tpu.memory_space<vmem>>, vector<16xf32>,
    %broadcast_in_dim3A_43 = arith.constant 1.000000e+00 : f32
    %broadcast_in_dim3A_44 = vector.broadcast %broadcast_in_dim3A_43 : f32 to vector<16xf32>
    %swap3A_45 = arith.constant 112 : index
    %swap3A_46 = tpu.vector_load %arg10[%swap3A_45] {strides = array<i32>} : memref<128xf32, #tpu.memory_space<vmem>>, vector<16xf32>,
    %swap3A_47 = vector.shape_cast %swap3A_46 : vector<16xf32> to vector<16xf32>
    %swap3A_48 = vector.shape_cast %broadcast_in_dim3A_44 : vector<16xf32> to vector<16xf32>
    tpu.vector_store %arg10[%swap3A_45], %swap3A_48 {strides = array<i32>} : memref<128xf32, #tpu.memory_space<vmem>>, vector<16xf32>,
    %mul3A_49 = arith.constant 640 : i32
    %mul3A_50 = arith.muli %arg1, %mul3A_49 : i32
    %mul3A_51 = arith.constant 40 : i32
    %mul3A_52 = arith.muli %add3A, %mul3A_51 : i32
    "tpu.region"() ({
      %run_scoped3A = tpu.sem_alloc : memref<!tpu.dma_semaphore, #tpu.memory_space<semaphore_mem>>
      %dma_start3A_76 = arith.constant 0 : i32
      %dma_start3A_77 = tpu.memref_slice %arg3[%mul3A_52, %dma_start3A_76] : memref<1280x128xi32, #tpu.memory_space<hbm>> -> memref<40x128xi32, #tpu.memory_space<hbm>>
      %dma_start3A_78 = arith.constant 0 : i32
      %dma_start3A_79 = tpu.memref_slice %arg3[%mul3A_52, %dma_start3A_78] : memref<1280x128xi32, #tpu.memory_space<hbm>> -> memref<40x128xi32, #tpu.memory_space<hbm>>
      tpu.enqueue_dma source(%dma_start3A_79 : memref<40x128xi32, #tpu.memory_space<hbm>>) target(%arg8 : memref<40x128xi32, #tpu.memory_space<vmem>>) target_semaphore(%run_scoped3A : memref<!tpu.dma_semaphore, #tpu.memory_space<semaphore_mem>>)
      %dma_wait3A_80 = arith.constant 0 : i32
      %dma_wait3A_81 = tpu.memref_slice %arg3[%mul3A_52, %dma_wait3A_80] : memref<1280x128xi32, #tpu.memory_space<hbm>> -> memref<40x128xi32, #tpu.memory_space<hbm>>
      %dma_wait3A_82 = arith.constant 0 : i32
      %dma_wait3A_83 = tpu.memref_slice %arg3[%mul3A_52, %dma_wait3A_82] : memref<1280x128xi32, #tpu.memory_space<hbm>> -> memref<40x128xi32, #tpu.memory_space<hbm>>
      tpu.wait_dma2 semaphore(%run_scoped3A : memref<!tpu.dma_semaphore, #tpu.memory_space<semaphore_mem>>) src(%dma_wait3A_83 : memref<40x128xi32, #tpu.memory_space<hbm>>) dst(%arg8 : memref<40x128xi32, #tpu.memory_space<vmem>>)
      tpu.yield
    }) : () -> ()
    %dma_start3A = arith.constant 0 : i32
    %dma_start3A_53 = tpu.memref_slice %arg2[%mul3A_2, %dma_start3A] : memref<163840x16xf32, #tpu.memory_space<hbm>> -> memref<5120x16xf32, #tpu.memory_space<hbm>>
    %dma_start3A_54 = arith.constant 0 : i32
    %dma_start3A_55 = tpu.memref_slice %arg2[%mul3A_2, %dma_start3A_54] : memref<163840x16xf32, #tpu.memory_space<hbm>> -> memref<5120x16xf32, #tpu.memory_space<hbm>>
    tpu.enqueue_dma source(%dma_start3A_55 : memref<5120x16xf32, #tpu.memory_space<hbm>>) target(%arg9 : memref<5120x16xf32, #tpu.memory_space<vmem>>) target_semaphore(%arg14 : memref<!tpu.dma_semaphore, #tpu.memory_space<semaphore_mem>>)
    "tpu.region"() ({
      %run_scoped3A = tpu.sem_alloc : memref<!tpu.dma_semaphore, #tpu.memory_space<semaphore_mem>>
      %dma_start3A_76 = arith.constant 0 : i32
      %dma_start3A_77 = tpu.memref_slice %arg12[%mul3A_50, %dma_start3A_76] : memref<10240x16xf32, #tpu.memory_space<vmem_shared>> -> memref<640x16xf32, #tpu.memory_space<vmem_shared>>
      %dma_start3A_78 = arith.constant 0 : i32
      %dma_start3A_79 = tpu.memref_slice %arg4[%mul3A_50, %dma_start3A_78] : memref<10240x16xf32, #tpu.memory_space<hbm>> -> memref<640x16xf32, #tpu.memory_space<hbm>>
      tpu.enqueue_dma source(%dma_start3A_79 : memref<640x16xf32, #tpu.memory_space<hbm>>) target(%dma_start3A_77 : memref<640x16xf32, #tpu.memory_space<vmem_shared>>) target_semaphore(%run_scoped3A : memref<!tpu.dma_semaphore, #tpu.memory_space<semaphore_mem>>)
      %dma_wait3A_80 = arith.constant 0 : i32
      %dma_wait3A_81 = tpu.memref_slice %arg12[%mul3A_50, %dma_wait3A_80] : memref<10240x16xf32, #tpu.memory_space<vmem_shared>> -> memref<640x16xf32, #tpu.memory_space<vmem_shared>>
      %dma_wait3A_82 = arith.constant 0 : i32
      %dma_wait3A_83 = tpu.memref_slice %arg4[%mul3A_50, %dma_wait3A_82] : memref<10240x16xf32, #tpu.memory_space<hbm>> -> memref<640x16xf32, #tpu.memory_space<hbm>>
      tpu.wait_dma2 semaphore(%run_scoped3A : memref<!tpu.dma_semaphore, #tpu.memory_space<semaphore_mem>>) src(%dma_wait3A_83 : memref<640x16xf32, #tpu.memory_space<hbm>>) dst(%dma_wait3A_81 : memref<640x16xf32, #tpu.memory_space<vmem_shared>>)
      tpu.yield
    }) : () -> ()
    "tpu.region"() ({
      %run_scoped3A = tpu.sem_alloc : memref<!tpu.dma_semaphore, #tpu.memory_space<semaphore_mem>>
      %dma_start3A_76 = tpu.memref_slice %arg13[%mul3A_50] : memref<10240xf32, #tpu.memory_space<vmem_shared>> -> memref<640xf32, #tpu.memory_space<vmem_shared>>
      %dma_start3A_77 = tpu.memref_slice %arg5[%mul3A_50] : memref<10240xf32, #tpu.memory_space<hbm>> -> memref<640xf32, #tpu.memory_space<hbm>>
      tpu.enqueue_dma source(%dma_start3A_77 : memref<640xf32, #tpu.memory_space<hbm>>) target(%dma_start3A_76 : memref<640xf32, #tpu.memory_space<vmem_shared>>) target_semaphore(%run_scoped3A : memref<!tpu.dma_semaphore, #tpu.memory_space<semaphore_mem>>)
      %dma_wait3A_78 = tpu.memref_slice %arg13[%mul3A_50] : memref<10240xf32, #tpu.memory_space<vmem_shared>> -> memref<640xf32, #tpu.memory_space<vmem_shared>>
      %dma_wait3A_79 = tpu.memref_slice %arg5[%mul3A_50] : memref<10240xf32, #tpu.memory_space<hbm>> -> memref<640xf32, #tpu.memory_space<hbm>>
      tpu.wait_dma2 semaphore(%run_scoped3A : memref<!tpu.dma_semaphore, #tpu.memory_space<semaphore_mem>>) src(%dma_wait3A_79 : memref<640xf32, #tpu.memory_space<hbm>>) dst(%dma_wait3A_78 : memref<640xf32, #tpu.memory_space<vmem_shared>>)
      tpu.yield
    }) : () -> ()
    %barrier3A = arith.constant 0 : index
    tpu.barrier barrier_id(%barrier3A)
    %dma_wait3A = arith.constant 0 : i32
    %dma_wait3A_56 = tpu.memref_slice %arg2[%mul3A_2, %dma_wait3A] : memref<163840x16xf32, #tpu.memory_space<hbm>> -> memref<5120x16xf32, #tpu.memory_space<hbm>>
    %dma_wait3A_57 = arith.constant 0 : i32
    %dma_wait3A_58 = tpu.memref_slice %arg2[%mul3A_2, %dma_wait3A_57] : memref<163840x16xf32, #tpu.memory_space<hbm>> -> memref<5120x16xf32, #tpu.memory_space<hbm>>
    tpu.wait_dma2 semaphore(%arg14 : memref<!tpu.dma_semaphore, #tpu.memory_space<semaphore_mem>>) src(%dma_wait3A_58 : memref<5120x16xf32, #tpu.memory_space<hbm>>) dst(%arg9 : memref<5120x16xf32, #tpu.memory_space<vmem>>)
    %scan3A = arith.constant 0 : i32
    %scan3A_59 = arith.constant 0 : i32
    %scan3A_60 = arith.constant 40 : i32
    %scan3A_61 = arith.addi %scan3A_59, %scan3A_60 : i32
    %scan3A_62 = arith.constant 1 : i32
    scf.for %scan3A_76 = %scan3A_59 to %scan3A_61 step %scan3A_62  : i32 {
      %mul3A_77 = arith.constant 128 : i32
      %mul3A_78 = arith.muli %scan3A_76, %mul3A_77 : i32
      %dma_start3A_79 = arith.constant 0 : i32
      %dma_start3A_80 = tpu.memref_slice %arg9[%mul3A_78, %dma_start3A_79] : memref<5120x16xf32, #tpu.memory_space<vmem>> -> memref<128x16xf32, #tpu.memory_space<vmem>>
      %dma_start3A_81 = arith.constant 0 : i32
      %dma_start3A_82 = tpu.memref_slice %arg8[%scan3A_76, %dma_start3A_81] : memref<40x128xi32, #tpu.memory_space<vmem>> -> memref<1x128xi32, #tpu.memory_space<vmem>>
      %dma_start3A_83 = tpu.memref_squeeze %dma_start3A_82 : memref<1x128xi32, #tpu.memory_space<vmem>> -> memref<128xi32, #tpu.memory_space<vmem>>
      %dma_start3A_84 = arith.constant 0 : i32
      %dma_start3A_85 = arith.constant 0 : i32
      %dma_start3A_86 = tpu.memref_slice %arg12[%dma_start3A_84, %dma_start3A_85] : memref<10240x16xf32, #tpu.memory_space<vmem_shared>> -> memref<10240x16xf32, #tpu.memory_space<vmem_shared>>
      tpu.enqueue_indirect_dma source(%dma_start3A_80 : memref<128x16xf32, #tpu.memory_space<vmem>>) target(%dma_start3A_86 : memref<10240x16xf32, #tpu.memory_space<vmem_shared>>) offsets(%dma_start3A_83 : memref<128xi32, #tpu.memory_space<vmem>>) semaphore(%arg14 : memref<!tpu.dma_semaphore, #tpu.memory_space<semaphore_mem>>) {add = true}
      %dma_start3A_87 = arith.constant 0 : i32
      %dma_start3A_88 = tpu.memref_slice %arg8[%scan3A_76, %dma_start3A_87] : memref<40x128xi32, #tpu.memory_space<vmem>> -> memref<1x128xi32, #tpu.memory_space<vmem>>
      %dma_start3A_89 = tpu.memref_squeeze %dma_start3A_88 : memref<1x128xi32, #tpu.memory_space<vmem>> -> memref<128xi32, #tpu.memory_space<vmem>>
      %dma_start3A_90 = arith.constant 0 : i32
      %dma_start3A_91 = tpu.memref_slice %arg13[%dma_start3A_90] : memref<10240xf32, #tpu.memory_space<vmem_shared>> -> memref<10240xf32, #tpu.memory_space<vmem_shared>>
      tpu.enqueue_indirect_dma source(%arg10 : memref<128xf32, #tpu.memory_space<vmem>>) target(%dma_start3A_91 : memref<10240xf32, #tpu.memory_space<vmem_shared>>) offsets(%dma_start3A_89 : memref<128xi32, #tpu.memory_space<vmem>>) semaphore(%arg15 : memref<!tpu.dma_semaphore, #tpu.memory_space<semaphore_mem>>) {add = true}
    }
    %scan3A_63 = arith.constant 40 : i32
    %dma_wait3A_64 = arith.constant 0 : i32
    %dma_wait3A_65 = tpu.memref_slice %arg2[%mul3A_2, %dma_wait3A_64] : memref<163840x16xf32, #tpu.memory_space<hbm>> -> memref<5120x16xf32, #tpu.memory_space<hbm>>
    %dma_wait3A_66 = arith.constant 0 : i32
    %dma_wait3A_67 = tpu.memref_slice %arg2[%mul3A_2, %dma_wait3A_66] : memref<163840x16xf32, #tpu.memory_space<hbm>> -> memref<5120x16xf32, #tpu.memory_space<hbm>>
    tpu.wait_dma2 semaphore(%arg14 : memref<!tpu.dma_semaphore, #tpu.memory_space<semaphore_mem>>) src(%dma_wait3A_67 : memref<5120x16xf32, #tpu.memory_space<hbm>>) dst(%arg9 : memref<5120x16xf32, #tpu.memory_space<vmem>>)
    %dma_wait3A_68 = arith.constant 0 : i32
    %dma_wait3A_69 = tpu.memref_slice %arg5[%dma_wait3A_68] : memref<10240xf32, #tpu.memory_space<hbm>> -> memref<5120xf32, #tpu.memory_space<hbm>>
    %dma_wait3A_70 = arith.constant 0 : i32
    %dma_wait3A_71 = tpu.memref_slice %arg5[%dma_wait3A_70] : memref<10240xf32, #tpu.memory_space<hbm>> -> memref<5120xf32, #tpu.memory_space<hbm>>
    tpu.wait_dma2 semaphore(%arg15 : memref<!tpu.dma_semaphore, #tpu.memory_space<semaphore_mem>>) src(%dma_wait3A_71 : memref<5120xf32, #tpu.memory_space<hbm>>) dst(%arg11 : memref<5120xf32, #tpu.memory_space<vmem>>)
    %barrier3A_72 = arith.constant 0 : index
    tpu.barrier barrier_id(%barrier3A_72)
    %mul3A_73 = arith.constant 10240 : i32
    %mul3A_74 = arith.muli %arg0, %mul3A_73 : i32
    %add3A_75 = arith.addi %mul3A_74, %mul3A_50 : i32
    "tpu.region"() ({
      %run_scoped3A = tpu.sem_alloc : memref<!tpu.dma_semaphore, #tpu.memory_space<semaphore_mem>>
      %dma_start3A_76 = arith.constant 0 : i32
      %dma_start3A_77 = tpu.memref_slice %arg6[%add3A_75, %dma_start3A_76] : memref<20480x16xf32, #tpu.memory_space<hbm>> -> memref<640x16xf32, #tpu.memory_space<hbm>>
      %dma_start3A_78 = arith.constant 0 : i32
      %dma_start3A_79 = tpu.memref_slice %arg12[%mul3A_50, %dma_start3A_78] : memref<10240x16xf32, #tpu.memory_space<vmem_shared>> -> memref<640x16xf32, #tpu.memory_space<vmem_shared>>
      tpu.enqueue_dma source(%dma_start3A_79 : memref<640x16xf32, #tpu.memory_space<vmem_shared>>) target(%dma_start3A_77 : memref<640x16xf32, #tpu.memory_space<hbm>>) target_semaphore(%run_scoped3A : memref<!tpu.dma_semaphore, #tpu.memory_space<semaphore_mem>>)
      %dma_wait3A_80 = arith.constant 0 : i32
      %dma_wait3A_81 = tpu.memref_slice %arg6[%add3A_75, %dma_wait3A_80] : memref<20480x16xf32, #tpu.memory_space<hbm>> -> memref<640x16xf32, #tpu.memory_space<hbm>>
      %dma_wait3A_82 = arith.constant 0 : i32
      %dma_wait3A_83 = tpu.memref_slice %arg12[%mul3A_50, %dma_wait3A_82] : memref<10240x16xf32, #tpu.memory_space<vmem_shared>> -> memref<640x16xf32, #tpu.memory_space<vmem_shared>>
      tpu.wait_dma2 semaphore(%run_scoped3A : memref<!tpu.dma_semaphore, #tpu.memory_space<semaphore_mem>>) src(%dma_wait3A_83 : memref<640x16xf32, #tpu.memory_space<vmem_shared>>) dst(%dma_wait3A_81 : memref<640x16xf32, #tpu.memory_space<hbm>>)
      tpu.yield
    }) : () -> ()
    "tpu.region"() ({
      %run_scoped3A = tpu.sem_alloc : memref<!tpu.dma_semaphore, #tpu.memory_space<semaphore_mem>>
      %dma_start3A_76 = tpu.memref_slice %arg7[%add3A_75] : memref<20480xf32, #tpu.memory_space<hbm>> -> memref<640xf32, #tpu.memory_space<hbm>>
      %dma_start3A_77 = tpu.memref_slice %arg13[%mul3A_50] : memref<10240xf32, #tpu.memory_space<vmem_shared>> -> memref<640xf32, #tpu.memory_space<vmem_shared>>
      tpu.enqueue_dma source(%dma_start3A_77 : memref<640xf32, #tpu.memory_space<vmem_shared>>) target(%dma_start3A_76 : memref<640xf32, #tpu.memory_space<hbm>>) target_semaphore(%run_scoped3A : memref<!tpu.dma_semaphore, #tpu.memory_space<semaphore_mem>>)
      %dma_wait3A_78 = tpu.memref_slice %arg7[%add3A_75] : memref<20480xf32, #tpu.memory_space<hbm>> -> memref<640xf32, #tpu.memory_space<hbm>>
      %dma_wait3A_79 = tpu.memref_slice %arg13[%mul3A_50] : memref<10240xf32, #tpu.memory_space<vmem_shared>> -> memref<640xf32, #tpu.memory_space<vmem_shared>>
      tpu.wait_dma2 semaphore(%run_scoped3A : memref<!tpu.dma_semaphore, #tpu.memory_space<semaphore_mem>>) src(%dma_wait3A_79 : memref<640xf32, #tpu.memory_space<vmem_shared>>) dst(%dma_wait3A_78 : memref<640xf32, #tpu.memory_space<hbm>>)
      tpu.yield
    }) : () -> ()
    return
  }
}

#map = affine_map<(d0, d1) -> (0, 0)>
module attributes {stable_mosaic.version = 14 : i64} {
  func.func @k(%arg0: i32, %arg1: i32, %arg2: memref<10240x16xf32, #tpu.memory_space<hbm>>, %arg3: memref<1280x128xi32, #tpu.memory_space<hbm>>, %arg4: memref<163840x16xf32, #tpu.memory_space<hbm>>, %arg5: memref<40x128xi32, #tpu.memory_space<vmem>>, %arg6: memref<5120x16xf32, #tpu.memory_space<vmem>>, %arg7: memref<!tpu.dma_semaphore, #tpu.memory_space<semaphore_mem>>, %arg8: memref<!tpu.dma_semaphore, #tpu.memory_space<semaphore_mem>>) attributes {dimension_semantics = [#tpu.dimension_semantics<core_parallel>, #tpu.dimension_semantics<subcore_parallel>], iteration_bounds = array<i64: 2, 16>, scalar_prefetch = 0 : i64, scratch_operands = 4 : i64, tpu.core_type = #tpu.core_type<sc_vector_subcore>, window_params = [{transform_indices = #map}, {transform_indices = #map}, {transform_indices = #map}]} {
    %mul3A = arith.constant 2 : i32
    %mul3A_0 = arith.muli %arg1, %mul3A : i32
    %add3A = arith.addi %mul3A_0, %arg0 : i32
    %mul3A_1 = arith.constant 5120 : i32
    %mul3A_2 = arith.muli %add3A, %mul3A_1 : i32
    %mul3A_3 = arith.constant 40 : i32
    %mul3A_4 = arith.muli %add3A, %mul3A_3 : i32
    "tpu.region"() ({
      %run_scoped3A = tpu.sem_alloc : memref<!tpu.dma_semaphore, #tpu.memory_space<semaphore_mem>>
      %dma_start3A_84 = arith.constant 0 : i32
      %dma_start3A_85 = tpu.memref_slice %arg3[%mul3A_4, %dma_start3A_84] : memref<1280x128xi32, #tpu.memory_space<hbm>> -> memref<40x128xi32, #tpu.memory_space<hbm>>
      %dma_start3A_86 = arith.constant 0 : i32
      %dma_start3A_87 = tpu.memref_slice %arg3[%mul3A_4, %dma_start3A_86] : memref<1280x128xi32, #tpu.memory_space<hbm>> -> memref<40x128xi32, #tpu.memory_space<hbm>>
      tpu.enqueue_dma source(%dma_start3A_87 : memref<40x128xi32, #tpu.memory_space<hbm>>) target(%arg5 : memref<40x128xi32, #tpu.memory_space<vmem>>) target_semaphore(%run_scoped3A : memref<!tpu.dma_semaphore, #tpu.memory_space<semaphore_mem>>)
      %dma_wait3A_88 = arith.constant 0 : i32
      %dma_wait3A_89 = tpu.memref_slice %arg3[%mul3A_4, %dma_wait3A_88] : memref<1280x128xi32, #tpu.memory_space<hbm>> -> memref<40x128xi32, #tpu.memory_space<hbm>>
      %dma_wait3A_90 = arith.constant 0 : i32
      %dma_wait3A_91 = tpu.memref_slice %arg3[%mul3A_4, %dma_wait3A_90] : memref<1280x128xi32, #tpu.memory_space<hbm>> -> memref<40x128xi32, #tpu.memory_space<hbm>>
      tpu.wait_dma2 semaphore(%run_scoped3A : memref<!tpu.dma_semaphore, #tpu.memory_space<semaphore_mem>>) src(%dma_wait3A_91 : memref<40x128xi32, #tpu.memory_space<hbm>>) dst(%arg5 : memref<40x128xi32, #tpu.memory_space<vmem>>)
      tpu.yield
    }) : () -> ()
    %scan3A = arith.constant 0 : i32
    %scan3A_5 = arith.constant 0 : i32
    %scan3A_6 = arith.constant 20 : i32
    %scan3A_7 = arith.addi %scan3A_5, %scan3A_6 : i32
    %scan3A_8 = arith.constant 1 : i32
    scf.for %scan3A_84 = %scan3A_5 to %scan3A_7 step %scan3A_8  : i32 {
      %mul3A_85 = arith.constant 128 : i32
      %mul3A_86 = arith.muli %scan3A_84, %mul3A_85 : i32
      %dma_start3A_87 = arith.constant 0 : i32
      %dma_start3A_88 = tpu.memref_slice %arg6[%mul3A_86, %dma_start3A_87] : memref<5120x16xf32, #tpu.memory_space<vmem>> -> memref<128x16xf32, #tpu.memory_space<vmem>>
      %dma_start3A_89 = arith.constant 0 : i32
      %dma_start3A_90 = tpu.memref_slice %arg5[%scan3A_84, %dma_start3A_89] : memref<40x128xi32, #tpu.memory_space<vmem>> -> memref<1x128xi32, #tpu.memory_space<vmem>>
      %dma_start3A_91 = tpu.memref_squeeze %dma_start3A_90 : memref<1x128xi32, #tpu.memory_space<vmem>> -> memref<128xi32, #tpu.memory_space<vmem>>
      %dma_start3A_92 = arith.constant 0 : i32
      %dma_start3A_93 = arith.constant 0 : i32
      %dma_start3A_94 = tpu.memref_slice %arg2[%dma_start3A_92, %dma_start3A_93] : memref<10240x16xf32, #tpu.memory_space<hbm>> -> memref<10240x16xf32, #tpu.memory_space<hbm>>
      tpu.enqueue_indirect_dma source(%dma_start3A_94 : memref<10240x16xf32, #tpu.memory_space<hbm>>) target(%dma_start3A_88 : memref<128x16xf32, #tpu.memory_space<vmem>>) offsets(%dma_start3A_91 : memref<128xi32, #tpu.memory_space<vmem>>) semaphore(%arg7 : memref<!tpu.dma_semaphore, #tpu.memory_space<semaphore_mem>>)
    }
    %scan3A_9 = arith.constant 20 : i32
    %dma_wait3A = arith.constant 0 : i32
    %dma_wait3A_10 = arith.constant 0 : i32
    %dma_wait3A_11 = tpu.memref_slice %arg6[%dma_wait3A, %dma_wait3A_10] : memref<5120x16xf32, #tpu.memory_space<vmem>> -> memref<2560x16xf32, #tpu.memory_space<vmem>>
    %dma_wait3A_12 = arith.constant 0 : i32
    %dma_wait3A_13 = arith.constant 0 : i32
    %dma_wait3A_14 = tpu.memref_slice %arg2[%dma_wait3A_12, %dma_wait3A_13] : memref<10240x16xf32, #tpu.memory_space<hbm>> -> memref<2560x16xf32, #tpu.memory_space<hbm>>
    %dma_wait3A_15 = arith.constant 0 : i32
    %dma_wait3A_16 = arith.constant 0 : i32
    %dma_wait3A_17 = tpu.memref_slice %arg6[%dma_wait3A_15, %dma_wait3A_16] : memref<5120x16xf32, #tpu.memory_space<vmem>> -> memref<2560x16xf32, #tpu.memory_space<vmem>>
    %dma_wait3A_18 = arith.constant 0 : i32
    %dma_wait3A_19 = arith.constant 0 : i32
    %dma_wait3A_20 = tpu.memref_slice %arg2[%dma_wait3A_18, %dma_wait3A_19] : memref<10240x16xf32, #tpu.memory_space<hbm>> -> memref<2560x16xf32, #tpu.memory_space<hbm>>
    tpu.wait_dma2 semaphore(%arg7 : memref<!tpu.dma_semaphore, #tpu.memory_space<semaphore_mem>>) src(%dma_wait3A_20 : memref<2560x16xf32, #tpu.memory_space<hbm>>) dst(%dma_wait3A_17 : memref<2560x16xf32, #tpu.memory_space<vmem>>)
    %dma_start3A = arith.constant 0 : i32
    %dma_start3A_21 = arith.constant 0 : i32
    %dma_start3A_22 = tpu.memref_slice %arg6[%dma_start3A, %dma_start3A_21] : memref<5120x16xf32, #tpu.memory_space<vmem>> -> memref<2560x16xf32, #tpu.memory_space<vmem>>
    %dma_start3A_23 = arith.constant 0 : i32
    %dma_start3A_24 = tpu.memref_slice %arg4[%mul3A_2, %dma_start3A_23] : memref<163840x16xf32, #tpu.memory_space<hbm>> -> memref<2560x16xf32, #tpu.memory_space<hbm>>
    %dma_start3A_25 = arith.constant 0 : i32
    %dma_start3A_26 = tpu.memref_slice %arg4[%mul3A_2, %dma_start3A_25] : memref<163840x16xf32, #tpu.memory_space<hbm>> -> memref<2560x16xf32, #tpu.memory_space<hbm>>
    %dma_start3A_27 = arith.constant 0 : i32
    %dma_start3A_28 = arith.constant 0 : i32
    %dma_start3A_29 = tpu.memref_slice %arg6[%dma_start3A_27, %dma_start3A_28] : memref<5120x16xf32, #tpu.memory_space<vmem>> -> memref<2560x16xf32, #tpu.memory_space<vmem>>
    tpu.enqueue_dma source(%dma_start3A_29 : memref<2560x16xf32, #tpu.memory_space<vmem>>) target(%dma_start3A_26 : memref<2560x16xf32, #tpu.memory_space<hbm>>) target_semaphore(%arg8 : memref<!tpu.dma_semaphore, #tpu.memory_space<semaphore_mem>>)
    %scan3A_30 = arith.constant 0 : i32
    %scan3A_31 = arith.constant 20 : i32
    %scan3A_32 = arith.constant 20 : i32
    %scan3A_33 = arith.addi %scan3A_31, %scan3A_32 : i32
    %scan3A_34 = arith.constant 1 : i32
    scf.for %scan3A_84 = %scan3A_31 to %scan3A_33 step %scan3A_34  : i32 {
      %mul3A_85 = arith.constant 128 : i32
      %mul3A_86 = arith.muli %scan3A_84, %mul3A_85 : i32
      %dma_start3A_87 = arith.constant 0 : i32
      %dma_start3A_88 = tpu.memref_slice %arg6[%mul3A_86, %dma_start3A_87] : memref<5120x16xf32, #tpu.memory_space<vmem>> -> memref<128x16xf32, #tpu.memory_space<vmem>>
      %dma_start3A_89 = arith.constant 0 : i32
      %dma_start3A_90 = tpu.memref_slice %arg5[%scan3A_84, %dma_start3A_89] : memref<40x128xi32, #tpu.memory_space<vmem>> -> memref<1x128xi32, #tpu.memory_space<vmem>>
      %dma_start3A_91 = tpu.memref_squeeze %dma_start3A_90 : memref<1x128xi32, #tpu.memory_space<vmem>> -> memref<128xi32, #tpu.memory_space<vmem>>
      %dma_start3A_92 = arith.constant 0 : i32
      %dma_start3A_93 = arith.constant 0 : i32
      %dma_start3A_94 = tpu.memref_slice %arg2[%dma_start3A_92, %dma_start3A_93] : memref<10240x16xf32, #tpu.memory_space<hbm>> -> memref<10240x16xf32, #tpu.memory_space<hbm>>
      tpu.enqueue_indirect_dma source(%dma_start3A_94 : memref<10240x16xf32, #tpu.memory_space<hbm>>) target(%dma_start3A_88 : memref<128x16xf32, #tpu.memory_space<vmem>>) offsets(%dma_start3A_91 : memref<128xi32, #tpu.memory_space<vmem>>) semaphore(%arg7 : memref<!tpu.dma_semaphore, #tpu.memory_space<semaphore_mem>>)
    }
    %scan3A_35 = arith.constant 20 : i32
    %dma_wait3A_36 = arith.constant 0 : i32
    %dma_wait3A_37 = arith.constant 0 : i32
    %dma_wait3A_38 = tpu.memref_slice %arg6[%dma_wait3A_36, %dma_wait3A_37] : memref<5120x16xf32, #tpu.memory_space<vmem>> -> memref<2560x16xf32, #tpu.memory_space<vmem>>
    %dma_wait3A_39 = arith.constant 0 : i32
    %dma_wait3A_40 = arith.constant 0 : i32
    %dma_wait3A_41 = tpu.memref_slice %arg2[%dma_wait3A_39, %dma_wait3A_40] : memref<10240x16xf32, #tpu.memory_space<hbm>> -> memref<2560x16xf32, #tpu.memory_space<hbm>>
    %dma_wait3A_42 = arith.constant 0 : i32
    %dma_wait3A_43 = arith.constant 0 : i32
    %dma_wait3A_44 = tpu.memref_slice %arg6[%dma_wait3A_42, %dma_wait3A_43] : memref<5120x16xf32, #tpu.memory_space<vmem>> -> memref<2560x16xf32, #tpu.memory_space<vmem>>
    %dma_wait3A_45 = arith.constant 0 : i32
    %dma_wait3A_46 = arith.constant 0 : i32
    %dma_wait3A_47 = tpu.memref_slice %arg2[%dma_wait3A_45, %dma_wait3A_46] : memref<10240x16xf32, #tpu.memory_space<hbm>> -> memref<2560x16xf32, #tpu.memory_space<hbm>>
    tpu.wait_dma2 semaphore(%arg7 : memref<!tpu.dma_semaphore, #tpu.memory_space<semaphore_mem>>) src(%dma_wait3A_47 : memref<2560x16xf32, #tpu.memory_space<hbm>>) dst(%dma_wait3A_44 : memref<2560x16xf32, #tpu.memory_space<vmem>>)
    %add3A_48 = arith.constant 2560 : i32
    %add3A_49 = arith.addi %mul3A_2, %add3A_48 : i32
    %dma_start3A_50 = arith.constant 2560 : i32
    %dma_start3A_51 = arith.constant 0 : i32
    %dma_start3A_52 = tpu.memref_slice %arg6[%dma_start3A_50, %dma_start3A_51] : memref<5120x16xf32, #tpu.memory_space<vmem>> -> memref<2560x16xf32, #tpu.memory_space<vmem>>
    %dma_start3A_53 = arith.constant 0 : i32
    %dma_start3A_54 = tpu.memref_slice %arg4[%add3A_49, %dma_start3A_53] : memref<163840x16xf32, #tpu.memory_space<hbm>> -> memref<2560x16xf32, #tpu.memory_space<hbm>>
    %dma_start3A_55 = arith.constant 0 : i32
    %dma_start3A_56 = tpu.memref_slice %arg4[%add3A_49, %dma_start3A_55] : memref<163840x16xf32, #tpu.memory_space<hbm>> -> memref<2560x16xf32, #tpu.memory_space<hbm>>
    %dma_start3A_57 = arith.constant 2560 : i32
    %dma_start3A_58 = arith.constant 0 : i32
    %dma_start3A_59 = tpu.memref_slice %arg6[%dma_start3A_57, %dma_start3A_58] : memref<5120x16xf32, #tpu.memory_space<vmem>> -> memref<2560x16xf32, #tpu.memory_space<vmem>>
    tpu.enqueue_dma source(%dma_start3A_59 : memref<2560x16xf32, #tpu.memory_space<vmem>>) target(%dma_start3A_56 : memref<2560x16xf32, #tpu.memory_space<hbm>>) target_semaphore(%arg8 : memref<!tpu.dma_semaphore, #tpu.memory_space<semaphore_mem>>)
    %dma_wait3A_60 = arith.constant 0 : i32
    %dma_wait3A_61 = arith.constant 0 : i32
    %dma_wait3A_62 = tpu.memref_slice %arg6[%dma_wait3A_60, %dma_wait3A_61] : memref<5120x16xf32, #tpu.memory_space<vmem>> -> memref<2560x16xf32, #tpu.memory_space<vmem>>
    %dma_wait3A_63 = arith.constant 0 : i32
    %dma_wait3A_64 = arith.constant 0 : i32
    %dma_wait3A_65 = tpu.memref_slice %arg4[%dma_wait3A_63, %dma_wait3A_64] : memref<163840x16xf32, #tpu.memory_space<hbm>> -> memref<2560x16xf32, #tpu.memory_space<hbm>>
    %dma_wait3A_66 = arith.constant 0 : i32
    %dma_wait3A_67 = arith.constant 0 : i32
    %dma_wait3A_68 = tpu.memref_slice %arg4[%dma_wait3A_66, %dma_wait3A_67] : memref<163840x16xf32, #tpu.memory_space<hbm>> -> memref<2560x16xf32, #tpu.memory_space<hbm>>
    %dma_wait3A_69 = arith.constant 0 : i32
    %dma_wait3A_70 = arith.constant 0 : i32
    %dma_wait3A_71 = tpu.memref_slice %arg6[%dma_wait3A_69, %dma_wait3A_70] : memref<5120x16xf32, #tpu.memory_space<vmem>> -> memref<2560x16xf32, #tpu.memory_space<vmem>>
    tpu.wait_dma2 semaphore(%arg8 : memref<!tpu.dma_semaphore, #tpu.memory_space<semaphore_mem>>) src(%dma_wait3A_71 : memref<2560x16xf32, #tpu.memory_space<vmem>>) dst(%dma_wait3A_68 : memref<2560x16xf32, #tpu.memory_space<hbm>>)
    %dma_wait3A_72 = arith.constant 0 : i32
    %dma_wait3A_73 = arith.constant 0 : i32
    %dma_wait3A_74 = tpu.memref_slice %arg6[%dma_wait3A_72, %dma_wait3A_73] : memref<5120x16xf32, #tpu.memory_space<vmem>> -> memref<2560x16xf32, #tpu.memory_space<vmem>>
    %dma_wait3A_75 = arith.constant 0 : i32
    %dma_wait3A_76 = arith.constant 0 : i32
    %dma_wait3A_77 = tpu.memref_slice %arg4[%dma_wait3A_75, %dma_wait3A_76] : memref<163840x16xf32, #tpu.memory_space<hbm>> -> memref<2560x16xf32, #tpu.memory_space<hbm>>
    %dma_wait3A_78 = arith.constant 0 : i32
    %dma_wait3A_79 = arith.constant 0 : i32
    %dma_wait3A_80 = tpu.memref_slice %arg4[%dma_wait3A_78, %dma_wait3A_79] : memref<163840x16xf32, #tpu.memory_space<hbm>> -> memref<2560x16xf32, #tpu.memory_space<hbm>>
    %dma_wait3A_81 = arith.constant 0 : i32
    %dma_wait3A_82 = arith.constant 0 : i32
    %dma_wait3A_83 = tpu.memref_slice %arg6[%dma_wait3A_81, %dma_wait3A_82] : memref<5120x16xf32, #tpu.memory_space<vmem>> -> memref<2560x16xf32, #tpu.memory_space<vmem>>
    tpu.wait_dma2 semaphore(%arg8 : memref<!tpu.dma_semaphore, #tpu.memory_space<semaphore_mem>>) src(%dma_wait3A_83 : memref<2560x16xf32, #tpu.memory_space<vmem>>) dst(%dma_wait3A_80 : memref<2560x16xf32, #tpu.memory_space<hbm>>)
    return
  }
}

#map = affine_map<(d0, d1) -> (0)>
#map1 = affine_map<(d0, d1) -> (0, 0)>
module attributes {stable_mosaic.version = 14 : i64} {
  func.func @k(%arg0: i32, %arg1: i32, %arg2: memref<163840xf32, #tpu.memory_space<hbm>>, %arg3: memref<1280x128xi32, #tpu.memory_space<hbm>>, %arg4: memref<10240x16xf32, #tpu.memory_space<hbm>>, %arg5: memref<10240xf32, #tpu.memory_space<hbm>>, %arg6: memref<20480xf32, #tpu.memory_space<hbm>>, %arg7: memref<20480xf32, #tpu.memory_space<hbm>>, %arg8: memref<40x128xi32, #tpu.memory_space<vmem>>, %arg9: memref<5120xf32, #tpu.memory_space<vmem>>, %arg10: memref<128xf32, #tpu.memory_space<vmem>>, %arg11: memref<5120xf32, #tpu.memory_space<vmem>>, %arg12: memref<10240xf32, #tpu.memory_space<vmem_shared>>, %arg13: memref<10240xf32, #tpu.memory_space<vmem_shared>>, %arg14: memref<!tpu.dma_semaphore, #tpu.memory_space<semaphore_mem>>, %arg15: memref<!tpu.dma_semaphore, #tpu.memory_space<semaphore_mem>>) attributes {dimension_semantics = [#tpu.dimension_semantics<core_parallel>, #tpu.dimension_semantics<subcore_parallel>], iteration_bounds = array<i64: 2, 16>, scalar_prefetch = 0 : i64, scratch_operands = 8 : i64, tpu.core_type = #tpu.core_type<sc_vector_subcore>, window_params = [{transform_indices = #map}, {transform_indices = #map1}, {transform_indices = #map1}, {transform_indices = #map}, {transform_indices = #map}, {transform_indices = #map}]} {
    %mul3A = arith.constant 2 : i32
    %mul3A_0 = arith.muli %arg1, %mul3A : i32
    %add3A = arith.addi %mul3A_0, %arg0 : i32
    %mul3A_1 = arith.constant 5120 : i32
    %mul3A_2 = arith.muli %add3A, %mul3A_1 : i32
    %broadcast_in_dim3A = arith.constant 1.000000e+00 : f32
    %broadcast_in_dim3A_3 = vector.broadcast %broadcast_in_dim3A : f32 to vector<16xf32>
    %swap3A = arith.constant 0 : index
    %swap3A_4 = tpu.vector_load %arg10[%swap3A] {strides = array<i32>} : memref<128xf32, #tpu.memory_space<vmem>>, vector<16xf32>,
    %swap3A_5 = vector.shape_cast %swap3A_4 : vector<16xf32> to vector<16xf32>
    %swap3A_6 = vector.shape_cast %broadcast_in_dim3A_3 : vector<16xf32> to vector<16xf32>
    tpu.vector_store %arg10[%swap3A], %swap3A_6 {strides = array<i32>} : memref<128xf32, #tpu.memory_space<vmem>>, vector<16xf32>,
    %broadcast_in_dim3A_7 = arith.constant 1.000000e+00 : f32
    %broadcast_in_dim3A_8 = vector.broadcast %broadcast_in_dim3A_7 : f32 to vector<16xf32>
    %swap3A_9 = arith.constant 16 : index
    %swap3A_10 = tpu.vector_load %arg10[%swap3A_9] {strides = array<i32>} : memref<128xf32, #tpu.memory_space<vmem>>, vector<16xf32>,
    %swap3A_11 = vector.shape_cast %swap3A_10 : vector<16xf32> to vector<16xf32>
    %swap3A_12 = vector.shape_cast %broadcast_in_dim3A_8 : vector<16xf32> to vector<16xf32>
    tpu.vector_store %arg10[%swap3A_9], %swap3A_12 {strides = array<i32>} : memref<128xf32, #tpu.memory_space<vmem>>, vector<16xf32>,
    %broadcast_in_dim3A_13 = arith.constant 1.000000e+00 : f32
    %broadcast_in_dim3A_14 = vector.broadcast %broadcast_in_dim3A_13 : f32 to vector<16xf32>
    %swap3A_15 = arith.constant 32 : index
    %swap3A_16 = tpu.vector_load %arg10[%swap3A_15] {strides = array<i32>} : memref<128xf32, #tpu.memory_space<vmem>>, vector<16xf32>,
    %swap3A_17 = vector.shape_cast %swap3A_16 : vector<16xf32> to vector<16xf32>
    %swap3A_18 = vector.shape_cast %broadcast_in_dim3A_14 : vector<16xf32> to vector<16xf32>
    tpu.vector_store %arg10[%swap3A_15], %swap3A_18 {strides = array<i32>} : memref<128xf32, #tpu.memory_space<vmem>>, vector<16xf32>,
    %broadcast_in_dim3A_19 = arith.constant 1.000000e+00 : f32
    %broadcast_in_dim3A_20 = vector.broadcast %broadcast_in_dim3A_19 : f32 to vector<16xf32>
    %swap3A_21 = arith.constant 48 : index
    %swap3A_22 = tpu.vector_load %arg10[%swap3A_21] {strides = array<i32>} : memref<128xf32, #tpu.memory_space<vmem>>, vector<16xf32>,
    %swap3A_23 = vector.shape_cast %swap3A_22 : vector<16xf32> to vector<16xf32>
    %swap3A_24 = vector.shape_cast %broadcast_in_dim3A_20 : vector<16xf32> to vector<16xf32>
    tpu.vector_store %arg10[%swap3A_21], %swap3A_24 {strides = array<i32>} : memref<128xf32, #tpu.memory_space<vmem>>, vector<16xf32>,
    %broadcast_in_dim3A_25 = arith.constant 1.000000e+00 : f32
    %broadcast_in_dim3A_26 = vector.broadcast %broadcast_in_dim3A_25 : f32 to vector<16xf32>
    %swap3A_27 = arith.constant 64 : index
    %swap3A_28 = tpu.vector_load %arg10[%swap3A_27] {strides = array<i32>} : memref<128xf32, #tpu.memory_space<vmem>>, vector<16xf32>,
    %swap3A_29 = vector.shape_cast %swap3A_28 : vector<16xf32> to vector<16xf32>
    %swap3A_30 = vector.shape_cast %broadcast_in_dim3A_26 : vector<16xf32> to vector<16xf32>
    tpu.vector_store %arg10[%swap3A_27], %swap3A_30 {strides = array<i32>} : memref<128xf32, #tpu.memory_space<vmem>>, vector<16xf32>,
    %broadcast_in_dim3A_31 = arith.constant 1.000000e+00 : f32
    %broadcast_in_dim3A_32 = vector.broadcast %broadcast_in_dim3A_31 : f32 to vector<16xf32>
    %swap3A_33 = arith.constant 80 : index
    %swap3A_34 = tpu.vector_load %arg10[%swap3A_33] {strides = array<i32>} : memref<128xf32, #tpu.memory_space<vmem>>, vector<16xf32>,
    %swap3A_35 = vector.shape_cast %swap3A_34 : vector<16xf32> to vector<16xf32>
    %swap3A_36 = vector.shape_cast %broadcast_in_dim3A_32 : vector<16xf32> to vector<16xf32>
    tpu.vector_store %arg10[%swap3A_33], %swap3A_36 {strides = array<i32>} : memref<128xf32, #tpu.memory_space<vmem>>, vector<16xf32>,
    %broadcast_in_dim3A_37 = arith.constant 1.000000e+00 : f32
    %broadcast_in_dim3A_38 = vector.broadcast %broadcast_in_dim3A_37 : f32 to vector<16xf32>
    %swap3A_39 = arith.constant 96 : index
    %swap3A_40 = tpu.vector_load %arg10[%swap3A_39] {strides = array<i32>} : memref<128xf32, #tpu.memory_space<vmem>>, vector<16xf32>,
    %swap3A_41 = vector.shape_cast %swap3A_40 : vector<16xf32> to vector<16xf32>
    %swap3A_42 = vector.shape_cast %broadcast_in_dim3A_38 : vector<16xf32> to vector<16xf32>
    tpu.vector_store %arg10[%swap3A_39], %swap3A_42 {strides = array<i32>} : memref<128xf32, #tpu.memory_space<vmem>>, vector<16xf32>,
    %broadcast_in_dim3A_43 = arith.constant 1.000000e+00 : f32
    %broadcast_in_dim3A_44 = vector.broadcast %broadcast_in_dim3A_43 : f32 to vector<16xf32>
    %swap3A_45 = arith.constant 112 : index
    %swap3A_46 = tpu.vector_load %arg10[%swap3A_45] {strides = array<i32>} : memref<128xf32, #tpu.memory_space<vmem>>, vector<16xf32>,
    %swap3A_47 = vector.shape_cast %swap3A_46 : vector<16xf32> to vector<16xf32>
    %swap3A_48 = vector.shape_cast %broadcast_in_dim3A_44 : vector<16xf32> to vector<16xf32>
    tpu.vector_store %arg10[%swap3A_45], %swap3A_48 {strides = array<i32>} : memref<128xf32, #tpu.memory_space<vmem>>, vector<16xf32>,
    %mul3A_49 = arith.constant 640 : i32
    %mul3A_50 = arith.muli %arg1, %mul3A_49 : i32
    %mul3A_51 = arith.constant 40 : i32
    %mul3A_52 = arith.muli %add3A, %mul3A_51 : i32
    "tpu.region"() ({
      %run_scoped3A = tpu.sem_alloc : memref<!tpu.dma_semaphore, #tpu.memory_space<semaphore_mem>>
      %dma_start3A_70 = arith.constant 0 : i32
      %dma_start3A_71 = tpu.memref_slice %arg3[%mul3A_52, %dma_start3A_70] : memref<1280x128xi32, #tpu.memory_space<hbm>> -> memref<40x128xi32, #tpu.memory_space<hbm>>
      %dma_start3A_72 = arith.constant 0 : i32
      %dma_start3A_73 = tpu.memref_slice %arg3[%mul3A_52, %dma_start3A_72] : memref<1280x128xi32, #tpu.memory_space<hbm>> -> memref<40x128xi32, #tpu.memory_space<hbm>>
      tpu.enqueue_dma source(%dma_start3A_73 : memref<40x128xi32, #tpu.memory_space<hbm>>) target(%arg8 : memref<40x128xi32, #tpu.memory_space<vmem>>) target_semaphore(%run_scoped3A : memref<!tpu.dma_semaphore, #tpu.memory_space<semaphore_mem>>)
      %dma_wait3A_74 = arith.constant 0 : i32
      %dma_wait3A_75 = tpu.memref_slice %arg3[%mul3A_52, %dma_wait3A_74] : memref<1280x128xi32, #tpu.memory_space<hbm>> -> memref<40x128xi32, #tpu.memory_space<hbm>>
      %dma_wait3A_76 = arith.constant 0 : i32
      %dma_wait3A_77 = tpu.memref_slice %arg3[%mul3A_52, %dma_wait3A_76] : memref<1280x128xi32, #tpu.memory_space<hbm>> -> memref<40x128xi32, #tpu.memory_space<hbm>>
      tpu.wait_dma2 semaphore(%run_scoped3A : memref<!tpu.dma_semaphore, #tpu.memory_space<semaphore_mem>>) src(%dma_wait3A_77 : memref<40x128xi32, #tpu.memory_space<hbm>>) dst(%arg8 : memref<40x128xi32, #tpu.memory_space<vmem>>)
      tpu.yield
    }) : () -> ()
    %dma_start3A = tpu.memref_slice %arg2[%mul3A_2] : memref<163840xf32, #tpu.memory_space<hbm>> -> memref<5120xf32, #tpu.memory_space<hbm>>
    %dma_start3A_53 = tpu.memref_slice %arg2[%mul3A_2] : memref<163840xf32, #tpu.memory_space<hbm>> -> memref<5120xf32, #tpu.memory_space<hbm>>
    tpu.enqueue_dma source(%dma_start3A_53 : memref<5120xf32, #tpu.memory_space<hbm>>) target(%arg9 : memref<5120xf32, #tpu.memory_space<vmem>>) target_semaphore(%arg14 : memref<!tpu.dma_semaphore, #tpu.memory_space<semaphore_mem>>)
    "tpu.region"() ({
      %run_scoped3A = tpu.sem_alloc : memref<!tpu.dma_semaphore, #tpu.memory_space<semaphore_mem>>
      %dma_start3A_70 = tpu.memref_slice %arg12[%mul3A_50] : memref<10240xf32, #tpu.memory_space<vmem_shared>> -> memref<640xf32, #tpu.memory_space<vmem_shared>>
      %dma_start3A_71 = tpu.memref_slice %arg5[%mul3A_50] : memref<10240xf32, #tpu.memory_space<hbm>> -> memref<640xf32, #tpu.memory_space<hbm>>
      tpu.enqueue_dma source(%dma_start3A_71 : memref<640xf32, #tpu.memory_space<hbm>>) target(%dma_start3A_70 : memref<640xf32, #tpu.memory_space<vmem_shared>>) target_semaphore(%run_scoped3A : memref<!tpu.dma_semaphore, #tpu.memory_space<semaphore_mem>>)
      %dma_wait3A_72 = tpu.memref_slice %arg12[%mul3A_50] : memref<10240xf32, #tpu.memory_space<vmem_shared>> -> memref<640xf32, #tpu.memory_space<vmem_shared>>
      %dma_wait3A_73 = tpu.memref_slice %arg5[%mul3A_50] : memref<10240xf32, #tpu.memory_space<hbm>> -> memref<640xf32, #tpu.memory_space<hbm>>
      tpu.wait_dma2 semaphore(%run_scoped3A : memref<!tpu.dma_semaphore, #tpu.memory_space<semaphore_mem>>) src(%dma_wait3A_73 : memref<640xf32, #tpu.memory_space<hbm>>) dst(%dma_wait3A_72 : memref<640xf32, #tpu.memory_space<vmem_shared>>)
      tpu.yield
    }) : () -> ()
    "tpu.region"() ({
      %run_scoped3A = tpu.sem_alloc : memref<!tpu.dma_semaphore, #tpu.memory_space<semaphore_mem>>
      %dma_start3A_70 = tpu.memref_slice %arg13[%mul3A_50] : memref<10240xf32, #tpu.memory_space<vmem_shared>> -> memref<640xf32, #tpu.memory_space<vmem_shared>>
      %dma_start3A_71 = tpu.memref_slice %arg5[%mul3A_50] : memref<10240xf32, #tpu.memory_space<hbm>> -> memref<640xf32, #tpu.memory_space<hbm>>
      tpu.enqueue_dma source(%dma_start3A_71 : memref<640xf32, #tpu.memory_space<hbm>>) target(%dma_start3A_70 : memref<640xf32, #tpu.memory_space<vmem_shared>>) target_semaphore(%run_scoped3A : memref<!tpu.dma_semaphore, #tpu.memory_space<semaphore_mem>>)
      %dma_wait3A_72 = tpu.memref_slice %arg13[%mul3A_50] : memref<10240xf32, #tpu.memory_space<vmem_shared>> -> memref<640xf32, #tpu.memory_space<vmem_shared>>
      %dma_wait3A_73 = tpu.memref_slice %arg5[%mul3A_50] : memref<10240xf32, #tpu.memory_space<hbm>> -> memref<640xf32, #tpu.memory_space<hbm>>
      tpu.wait_dma2 semaphore(%run_scoped3A : memref<!tpu.dma_semaphore, #tpu.memory_space<semaphore_mem>>) src(%dma_wait3A_73 : memref<640xf32, #tpu.memory_space<hbm>>) dst(%dma_wait3A_72 : memref<640xf32, #tpu.memory_space<vmem_shared>>)
      tpu.yield
    }) : () -> ()
    %barrier3A = arith.constant 0 : index
    tpu.barrier barrier_id(%barrier3A)
    %dma_wait3A = tpu.memref_slice %arg2[%mul3A_2] : memref<163840xf32, #tpu.memory_space<hbm>> -> memref<5120xf32, #tpu.memory_space<hbm>>
    %dma_wait3A_54 = tpu.memref_slice %arg2[%mul3A_2] : memref<163840xf32, #tpu.memory_space<hbm>> -> memref<5120xf32, #tpu.memory_space<hbm>>
    tpu.wait_dma2 semaphore(%arg14 : memref<!tpu.dma_semaphore, #tpu.memory_space<semaphore_mem>>) src(%dma_wait3A_54 : memref<5120xf32, #tpu.memory_space<hbm>>) dst(%arg9 : memref<5120xf32, #tpu.memory_space<vmem>>)
    %scan3A = arith.constant 0 : i32
    %scan3A_55 = arith.constant 0 : i32
    %scan3A_56 = arith.constant 40 : i32
    %scan3A_57 = arith.addi %scan3A_55, %scan3A_56 : i32
    %scan3A_58 = arith.constant 1 : i32
    scf.for %scan3A_70 = %scan3A_55 to %scan3A_57 step %scan3A_58  : i32 {
      %mul3A_71 = arith.constant 128 : i32
      %mul3A_72 = arith.muli %scan3A_70, %mul3A_71 : i32
      %dma_start3A_73 = tpu.memref_slice %arg9[%mul3A_72] : memref<5120xf32, #tpu.memory_space<vmem>> -> memref<128xf32, #tpu.memory_space<vmem>>
      %dma_start3A_74 = arith.constant 0 : i32
      %dma_start3A_75 = tpu.memref_slice %arg8[%scan3A_70, %dma_start3A_74] : memref<40x128xi32, #tpu.memory_space<vmem>> -> memref<1x128xi32, #tpu.memory_space<vmem>>
      %dma_start3A_76 = tpu.memref_squeeze %dma_start3A_75 : memref<1x128xi32, #tpu.memory_space<vmem>> -> memref<128xi32, #tpu.memory_space<vmem>>
      %dma_start3A_77 = arith.constant 0 : i32
      %dma_start3A_78 = tpu.memref_slice %arg12[%dma_start3A_77] : memref<10240xf32, #tpu.memory_space<vmem_shared>> -> memref<10240xf32, #tpu.memory_space<vmem_shared>>
      tpu.enqueue_indirect_dma source(%dma_start3A_73 : memref<128xf32, #tpu.memory_space<vmem>>) target(%dma_start3A_78 : memref<10240xf32, #tpu.memory_space<vmem_shared>>) offsets(%dma_start3A_76 : memref<128xi32, #tpu.memory_space<vmem>>) semaphore(%arg14 : memref<!tpu.dma_semaphore, #tpu.memory_space<semaphore_mem>>) {add = true}
      %dma_start3A_79 = arith.constant 0 : i32
      %dma_start3A_80 = tpu.memref_slice %arg8[%scan3A_70, %dma_start3A_79] : memref<40x128xi32, #tpu.memory_space<vmem>> -> memref<1x128xi32, #tpu.memory_space<vmem>>
      %dma_start3A_81 = tpu.memref_squeeze %dma_start3A_80 : memref<1x128xi32, #tpu.memory_space<vmem>> -> memref<128xi32, #tpu.memory_space<vmem>>
      %dma_start3A_82 = arith.constant 0 : i32
      %dma_start3A_83 = tpu.memref_slice %arg13[%dma_start3A_82] : memref<10240xf32, #tpu.memory_space<vmem_shared>> -> memref<10240xf32, #tpu.memory_space<vmem_shared>>
      tpu.enqueue_indirect_dma source(%arg10 : memref<128xf32, #tpu.memory_space<vmem>>) target(%dma_start3A_83 : memref<10240xf32, #tpu.memory_space<vmem_shared>>) offsets(%dma_start3A_81 : memref<128xi32, #tpu.memory_space<vmem>>) semaphore(%arg15 : memref<!tpu.dma_semaphore, #tpu.memory_space<semaphore_mem>>) {add = true}
    }
    %scan3A_59 = arith.constant 40 : i32
    %dma_wait3A_60 = tpu.memref_slice %arg2[%mul3A_2] : memref<163840xf32, #tpu.memory_space<hbm>> -> memref<5120xf32, #tpu.memory_space<hbm>>
    %dma_wait3A_61 = tpu.memref_slice %arg2[%mul3A_2] : memref<163840xf32, #tpu.memory_space<hbm>> -> memref<5120xf32, #tpu.memory_space<hbm>>
    tpu.wait_dma2 semaphore(%arg14 : memref<!tpu.dma_semaphore, #tpu.memory_space<semaphore_mem>>) src(%dma_wait3A_61 : memref<5120xf32, #tpu.memory_space<hbm>>) dst(%arg9 : memref<5120xf32, #tpu.memory_space<vmem>>)
    %dma_wait3A_62 = arith.constant 0 : i32
    %dma_wait3A_63 = tpu.memref_slice %arg5[%dma_wait3A_62] : memref<10240xf32, #tpu.memory_space<hbm>> -> memref<5120xf32, #tpu.memory_space<hbm>>
    %dma_wait3A_64 = arith.constant 0 : i32
    %dma_wait3A_65 = tpu.memref_slice %arg5[%dma_wait3A_64] : memref<10240xf32, #tpu.memory_space<hbm>> -> memref<5120xf32, #tpu.memory_space<hbm>>
    tpu.wait_dma2 semaphore(%arg15 : memref<!tpu.dma_semaphore, #tpu.memory_space<semaphore_mem>>) src(%dma_wait3A_65 : memref<5120xf32, #tpu.memory_space<hbm>>) dst(%arg11 : memref<5120xf32, #tpu.memory_space<vmem>>)
    %barrier3A_66 = arith.constant 0 : index
    tpu.barrier barrier_id(%barrier3A_66)
    %mul3A_67 = arith.constant 10240 : i32
    %mul3A_68 = arith.muli %arg0, %mul3A_67 : i32
    %add3A_69 = arith.addi %mul3A_68, %mul3A_50 : i32
    "tpu.region"() ({
      %run_scoped3A = tpu.sem_alloc : memref<!tpu.dma_semaphore, #tpu.memory_space<semaphore_mem>>
      %dma_start3A_70 = tpu.memref_slice %arg6[%add3A_69] : memref<20480xf32, #tpu.memory_space<hbm>> -> memref<640xf32, #tpu.memory_space<hbm>>
      %dma_start3A_71 = tpu.memref_slice %arg12[%mul3A_50] : memref<10240xf32, #tpu.memory_space<vmem_shared>> -> memref<640xf32, #tpu.memory_space<vmem_shared>>
      tpu.enqueue_dma source(%dma_start3A_71 : memref<640xf32, #tpu.memory_space<vmem_shared>>) target(%dma_start3A_70 : memref<640xf32, #tpu.memory_space<hbm>>) target_semaphore(%run_scoped3A : memref<!tpu.dma_semaphore, #tpu.memory_space<semaphore_mem>>)
      %dma_wait3A_72 = tpu.memref_slice %arg6[%add3A_69] : memref<20480xf32, #tpu.memory_space<hbm>> -> memref<640xf32, #tpu.memory_space<hbm>>
      %dma_wait3A_73 = tpu.memref_slice %arg12[%mul3A_50] : memref<10240xf32, #tpu.memory_space<vmem_shared>> -> memref<640xf32, #tpu.memory_space<vmem_shared>>
      tpu.wait_dma2 semaphore(%run_scoped3A : memref<!tpu.dma_semaphore, #tpu.memory_space<semaphore_mem>>) src(%dma_wait3A_73 : memref<640xf32, #tpu.memory_space<vmem_shared>>) dst(%dma_wait3A_72 : memref<640xf32, #tpu.memory_space<hbm>>)
      tpu.yield
    }) : () -> ()
    "tpu.region"() ({
      %run_scoped3A = tpu.sem_alloc : memref<!tpu.dma_semaphore, #tpu.memory_space<semaphore_mem>>
      %dma_start3A_70 = tpu.memref_slice %arg7[%add3A_69] : memref<20480xf32, #tpu.memory_space<hbm>> -> memref<640xf32, #tpu.memory_space<hbm>>
      %dma_start3A_71 = tpu.memref_slice %arg13[%mul3A_50] : memref<10240xf32, #tpu.memory_space<vmem_shared>> -> memref<640xf32, #tpu.memory_space<vmem_shared>>
      tpu.enqueue_dma source(%dma_start3A_71 : memref<640xf32, #tpu.memory_space<vmem_shared>>) target(%dma_start3A_70 : memref<640xf32, #tpu.memory_space<hbm>>) target_semaphore(%run_scoped3A : memref<!tpu.dma_semaphore, #tpu.memory_space<semaphore_mem>>)
      %dma_wait3A_72 = tpu.memref_slice %arg7[%add3A_69] : memref<20480xf32, #tpu.memory_space<hbm>> -> memref<640xf32, #tpu.memory_space<hbm>>
      %dma_wait3A_73 = tpu.memref_slice %arg13[%mul3A_50] : memref<10240xf32, #tpu.memory_space<vmem_shared>> -> memref<640xf32, #tpu.memory_space<vmem_shared>>
      tpu.wait_dma2 semaphore(%run_scoped3A : memref<!tpu.dma_semaphore, #tpu.memory_space<semaphore_mem>>) src(%dma_wait3A_73 : memref<640xf32, #tpu.memory_space<vmem_shared>>) dst(%dma_wait3A_72 : memref<640xf32, #tpu.memory_space<hbm>>)
      tpu.yield
    }) : () -> ()
    return
  }
}

module attributes {stable_mosaic.version = 14 : i64} {
  func.func @body(%arg0: i32, %arg1: memref<2048x1xf32, #tpu.memory_space<vmem>>, %arg2: memref<2048x16xf32, #tpu.memory_space<vmem>>, %arg3: memref<1x96xf32, #tpu.memory_space<vmem>>, %arg4: memref<1x96xf32, #tpu.memory_space<vmem>>, %arg5: memref<96x96xf32, #tpu.memory_space<vmem>>, %arg6: memref<1x96xf32, #tpu.memory_space<vmem>>, %arg7: memref<2048x16xf32, #tpu.memory_space<vmem>>) attributes {dimension_semantics = [#tpu.dimension_semantics<arbitrary>], iteration_bounds = array<i64: 80>, scalar_prefetch = 0 : i64, scratch_operands = 0 : i64, tpu.core_type = #tpu.core_type<tc>, window_params = [{transform_indices = @transform_0, window_bounds = array<i64: 2048, 1>}, {transform_indices = @transform_1, window_bounds = array<i64: 2048, 16>}, {pipeline_mode = #tpu.pipeline_mode<synchronous>, transform_indices = @transform_2, window_bounds = array<i64: 1, 96>}, {pipeline_mode = #tpu.pipeline_mode<synchronous>, transform_indices = @transform_3, window_bounds = array<i64: 1, 96>}, {pipeline_mode = #tpu.pipeline_mode<synchronous>, transform_indices = @transform_4, window_bounds = array<i64: 96, 96>}, {pipeline_mode = #tpu.pipeline_mode<synchronous>, transform_indices = @transform_5, window_bounds = array<i64: 1, 96>}, {transform_indices = @transform_6, window_bounds = array<i64: 2048, 16>}]} {
    %get3A = arith.constant 0 : index
    %get3A_0 = arith.constant 0 : index
    %get3A_1 = vector.load %arg1[%get3A, %get3A_0] : memref<2048x1xf32, #tpu.memory_space<vmem>>, vector<2048x1xf32>
    %get3A_2 = arith.constant 0 : index
    %get3A_3 = arith.constant 0 : index
    %get3A_4 = vector.load %arg3[%get3A_2, %get3A_3] : memref<1x96xf32, #tpu.memory_space<vmem>>, vector<1x96xf32>
    %mul3A = vector.broadcast %get3A_1 : vector<2048x1xf32> to vector<2048x96xf32>
    %mul3A_5 = vector.broadcast %get3A_4 : vector<1x96xf32> to vector<2048x96xf32>
    %mul3A_6 = arith.mulf %mul3A, %mul3A_5 : vector<2048x96xf32>
    %get3A_7 = arith.constant 0 : index
    %get3A_8 = arith.constant 0 : index
    %get3A_9 = vector.load %arg4[%get3A_7, %get3A_8] : memref<1x96xf32, #tpu.memory_space<vmem>>, vector<1x96xf32>
    %add3A = vector.broadcast %get3A_9 : vector<1x96xf32> to vector<2048x96xf32>
    %add3A_10 = arith.addf %mul3A_6, %add3A : vector<2048x96xf32>
    %max3A = arith.constant 0.000000e+00 : f32
    %max3A_11 = vector.broadcast %max3A : f32 to vector<2048x96xf32>
    %max3A_12 = arith.maximumf %add3A_10, %max3A_11 : vector<2048x96xf32>
    %convert_element_type3A = arith.truncf %max3A_12 : vector<2048x96xf32> to vector<2048x96xbf16>
    %get3A_13 = arith.constant 0 : index
    %get3A_14 = arith.constant 0 : index
    %get3A_15 = vector.load %arg5[%get3A_13, %get3A_14] : memref<96x96xf32, #tpu.memory_space<vmem>>, vector<96x96xf32>
    %convert_element_type3A_16 = arith.truncf %get3A_15 : vector<96x96xf32> to vector<96x96xbf16>
    %dot_general3A = arith.constant dense<0.000000e+00> : vector<2048x96xf32>
    %dot_general3A_17 = tpu.matmul %convert_element_type3A, %convert_element_type3A_16, %dot_general3A {dimension_numbers = #tpu.dot_dimension_numbers<[1], [0], [0], [1], [0, 0, 1, 1], [], []>, transpose_lhs_hint = false} : vector<2048x96xbf16>, vector<96x96xbf16>, vector<2048x96xf32> -> vector<2048x96xf32>
    %get3A_18 = arith.constant 0 : index
    %get3A_19 = arith.constant 0 : index
    %get3A_20 = vector.load %arg6[%get3A_18, %get3A_19] : memref<1x96xf32, #tpu.memory_space<vmem>>, vector<1x96xf32>
    %add3A_21 = vector.broadcast %get3A_20 : vector<1x96xf32> to vector<2048x96xf32>
    %add3A_22 = arith.addf %dot_general3A_17, %add3A_21 : vector<2048x96xf32>
    %iota3A = tpu.iota {dimensions = array<i32: 1>} : vector<16x96xi32>
    %iota3A_23 = tpu.iota {dimensions = array<i32: 0>} : vector<16x96xi32>
    %jit3A = arith.constant 16 : i32
    %div3A = vector.broadcast %jit3A : i32 to vector<16x96xi32>
    %div3A_24 = arith.divsi %iota3A, %div3A : vector<16x96xi32>
    %sign3A = arith.constant 0 : i32
    %sign3A_25 = vector.broadcast %sign3A : i32 to vector<16x96xi32>
    %sign3A_26 = arith.cmpi sgt, %iota3A, %sign3A_25 : vector<16x96xi32>
    %sign3A_27 = arith.extui %sign3A_26 : vector<16x96xi1> to vector<16x96xi32>
    %sign3A_28 = arith.constant 0 : i32
    %sign3A_29 = vector.broadcast %sign3A_28 : i32 to vector<16x96xi32>
    %sign3A_30 = arith.cmpi slt, %iota3A, %sign3A_29 : vector<16x96xi32>
    %sign3A_31 = arith.extui %sign3A_30 : vector<16x96xi1> to vector<16x96xi32>
    %sign3A_32 = arith.subi %sign3A_27, %sign3A_31 : vector<16x96xi32>
    %sign3A_33 = arith.constant 0 : i32
    %sign3A_34 = arith.cmpi sgt, %jit3A, %sign3A_33 : i32
    %sign3A_35 = arith.extui %sign3A_34 : i1 to i32
    %sign3A_36 = arith.constant 0 : i32
    %sign3A_37 = arith.cmpi slt, %jit3A, %sign3A_36 : i32
    %sign3A_38 = arith.extui %sign3A_37 : i1 to i32
    %sign3A_39 = arith.subi %sign3A_35, %sign3A_38 : i32
    %ne3A = vector.broadcast %sign3A_39 : i32 to vector<16x96xi32>
    %ne3A_40 = arith.cmpi ne, %sign3A_32, %ne3A : vector<16x96xi32>
    %rem3A = vector.broadcast %jit3A : i32 to vector<16x96xi32>
    %rem3A_41 = arith.remsi %iota3A, %rem3A : vector<16x96xi32>
    %ne3A_42 = arith.constant 0 : i32
    %ne3A_43 = vector.broadcast %ne3A_42 : i32 to vector<16x96xi32>
    %ne3A_44 = arith.cmpi ne, %rem3A_41, %ne3A_43 : vector<16x96xi32>
    %and3A = arith.andi %ne3A_40, %ne3A_44 : vector<16x96xi1>
    %sub3A = arith.constant 1 : i32
    %sub3A_45 = vector.broadcast %sub3A : i32 to vector<16x96xi32>
    %sub3A_46 = arith.subi %div3A_24, %sub3A_45 : vector<16x96xi32>
    %select_n3A = arith.select %and3A, %sub3A_46, %div3A_24 : vector<16x96xi1>, vector<16x96xi32>
    %eq3A = arith.cmpi eq, %select_n3A, %iota3A_23 : vector<16x96xi32>
    %convert_element_type3A_47 = arith.extui %eq3A : vector<16x96xi1> to vector<16x96xi32>
    %convert_element_type3A_48 = arith.sitofp %convert_element_type3A_47 : vector<16x96xi32> to vector<16x96xf32>
    %get3A_49 = arith.constant 0 : index
    %get3A_50 = arith.constant 0 : index
    %get3A_51 = vector.load %arg2[%get3A_49, %get3A_50] : memref<2048x16xf32, #tpu.memory_space<vmem>>, vector<2048x16xf32>
    %dot_general3A_52 = arith.constant dense<0.000000e+00> : vector<2048x96xf32>
    %dot_general3A_53 = tpu.matmul %get3A_51, %convert_element_type3A_48, %dot_general3A_52 {dimension_numbers = #tpu.dot_dimension_numbers<[1], [0], [0], [1], [0, 0, 1, 1], [], []>, transpose_lhs_hint = false} : vector<2048x16xf32>, vector<16x96xf32>, vector<2048x96xf32> -> vector<2048x96xf32>
    %iota3A_54 = tpu.iota {dimensions = array<i32: 0>} : vector<96x16xi32>
    %iota3A_55 = tpu.iota {dimensions = array<i32: 1>} : vector<96x16xi32>
    %jit3A_56 = arith.constant 16 : i32
    %eq3A_57 = arith.constant 0 : i32
    %eq3A_58 = arith.cmpi eq, %jit3A_56, %eq3A_57 : i32
    %jit3A_59 = arith.constant 1 : i32
    %select_n3A_60 = arith.select %eq3A_58, %jit3A_59, %jit3A_56 : i32
    %rem3A_61 = vector.broadcast %select_n3A_60 : i32 to vector<96x16xi32>
    %rem3A_62 = arith.remsi %iota3A_54, %rem3A_61 : vector<96x16xi32>
    %ne3A_63 = arith.constant 0 : i32
    %ne3A_64 = vector.broadcast %ne3A_63 : i32 to vector<96x16xi32>
    %ne3A_65 = arith.cmpi ne, %rem3A_62, %ne3A_64 : vector<96x16xi32>
    %lt3A = arith.constant 0 : i32
    %lt3A_66 = vector.broadcast %lt3A : i32 to vector<96x16xi32>
    %lt3A_67 = arith.cmpi slt, %rem3A_62, %lt3A_66 : vector<96x16xi32>
    %lt3A_68 = arith.constant 0 : i32
    %lt3A_69 = arith.cmpi slt, %select_n3A_60, %lt3A_68 : i32
    %ne3A_70 = vector.broadcast %lt3A_69 : i1 to vector<96x16xi1>
    %ne3A_71 = vector.broadcast %ne3A_70 : vector<96x16xi1> to vector<96x16xi1>
    %ne3A_72 = arith.xori %lt3A_67, %ne3A_71 : vector<96x16xi1>
    %and3A_73 = arith.andi %ne3A_72, %ne3A_65 : vector<96x16xi1>
    %add3A_74 = vector.broadcast %select_n3A_60 : i32 to vector<96x16xi32>
    %add3A_75 = arith.addi %rem3A_62, %add3A_74 : vector<96x16xi32>
    %select_n3A_76 = arith.select %and3A_73, %add3A_75, %rem3A_62 : vector<96x16xi1>, vector<96x16xi32>
    %eq3A_77 = arith.cmpi eq, %select_n3A_76, %iota3A_55 : vector<96x16xi32>
    %convert_element_type3A_78 = arith.extui %eq3A_77 : vector<96x16xi1> to vector<96x16xi32>
    %convert_element_type3A_79 = arith.sitofp %convert_element_type3A_78 : vector<96x16xi32> to vector<96x16xf32>
    %mul3A_80 = arith.mulf %dot_general3A_53, %add3A_22 : vector<2048x96xf32>
    %dot_general3A_81 = arith.constant dense<0.000000e+00> : vector<2048x16xf32>
    %dot_general3A_82 = tpu.matmul %mul3A_80, %convert_element_type3A_79, %dot_general3A_81 {dimension_numbers = #tpu.dot_dimension_numbers<[1], [0], [0], [1], [0, 0, 1, 1], [], []>, transpose_lhs_hint = false} : vector<2048x96xf32>, vector<96x16xf32>, vector<2048x16xf32> -> vector<2048x16xf32>
    %swap3A = arith.constant 0 : index
    %swap3A_83 = arith.constant 0 : index
    %swap3A_84 = vector.load %arg7[%swap3A, %swap3A_83] : memref<2048x16xf32, #tpu.memory_space<vmem>>, vector<2048x16xf32>
    tpu.vector_store %arg7[%swap3A, %swap3A_83], %dot_general3A_82 {strides = array<i32>} : memref<2048x16xf32, #tpu.memory_space<vmem>>, vector<2048x16xf32>,
    return
  }
  func.func @transform_0(%arg0: i32) -> (i32, i32) {
    %c0_i32 = arith.constant 0 : i32
    %c0_i32_0 = arith.constant 0 : i32
    return %arg0, %c0_i32 : i32, i32
  }
  func.func @transform_1(%arg0: i32) -> (i32, i32) {
    %c0_i32 = arith.constant 0 : i32
    %c0_i32_0 = arith.constant 0 : i32
    return %arg0, %c0_i32 : i32, i32
  }
  func.func @transform_2(%arg0: i32) -> (i32, i32) {
    %c0_i32 = arith.constant 0 : i32
    %c0_i32_0 = arith.constant 0 : i32
    %c0_i32_1 = arith.constant 0 : i32
    return %c0_i32, %c0_i32_0 : i32, i32
  }
  func.func @transform_3(%arg0: i32) -> (i32, i32) {
    %c0_i32 = arith.constant 0 : i32
    %c0_i32_0 = arith.constant 0 : i32
    %c0_i32_1 = arith.constant 0 : i32
    return %c0_i32, %c0_i32_0 : i32, i32
  }
  func.func @transform_4(%arg0: i32) -> (i32, i32) {
    %c0_i32 = arith.constant 0 : i32
    %c0_i32_0 = arith.constant 0 : i32
    %c0_i32_1 = arith.constant 0 : i32
    return %c0_i32, %c0_i32_0 : i32, i32
  }
  func.func @transform_5(%arg0: i32) -> (i32, i32) {
    %c0_i32 = arith.constant 0 : i32
    %c0_i32_0 = arith.constant 0 : i32
    %c0_i32_1 = arith.constant 0 : i32
    return %c0_i32, %c0_i32_0 : i32, i32
  }
  func.func @transform_6(%arg0: i32) -> (i32, i32) {
    %c0_i32 = arith.constant 0 : i32
    %c0_i32_0 = arith.constant 0 : i32
    return %arg0, %c0_i32 : i32, i32
  }
}

module attributes {stable_mosaic.version = 14 : i64} {
  func.func @body(%arg0: i32, %arg1: memref<512x16xf32, #tpu.memory_space<vmem>>, %arg2: memref<512x16xf32, #tpu.memory_space<vmem>>, %arg3: memref<512x1xf32, #tpu.memory_space<vmem>>, %arg4: memref<512x1xf32, #tpu.memory_space<vmem>>, %arg5: memref<1x16xf32, #tpu.memory_space<vmem>>, %arg6: memref<1x16xf32, #tpu.memory_space<vmem>>, %arg7: memref<1x16xf32, #tpu.memory_space<vmem>>, %arg8: memref<512x16xf32, #tpu.memory_space<vmem>>) attributes {dimension_semantics = [#tpu.dimension_semantics<arbitrary>], iteration_bounds = array<i64: 20>, scalar_prefetch = 0 : i64, scratch_operands = 0 : i64, tpu.core_type = #tpu.core_type<tc>, window_params = [{transform_indices = @transform_0, window_bounds = array<i64: 512, 16>}, {transform_indices = @transform_1, window_bounds = array<i64: 512, 16>}, {transform_indices = @transform_2, window_bounds = array<i64: 512, 1>}, {transform_indices = @transform_3, window_bounds = array<i64: 512, 1>}, {pipeline_mode = #tpu.pipeline_mode<synchronous>, transform_indices = @transform_4, window_bounds = array<i64: 1, 16>}, {pipeline_mode = #tpu.pipeline_mode<synchronous>, transform_indices = @transform_5, window_bounds = array<i64: 1, 16>}, {pipeline_mode = #tpu.pipeline_mode<synchronous>, transform_indices = @transform_6, window_bounds = array<i64: 1, 16>}, {transform_indices = @transform_7, window_bounds = array<i64: 512, 16>}]} {
    %get3A = arith.constant 0 : index
    %get3A_0 = arith.constant 0 : index
    %get3A_1 = vector.load %arg1[%get3A, %get3A_0] : memref<512x16xf32, #tpu.memory_space<vmem>>, vector<512x16xf32>
    %get3A_2 = arith.constant 0 : index
    %get3A_3 = arith.constant 0 : index
    %get3A_4 = vector.load %arg2[%get3A_2, %get3A_3] : memref<512x16xf32, #tpu.memory_space<vmem>>, vector<512x16xf32>
    %add3A = arith.addf %get3A_1, %get3A_4 : vector<512x16xf32>
    %get3A_5 = arith.constant 0 : index
    %get3A_6 = arith.constant 0 : index
    %get3A_7 = vector.load %arg3[%get3A_5, %get3A_6] : memref<512x1xf32, #tpu.memory_space<vmem>>, vector<512x1xf32>
    %get3A_8 = arith.constant 0 : index
    %get3A_9 = arith.constant 0 : index
    %get3A_10 = vector.load %arg4[%get3A_8, %get3A_9] : memref<512x1xf32, #tpu.memory_space<vmem>>, vector<512x1xf32>
    %add3A_11 = arith.addf %get3A_7, %get3A_10 : vector<512x1xf32>
    %max3A = arith.constant 1.000000e+00 : f32
    %max3A_12 = vector.broadcast %max3A : f32 to vector<512x1xf32>
    %max3A_13 = arith.maximumf %add3A_11, %max3A_12 : vector<512x1xf32>
    %div3A = vector.broadcast %max3A_13 : vector<512x1xf32> to vector<512x16xf32>
    %div3A_14 = arith.divf %add3A, %div3A : vector<512x16xf32>
    %get3A_15 = arith.constant 0 : index
    %get3A_16 = arith.constant 0 : index
    %get3A_17 = vector.load %arg5[%get3A_15, %get3A_16] : memref<1x16xf32, #tpu.memory_space<vmem>>, vector<1x16xf32>
    %add3A_18 = vector.broadcast %get3A_17 : vector<1x16xf32> to vector<512x16xf32>
    %add3A_19 = arith.addf %div3A_14, %add3A_18 : vector<512x16xf32>
    %reduce_sum3A = arith.constant dense<0.000000e+00> : vector<512xf32>
    %reduce_sum3A_20 = vector.multi_reduction <add>, %add3A_19, %reduce_sum3A [1] : vector<512x16xf32> to vector<512xf32>
    %broadcast_in_dim3A = vector.shape_cast %reduce_sum3A_20 : vector<512xf32> to vector<512x1xf32>
    %div3A_21 = arith.constant 1.600000e+01 : f32
    %div3A_22 = vector.broadcast %div3A_21 : f32 to vector<512x1xf32>
    %div3A_23 = arith.divf %broadcast_in_dim3A, %div3A_22 : vector<512x1xf32>
    %sub3A = vector.broadcast %div3A_23 : vector<512x1xf32> to vector<512x16xf32>
    %sub3A_24 = arith.subf %add3A_19, %sub3A : vector<512x16xf32>
    %integer_pow3A = arith.mulf %sub3A_24, %sub3A_24 : vector<512x16xf32>
    %reduce_sum3A_25 = arith.constant dense<0.000000e+00> : vector<512xf32>
    %reduce_sum3A_26 = vector.multi_reduction <add>, %integer_pow3A, %reduce_sum3A_25 [1] : vector<512x16xf32> to vector<512xf32>
    %broadcast_in_dim3A_27 = vector.shape_cast %reduce_sum3A_26 : vector<512xf32> to vector<512x1xf32>
    %div3A_28 = arith.constant 1.600000e+01 : f32
    %div3A_29 = vector.broadcast %div3A_28 : f32 to vector<512x1xf32>
    %div3A_30 = arith.divf %broadcast_in_dim3A_27, %div3A_29 : vector<512x1xf32>
    %sub3A_31 = vector.broadcast %div3A_23 : vector<512x1xf32> to vector<512x16xf32>
    %sub3A_32 = arith.subf %add3A_19, %sub3A_31 : vector<512x16xf32>
    %add3A_33 = arith.constant 9.99999974E-6 : f32
    %add3A_34 = vector.broadcast %add3A_33 : f32 to vector<512x1xf32>
    %add3A_35 = arith.addf %div3A_30, %add3A_34 : vector<512x1xf32>
    %sqrt3A = math.sqrt %add3A_35 : vector<512x1xf32>
    %div3A_36 = vector.broadcast %sqrt3A : vector<512x1xf32> to vector<512x16xf32>
    %div3A_37 = arith.divf %sub3A_32, %div3A_36 : vector<512x16xf32>
    %get3A_38 = arith.constant 0 : index
    %get3A_39 = arith.constant 0 : index
    %get3A_40 = vector.load %arg6[%get3A_38, %get3A_39] : memref<1x16xf32, #tpu.memory_space<vmem>>, vector<1x16xf32>
    %mul3A = vector.broadcast %get3A_40 : vector<1x16xf32> to vector<512x16xf32>
    %mul3A_41 = arith.mulf %div3A_37, %mul3A : vector<512x16xf32>
    %get3A_42 = arith.constant 0 : index
    %get3A_43 = arith.constant 0 : index
    %get3A_44 = vector.load %arg7[%get3A_42, %get3A_43] : memref<1x16xf32, #tpu.memory_space<vmem>>, vector<1x16xf32>
    %add3A_45 = vector.broadcast %get3A_44 : vector<1x16xf32> to vector<512x16xf32>
    %add3A_46 = arith.addf %mul3A_41, %add3A_45 : vector<512x16xf32>
    %max3A_47 = arith.constant 0.000000e+00 : f32
    %max3A_48 = vector.broadcast %max3A_47 : f32 to vector<512x16xf32>
    %max3A_49 = arith.maximumf %add3A_46, %max3A_48 : vector<512x16xf32>
    %swap3A = arith.constant 0 : index
    %swap3A_50 = arith.constant 0 : index
    %swap3A_51 = vector.load %arg8[%swap3A, %swap3A_50] : memref<512x16xf32, #tpu.memory_space<vmem>>, vector<512x16xf32>
    tpu.vector_store %arg8[%swap3A, %swap3A_50], %max3A_49 {strides = array<i32>} : memref<512x16xf32, #tpu.memory_space<vmem>>, vector<512x16xf32>,
    return
  }
  func.func @transform_0(%arg0: i32) -> (i32, i32) {
    %c0_i32 = arith.constant 0 : i32
    %c0_i32_0 = arith.constant 0 : i32
    return %arg0, %c0_i32 : i32, i32
  }
  func.func @transform_1(%arg0: i32) -> (i32, i32) {
    %c0_i32 = arith.constant 0 : i32
    %c0_i32_0 = arith.constant 0 : i32
    return %arg0, %c0_i32 : i32, i32
  }
  func.func @transform_2(%arg0: i32) -> (i32, i32) {
    %c0_i32 = arith.constant 0 : i32
    %c0_i32_0 = arith.constant 0 : i32
    return %arg0, %c0_i32 : i32, i32
  }
  func.func @transform_3(%arg0: i32) -> (i32, i32) {
    %c0_i32 = arith.constant 0 : i32
    %c0_i32_0 = arith.constant 0 : i32
    return %arg0, %c0_i32 : i32, i32
  }
  func.func @transform_4(%arg0: i32) -> (i32, i32) {
    %c0_i32 = arith.constant 0 : i32
    %c0_i32_0 = arith.constant 0 : i32
    %c0_i32_1 = arith.constant 0 : i32
    return %c0_i32, %c0_i32_0 : i32, i32
  }
  func.func @transform_5(%arg0: i32) -> (i32, i32) {
    %c0_i32 = arith.constant 0 : i32
    %c0_i32_0 = arith.constant 0 : i32
    %c0_i32_1 = arith.constant 0 : i32
    return %c0_i32, %c0_i32_0 : i32, i32
  }
  func.func @transform_6(%arg0: i32) -> (i32, i32) {
    %c0_i32 = arith.constant 0 : i32
    %c0_i32_0 = arith.constant 0 : i32
    %c0_i32_1 = arith.constant 0 : i32
    return %c0_i32, %c0_i32_0 : i32, i32
  }
  func.func @transform_7(%arg0: i32) -> (i32, i32) {
    %c0_i32 = arith.constant 0 : i32
    %c0_i32_0 = arith.constant 0 : i32
    return %arg0, %c0_i32 : i32, i32
  }
}

module attributes {stable_mosaic.version = 14 : i64} {
  func.func @body(%arg0: i32, %arg1: memref<2048x1xf32, #tpu.memory_space<vmem>>, %arg2: memref<2048x16xf32, #tpu.memory_space<vmem>>, %arg3: memref<1x256xf32, #tpu.memory_space<vmem>>, %arg4: memref<1x256xf32, #tpu.memory_space<vmem>>, %arg5: memref<256x256xf32, #tpu.memory_space<vmem>>, %arg6: memref<1x256xf32, #tpu.memory_space<vmem>>, %arg7: memref<2048x16xf32, #tpu.memory_space<vmem>>) attributes {dimension_semantics = [#tpu.dimension_semantics<arbitrary>], iteration_bounds = array<i64: 80>, scalar_prefetch = 0 : i64, scratch_operands = 0 : i64, tpu.core_type = #tpu.core_type<tc>, window_params = [{transform_indices = @transform_0, window_bounds = array<i64: 2048, 1>}, {transform_indices = @transform_1, window_bounds = array<i64: 2048, 16>}, {pipeline_mode = #tpu.pipeline_mode<synchronous>, transform_indices = @transform_2, window_bounds = array<i64: 1, 256>}, {pipeline_mode = #tpu.pipeline_mode<synchronous>, transform_indices = @transform_3, window_bounds = array<i64: 1, 256>}, {pipeline_mode = #tpu.pipeline_mode<synchronous>, transform_indices = @transform_4, window_bounds = array<i64: 256, 256>}, {pipeline_mode = #tpu.pipeline_mode<synchronous>, transform_indices = @transform_5, window_bounds = array<i64: 1, 256>}, {transform_indices = @transform_6, window_bounds = array<i64: 2048, 16>}]} {
    %get3A = arith.constant 0 : index
    %get3A_0 = arith.constant 0 : index
    %get3A_1 = vector.load %arg1[%get3A, %get3A_0] : memref<2048x1xf32, #tpu.memory_space<vmem>>, vector<2048x1xf32>
    %get3A_2 = arith.constant 0 : index
    %get3A_3 = arith.constant 0 : index
    %get3A_4 = vector.load %arg3[%get3A_2, %get3A_3] : memref<1x256xf32, #tpu.memory_space<vmem>>, vector<1x256xf32>
    %mul3A = vector.broadcast %get3A_1 : vector<2048x1xf32> to vector<2048x256xf32>
    %mul3A_5 = vector.broadcast %get3A_4 : vector<1x256xf32> to vector<2048x256xf32>
    %mul3A_6 = arith.mulf %mul3A, %mul3A_5 : vector<2048x256xf32>
    %get3A_7 = arith.constant 0 : index
    %get3A_8 = arith.constant 0 : index
    %get3A_9 = vector.load %arg4[%get3A_7, %get3A_8] : memref<1x256xf32, #tpu.memory_space<vmem>>, vector<1x256xf32>
    %add3A = vector.broadcast %get3A_9 : vector<1x256xf32> to vector<2048x256xf32>
    %add3A_10 = arith.addf %mul3A_6, %add3A : vector<2048x256xf32>
    %max3A = arith.constant 0.000000e+00 : f32
    %max3A_11 = vector.broadcast %max3A : f32 to vector<2048x256xf32>
    %max3A_12 = arith.maximumf %add3A_10, %max3A_11 : vector<2048x256xf32>
    %convert_element_type3A = arith.truncf %max3A_12 : vector<2048x256xf32> to vector<2048x256xbf16>
    %get3A_13 = arith.constant 0 : index
    %get3A_14 = arith.constant 0 : index
    %get3A_15 = vector.load %arg5[%get3A_13, %get3A_14] : memref<256x256xf32, #tpu.memory_space<vmem>>, vector<256x256xf32>
    %convert_element_type3A_16 = arith.truncf %get3A_15 : vector<256x256xf32> to vector<256x256xbf16>
    %dot_general3A = arith.constant dense<0.000000e+00> : vector<2048x256xf32>
    %dot_general3A_17 = tpu.matmul %convert_element_type3A, %convert_element_type3A_16, %dot_general3A {dimension_numbers = #tpu.dot_dimension_numbers<[1], [0], [0], [1], [0, 0, 1, 1], [], []>, transpose_lhs_hint = false} : vector<2048x256xbf16>, vector<256x256xbf16>, vector<2048x256xf32> -> vector<2048x256xf32>
    %get3A_18 = arith.constant 0 : index
    %get3A_19 = arith.constant 0 : index
    %get3A_20 = vector.load %arg6[%get3A_18, %get3A_19] : memref<1x256xf32, #tpu.memory_space<vmem>>, vector<1x256xf32>
    %add3A_21 = vector.broadcast %get3A_20 : vector<1x256xf32> to vector<2048x256xf32>
    %add3A_22 = arith.addf %dot_general3A_17, %add3A_21 : vector<2048x256xf32>
    %iota3A = tpu.iota {dimensions = array<i32: 1>} : vector<16x256xi32>
    %iota3A_23 = tpu.iota {dimensions = array<i32: 0>} : vector<16x256xi32>
    %jit3A = arith.constant 16 : i32
    %div3A = vector.broadcast %jit3A : i32 to vector<16x256xi32>
    %div3A_24 = arith.divsi %iota3A, %div3A : vector<16x256xi32>
    %sign3A = arith.constant 0 : i32
    %sign3A_25 = vector.broadcast %sign3A : i32 to vector<16x256xi32>
    %sign3A_26 = arith.cmpi sgt, %iota3A, %sign3A_25 : vector<16x256xi32>
    %sign3A_27 = arith.extui %sign3A_26 : vector<16x256xi1> to vector<16x256xi32>
    %sign3A_28 = arith.constant 0 : i32
    %sign3A_29 = vector.broadcast %sign3A_28 : i32 to vector<16x256xi32>
    %sign3A_30 = arith.cmpi slt, %iota3A, %sign3A_29 : vector<16x256xi32>
    %sign3A_31 = arith.extui %sign3A_30 : vector<16x256xi1> to vector<16x256xi32>
    %sign3A_32 = arith.subi %sign3A_27, %sign3A_31 : vector<16x256xi32>
    %sign3A_33 = arith.constant 0 : i32
    %sign3A_34 = arith.cmpi sgt, %jit3A, %sign3A_33 : i32
    %sign3A_35 = arith.extui %sign3A_34 : i1 to i32
    %sign3A_36 = arith.constant 0 : i32
    %sign3A_37 = arith.cmpi slt, %jit3A, %sign3A_36 : i32
    %sign3A_38 = arith.extui %sign3A_37 : i1 to i32
    %sign3A_39 = arith.subi %sign3A_35, %sign3A_38 : i32
    %ne3A = vector.broadcast %sign3A_39 : i32 to vector<16x256xi32>
    %ne3A_40 = arith.cmpi ne, %sign3A_32, %ne3A : vector<16x256xi32>
    %rem3A = vector.broadcast %jit3A : i32 to vector<16x256xi32>
    %rem3A_41 = arith.remsi %iota3A, %rem3A : vector<16x256xi32>
    %ne3A_42 = arith.constant 0 : i32
    %ne3A_43 = vector.broadcast %ne3A_42 : i32 to vector<16x256xi32>
    %ne3A_44 = arith.cmpi ne, %rem3A_41, %ne3A_43 : vector<16x256xi32>
    %and3A = arith.andi %ne3A_40, %ne3A_44 : vector<16x256xi1>
    %sub3A = arith.constant 1 : i32
    %sub3A_45 = vector.broadcast %sub3A : i32 to vector<16x256xi32>
    %sub3A_46 = arith.subi %div3A_24, %sub3A_45 : vector<16x256xi32>
    %select_n3A = arith.select %and3A, %sub3A_46, %div3A_24 : vector<16x256xi1>, vector<16x256xi32>
    %eq3A = arith.cmpi eq, %select_n3A, %iota3A_23 : vector<16x256xi32>
    %convert_element_type3A_47 = arith.extui %eq3A : vector<16x256xi1> to vector<16x256xi32>
    %convert_element_type3A_48 = arith.sitofp %convert_element_type3A_47 : vector<16x256xi32> to vector<16x256xf32>
    %get3A_49 = arith.constant 0 : index
    %get3A_50 = arith.constant 0 : index
    %get3A_51 = vector.load %arg2[%get3A_49, %get3A_50] : memref<2048x16xf32, #tpu.memory_space<vmem>>, vector<2048x16xf32>
    %dot_general3A_52 = arith.constant dense<0.000000e+00> : vector<2048x256xf32>
    %dot_general3A_53 = tpu.matmul %get3A_51, %convert_element_type3A_48, %dot_general3A_52 {dimension_numbers = #tpu.dot_dimension_numbers<[1], [0], [0], [1], [0, 0, 1, 1], [], []>, transpose_lhs_hint = false} : vector<2048x16xf32>, vector<16x256xf32>, vector<2048x256xf32> -> vector<2048x256xf32>
    %iota3A_54 = tpu.iota {dimensions = array<i32: 0>} : vector<256x16xi32>
    %iota3A_55 = tpu.iota {dimensions = array<i32: 1>} : vector<256x16xi32>
    %jit3A_56 = arith.constant 16 : i32
    %eq3A_57 = arith.constant 0 : i32
    %eq3A_58 = arith.cmpi eq, %jit3A_56, %eq3A_57 : i32
    %jit3A_59 = arith.constant 1 : i32
    %select_n3A_60 = arith.select %eq3A_58, %jit3A_59, %jit3A_56 : i32
    %rem3A_61 = vector.broadcast %select_n3A_60 : i32 to vector<256x16xi32>
    %rem3A_62 = arith.remsi %iota3A_54, %rem3A_61 : vector<256x16xi32>
    %ne3A_63 = arith.constant 0 : i32
    %ne3A_64 = vector.broadcast %ne3A_63 : i32 to vector<256x16xi32>
    %ne3A_65 = arith.cmpi ne, %rem3A_62, %ne3A_64 : vector<256x16xi32>
    %lt3A = arith.constant 0 : i32
    %lt3A_66 = vector.broadcast %lt3A : i32 to vector<256x16xi32>
    %lt3A_67 = arith.cmpi slt, %rem3A_62, %lt3A_66 : vector<256x16xi32>
    %lt3A_68 = arith.constant 0 : i32
    %lt3A_69 = arith.cmpi slt, %select_n3A_60, %lt3A_68 : i32
    %ne3A_70 = vector.broadcast %lt3A_69 : i1 to vector<256x16xi1>
    %ne3A_71 = vector.broadcast %ne3A_70 : vector<256x16xi1> to vector<256x16xi1>
    %ne3A_72 = arith.xori %lt3A_67, %ne3A_71 : vector<256x16xi1>
    %and3A_73 = arith.andi %ne3A_72, %ne3A_65 : vector<256x16xi1>
    %add3A_74 = vector.broadcast %select_n3A_60 : i32 to vector<256x16xi32>
    %add3A_75 = arith.addi %rem3A_62, %add3A_74 : vector<256x16xi32>
    %select_n3A_76 = arith.select %and3A_73, %add3A_75, %rem3A_62 : vector<256x16xi1>, vector<256x16xi32>
    %eq3A_77 = arith.cmpi eq, %select_n3A_76, %iota3A_55 : vector<256x16xi32>
    %convert_element_type3A_78 = arith.extui %eq3A_77 : vector<256x16xi1> to vector<256x16xi32>
    %convert_element_type3A_79 = arith.sitofp %convert_element_type3A_78 : vector<256x16xi32> to vector<256x16xf32>
    %mul3A_80 = arith.mulf %dot_general3A_53, %add3A_22 : vector<2048x256xf32>
    %dot_general3A_81 = arith.constant dense<0.000000e+00> : vector<2048x16xf32>
    %dot_general3A_82 = tpu.matmul %mul3A_80, %convert_element_type3A_79, %dot_general3A_81 {dimension_numbers = #tpu.dot_dimension_numbers<[1], [0], [0], [1], [0, 0, 1, 1], [], []>, transpose_lhs_hint = false} : vector<2048x256xf32>, vector<256x16xf32>, vector<2048x16xf32> -> vector<2048x16xf32>
    %swap3A = arith.constant 0 : index
    %swap3A_83 = arith.constant 0 : index
    %swap3A_84 = vector.load %arg7[%swap3A, %swap3A_83] : memref<2048x16xf32, #tpu.memory_space<vmem>>, vector<2048x16xf32>
    tpu.vector_store %arg7[%swap3A, %swap3A_83], %dot_general3A_82 {strides = array<i32>} : memref<2048x16xf32, #tpu.memory_space<vmem>>, vector<2048x16xf32>,
    return
  }
  func.func @transform_0(%arg0: i32) -> (i32, i32) {
    %c0_i32 = arith.constant 0 : i32
    %c0_i32_0 = arith.constant 0 : i32
    return %arg0, %c0_i32 : i32, i32
  }
  func.func @transform_1(%arg0: i32) -> (i32, i32) {
    %c0_i32 = arith.constant 0 : i32
    %c0_i32_0 = arith.constant 0 : i32
    return %arg0, %c0_i32 : i32, i32
  }
  func.func @transform_2(%arg0: i32) -> (i32, i32) {
    %c0_i32 = arith.constant 0 : i32
    %c0_i32_0 = arith.constant 0 : i32
    %c0_i32_1 = arith.constant 0 : i32
    return %c0_i32, %c0_i32_0 : i32, i32
  }
  func.func @transform_3(%arg0: i32) -> (i32, i32) {
    %c0_i32 = arith.constant 0 : i32
    %c0_i32_0 = arith.constant 0 : i32
    %c0_i32_1 = arith.constant 0 : i32
    return %c0_i32, %c0_i32_0 : i32, i32
  }
  func.func @transform_4(%arg0: i32) -> (i32, i32) {
    %c0_i32 = arith.constant 0 : i32
    %c0_i32_0 = arith.constant 0 : i32
    %c0_i32_1 = arith.constant 0 : i32
    return %c0_i32, %c0_i32_0 : i32, i32
  }
  func.func @transform_5(%arg0: i32) -> (i32, i32) {
    %c0_i32 = arith.constant 0 : i32
    %c0_i32_0 = arith.constant 0 : i32
    %c0_i32_1 = arith.constant 0 : i32
    return %c0_i32, %c0_i32_0 : i32, i32
  }
  func.func @transform_6(%arg0: i32) -> (i32, i32) {
    %c0_i32 = arith.constant 0 : i32
    %c0_i32_0 = arith.constant 0 : i32
    return %arg0, %c0_i32 : i32, i32
  }
}

module attributes {stable_mosaic.version = 14 : i64} {
  func.func @body(%arg0: i32, %arg1: memref<2048x1xf32, #tpu.memory_space<vmem>>, %arg2: memref<2048x16xf32, #tpu.memory_space<vmem>>, %arg3: memref<1x16xf32, #tpu.memory_space<vmem>>, %arg4: memref<1x16xf32, #tpu.memory_space<vmem>>, %arg5: memref<16x16xf32, #tpu.memory_space<vmem>>, %arg6: memref<1x16xf32, #tpu.memory_space<vmem>>, %arg7: memref<2048x1xf32, #tpu.memory_space<vmem>>) attributes {dimension_semantics = [#tpu.dimension_semantics<arbitrary>], iteration_bounds = array<i64: 80>, scalar_prefetch = 0 : i64, scratch_operands = 0 : i64, tpu.core_type = #tpu.core_type<tc>, window_params = [{transform_indices = @transform_0, window_bounds = array<i64: 2048, 1>}, {transform_indices = @transform_1, window_bounds = array<i64: 2048, 16>}, {pipeline_mode = #tpu.pipeline_mode<synchronous>, transform_indices = @transform_2, window_bounds = array<i64: 1, 16>}, {pipeline_mode = #tpu.pipeline_mode<synchronous>, transform_indices = @transform_3, window_bounds = array<i64: 1, 16>}, {pipeline_mode = #tpu.pipeline_mode<synchronous>, transform_indices = @transform_4, window_bounds = array<i64: 16, 16>}, {pipeline_mode = #tpu.pipeline_mode<synchronous>, transform_indices = @transform_5, window_bounds = array<i64: 1, 16>}, {transform_indices = @transform_6, window_bounds = array<i64: 2048, 1>}]} {
    %get3A = arith.constant 0 : index
    %get3A_0 = arith.constant 0 : index
    %get3A_1 = vector.load %arg1[%get3A, %get3A_0] : memref<2048x1xf32, #tpu.memory_space<vmem>>, vector<2048x1xf32>
    %get3A_2 = arith.constant 0 : index
    %get3A_3 = arith.constant 0 : index
    %get3A_4 = vector.load %arg3[%get3A_2, %get3A_3] : memref<1x16xf32, #tpu.memory_space<vmem>>, vector<1x16xf32>
    %mul3A = vector.broadcast %get3A_1 : vector<2048x1xf32> to vector<2048x16xf32>
    %mul3A_5 = vector.broadcast %get3A_4 : vector<1x16xf32> to vector<2048x16xf32>
    %mul3A_6 = arith.mulf %mul3A, %mul3A_5 : vector<2048x16xf32>
    %get3A_7 = arith.constant 0 : index
    %get3A_8 = arith.constant 0 : index
    %get3A_9 = vector.load %arg4[%get3A_7, %get3A_8] : memref<1x16xf32, #tpu.memory_space<vmem>>, vector<1x16xf32>
    %add3A = vector.broadcast %get3A_9 : vector<1x16xf32> to vector<2048x16xf32>
    %add3A_10 = arith.addf %mul3A_6, %add3A : vector<2048x16xf32>
    %max3A = arith.constant 0.000000e+00 : f32
    %max3A_11 = vector.broadcast %max3A : f32 to vector<2048x16xf32>
    %max3A_12 = arith.maximumf %add3A_10, %max3A_11 : vector<2048x16xf32>
    %convert_element_type3A = arith.truncf %max3A_12 : vector<2048x16xf32> to vector<2048x16xbf16>
    %get3A_13 = arith.constant 0 : index
    %get3A_14 = arith.constant 0 : index
    %get3A_15 = vector.load %arg5[%get3A_13, %get3A_14] : memref<16x16xf32, #tpu.memory_space<vmem>>, vector<16x16xf32>
    %convert_element_type3A_16 = arith.truncf %get3A_15 : vector<16x16xf32> to vector<16x16xbf16>
    %dot_general3A = arith.constant dense<0.000000e+00> : vector<2048x16xf32>
    %dot_general3A_17 = tpu.matmul %convert_element_type3A, %convert_element_type3A_16, %dot_general3A {dimension_numbers = #tpu.dot_dimension_numbers<[1], [0], [0], [1], [0, 0, 1, 1], [], []>, transpose_lhs_hint = false} : vector<2048x16xbf16>, vector<16x16xbf16>, vector<2048x16xf32> -> vector<2048x16xf32>
    %get3A_18 = arith.constant 0 : index
    %get3A_19 = arith.constant 0 : index
    %get3A_20 = vector.load %arg6[%get3A_18, %get3A_19] : memref<1x16xf32, #tpu.memory_space<vmem>>, vector<1x16xf32>
    %add3A_21 = vector.broadcast %get3A_20 : vector<1x16xf32> to vector<2048x16xf32>
    %add3A_22 = arith.addf %dot_general3A_17, %add3A_21 : vector<2048x16xf32>
    %iota3A = tpu.iota {dimensions = array<i32: 1>} : vector<16x16xi32>
    %iota3A_23 = tpu.iota {dimensions = array<i32: 0>} : vector<16x16xi32>
    %jit3A = arith.constant 1 : i32
    %div3A = vector.broadcast %jit3A : i32 to vector<16x16xi32>
    %div3A_24 = arith.divsi %iota3A, %div3A : vector<16x16xi32>
    %sign3A = arith.constant 0 : i32
    %sign3A_25 = vector.broadcast %sign3A : i32 to vector<16x16xi32>
    %sign3A_26 = arith.cmpi sgt, %iota3A, %sign3A_25 : vector<16x16xi32>
    %sign3A_27 = arith.extui %sign3A_26 : vector<16x16xi1> to vector<16x16xi32>
    %sign3A_28 = arith.constant 0 : i32
    %sign3A_29 = vector.broadcast %sign3A_28 : i32 to vector<16x16xi32>
    %sign3A_30 = arith.cmpi slt, %iota3A, %sign3A_29 : vector<16x16xi32>
    %sign3A_31 = arith.extui %sign3A_30 : vector<16x16xi1> to vector<16x16xi32>
    %sign3A_32 = arith.subi %sign3A_27, %sign3A_31 : vector<16x16xi32>
    %sign3A_33 = arith.constant 0 : i32
    %sign3A_34 = arith.cmpi sgt, %jit3A, %sign3A_33 : i32
    %sign3A_35 = arith.extui %sign3A_34 : i1 to i32
    %sign3A_36 = arith.constant 0 : i32
    %sign3A_37 = arith.cmpi slt, %jit3A, %sign3A_36 : i32
    %sign3A_38 = arith.extui %sign3A_37 : i1 to i32
    %sign3A_39 = arith.subi %sign3A_35, %sign3A_38 : i32
    %ne3A = vector.broadcast %sign3A_39 : i32 to vector<16x16xi32>
    %ne3A_40 = arith.cmpi ne, %sign3A_32, %ne3A : vector<16x16xi32>
    %rem3A = vector.broadcast %jit3A : i32 to vector<16x16xi32>
    %rem3A_41 = arith.remsi %iota3A, %rem3A : vector<16x16xi32>
    %ne3A_42 = arith.constant 0 : i32
    %ne3A_43 = vector.broadcast %ne3A_42 : i32 to vector<16x16xi32>
    %ne3A_44 = arith.cmpi ne, %rem3A_41, %ne3A_43 : vector<16x16xi32>
    %and3A = arith.andi %ne3A_40, %ne3A_44 : vector<16x16xi1>
    %sub3A = arith.constant 1 : i32
    %sub3A_45 = vector.broadcast %sub3A : i32 to vector<16x16xi32>
    %sub3A_46 = arith.subi %div3A_24, %sub3A_45 : vector<16x16xi32>
    %select_n3A = arith.select %and3A, %sub3A_46, %div3A_24 : vector<16x16xi1>, vector<16x16xi32>
    %eq3A = arith.cmpi eq, %select_n3A, %iota3A_23 : vector<16x16xi32>
    %convert_element_type3A_47 = arith.extui %eq3A : vector<16x16xi1> to vector<16x16xi32>
    %convert_element_type3A_48 = arith.sitofp %convert_element_type3A_47 : vector<16x16xi32> to vector<16x16xf32>
    %get3A_49 = arith.constant 0 : index
    %get3A_50 = arith.constant 0 : index
    %get3A_51 = vector.load %arg2[%get3A_49, %get3A_50] : memref<2048x16xf32, #tpu.memory_space<vmem>>, vector<2048x16xf32>
    %dot_general3A_52 = arith.constant dense<0.000000e+00> : vector<2048x16xf32>
    %dot_general3A_53 = tpu.matmul %get3A_51, %convert_element_type3A_48, %dot_general3A_52 {dimension_numbers = #tpu.dot_dimension_numbers<[1], [0], [0], [1], [0, 0, 1, 1], [], []>, transpose_lhs_hint = false} : vector<2048x16xf32>, vector<16x16xf32>, vector<2048x16xf32> -> vector<2048x16xf32>
    %iota3A_54 = tpu.iota {dimensions = array<i32: 0>} : vector<16x1xi32>
    %iota3A_55 = tpu.iota {dimensions = array<i32: 1>} : vector<16x1xi32>
    %jit3A_56 = arith.constant 1 : i32
    %eq3A_57 = arith.constant 0 : i32
    %eq3A_58 = arith.cmpi eq, %jit3A_56, %eq3A_57 : i32
    %jit3A_59 = arith.constant 1 : i32
    %select_n3A_60 = arith.select %eq3A_58, %jit3A_59, %jit3A_56 : i32
    %rem3A_61 = vector.broadcast %select_n3A_60 : i32 to vector<16x1xi32>
    %rem3A_62 = arith.remsi %iota3A_54, %rem3A_61 : vector<16x1xi32>
    %ne3A_63 = arith.constant 0 : i32
    %ne3A_64 = vector.broadcast %ne3A_63 : i32 to vector<16x1xi32>
    %ne3A_65 = arith.cmpi ne, %rem3A_62, %ne3A_64 : vector<16x1xi32>
    %lt3A = arith.constant 0 : i32
    %lt3A_66 = vector.broadcast %lt3A : i32 to vector<16x1xi32>
    %lt3A_67 = arith.cmpi slt, %rem3A_62, %lt3A_66 : vector<16x1xi32>
    %lt3A_68 = arith.constant 0 : i32
    %lt3A_69 = arith.cmpi slt, %select_n3A_60, %lt3A_68 : i32
    %ne3A_70 = vector.broadcast %lt3A_69 : i1 to vector<16x1xi1>
    %ne3A_71 = vector.broadcast %ne3A_70 : vector<16x1xi1> to vector<16x1xi1>
    %ne3A_72 = arith.xori %lt3A_67, %ne3A_71 : vector<16x1xi1>
    %and3A_73 = arith.andi %ne3A_72, %ne3A_65 : vector<16x1xi1>
    %add3A_74 = vector.broadcast %select_n3A_60 : i32 to vector<16x1xi32>
    %add3A_75 = arith.addi %rem3A_62, %add3A_74 : vector<16x1xi32>
    %select_n3A_76 = arith.select %and3A_73, %add3A_75, %rem3A_62 : vector<16x1xi1>, vector<16x1xi32>
    %eq3A_77 = arith.cmpi eq, %select_n3A_76, %iota3A_55 : vector<16x1xi32>
    %convert_element_type3A_78 = arith.extui %eq3A_77 : vector<16x1xi1> to vector<16x1xi32>
    %convert_element_type3A_79 = arith.sitofp %convert_element_type3A_78 : vector<16x1xi32> to vector<16x1xf32>
    %mul3A_80 = arith.mulf %dot_general3A_53, %add3A_22 : vector<2048x16xf32>
    %dot_general3A_81 = arith.constant dense<0.000000e+00> : vector<2048x1xf32>
    %dot_general3A_82 = tpu.matmul %mul3A_80, %convert_element_type3A_79, %dot_general3A_81 {dimension_numbers = #tpu.dot_dimension_numbers<[1], [0], [0], [1], [0, 0, 1, 1], [], []>, transpose_lhs_hint = false} : vector<2048x16xf32>, vector<16x1xf32>, vector<2048x1xf32> -> vector<2048x1xf32>
    %swap3A = arith.constant 0 : index
    %swap3A_83 = arith.constant 0 : index
    %swap3A_84 = vector.load %arg7[%swap3A, %swap3A_83] : memref<2048x1xf32, #tpu.memory_space<vmem>>, vector<2048x1xf32>
    tpu.vector_store %arg7[%swap3A, %swap3A_83], %dot_general3A_82 {strides = array<i32>} : memref<2048x1xf32, #tpu.memory_space<vmem>>, vector<2048x1xf32>,
    return
  }
  func.func @transform_0(%arg0: i32) -> (i32, i32) {
    %c0_i32 = arith.constant 0 : i32
    %c0_i32_0 = arith.constant 0 : i32
    return %arg0, %c0_i32 : i32, i32
  }
  func.func @transform_1(%arg0: i32) -> (i32, i32) {
    %c0_i32 = arith.constant 0 : i32
    %c0_i32_0 = arith.constant 0 : i32
    return %arg0, %c0_i32 : i32, i32
  }
  func.func @transform_2(%arg0: i32) -> (i32, i32) {
    %c0_i32 = arith.constant 0 : i32
    %c0_i32_0 = arith.constant 0 : i32
    %c0_i32_1 = arith.constant 0 : i32
    return %c0_i32, %c0_i32_0 : i32, i32
  }
  func.func @transform_3(%arg0: i32) -> (i32, i32) {
    %c0_i32 = arith.constant 0 : i32
    %c0_i32_0 = arith.constant 0 : i32
    %c0_i32_1 = arith.constant 0 : i32
    return %c0_i32, %c0_i32_0 : i32, i32
  }
  func.func @transform_4(%arg0: i32) -> (i32, i32) {
    %c0_i32 = arith.constant 0 : i32
    %c0_i32_0 = arith.constant 0 : i32
    %c0_i32_1 = arith.constant 0 : i32
    return %c0_i32, %c0_i32_0 : i32, i32
  }
  func.func @transform_5(%arg0: i32) -> (i32, i32) {
    %c0_i32 = arith.constant 0 : i32
    %c0_i32_0 = arith.constant 0 : i32
    %c0_i32_1 = arith.constant 0 : i32
    return %c0_i32, %c0_i32_0 : i32, i32
  }
  func.func @transform_6(%arg0: i32) -> (i32, i32) {
    %c0_i32 = arith.constant 0 : i32
    %c0_i32_0 = arith.constant 0 : i32
    return %arg0, %c0_i32 : i32, i32
  }
}

module attributes {stable_mosaic.version = 14 : i64} {
  func.func @body(%arg0: i32, %arg1: memref<512x1xf32, #tpu.memory_space<vmem>>, %arg2: memref<512x1xf32, #tpu.memory_space<vmem>>, %arg3: memref<512x1xf32, #tpu.memory_space<vmem>>, %arg4: memref<512x1xf32, #tpu.memory_space<vmem>>, %arg5: memref<1x1xf32, #tpu.memory_space<vmem>>, %arg6: memref<512x1xf32, #tpu.memory_space<vmem>>) attributes {dimension_semantics = [#tpu.dimension_semantics<arbitrary>], iteration_bounds = array<i64: 20>, scalar_prefetch = 0 : i64, scratch_operands = 0 : i64, tpu.core_type = #tpu.core_type<tc>, window_params = [{transform_indices = @transform_0, window_bounds = array<i64: 512, 1>}, {transform_indices = @transform_1, window_bounds = array<i64: 512, 1>}, {transform_indices = @transform_2, window_bounds = array<i64: 512, 1>}, {transform_indices = @transform_3, window_bounds = array<i64: 512, 1>}, {pipeline_mode = #tpu.pipeline_mode<synchronous>, transform_indices = @transform_4, window_bounds = array<i64: 1, 1>}, {transform_indices = @transform_5, window_bounds = array<i64: 512, 1>}]} {
    %get3A = arith.constant 0 : index
    %get3A_0 = arith.constant 0 : index
    %get3A_1 = vector.load %arg1[%get3A, %get3A_0] : memref<512x1xf32, #tpu.memory_space<vmem>>, vector<512x1xf32>
    %get3A_2 = arith.constant 0 : index
    %get3A_3 = arith.constant 0 : index
    %get3A_4 = vector.load %arg2[%get3A_2, %get3A_3] : memref<512x1xf32, #tpu.memory_space<vmem>>, vector<512x1xf32>
    %add3A = arith.addf %get3A_1, %get3A_4 : vector<512x1xf32>
    %get3A_5 = arith.constant 0 : index
    %get3A_6 = arith.constant 0 : index
    %get3A_7 = vector.load %arg3[%get3A_5, %get3A_6] : memref<512x1xf32, #tpu.memory_space<vmem>>, vector<512x1xf32>
    %get3A_8 = arith.constant 0 : index
    %get3A_9 = arith.constant 0 : index
    %get3A_10 = vector.load %arg4[%get3A_8, %get3A_9] : memref<512x1xf32, #tpu.memory_space<vmem>>, vector<512x1xf32>
    %add3A_11 = arith.addf %get3A_7, %get3A_10 : vector<512x1xf32>
    %max3A = arith.constant 1.000000e+00 : f32
    %max3A_12 = vector.broadcast %max3A : f32 to vector<512x1xf32>
    %max3A_13 = arith.maximumf %add3A_11, %max3A_12 : vector<512x1xf32>
    %div3A = arith.divf %add3A, %max3A_13 : vector<512x1xf32>
    %get3A_14 = arith.constant 0 : index
    %get3A_15 = arith.constant 0 : index
    %get3A_16 = vector.load %arg5[%get3A_14, %get3A_15] : memref<1x1xf32, #tpu.memory_space<vmem>>, vector<1x1xf32>
    %add3A_17 = vector.broadcast %get3A_16 : vector<1x1xf32> to vector<512x1xf32>
    %add3A_18 = arith.addf %div3A, %add3A_17 : vector<512x1xf32>
    %abs3A = math.absf %add3A_18 : vector<512x1xf32>
    %neg3A = arith.constant 0.000000e+00 : f32
    %neg3A_19 = vector.broadcast %neg3A : f32 to vector<512x1xf32>
    %neg3A_20 = arith.subf %neg3A_19, %abs3A : vector<512x1xf32>
    %exp3A = math.exp %neg3A_20 : vector<512x1xf32>
    %log1p3A = math.log1p %exp3A : vector<512x1xf32>
    %max3A_21 = arith.constant 0.000000e+00 : f32
    %max3A_22 = vector.broadcast %max3A_21 : f32 to vector<512x1xf32>
    %max3A_23 = arith.maximumf %add3A_18, %max3A_22 : vector<512x1xf32>
    %add3A_24 = arith.addf %log1p3A, %max3A_23 : vector<512x1xf32>
    %swap3A = arith.constant 0 : index
    %swap3A_25 = arith.constant 0 : index
    %swap3A_26 = vector.load %arg6[%swap3A, %swap3A_25] : memref<512x1xf32, #tpu.memory_space<vmem>>, vector<512x1xf32>
    tpu.vector_store %arg6[%swap3A, %swap3A_25], %add3A_24 {strides = array<i32>} : memref<512x1xf32, #tpu.memory_space<vmem>>, vector<512x1xf32>,
    return
  }
  func.func @transform_0(%arg0: i32) -> (i32, i32) {
    %c0_i32 = arith.constant 0 : i32
    %c0_i32_0 = arith.constant 0 : i32
    return %arg0, %c0_i32 : i32, i32
  }
  func.func @transform_1(%arg0: i32) -> (i32, i32) {
    %c0_i32 = arith.constant 0 : i32
    %c0_i32_0 = arith.constant 0 : i32
    return %arg0, %c0_i32 : i32, i32
  }
  func.func @transform_2(%arg0: i32) -> (i32, i32) {
    %c0_i32 = arith.constant 0 : i32
    %c0_i32_0 = arith.constant 0 : i32
    return %arg0, %c0_i32 : i32, i32
  }
  func.func @transform_3(%arg0: i32) -> (i32, i32) {
    %c0_i32 = arith.constant 0 : i32
    %c0_i32_0 = arith.constant 0 : i32
    return %arg0, %c0_i32 : i32, i32
  }
  func.func @transform_4(%arg0: i32) -> (i32, i32) {
    %c0_i32 = arith.constant 0 : i32
    %c0_i32_0 = arith.constant 0 : i32
    %c0_i32_1 = arith.constant 0 : i32
    return %c0_i32, %c0_i32_0 : i32, i32
  }
  func.func @transform_5(%arg0: i32) -> (i32, i32) {
    %c0_i32 = arith.constant 0 : i32
    %c0_i32_0 = arith.constant 0 : i32
    return %arg0, %c0_i32 : i32, i32
  }
}

</mosaic_0001>

<sc_bundles>
// kernel: kernel.14.cloned.1.call-start
scs
__scs_entry_jumppad:
0x0: {  	(pc) =	sbr.rel $0x88, $3  }
0x1: {  	(tag) =	ssettag $0x0;
	lr =	simm.s32 $0x1  }
0x2: {  	[smem:$0x3F87] =	sst lr;
	_ =	strace $0xD0000000  }
0x3: {  	_ = 	snop  }
0x4: {  	_ = 	snop  }
0x5: {  	_ = 	snop  }
0x6: {  	_ = 	snop  }
0x7: {  	_ = 	snop  }
__scs_overlays_trampoline_lowered:
0x8: {  	[smem:$0x3F96] =	sst s0  }
0x9: {  	[smem:$0x3F97] =	sst s1  }
0xa: {  	[smem:$0x3F98] =	sst s2  }
0xb: {  	[smem:$0x3F99] =	sst s3  }
0xc: {  	[smem:$0x3F9A] =	sst s4  }
0xd: {  	[smem:$0x3F9B] =	sst s5  }
0xe: {  	[smem:$0x3F9C] =	sst s6  }
0xf: {  	[smem:$0x3F9D] =	sst s7  }
0x10: {  	[smem:$0x3F9E] =	sst s8  }
0x11: {  	[smem:$0x3F9F] =	sst s9;
	s0 =	simm.s32 @!p0 $0x0  }
0x12: {  	s1 =	sld [smem:$0x3F85];
	s0 =	simm.s32 @p0 $0x1  }
0x13: {  	[smem:$0x3FA0] =	sst s0;
	s0 =	simm.s32 @!p1 $0x0  }
0x14: {  	s2 =	sld [smem:$0x3F84];
	s0 =	simm.s32 @p1 $0x1  }
0x15: {  	[smem:$0x3FA1] =	sst s0;
	s0 =	simm.s32 @!p2 $0x0  }
0x16: {  	s3 =	sld [smem:$0x3FDB];
	s0 =	simm.s32 @p2 $0x1  }
0x17: {  	s4 =	simm.s32 $0x1BF5;
	[smem:$0x3FA3] =	sst s0  }
0x18: {  	s0 =	sld [smem:$0x3F86];
	_ =	swait.ge [sflag:s4], $0x0  }
0x19: {  	s7 =	sld [smem:$0x3F87]  }
0x1a: {  	s8 =	sadd.s32 $0xFFFFE003, lr  }
0x1b: {  	s9 =	sadd.s32 $0xFFFFFEF7, lr;
	s5 =	simm.s32 $0xFFFFFFFF;
	p2 =	slt.u32 s8, $0xFFFFF086  }
0x1c: {  	p1 =	slt.u32 s9, $0xF7A;
	s5 =	simm.s32 @!p2 $0x0  }
0x1d: {  	s5 =	simm.s32 @p1 $0x1;
	p0 =	seq.s32 s7, s2  }
0x1e: {  	s7 =	smul.u32 @!p0 $0xF7A, s2;
	p2 =	seq.s32 @!p0 s5, $0x0  }
0x1f: {  	s9 =	smul.u32 $0xF7A, s1;
	s8 =	simm.s32 @!p0 $0x1BF5;
	p2 =	por !p2, p0  }
0x20: {  	[sflag:s8] =	ssyncset.s32 @!p0 $0xFFFFF086;
	s6 =	sadd.s32 @!p0 s3, s7;
	s7 =	simm.s32 @!p0 $0x108  }
0x21: {  	s3 =	sadd.s32 s3, s9;
	s6 =	sadd.s32 @!p0 $0x88, s6;
	s7 =	simm.s32 @p2 $0x1082  }
0x22: {  	[simem:s7], [sflag:s8] =	dma.local @!p0 [hbm:s6], $0xF7A  }
0x23: {  	s9 =	sor.u32 $0xD0000000, s2;
	s6 =	simm.s32 $0x108;
	_ =	swait.ge @!p0 [sflag:s8], $0x0  }
0x24: {  	s3 =	sadd.s32 $0x88, s3;
	s6 =	simm.s32 @!p1 $0x1082;
	[sflag:s4] =	ssyncset.s32 $0xFFFFF086  }
0x25: {  	[simem:s6], [sflag:s4] =	dma.local [hbm:s3], $0xF7A  }
0x26: {  	[smem:$0x3F87] =	sst s1;
	(tag) =	ssettag s2;
	_ =	strace s9  }
0x27: {  	s1 =	sld [smem:$0x3F97]  }
0x28: {  	s2 =	sld [smem:$0x3F98]  }
0x29: {  	s4 =	sld [smem:$0x3F9A]  }
0x2a: {  	p0 =	seq.s32 s5, $0x0;
	s5 =	sld [smem:$0x3F9B]  }
0x2b: {  	s6 =	sld [smem:$0x3F9C]  }
0x2c: {  	s7 =	sld [smem:$0x3F9D]  }
0x2d: {  	s3 =	simm.s32 $0x108;
	s8 =	sld [smem:$0x3F9E]  }
0x2e: {  	s3 =	simm.s32 @!p0 $0x1082;
	s9 =	sld [smem:$0x3F9F]  }
0x2f: {  	lr =	sadd.s32 s0, s3;
	s0 =	sld [smem:$0x3F96]  }
0x30: {  	s3 =	sld [smem:$0x3F99]  }
0x31: {  	[smem:$0x3FA2] =	sst s10  }
0x32: {  	s10 =	sld [smem:$0x3FA0];
	_ =	sdelay $0x3  }
0x33: {  	p0 =	seq.s32 s10, $0x1;
	s10 =	sld [smem:$0x3FA2];
	_ =	sdelay $0x3  }
0x34: {  	[smem:$0x3FA2] =	sst s10  }
0x35: {  	s10 =	sld [smem:$0x3FA1];
	_ =	sdelay $0x3  }
0x36: {  	p1 =	seq.s32 s10, $0x1;
	s10 =	sld [smem:$0x3FA2];
	_ =	sdelay $0x3  }
0x37: {  	[smem:$0x3FA2] =	sst s10  }
0x38: {  	s10 =	sld [smem:$0x3FA3]  }
0x39: {  	_ = 	snop;
	(pc) =	sbr.ind lr, $3  }
0x3a: {  	_ = 	snop  }
0x3b: {  	_ = 	snop  }
0x3c: {  	p2 =	seq.s32 s10, $0x1;
	s10 =	sld [smem:$0x3FA2]  }
0x3d: {  	_ =	shalt  }
0x3e: {  	_ =	shalt  }
0x3f: {  	_ =	shalt  }
0x40: {  	_ =	shalt  }
0x41: {  	_ =	shalt  }
0x42: {  	_ =	shalt  }
0x43: {  	_ =	shalt  }
0x44: {  	_ =	shalt  }
0x45: {  	_ =	shalt  }
0x46: {  	_ =	shalt  }
0x47: {  	_ =	shalt  }
0x48: {  	_ =	shalt  }
0x49: {  	_ =	shalt  }
0x4a: {  	_ =	shalt  }
0x4b: {  	_ =	shalt  }
0x4c: {  	_ =	shalt  }
0x4d: {  	_ =	shalt  }
0x4e: {  	_ =	shalt  }
0x4f: {  	_ =	shalt  }
0x50: {  	_ =	shalt  }
0x51: {  	_ =	shalt  }
0x52: {  	_ =	shalt  }
0x53: {  	_ =	shalt  }
0x54: {  	_ =	shalt  }
0x55: {  	_ =	shalt  }
0x56: {  	_ =	shalt  }
0x57: {  	_ =	shalt  }
0x58: {  	_ =	shalt  }
0x59: {  	_ =	shalt  }
0x5a: {  	_ =	shalt  }
0x5b: {  	_ =	shalt  }
0x5c: {  	_ =	shalt  }
0x5d: {  	_ =	shalt  }
0x5e: {  	_ =	shalt  }
0x5f: {  	_ =	shalt  }
0x60: {  	_ =	shalt  }
0x61: {  	_ =	shalt  }
0x62: {  	_ =	shalt  }
0x63: {  	_ =	shalt  }
0x64: {  	_ =	shalt  }
0x65: {  	_ =	shalt  }
0x66: {  	_ =	shalt  }
0x67: {  	_ =	shalt  }
0x68: {  	_ =	shalt  }
0x69: {  	_ =	shalt  }
0x6a: {  	_ =	shalt  }
0x6b: {  	_ =	shalt  }
0x6c: {  	_ =	shalt  }
0x6d: {  	_ =	shalt  }
0x6e: {  	_ =	shalt  }
0x6f: {  	_ =	shalt  }
0x70: {  	_ =	shalt  }
0x71: {  	_ =	shalt  }
0x72: {  	_ =	shalt  }
0x73: {  	_ =	shalt  }
0x74: {  	_ =	shalt  }
0x75: {  	_ =	shalt  }
0x76: {  	_ =	shalt  }
0x77: {  	_ =	shalt  }
0x78: {  	_ =	shalt  }
0x79: {  	_ =	shalt  }
0x7a: {  	_ =	shalt  }
0x7b: {  	_ =	shalt  }
0x7c: {  	_ =	shalt  }
0x7d: {  	_ =	shalt  }
0x7e: {  	_ =	shalt  }
0x7f: {  	_ =	shalt  }
0x80: {  	_ =	shalt  }
0x81: {  	_ =	shalt  }
0x82: {  	_ =	shalt  }
0x83: {  	_ =	shalt  }
0x84: {  	_ =	shalt  }
0x85: {  	_ =	shalt  }
0x86: {  	_ =	shalt  }
0x87: {  	_ =	shalt  }
.Lfunc_end0:
.L_simem_size_0:
called_computation_lowered:
.L_overlay_start_0:
0x88: {  	s2 =	sld [smem:$0x3FD9]  }
0x89: {  	s3 =	sld [smem:$0x3FFE];
	_ =	sdelay $0x1  }
0x8a: {  	s1 =	srdreg.scid  }
0x8b: {  	s0 =	sand.u32 $0x1, s1  }
0x8c: {  	s16 =	sshll.u32 s0, $0xA;
	s2 =	sadd.s32 s3, s2  }
0x8d: {  	s2 =	sadd.s32 s2, s16  }
0x8e: {  	[smem:$0x3FAE] =	sst s2  }
0x8f: {  	_ = 	snop  }
0x90: {  	(tm) =	ssettm $0x1  }
0x91: {  	s17 =	sld [smem:$0x3FFB];
	_ =	sdelay $0x3  }
0x92: {  	_ =	strace s17  }
0x93: {  	s2 =	sld [smem:$0x3FFC];
	_ =	sdelay $0x3  }
0x94: {  	_ =	strace s2  }
0x95: {  	s2 =	sld [smem:$0x3FFD];
	_ =	sdelay $0x3  }
0x96: {  	_ =	strace s2  }
0x97: {  	_ =	strace $0x8FFFFFFF  }
0x98: {  	s18 =	sld [smem:$0x3FDB];
	_ =	sdelay $0x1  }
0x99: {  	s19 =	simm.s32 $_scs_section_size  }
0x9a: {  	s4 =	simm.s32 $_size__tile_overlayer_lowered;
	s5 =	simm.s32 $_tile_overlayer_lowered  }
0x9b: {  	s22 =	simm.s32 $0x1BFF;
	s21 =	sshll.u32 s5, $0x1;
	s2 =	sadd.s32 s19, s18  }
0x9c: {  	s6 =	simm.s32 $0x0;
	s20 =	sshll.u32 s4, $0x1;
	s4 =	sadd.s32 s21, s2  }
0x9d: {  	[timem:s6], [sflag:s22] =	dma.local [hbm:s4], s20  }
0x9e: {  	_ =	swait.ge [sflag:s22], s20  }
0x9f: {  	s3 =	ssub.s32 $0x0, s20;
	[sflag:s22] =	ssyncset.done $0x0  }
0xa0: {  	[sflag:s22] =	ssyncadd.s32 s3;
	_ =	sdelay $0x1  }
0xa1: {  	s23 =	simm.s32 $0x1B8B  }
0xa2: {  	_ =	swait.ge [sflag:s23], $0x1  }
0xa3: {  	[sflag:s23] =	ssyncset.done $0x0  }
0xa4: {  	s25 =	simm.s32 $0x1B8E;
	s24 =	sld [smem:$0x3FFE];
	[sflag:s23] =	ssyncadd.s32 $0xFFFFFFFF  }
0xa5: {  	s26 =	simm.s32 $execute0_lowered;
	[smem:$0x3FD2] =	sst s25  }
0xa6: {  	s4 =	sshll.u32 s26, $0x1;
	_ =	strace $0x80000046;
	[dreg:$0x1] =	wrdreg $0xFFFFFFFF  }
0xa7: {  	s28 =	simm.s32 $_size_execute0_lowered;
	s2 =	sadd.s32 s2, s4;
	[dreg:$0x0] =	wrdreg $0x0  }
0xa8: {  	s4 =	sshll.u32 s28, $0x1;
	[dreg:$0x2] =	wrdreg s2  }
0xa9: {  	[dreg:$0x3] =	wrdreg s4  }
0xaa: {  	[dreg:$0x4] =	wrdreg $0xC0  }
0xab: {  	_ =	task [dreg:s6], $0x5FFFF  }
0xac: {  	[dreg:$0x1] =	wrdreg $0xFFFFFFFF  }
0xad: {  	[dreg:$0x0] =	wrdreg $0x60  }
0xae: {  	[dreg:$0x2] =	wrdreg s24  }
0xaf: {  	[dreg:$0x3] =	wrdreg $0x9  }
0xb0: {  	_ =	task.clear_ibuf [dreg:s6], $0x4FFFF;
	_ =	strace $0x90000046  }
0xb1: {  	s29 =	simm.s32 $0x9;
	_ =	strace $0x80000048  }
0xb2: {  	_ =	swait.ge [sflag:s29], $0x1  }
0xb3: {  	[sflag:s29] =	ssyncadd.s32 $0xFFFFFFFF  }
0xb4: {  	_ =	strace $0x90000048  }
0xb5: {  	_ =	sfence  }
0xb6: {  	s30 =	sld [smem:$0x0];
	_ =	sdelay $0x2  }
0xb7: {  	s31 =	sshll.u32 s1, $0xD;
	s1 =	sshrl.u32 s1, $0x2  }
0xb8: {  	s3 =	sand.u32 $0x4000, s31;
	s1 =	sadd.s32 s1, s30  }
0xb9: {  	s0 =	sor.u32 s3, s0;
	s1 =	sshll.u32 s1, $0x11  }
0xba: {  	s0 =	sor.u32 s1, s0  }
0xbb: {  	s0 =	sadd.s32 $0x8F2B, s0  }
0xbc: {  	[sflag:s0] =	ssyncadd.remote.s32 $0x1  }
0xbd: {  	_ =	sfence.sel $0xFFFF  }
0xbe: {  	[dreg:$0x0] =	wrdreg $0xFFFFFFFF;
	(pc) =	sbr.abs _section_cstart, $3  }
0xbf: {  	[dreg:$0x1] =	wrdreg $0xFFFFFFFF  }
0xc0: {  	_ =	task.clear_ibuf [dreg:s6], $0x2FFFF;
	_ =	strace $0x9FFFFFFF  }
0xc1: {  	(tm) =	ssettm $0x7FFFFFFF  }
tec
execute0_lowered:
.L_overlay_start_1:
0x0: {  	(tag) =	ssettag $0x1  }
0x1: {  	s2 =	stileid.u32  }
0x2: {  	s4 =	rddreg [dreg:$0x0];
	s15 =	sshll.u32 s2, $0x1;
	s2 =	simm.s32 $0x0  }
0x3: {  	s18 =	simm.s32 $0x1C00;
	[smem:$0x7FF] =	sst s2  }
0x4: {  	s19 =	simm.s32 $0x100;
	_ =	strace $0x80000047;
	[dreg:$0x5] =	wrdreg s18  }
0x5: {  	s20 =	simm.s32 $0x2400;
	[dreg:$0x6] =	wrdreg s19  }
0x6: {  	s21 =	simm.s32 $0x180;
	[dreg:$0x7] =	wrdreg s20  }
0x7: {  	s22 =	simm.s32 $0x2C00;
	[dreg:$0x8] =	wrdreg s21  }
0x8: {  	s23 =	simm.s32 $0x200;
	[dreg:$0x9] =	wrdreg s22  }
0x9: {  	s24 =	simm.s32 $0x3400;
	[dreg:$0xa] =	wrdreg s23  }
0xa: {  	s25 =	simm.s32 $0x280;
	[dreg:$0xb] =	wrdreg s24  }
0xb: {  	s26 =	simm.s32 $0x3C00;
	[dreg:$0xc] =	wrdreg s25  }
0xc: {  	s28 =	simm.s32 $0x300;
	[dreg:$0xd] =	wrdreg s26  }
0xd: {  	s29 =	simm.s32 $0x4400;
	[dreg:$0xe] =	wrdreg s28  }
0xe: {  	s7 =	simm.s32 $0x5400;
	[dreg:$0xf] =	wrdreg s29  }
0xf: {  	s8 =	simm.s32 $0x480;
	[dreg:$0x13] =	wrdreg s7  }
0x10: {  	s9 =	simm.s32 $0x5C00;
	[dreg:$0x14] =	wrdreg s8  }
0x11: {  	s10 =	simm.s32 $0x500;
	[dreg:$0x15] =	wrdreg s9  }
0x12: {  	s11 =	simm.s32 $0x6400;
	[dreg:$0x16] =	wrdreg s10  }
0x13: {  	s12 =	simm.s32 $0x580;
	[dreg:$0x17] =	wrdreg s11  }
0x14: {  	s0 =	srdreg.scid;
	s13 =	simm.s32 $0x6C00;
	[dreg:$0x18] =	wrdreg s12  }
0x15: {  	s14 =	simm.s32 $0x600;
	s1 =	sand.u32 $0x1, s0;
	[dreg:$0x19] =	wrdreg s13  }
0x16: {  	s0 =	sor.u32 s1, s15;
	s15 =	simm.s32 $0x7400;
	[dreg:$0x1a] =	wrdreg s14  }
0x17: {  	[dreg:$0x1b] =	wrdreg s15;
	s18 =	simm.s32 $0x700  }
0x18: {  	s19 =	simm.s32 $0x8400;
	[dreg:$0x1e] =	wrdreg s18  }
0x19: {  	s20 =	simm.s32 $0x780;
	[dreg:$0x1f] =	wrdreg s19  }
0x1a: {  	s21 =	simm.s32 $0x8C00;
	[smem:$0x7E4] =	sst s20  }
0x1b: {  	s22 =	simm.s32 $0x800;
	[smem:$0x7E3] =	sst s21  }
0x1c: {  	s23 =	simm.s32 $0x9400;
	[smem:$0x7E6] =	sst s22  }
0x1d: {  	s24 =	simm.s32 $0x880;
	[smem:$0x7E5] =	sst s23  }
0x1e: {  	s25 =	simm.s32 $0x9C00;
	[smem:$0x7E7] =	sst s24  }
0x1f: {  	s26 =	simm.s32 $0x900;
	[smem:$0x7E2] =	sst s25  }
0x20: {  	s28 =	simm.s32 $0xA400;
	[smem:$0x7E9] =	sst s26  }
0x21: {  	s29 =	simm.s32 $0x980;
	[smem:$0x7E8] =	sst s28  }
0x22: {  	s7 =	simm.s32 $0xBC00;
	[smem:$0x7EA] =	sst s29  }
0x23: {  	s8 =	simm.s32 $0xB00;
	[smem:$0x7F0] =	sst s7  }
0x24: {  	s9 =	simm.s32 $0xC400;
	[smem:$0x7EC] =	sst s8  }
0x25: {  	s10 =	simm.s32 $0xB80;
	[smem:$0x7EF] =	sst s9  }
0x26: {  	s11 =	simm.s32 $0xCC00;
	[smem:$0x7F7] =	sst s10  }
0x27: {  	s12 =	simm.s32 $0xC00;
	[smem:$0x7F6] =	sst s11  }
0x28: {  	s13 =	simm.s32 $0xD400;
	[smem:$0x7F8] =	sst s12  }
0x29: {  	s14 =	simm.s32 $0xC80;
	[smem:$0x7F3] =	sst s13  }
0x2a: {  	s15 =	simm.s32 $0xDC00;
	[smem:$0x7F9] =	sst s14  }
0x2b: {  	[smem:$0x7F5] =	sst s15;
	s18 =	simm.s32 $0xD80  }
0x2c: {  	s3 =	smul.u32 $0x280, s0;
	s19 =	simm.s32 $0xEC00;
	[smem:$0x7FB] =	sst s18  }
0x2d: {  	s5 =	smul.u32 $0x14000, s0;
	s20 =	simm.s32 $0xE00;
	[smem:$0x7EE] =	sst s19  }
0x2e: {  	s0 =	smul.u32 $0x2800, s0;
	s21 =	simm.s32 $0xF400;
	[smem:$0x7FC] =	sst s20  }
0x2f: {  	s6 =	sadd.s32 $0xE200, s4;
	s23 =	simm.s32 $0xE80;
	[smem:$0x7F4] =	sst s21  }
0x30: {  	s3 =	sadd.s32 s3, s4;
	s0 =	sadd.s32 s6, s0;
	[smem:$0x7FD] =	sst s23  }
0x31: {  	s5 =	sshrl.u32 s5, $0x3;
	s3 =	sadd.s32 $0x9200, s3;
	[dreg:$0x3] =	wrdreg s0  }
0x32: {  	s16 =	sadd.s32 s6, s5;
	s5 =	simm.s32 $0x4C00;
	[dreg:$0x2] =	wrdreg s3  }
0x33: {  	s6 =	simm.s32 $0x400;
	[dreg:$0x11] =	wrdreg s5  }
0x34: {  	s17 =	sadd.s32 $0x1400, s16;
	[dreg:$0x12] =	wrdreg s6  }
0x35: {  	s3 =	simm.s32 $0x380;
	[dreg:$0x4] =	wrdreg s17  }
0x36: {  	s16 =	simm.s32 $0x680;
	[dreg:$0x10] =	wrdreg s3  }
0x37: {  	s5 =	simm.s32 $0xA00;
	[dreg:$0x1c] =	wrdreg s16  }
0x38: {  	s6 =	simm.s32 $0xA80;
	[smem:$0x7F2] =	sst s5  }
0x39: {  	[smem:$0x7F1] =	sst s6  }
0x3a: {  	s17 =	simm.s32 $0x7C00;
	s22 =	rddreg [dreg:$0x2]  }
0x3b: {  	s3 =	simm.s32 $0xAC00;
	[dreg:$0x1d] =	wrdreg s17  }
0x3c: {  	s16 =	simm.s32 $0xD00;
	[smem:$0x7EB] =	sst s3  }
0x3d: {  	[smem:$0x7FA] =	sst s16;
	s17 =	simm.s32 $0xE400  }
0x3e: {  	[tilespmem:s2], [sflag:$0x3] =	stream.linear.gather [hbm4b:s22+s2], $0x1400, $0x38;
	[tilespmem:$0x15400] =	vst v63  }
0x3f: {  	s3 =	simm.s32 $0x3;
	[smem:$0x7ED] =	sst s17  }
0x40: {  	_ =	swait.ge [sflag:s3], $0x1400  }
0x41: {  	s0 =	rddreg [dreg:$0x13]  }
0x42: {  	s7 =	rddreg [dreg:$0xe]  }
0x43: {  	s8 =	sld [smem:$0x7E2]  }
0x44: {  	s9 =	rddreg [dreg:$0xf]  }
0x45: {  	s10 =	sld [smem:$0x7E3]  }
0x46: {  	s11 =	rddreg [dreg:$0xc]  }
0x47: {  	s12 =	rddreg [dreg:$0x1d]  }
0x48: {  	s13 =	rddreg [dreg:$0xb]  }
0x49: {  	s14 =	rddreg [dreg:$0x19]  }
0x4a: {  	s15 =	rddreg [dreg:$0x8]  }
0x4b: {  	s16 =	rddreg [dreg:$0x15]  }
0x4c: {  	s17 =	rddreg [dreg:$0x11]  }
0x4d: {  	s18 =	rddreg [dreg:$0xd]  }
0x4e: {  	s19 =	rddreg [dreg:$0xa]  }
0x4f: {  	s20 =	rddreg [dreg:$0x6]  }
0x50: {  	s21 =	rddreg [dreg:$0x9]  }
0x51: {  	s4 =	sadd.s32 $0x4200, s4;
	s22 =	rddreg [dreg:$0x5]  }
0x52: {  	s5 =	simm.s32 $0x80;
	[sflag:s3] =	ssyncset.done $0x0;
	s23 =	rddreg [dreg:$0x7]  }
0x53: {  	s6 =	simm.s32 $0x1400;
	s24 =	rddreg [dreg:$0x12];
	[sflag:s3] =	ssyncadd.s32 $0xFFFFEC00  }
0x54: {  	[tilespmem:s6], [sflag:$0x1] =	stream.indirect.gather [hbm4b:s4+s5], $0x10, s2, s5, $0xb8;
	[tilespmem:$0x15400] =	vst v63  }
0x55: {  	s25 =	rddreg [dreg:$0x14]  }
0x56: {  	[tilespmem:s22], [sflag:$0x1] =	stream.indirect.gather [hbm4b:s4+s5], $0x10, s5, s5, $0xb8;
	[tilespmem:$0x15400] =	vst v63  }
0x57: {  	s26 =	rddreg [dreg:$0x17]  }
0x58: {  	[tilespmem:s23], [sflag:$0x1] =	stream.indirect.gather [hbm4b:s4+s5], $0x10, s20, s5, $0xb8;
	[tilespmem:$0x15400] =	vst v63  }
0x59: {  	s28 =	rddreg [dreg:$0x16]  }
0x5a: {  	[tilespmem:s21], [sflag:$0x1] =	stream.indirect.gather [hbm4b:s4+s5], $0x10, s15, s5, $0xb8;
	[tilespmem:$0x15400] =	vst v63  }
0x5b: {  	s29 =	rddreg [dreg:$0x18]  }
0x5c: {  	[tilespmem:s13], [sflag:$0x1] =	stream.indirect.gather [hbm4b:s4+s5], $0x10, s19, s5, $0xb8;
	[tilespmem:$0x15400] =	vst v63  }
0x5d: {  	s22 =	rddreg [dreg:$0x10]  }
0x5e: {  	[tilespmem:s18], [sflag:$0x1] =	stream.indirect.gather [hbm4b:s4+s5], $0x10, s11, s5, $0xb8;
	[tilespmem:$0x15400] =	vst v63  }
0x5f: {  	s15 =	sld [smem:$0x7EA]  }
0x60: {  	[tilespmem:s9], [sflag:$0x1] =	stream.indirect.gather [hbm4b:s4+s5], $0x10, s7, s5, $0xb8;
	[tilespmem:$0x15400] =	vst v63  }
0x61: {  	s19 =	rddreg [dreg:$0x1a]  }
0x62: {  	[tilespmem:s17], [sflag:$0x1] =	stream.indirect.gather [hbm4b:s4+s5], $0x10, s22, s5, $0xb8;
	[tilespmem:$0x15400] =	vst v63  }
0x63: {  	s18 =	rddreg [dreg:$0x1b]  }
0x64: {  	[tilespmem:s0], [sflag:$0x1] =	stream.indirect.gather [hbm4b:s4+s5], $0x10, s24, s5, $0xb8;
	[tilespmem:$0x15400] =	vst v63  }
0x65: {  	s11 =	sld [smem:$0x7E7]  }
0x66: {  	[tilespmem:s16], [sflag:$0x1] =	stream.indirect.gather [hbm4b:s4+s5], $0x10, s25, s5, $0xb8;
	[tilespmem:$0x15400] =	vst v63  }
0x67: {  	s22 =	rddreg [dreg:$0x1c]  }
0x68: {  	[tilespmem:s26], [sflag:$0x1] =	stream.indirect.gather [hbm4b:s4+s5], $0x10, s28, s5, $0xb8;
	[tilespmem:$0x15400] =	vst v63  }
0x69: {  	s24 =	rddreg [dreg:$0x1f]  }
0x6a: {  	[tilespmem:s14], [sflag:$0x1] =	stream.indirect.gather [hbm4b:s4+s5], $0x10, s29, s5, $0xb8;
	[tilespmem:$0x15400] =	vst v63  }
0x6b: {  	s25 =	rddreg [dreg:$0x1e]  }
0x6c: {  	[tilespmem:s18], [sflag:$0x1] =	stream.indirect.gather [hbm4b:s4+s5], $0x10, s19, s5, $0xb8;
	[tilespmem:$0x15400] =	vst v63  }
0x6d: {  	s26 =	sld [smem:$0x7E4]  }
0x6e: {  	[tilespmem:s12], [sflag:$0x1] =	stream.indirect.gather [hbm4b:s4+s5], $0x10, s22, s5, $0xb8;
	[tilespmem:$0x15400] =	vst v63  }
0x6f: {  	s28 =	sld [smem:$0x7E5]  }
0x70: {  	[tilespmem:s24], [sflag:$0x1] =	stream.indirect.gather [hbm4b:s4+s5], $0x10, s25, s5, $0xb8;
	[tilespmem:$0x15400] =	vst v63  }
0x71: {  	s29 =	sld [smem:$0x7E6]  }
0x72: {  	[tilespmem:s10], [sflag:$0x1] =	stream.indirect.gather [hbm4b:s4+s5], $0x10, s26, s5, $0xb8;
	[tilespmem:$0x15400] =	vst v63  }
0x73: {  	s14 =	sld [smem:$0x7E9]  }
0x74: {  	[tilespmem:s28], [sflag:$0x1] =	stream.indirect.gather [hbm4b:s4+s5], $0x10, s29, s5, $0xb8;
	[tilespmem:$0x15400] =	vst v63  }
0x75: {  	s12 =	sld [smem:$0x7E8]  }
0x76: {  	[tilespmem:s8], [sflag:$0x1] =	stream.indirect.gather [hbm4b:s4+s5], $0x10, s11, s5, $0xb8;
	[tilespmem:$0x15400] =	vst v63  }
0x77: {  	s16 =	sld [smem:$0x7EB]  }
0x78: {  	[tilespmem:s12], [sflag:$0x1] =	stream.indirect.gather [hbm4b:s4+s5], $0x10, s14, s5, $0xb8;
	[tilespmem:$0x15400] =	vst v63  }
0x79: {  	s7 =	simm.s32 $0x1  }
0x7a: {  	[tilespmem:s16], [sflag:$0x1] =	stream.indirect.gather [hbm4b:s4+s5], $0x10, s15, s5, $0xb8;
	[tilespmem:$0x15400] =	vst v63  }
0x7b: {  	_ =	swait.ge [sflag:s7], $0xA000  }
0x7c: {  	s17 =	sld [smem:$0x7EC]  }
0x7d: {  	s9 =	sld [smem:$0x7ED]  }
0x7e: {  	s10 =	sld [smem:$0x7EE]  }
0x7f: {  	s19 =	sld [smem:$0x7EF]  }
0x80: {  	s20 =	sld [smem:$0x7F0]  }
0x81: {  	s21 =	sld [smem:$0x7F1]  }
0x82: {  	s22 =	sld [smem:$0x7F2]  }
0x83: {  	s23 =	rddreg [dreg:$0x3]  }
0x84: {  	[sflag:s7] =	ssyncset.done $0x0;
	s24 =	sld [smem:$0x7F3]  }
0x85: {  	s18 =	sld [smem:$0x7F4];
	[sflag:s7] =	ssyncadd.s32 $0xFFFF6000  }
0x86: {  	[hbm4b:s23+s2] =	stream.linear.scatter [tilespmem:s6], [sflag:$0x2], $0xA000, $0x38;
	[tilespmem:$0x15400] =	vst v63  }
0x87: {  	s8 =	simm.s32 $0xB400;
	s25 =	sld [smem:$0x7F5]  }
0x88: {  	[tilespmem:s8], [sflag:$0x1] =	stream.indirect.gather [hbm4b:s4+s5], $0x10, s22, s5, $0xb8;
	[tilespmem:$0x15400] =	vst v63  }
0x89: {  	s26 =	sld [smem:$0x7F6]  }
0x8a: {  	[tilespmem:s20], [sflag:$0x1] =	stream.indirect.gather [hbm4b:s4+s5], $0x10, s21, s5, $0xb8;
	[tilespmem:$0x15400] =	vst v63  }
0x8b: {  	s29 =	sld [smem:$0x7F7]  }
0x8c: {  	[tilespmem:s19], [sflag:$0x1] =	stream.indirect.gather [hbm4b:s4+s5], $0x10, s17, s5, $0xb8;
	[tilespmem:$0x15400] =	vst v63  }
0x8d: {  	s17 =	sld [smem:$0x7F8]  }
0x8e: {  	[tilespmem:s26], [sflag:$0x1] =	stream.indirect.gather [hbm4b:s4+s5], $0x10, s29, s5, $0xb8;
	[tilespmem:$0x15400] =	vst v63  }
0x8f: {  	s20 =	sld [smem:$0x7F9]  }
0x90: {  	[tilespmem:s24], [sflag:$0x1] =	stream.indirect.gather [hbm4b:s4+s5], $0x10, s17, s5, $0xb8;
	[tilespmem:$0x15400] =	vst v63  }
0x91: {  	s1 =	ssub.s32 $0x2, s1;
	s23 =	sld [smem:$0x7FA]  }
0x92: {  	[tilespmem:s25], [sflag:$0x1] =	stream.indirect.gather [hbm4b:s4+s5], $0x10, s20, s5, $0xb8;
	[tilespmem:$0x15400] =	vst v63  }
0x93: {  	s28 =	sshrl.u32 s1, $0x1;
	s26 =	sld [smem:$0x7FB]  }
0x94: {  	[tilespmem:s9], [sflag:$0x1] =	stream.indirect.gather [hbm4b:s4+s5], $0x10, s23, s5, $0xb8;
	[tilespmem:$0x15400] =	vst v63  }
0x95: {  	s12 =	ssub.s32 s1, s28;
	s28 =	sld [smem:$0x7FC]  }
0x96: {  	[tilespmem:s10], [sflag:$0x1] =	stream.indirect.gather [hbm4b:s4+s5], $0x10, s26, s5, $0xb8;
	[tilespmem:$0x15400] =	vst v63  }
0x97: {  	s0 =	smax.u32 s12, $0x1;
	s29 =	sld [smem:$0x7FD]  }
0x98: {  	[tilespmem:s18], [sflag:$0x1] =	stream.indirect.gather [hbm4b:s4+s5], $0x10, s28, s5, $0xb8;
	[tilespmem:$0x15400] =	vst v63  }
0x99: {  	p0 =	sne.s32 s0, $0x1;
	s19 =	simm.s32 $0xFC00  }
0x9a: {  	[tilespmem:s19], [sflag:$0x1] =	stream.indirect.gather [hbm4b:s4+s5], $0x10, s29, s5, $0xb8;
	[tilespmem:$0x15400] =	vst v63  }
.Ltmp0:
0x9b: {  	s30 =	simm.s32 $0xF80;
	s31 =	simm.s32 $0x10C00;
	(pc) =	sbr.rel @!p0 .LBB2_2-.Ltmp0, $4  }
0x9c: {  	s1 =	sadd.s32 $0xFFFFFFFF, s0;
	s22 =	simm.s32 $0x10400;
	s21 =	simm.s32 $0xF00  }
0x9d: {  	[tilespmem:s22], [sflag:$0x1] =	stream.indirect.gather [hbm4b:s4+s5], $0x10, s21, s5, $0xb8;
	[tilespmem:$0x15400] =	vst v63  }
0x9e: {  	s24 =	simm.s32 $0xF80;
	s25 =	simm.s32 $0x10C00;
	s21 =	simm.s32 $0x2  }
0x9f: {  	[tilespmem:s25], [sflag:$0x1] =	stream.indirect.gather [hbm4b:s4+s5], $0x10, s24, s5, $0xb8;
	[tilespmem:$0x15400] =	vst v63  }
.LBB2_1:
0xa0: {  	s0 =	simm.s32 $0x1000;
	s9 =	simm.s32 $0x11400  }
0xa1: {  	[tilespmem:s9], [sflag:$0x1] =	stream.indirect.gather [hbm4b:s4+s5], $0x10, s0, s5, $0xb8;
	[tilespmem:$0x15400] =	vst v63  }
0xa2: {  	s28 =	simm.s32 $0x1080;
	s29 =	simm.s32 $0x11C00  }
0xa3: {  	[tilespmem:s29], [sflag:$0x1] =	stream.indirect.gather [hbm4b:s4+s5], $0x10, s28, s5, $0xb8;
	[tilespmem:$0x15400] =	vst v63  }
0xa4: {  	s10 =	simm.s32 $0x12400;
	s9 =	simm.s32 $0x1100  }
0xa5: {  	[tilespmem:s10], [sflag:$0x1] =	stream.indirect.gather [hbm4b:s4+s5], $0x10, s9, s5, $0xb8;
	[tilespmem:$0x15400] =	vst v63  }
0xa6: {  	s11 =	simm.s32 $0x1180;
	s12 =	simm.s32 $0x12C00  }
0xa7: {  	[tilespmem:s12], [sflag:$0x1] =	stream.indirect.gather [hbm4b:s4+s5], $0x10, s11, s5, $0xb8;
	[tilespmem:$0x15400] =	vst v63  }
0xa8: {  	s13 =	simm.s32 $0x1200;
	s14 =	simm.s32 $0x13400  }
0xa9: {  	[tilespmem:s14], [sflag:$0x1] =	stream.indirect.gather [hbm4b:s4+s5], $0x10, s13, s5, $0xb8;
	[tilespmem:$0x15400] =	vst v63  }
0xaa: {  	s15 =	simm.s32 $0x1280;
	s16 =	simm.s32 $0x13C00  }
0xab: {  	[tilespmem:s16], [sflag:$0x1] =	stream.indirect.gather [hbm4b:s4+s5], $0x10, s15, s5, $0xb8;
	[tilespmem:$0x15400] =	vst v63  }
0xac: {  	s17 =	simm.s32 $0x1300;
	s18 =	simm.s32 $0x14400  }
0xad: {  	[tilespmem:s18], [sflag:$0x1] =	stream.indirect.gather [hbm4b:s4+s5], $0x10, s17, s5, $0xb8;
	[tilespmem:$0x15400] =	vst v63  }
0xae: {  	s19 =	simm.s32 $0x1380;
	s20 =	simm.s32 $0x14C00  }
0xaf: {  	[tilespmem:s20], [sflag:$0x1] =	stream.indirect.gather [hbm4b:s4+s5], $0x10, s19, s5, $0xb8;
	[tilespmem:$0x15400] =	vst v63  }
0xb0: {  	_ =	swait.ge [sflag:s7], $0xA000  }
0xb1: {  	[sflag:s7] =	ssyncset.done $0x0  }
0xb2: {  	s22 =	rddreg [dreg:$0x4];
	[sflag:s7] =	ssyncadd.s32 $0xFFFF6000  }
0xb3: {  	[hbm4b:s22+s2] =	stream.linear.scatter [tilespmem:s8], [sflag:$0x2], $0xA000, $0x38;
	[tilespmem:$0x15400] =	vst v63  }
0xb4: {  	_ =	swait.ge [sflag:s21], $0xA000  }
0xb5: {  	[sflag:s21] =	ssyncset.done $0x0  }
0xb6: {  	[sflag:s21] =	ssyncadd.s32 $0xFFFF6000  }
0xb7: {  	_ =	swait.ge [sflag:s21], $0xA000  }
0xb8: {  	[sflag:s21] =	ssyncset.done $0x0  }
0xb9: {  	s23 =	rddreg [dreg:$0x2];
	[sflag:s21] =	ssyncadd.s32 $0xFFFF6000  }
0xba: {  	[tilespmem:s2], [sflag:$0x3] =	stream.linear.gather [hbm4b:s23+s2], $0x1400, $0x38;
	[tilespmem:$0x15400] =	vst v63  }
0xbb: {  	_ =	swait.ge [sflag:s3], $0x1400  }
0xbc: {  	s11 =	rddreg [dreg:$0x13]  }
0xbd: {  	s13 =	rddreg [dreg:$0xe]  }
0xbe: {  	s0 =	sld [smem:$0x7E2]  }
0xbf: {  	s14 =	rddreg [dreg:$0xf]  }
0xc0: {  	s9 =	sld [smem:$0x7E3]  }
0xc1: {  	s15 =	rddreg [dreg:$0xc]  }
0xc2: {  	s10 =	rddreg [dreg:$0x1d]  }
0xc3: {  	s16 =	rddreg [dreg:$0xb]  }
0xc4: {  	s12 =	rddreg [dreg:$0x19]  }
0xc5: {  	s17 =	rddreg [dreg:$0x8]  }
0xc6: {  	s18 =	rddreg [dreg:$0x15]  }
0xc7: {  	s19 =	rddreg [dreg:$0x11]  }
0xc8: {  	s20 =	rddreg [dreg:$0xd]  }
0xc9: {  	s22 =	rddreg [dreg:$0xa]  }
0xca: {  	s23 =	rddreg [dreg:$0x6]  }
0xcb: {  	s24 =	rddreg [dreg:$0x9]  }
0xcc: {  	s25 =	rddreg [dreg:$0x5]  }
0xcd: {  	[sflag:s3] =	ssyncset.done $0x0;
	s26 =	rddreg [dreg:$0x7]  }
0xce: {  	s28 =	rddreg [dreg:$0x10];
	[sflag:s3] =	ssyncadd.s32 $0xFFFFEC00  }
0xcf: {  	[tilespmem:s6], [sflag:$0x1] =	stream.indirect.gather [hbm4b:s4+s5], $0x10, s2, s5, $0xb8;
	[tilespmem:$0x15400] =	vst v63  }
0xd0: {  	s29 =	rddreg [dreg:$0x12]  }
0xd1: {  	[tilespmem:s25], [sflag:$0x1] =	stream.indirect.gather [hbm4b:s4+s5], $0x10, s5, s5, $0xb8;
	[tilespmem:$0x15400] =	vst v63  }
0xd2: {  	s25 =	rddreg [dreg:$0x14]  }
0xd3: {  	[tilespmem:s26], [sflag:$0x1] =	stream.indirect.gather [hbm4b:s4+s5], $0x10, s23, s5, $0xb8;
	[tilespmem:$0x15400] =	vst v63  }
0xd4: {  	s23 =	rddreg [dreg:$0x17]  }
0xd5: {  	[tilespmem:s24], [sflag:$0x1] =	stream.indirect.gather [hbm4b:s4+s5], $0x10, s17, s5, $0xb8;
	[tilespmem:$0x15400] =	vst v63  }
0xd6: {  	s26 =	rddreg [dreg:$0x1b]  }
0xd7: {  	[tilespmem:s16], [sflag:$0x1] =	stream.indirect.gather [hbm4b:s4+s5], $0x10, s22, s5, $0xb8;
	[tilespmem:$0x15400] =	vst v63  }
0xd8: {  	s24 =	rddreg [dreg:$0x16]  }
0xd9: {  	[tilespmem:s20], [sflag:$0x1] =	stream.indirect.gather [hbm4b:s4+s5], $0x10, s15, s5, $0xb8;
	[tilespmem:$0x15400] =	vst v63  }
0xda: {  	s16 =	rddreg [dreg:$0x18]  }
0xdb: {  	[tilespmem:s14], [sflag:$0x1] =	stream.indirect.gather [hbm4b:s4+s5], $0x10, s13, s5, $0xb8;
	[tilespmem:$0x15400] =	vst v63  }
0xdc: {  	s22 =	rddreg [dreg:$0x1e]  }
0xdd: {  	[tilespmem:s19], [sflag:$0x1] =	stream.indirect.gather [hbm4b:s4+s5], $0x10, s28, s5, $0xb8;
	[tilespmem:$0x15400] =	vst v63  }
0xde: {  	s20 =	rddreg [dreg:$0x1f]  }
0xdf: {  	[tilespmem:s11], [sflag:$0x1] =	stream.indirect.gather [hbm4b:s4+s5], $0x10, s29, s5, $0xb8;
	[tilespmem:$0x15400] =	vst v63  }
0xe0: {  	s15 =	sld [smem:$0x7EA]  }
0xe1: {  	[tilespmem:s18], [sflag:$0x1] =	stream.indirect.gather [hbm4b:s4+s5], $0x10, s25, s5, $0xb8;
	[tilespmem:$0x15400] =	vst v63  }
0xe2: {  	s14 =	rddreg [dreg:$0x1a]  }
0xe3: {  	[tilespmem:s23], [sflag:$0x1] =	stream.indirect.gather [hbm4b:s4+s5], $0x10, s24, s5, $0xb8;
	[tilespmem:$0x15400] =	vst v63  }
0xe4: {  	s19 =	rddreg [dreg:$0x1c]  }
0xe5: {  	[tilespmem:s12], [sflag:$0x1] =	stream.indirect.gather [hbm4b:s4+s5], $0x10, s16, s5, $0xb8;
	[tilespmem:$0x15400] =	vst v63  }
0xe6: {  	s28 =	sld [smem:$0x7E7]  }
0xe7: {  	[tilespmem:s26], [sflag:$0x1] =	stream.indirect.gather [hbm4b:s4+s5], $0x10, s14, s5, $0xb8;
	[tilespmem:$0x15400] =	vst v63  }
0xe8: {  	s25 =	sld [smem:$0x7E5]  }
0xe9: {  	[tilespmem:s10], [sflag:$0x1] =	stream.indirect.gather [hbm4b:s4+s5], $0x10, s19, s5, $0xb8;
	[tilespmem:$0x15400] =	vst v63  }
0xea: {  	s24 =	sld [smem:$0x7E4]  }
0xeb: {  	[tilespmem:s20], [sflag:$0x1] =	stream.indirect.gather [hbm4b:s4+s5], $0x10, s22, s5, $0xb8;
	[tilespmem:$0x15400] =	vst v63  }
0xec: {  	s26 =	sld [smem:$0x7E6]  }
0xed: {  	[tilespmem:s9], [sflag:$0x1] =	stream.indirect.gather [hbm4b:s4+s5], $0x10, s24, s5, $0xb8;
	[tilespmem:$0x15400] =	vst v63  }
0xee: {  	s29 =	sld [smem:$0x7E8]  }
0xef: {  	[tilespmem:s25], [sflag:$0x1] =	stream.indirect.gather [hbm4b:s4+s5], $0x10, s26, s5, $0xb8;
	[tilespmem:$0x15400] =	vst v63  }
0xf0: {  	s14 =	sld [smem:$0x7E9]  }
0xf1: {  	[tilespmem:s0], [sflag:$0x1] =	stream.indirect.gather [hbm4b:s4+s5], $0x10, s28, s5, $0xb8;
	[tilespmem:$0x15400] =	vst v63  }
0xf2: {  	s16 =	sld [smem:$0x7EB]  }
0xf3: {  	[tilespmem:s29], [sflag:$0x1] =	stream.indirect.gather [hbm4b:s4+s5], $0x10, s14, s5, $0xb8;
	[tilespmem:$0x15400] =	vst v63  }
0xf4: {  	_ = 	snop  }
0xf5: {  	[tilespmem:s16], [sflag:$0x1] =	stream.indirect.gather [hbm4b:s4+s5], $0x10, s15, s5, $0xb8;
	[tilespmem:$0x15400] =	vst v63  }
0xf6: {  	_ =	swait.ge [sflag:s7], $0xA000  }
0xf7: {  	s17 =	sld [smem:$0x7EC]  }
0xf8: {  	s10 =	sld [smem:$0x7ED]  }
0xf9: {  	s11 =	sld [smem:$0x7EE]  }
0xfa: {  	s18 =	sld [smem:$0x7EF]  }
0xfb: {  	s20 =	sld [smem:$0x7F0]  }
0xfc: {  	s22 =	sld [smem:$0x7F1]  }
0xfd: {  	s23 =	sld [smem:$0x7F2]  }
0xfe: {  	s24 =	rddreg [dreg:$0x3]  }
0xff: {  	[sflag:s7] =	ssyncset.done $0x0;
	s25 =	sld [smem:$0x7F3]  }
0x100: {  	s26 =	sld [smem:$0x7F4];
	[sflag:s7] =	ssyncadd.s32 $0xFFFF6000  }
0x101: {  	[hbm4b:s24+s2] =	stream.linear.scatter [tilespmem:s6], [sflag:$0x2], $0xA000, $0x38;
	[tilespmem:$0x15400] =	vst v63  }
0x102: {  	s28 =	sld [smem:$0x7F5]  }
0x103: {  	[tilespmem:s8], [sflag:$0x1] =	stream.indirect.gather [hbm4b:s4+s5], $0x10, s23, s5, $0xb8;
	[tilespmem:$0x15400] =	vst v63  }
0x104: {  	s29 =	sld [smem:$0x7F6]  }
0x105: {  	[tilespmem:s20], [sflag:$0x1] =	stream.indirect.gather [hbm4b:s4+s5], $0x10, s22, s5, $0xb8;
	[tilespmem:$0x15400] =	vst v63  }
0x106: {  	s19 =	sld [smem:$0x7F7]  }
0x107: {  	[tilespmem:s18], [sflag:$0x1] =	stream.indirect.gather [hbm4b:s4+s5], $0x10, s17, s5, $0xb8;
	[tilespmem:$0x15400] =	vst v63  }
0x108: {  	s20 =	sld [smem:$0x7F8]  }
0x109: {  	[tilespmem:s29], [sflag:$0x1] =	stream.indirect.gather [hbm4b:s4+s5], $0x10, s19, s5, $0xb8;
	[tilespmem:$0x15400] =	vst v63  }
0x10a: {  	s22 =	sld [smem:$0x7F9]  }
0x10b: {  	[tilespmem:s25], [sflag:$0x1] =	stream.indirect.gather [hbm4b:s4+s5], $0x10, s20, s5, $0xb8;
	[tilespmem:$0x15400] =	vst v63  }
0x10c: {  	s23 =	sld [smem:$0x7FA]  }
0x10d: {  	[tilespmem:s28], [sflag:$0x1] =	stream.indirect.gather [hbm4b:s4+s5], $0x10, s22, s5, $0xb8;
	[tilespmem:$0x15400] =	vst v63  }
0x10e: {  	s24 =	sld [smem:$0x7FB]  }
0x10f: {  	[tilespmem:s10], [sflag:$0x1] =	stream.indirect.gather [hbm4b:s4+s5], $0x10, s23, s5, $0xb8;
	[tilespmem:$0x15400] =	vst v63  }
0x110: {  	s25 =	sld [smem:$0x7FC]  }
0x111: {  	[tilespmem:s11], [sflag:$0x1] =	stream.indirect.gather [hbm4b:s4+s5], $0x10, s24, s5, $0xb8;
	[tilespmem:$0x15400] =	vst v63  }
0x112: {  	s0 =	sld [smem:$0x7FD]  }
0x113: {  	[tilespmem:s26], [sflag:$0x1] =	stream.indirect.gather [hbm4b:s4+s5], $0x10, s25, s5, $0xb8;
	[tilespmem:$0x15400] =	vst v63  }
0x114: {  	p0 =	sne.s32 s1, $0x1;
	s26 =	simm.s32 $0xFC00  }
0x115: {  	[tilespmem:s26], [sflag:$0x1] =	stream.indirect.gather [hbm4b:s4+s5], $0x10, s0, s5, $0xb8;
	[tilespmem:$0x15400] =	vst v63  }
.Ltmp1:
0x116: {  	_ = 	snop;
	(pc) =	sbr.rel @p0 .LBB2_1-.Ltmp1, $4  }
0x117: {  	s29 =	simm.s32 $0x10400;
	s28 =	simm.s32 $0xF00  }
0x118: {  	[tilespmem:s29], [sflag:$0x1] =	stream.indirect.gather [hbm4b:s4+s5], $0x10, s28, s5, $0xb8;
	[tilespmem:$0x15400] =	vst v63  }
0x119: {  	s1 =	sadd.s32 $0xFFFFFFFF, s1  }
0x11a: {  	[tilespmem:s31], [sflag:$0x1] =	stream.indirect.gather [hbm4b:s4+s5], $0x10, s30, s5, $0xb8;
	[tilespmem:$0x15400] =	vst v63  }
.LBB2_2:
0x11b: {  	s0 =	simm.s32 $0x1000;
	s1 =	simm.s32 $0x11400  }
0x11c: {  	[tilespmem:s1], [sflag:$0x1] =	stream.indirect.gather [hbm4b:s4+s5], $0x10, s0, s5, $0xb8;
	[tilespmem:$0x15400] =	vst v63  }
0x11d: {  	s14 =	simm.s32 $0x1080;
	s15 =	simm.s32 $0x11C00  }
0x11e: {  	[tilespmem:s15], [sflag:$0x1] =	stream.indirect.gather [hbm4b:s4+s5], $0x10, s14, s5, $0xb8;
	[tilespmem:$0x15400] =	vst v63  }
0x11f: {  	s16 =	simm.s32 $0x1100;
	s17 =	simm.s32 $0x12400  }
0x120: {  	[tilespmem:s17], [sflag:$0x1] =	stream.indirect.gather [hbm4b:s4+s5], $0x10, s16, s5, $0xb8;
	[tilespmem:$0x15400] =	vst v63  }
0x121: {  	s18 =	simm.s32 $0x1180;
	s19 =	simm.s32 $0x12C00  }
0x122: {  	[tilespmem:s19], [sflag:$0x1] =	stream.indirect.gather [hbm4b:s4+s5], $0x10, s18, s5, $0xb8;
	[tilespmem:$0x15400] =	vst v63  }
0x123: {  	s20 =	simm.s32 $0x1200;
	s22 =	simm.s32 $0x13400  }
0x124: {  	[tilespmem:s22], [sflag:$0x1] =	stream.indirect.gather [hbm4b:s4+s5], $0x10, s20, s5, $0xb8;
	[tilespmem:$0x15400] =	vst v63  }
0x125: {  	s23 =	simm.s32 $0x1280;
	s24 =	simm.s32 $0x13C00  }
0x126: {  	[tilespmem:s24], [sflag:$0x1] =	stream.indirect.gather [hbm4b:s4+s5], $0x10, s23, s5, $0xb8;
	[tilespmem:$0x15400] =	vst v63  }
0x127: {  	s25 =	simm.s32 $0x1300;
	s26 =	simm.s32 $0x14400  }
0x128: {  	[tilespmem:s26], [sflag:$0x1] =	stream.indirect.gather [hbm4b:s4+s5], $0x10, s25, s5, $0xb8;
	[tilespmem:$0x15400] =	vst v63  }
0x129: {  	s28 =	simm.s32 $0x1380;
	s29 =	simm.s32 $0x14C00  }
0x12a: {  	[tilespmem:s29], [sflag:$0x1] =	stream.indirect.gather [hbm4b:s4+s5], $0x10, s28, s5, $0xb8;
	[tilespmem:$0x15400] =	vst v63  }
0x12b: {  	_ =	swait.ge [sflag:s7], $0xA000  }
0x12c: {  	[sflag:s7] =	ssyncset.done $0x0  }
0x12d: {  	s30 =	rddreg [dreg:$0x4];
	[sflag:s7] =	ssyncadd.s32 $0xFFFF6000  }
0x12e: {  	[hbm4b:s30+s2] =	stream.linear.scatter [tilespmem:s8], [sflag:$0x2], $0xA000, $0x38;
	[tilespmem:$0x15400] =	vst v63  }
0x12f: {  	_ =	swait.ge [sflag:s21], $0xA000  }
0x130: {  	[sflag:s21] =	ssyncset.done $0x0  }
0x131: {  	[sflag:s21] =	ssyncadd.s32 $0xFFFF6000  }
0x132: {  	_ =	swait.ge [sflag:s21], $0xA000  }
0x133: {  	[sflag:s21] =	ssyncset.done $0x0  }
0x134: {  	[sflag:s21] =	ssyncadd.s32 $0xFFFF6000  }
0x135: {  	_ =	sfence.sel $0x180000  }
0x136: {  	[bflag:$0x0] =	sbarrier.arrive $0xFFFF  }
0x137: {  	_ =	strace $0x90000047  }
0x138: {  	s31 =	stileid.u32;
	[bflag:$0x2] =	sbarrier.arrive $0xFFFF  }
0x139: {  	p0 =	sne.s32 s31, $0x0;
	s0 =	rddreg [dreg:$0x1]  }
0x13a: {  	s0 =	sadd.s32 @!p0 $0x100000, s0  }
0x13b: {  	[sflag:s0] =	ssyncadd.tile.s32 @!p0 $0x1;
	_ =	shalt  }
.Lfunc_end2:
_tile_overlayer_lowered:
.L_overlay_start_2:
0x13c: {  	(tag) =	ssettag $0x2  }
0x13d: {  	s0 =	rddreg [dreg:$0x0];
	s2 =	stileid.u32  }
0x13e: {  	s1 =	rddreg [dreg:$0x1];
	p0 =	sne.s32 s2, $0x0  }
0x13f: {  	s3 =	rddreg [dreg:$0x2];
	[bflag:$0x3] =	sbarrier.arrive $0xFFFF;
	s2 =	simm.s32 @!p0 $0x1C03  }
0x140: {  	[timem:s3], [sflag:s2] =	dma.local @!p0 [hbm:s0], s1  }
0x141: {  	s0 =	simm.s32 @!p0 $0x3  }
0x142: {  	_ =	swait.ge @!p0 [sflag:s0], s1  }
0x143: {  	s1 =	ssub.s32 @!p0 $0x0, s1;
	[sflag:s0] =	ssyncset.done @!p0 $0x0  }
0x144: {  	[sflag:s0] =	ssyncadd.s32 @!p0 s1  }
0x145: {  	[bflag:$0x3] =	sbarrier.arrive $0xFFFF  }
0x146: {  	_ =	shalt  }

// kernel: kernel.17.cloned.1.call-start
scs
__scs_entry_jumppad:
0x0: {  	(pc) =	sbr.rel $0x88, $3  }
0x1: {  	(tag) =	ssettag $0x0;
	lr =	simm.s32 $0x1  }
0x2: {  	[smem:$0x3F87] =	sst lr;
	_ =	strace $0xD0000000  }
0x3: {  	_ = 	snop  }
0x4: {  	_ = 	snop  }
0x5: {  	_ = 	snop  }
0x6: {  	_ = 	snop  }
0x7: {  	_ = 	snop  }
__scs_overlays_trampoline_lowered:
0x8: {  	[smem:$0x3F96] =	sst s0  }
0x9: {  	[smem:$0x3F97] =	sst s1  }
0xa: {  	[smem:$0x3F98] =	sst s2  }
0xb: {  	[smem:$0x3F99] =	sst s3  }
0xc: {  	[smem:$0x3F9A] =	sst s4  }
0xd: {  	[smem:$0x3F9B] =	sst s5  }
0xe: {  	[smem:$0x3F9C] =	sst s6  }
0xf: {  	[smem:$0x3F9D] =	sst s7  }
0x10: {  	[smem:$0x3F9E] =	sst s8  }
0x11: {  	[smem:$0x3F9F] =	sst s9;
	s0 =	simm.s32 @!p0 $0x0  }
0x12: {  	s1 =	sld [smem:$0x3F85];
	s0 =	simm.s32 @p0 $0x1  }
0x13: {  	[smem:$0x3FA0] =	sst s0;
	s0 =	simm.s32 @!p1 $0x0  }
0x14: {  	s2 =	sld [smem:$0x3F84];
	s0 =	simm.s32 @p1 $0x1  }
0x15: {  	[smem:$0x3FA1] =	sst s0;
	s0 =	simm.s32 @!p2 $0x0  }
0x16: {  	s3 =	sld [smem:$0x3FDB];
	s0 =	simm.s32 @p2 $0x1  }
0x17: {  	s4 =	simm.s32 $0x1BF5;
	[smem:$0x3FA3] =	sst s0  }
0x18: {  	s0 =	sld [smem:$0x3F86];
	_ =	swait.ge [sflag:s4], $0x0  }
0x19: {  	s7 =	sld [smem:$0x3F87]  }
0x1a: {  	s8 =	sadd.s32 $0xFFFFE003, lr  }
0x1b: {  	s9 =	sadd.s32 $0xFFFFFEF7, lr;
	s5 =	simm.s32 $0xFFFFFFFF;
	p2 =	slt.u32 s8, $0xFFFFF086  }
0x1c: {  	p1 =	slt.u32 s9, $0xF7A;
	s5 =	simm.s32 @!p2 $0x0  }
0x1d: {  	s5 =	simm.s32 @p1 $0x1;
	p0 =	seq.s32 s7, s2  }
0x1e: {  	s7 =	smul.u32 @!p0 $0xF7A, s2;
	p2 =	seq.s32 @!p0 s5, $0x0  }
0x1f: {  	s9 =	smul.u32 $0xF7A, s1;
	s8 =	simm.s32 @!p0 $0x1BF5;
	p2 =	por !p2, p0  }
0x20: {  	[sflag:s8] =	ssyncset.s32 @!p0 $0xFFFFF086;
	s6 =	sadd.s32 @!p0 s3, s7;
	s7 =	simm.s32 @!p0 $0x108  }
0x21: {  	s3 =	sadd.s32 s3, s9;
	s6 =	sadd.s32 @!p0 $0x88, s6;
	s7 =	simm.s32 @p2 $0x1082  }
0x22: {  	[simem:s7], [sflag:s8] =	dma.local @!p0 [hbm:s6], $0xF7A  }
0x23: {  	s9 =	sor.u32 $0xD0000000, s2;
	s6 =	simm.s32 $0x108;
	_ =	swait.ge @!p0 [sflag:s8], $0x0  }
0x24: {  	s3 =	sadd.s32 $0x88, s3;
	s6 =	simm.s32 @!p1 $0x1082;
	[sflag:s4] =	ssyncset.s32 $0xFFFFF086  }
0x25: {  	[simem:s6], [sflag:s4] =	dma.local [hbm:s3], $0xF7A  }
0x26: {  	[smem:$0x3F87] =	sst s1;
	(tag) =	ssettag s2;
	_ =	strace s9  }
0x27: {  	s1 =	sld [smem:$0x3F97]  }
0x28: {  	s2 =	sld [smem:$0x3F98]  }
0x29: {  	s4 =	sld [smem:$0x3F9A]  }
0x2a: {  	p0 =	seq.s32 s5, $0x0;
	s5 =	sld [smem:$0x3F9B]  }
0x2b: {  	s6 =	sld [smem:$0x3F9C]  }
0x2c: {  	s7 =	sld [smem:$0x3F9D]  }
0x2d: {  	s3 =	simm.s32 $0x108;
	s8 =	sld [smem:$0x3F9E]  }
0x2e: {  	s3 =	simm.s32 @!p0 $0x1082;
	s9 =	sld [smem:$0x3F9F]  }
0x2f: {  	lr =	sadd.s32 s0, s3;
	s0 =	sld [smem:$0x3F96]  }
0x30: {  	s3 =	sld [smem:$0x3F99]  }
0x31: {  	[smem:$0x3FA2] =	sst s10  }
0x32: {  	s10 =	sld [smem:$0x3FA0];
	_ =	sdelay $0x3  }
0x33: {  	p0 =	seq.s32 s10, $0x1;
	s10 =	sld [smem:$0x3FA2];
	_ =	sdelay $0x3  }
0x34: {  	[smem:$0x3FA2] =	sst s10  }
0x35: {  	s10 =	sld [smem:$0x3FA1];
	_ =	sdelay $0x3  }
0x36: {  	p1 =	seq.s32 s10, $0x1;
	s10 =	sld [smem:$0x3FA2];
	_ =	sdelay $0x3  }
0x37: {  	[smem:$0x3FA2] =	sst s10  }
0x38: {  	s10 =	sld [smem:$0x3FA3]  }
0x39: {  	_ = 	snop;
	(pc) =	sbr.ind lr, $3  }
0x3a: {  	_ = 	snop  }
0x3b: {  	_ = 	snop  }
0x3c: {  	p2 =	seq.s32 s10, $0x1;
	s10 =	sld [smem:$0x3FA2]  }
0x3d: {  	_ =	shalt  }
0x3e: {  	_ =	shalt  }
0x3f: {  	_ =	shalt  }
0x40: {  	_ =	shalt  }
0x41: {  	_ =	shalt  }
0x42: {  	_ =	shalt  }
0x43: {  	_ =	shalt  }
0x44: {  	_ =	shalt  }
0x45: {  	_ =	shalt  }
0x46: {  	_ =	shalt  }
0x47: {  	_ =	shalt  }
0x48: {  	_ =	shalt  }
0x49: {  	_ =	shalt  }
0x4a: {  	_ =	shalt  }
0x4b: {  	_ =	shalt  }
0x4c: {  	_ =	shalt  }
0x4d: {  	_ =	shalt  }
0x4e: {  	_ =	shalt  }
0x4f: {  	_ =	shalt  }
0x50: {  	_ =	shalt  }
0x51: {  	_ =	shalt  }
0x52: {  	_ =	shalt  }
0x53: {  	_ =	shalt  }
0x54: {  	_ =	shalt  }
0x55: {  	_ =	shalt  }
0x56: {  	_ =	shalt  }
0x57: {  	_ =	shalt  }
0x58: {  	_ =	shalt  }
0x59: {  	_ =	shalt  }
0x5a: {  	_ =	shalt  }
0x5b: {  	_ =	shalt  }
0x5c: {  	_ =	shalt  }
0x5d: {  	_ =	shalt  }
0x5e: {  	_ =	shalt  }
0x5f: {  	_ =	shalt  }
0x60: {  	_ =	shalt  }
0x61: {  	_ =	shalt  }
0x62: {  	_ =	shalt  }
0x63: {  	_ =	shalt  }
0x64: {  	_ =	shalt  }
0x65: {  	_ =	shalt  }
0x66: {  	_ =	shalt  }
0x67: {  	_ =	shalt  }
0x68: {  	_ =	shalt  }
0x69: {  	_ =	shalt  }
0x6a: {  	_ =	shalt  }
0x6b: {  	_ =	shalt  }
0x6c: {  	_ =	shalt  }
0x6d: {  	_ =	shalt  }
0x6e: {  	_ =	shalt  }
0x6f: {  	_ =	shalt  }
0x70: {  	_ =	shalt  }
0x71: {  	_ =	shalt  }
0x72: {  	_ =	shalt  }
0x73: {  	_ =	shalt  }
0x74: {  	_ =	shalt  }
0x75: {  	_ =	shalt  }
0x76: {  	_ =	shalt  }
0x77: {  	_ =	shalt  }
0x78: {  	_ =	shalt  }
0x79: {  	_ =	shalt  }
0x7a: {  	_ =	shalt  }
0x7b: {  	_ =	shalt  }
0x7c: {  	_ =	shalt  }
0x7d: {  	_ =	shalt  }
0x7e: {  	_ =	shalt  }
0x7f: {  	_ =	shalt  }
0x80: {  	_ =	shalt  }
0x81: {  	_ =	shalt  }
0x82: {  	_ =	shalt  }
0x83: {  	_ =	shalt  }
0x84: {  	_ =	shalt  }
0x85: {  	_ =	shalt  }
0x86: {  	_ =	shalt  }
0x87: {  	_ =	shalt  }
.Lfunc_end0:
.L_simem_size_0:
called_computation.1_lowered:
.L_overlay_start_0:
0x88: {  	s2 =	sld [smem:$0x3FD9]  }
0x89: {  	s3 =	sld [smem:$0x3FFE];
	_ =	sdelay $0x1  }
0x8a: {  	s1 =	srdreg.scid  }
0x8b: {  	s0 =	sand.u32 $0x1, s1  }
0x8c: {  	s16 =	sshll.u32 s0, $0xA;
	s2 =	sadd.s32 s3, s2  }
0x8d: {  	s2 =	sadd.s32 s2, s16  }
0x8e: {  	[smem:$0x3FAE] =	sst s2  }
0x8f: {  	_ = 	snop  }
0x90: {  	(tm) =	ssettm $0x1  }
0x91: {  	s17 =	sld [smem:$0x3FFB];
	_ =	sdelay $0x3  }
0x92: {  	_ =	strace s17  }
0x93: {  	s2 =	sld [smem:$0x3FFC];
	_ =	sdelay $0x3  }
0x94: {  	_ =	strace s2  }
0x95: {  	s2 =	sld [smem:$0x3FFD];
	_ =	sdelay $0x3  }
0x96: {  	_ =	strace s2  }
0x97: {  	_ =	strace $0x8FFFFFFF  }
0x98: {  	s18 =	sld [smem:$0x3FDB];
	_ =	sdelay $0x1  }
0x99: {  	s19 =	simm.s32 $_scs_section_size  }
0x9a: {  	s4 =	simm.s32 $_size__tile_overlayer_lowered;
	s5 =	simm.s32 $_tile_overlayer_lowered  }
0x9b: {  	s22 =	simm.s32 $0x1BFF;
	s21 =	sshll.u32 s5, $0x1;
	s2 =	sadd.s32 s19, s18  }
0x9c: {  	s6 =	simm.s32 $0x0;
	s20 =	sshll.u32 s4, $0x1;
	s4 =	sadd.s32 s21, s2  }
0x9d: {  	[timem:s6], [sflag:s22] =	dma.local [hbm:s4], s20  }
0x9e: {  	_ =	swait.ge [sflag:s22], s20  }
0x9f: {  	s3 =	ssub.s32 $0x0, s20;
	[sflag:s22] =	ssyncset.done $0x0  }
0xa0: {  	[sflag:s22] =	ssyncadd.s32 s3;
	_ =	sdelay $0x1  }
0xa1: {  	s23 =	simm.s32 $0x1B8B  }
0xa2: {  	_ =	swait.ge [sflag:s23], $0x1  }
0xa3: {  	[sflag:s23] =	ssyncset.done $0x0  }
0xa4: {  	s25 =	simm.s32 $0x1B8E;
	s24 =	sld [smem:$0x3FFE];
	[sflag:s23] =	ssyncadd.s32 $0xFFFFFFFF  }
0xa5: {  	s26 =	simm.s32 $execute0_lowered;
	[smem:$0x3FD2] =	sst s25  }
0xa6: {  	s4 =	sshll.u32 s26, $0x1;
	_ =	strace $0x80000049;
	[dreg:$0x1] =	wrdreg $0xFFFFFFFF  }
0xa7: {  	s28 =	simm.s32 $_size_execute0_lowered;
	s2 =	sadd.s32 s2, s4;
	[dreg:$0x0] =	wrdreg $0x0  }
0xa8: {  	s4 =	sshll.u32 s28, $0x1;
	[dreg:$0x2] =	wrdreg s2  }
0xa9: {  	[dreg:$0x3] =	wrdreg s4  }
0xaa: {  	[dreg:$0x4] =	wrdreg $0xC0  }
0xab: {  	_ =	task [dreg:s6], $0x5FFFF  }
0xac: {  	[dreg:$0x1] =	wrdreg $0xFFFFFFFF  }
0xad: {  	[dreg:$0x0] =	wrdreg $0x60  }
0xae: {  	[dreg:$0x2] =	wrdreg s24  }
0xaf: {  	[dreg:$0x3] =	wrdreg $0x154800  }
0xb0: {  	[dreg:$0x4] =	wrdreg $0x17C800  }
0xb1: {  	[dreg:$0x5] =	wrdreg $0x9  }
0xb2: {  	_ =	task.clear_ibuf [dreg:s6], $0x6FFFF;
	_ =	strace $0x90000049  }
0xb3: {  	s29 =	simm.s32 $0x9;
	_ =	strace $0x8000004B  }
0xb4: {  	_ =	swait.ge [sflag:s29], $0x1  }
0xb5: {  	[sflag:s29] =	ssyncadd.s32 $0xFFFFFFFF  }
0xb6: {  	_ =	strace $0x9000004B  }
0xb7: {  	_ =	sfence  }
0xb8: {  	s30 =	sld [smem:$0x0];
	_ =	sdelay $0x2  }
0xb9: {  	s31 =	sshll.u32 s1, $0xD;
	s1 =	sshrl.u32 s1, $0x2  }
0xba: {  	s3 =	sand.u32 $0x4000, s31;
	s1 =	sadd.s32 s1, s30  }
0xbb: {  	s0 =	sor.u32 s3, s0;
	s1 =	sshll.u32 s1, $0x11  }
0xbc: {  	s0 =	sor.u32 s1, s0  }
0xbd: {  	s0 =	sadd.s32 $0x8F2B, s0  }
0xbe: {  	[sflag:s0] =	ssyncadd.remote.s32 $0x1  }
0xbf: {  	_ =	sfence.sel $0xFFFF  }
0xc0: {  	[dreg:$0x0] =	wrdreg $0xFFFFFFFF;
	(pc) =	sbr.abs _section_cstart, $3  }
0xc1: {  	[dreg:$0x1] =	wrdreg $0xFFFFFFFF  }
0xc2: {  	_ =	task.clear_ibuf [dreg:s6], $0x2FFFF;
	_ =	strace $0x9FFFFFFF  }
0xc3: {  	(tm) =	ssettm $0x7FFFFFFF  }
tec
execute0_lowered:
.L_overlay_start_1:
0x0: {  	(tag) =	ssettag $0x1  }
0x1: {  	s6 =	rddreg [dreg:$0x0]  }
0x2: {  	s1 =	srdreg.scid;
	s2 =	rddreg [dreg:$0x1]  }
0x3: {  	s0 =	stileid.u32;
	s3 =	rddreg [dreg:$0x2]  }
0x4: {  	s4 =	simm.s32 $0x0;
	s18 =	simm.s32 $0x15400;
	s9 =	smul.u32 $0x2800, s0  }
0x5: {  	s5 =	sand.u32 $0x1, s1;
	s30 =	sshll.u32 s0, $0x1;
	s10 =	smul.u32 $0x280, s0  }
0x6: {  	s19 =	simm.s32 $0x2;
	s1 =	sor.u32 s5, s30;
	s11 =	smul.u32 $0x2800, s5  }
0x7: {  	s20 =	simm.s32 $0x0;
	[smem:$0x7FF] =	sst s4;
	s7 =	smul.u32 $0x2800, s1  }
0x8: {  	s31 =	sshll.u32 s0, $0x6;
	s5 =	ssub.s32 $0x2, s5;
	s8 =	smul.u32 $0x280, s1  }
0x9: {  	s1 =	rddreg [dreg:$0x3];
	_ =	strace $0x8000004A;
	s12 =	sshrl.u32 s9, $0x3  }
0xa: {  	s13 =	sshrl.u32 s10, $0x3;
	s15 =	sshrl.u32 s5, $0x1;
	s16 =	sadd.s32 s9, s2  }
0xb: {  	s17 =	sadd.s32 s10, s3;
	s12 =	sadd.s32 s12, s6;
	s11 =	sadd.s32 s10, s11  }
0xc: {  	s13 =	sadd.s32 s13, s6;
	s15 =	ssub.s32 s5, s15;
	s7 =	sadd.s32 s7, s6  }
0xd: {  	s8 =	sadd.s32 s8, s6;
	s14 =	sshll.u32 s11, $0x1;
	s11 =	sshrl.u32 s11, $0x3  }
0xe: {  	s14 =	sadd.s32 s14, s6;
	s11 =	sadd.s32 s11, s6;
	s5 =	sadd.s32 $0x2DE200, s8  }
0xf: {  	s6 =	sadd.s32 $0x2E3200, s7;
	s7 =	sadd.s32 $0x4200, s12;
	s8 =	sadd.s32 $0x9200, s13  }
0x10: {  	s12 =	simm.s32 $0x3;
	s13 =	sor.u32 $0x1C03, s31;
	s9 =	sadd.s32 $0x9800, s14  }
0x11: {  	s10 =	sadd.s32 $0x13800, s11;
	s11 =	smax.u32 s15, $0x1;
	s14 =	sshrl.u32 s16, $0x3  }
0x12: {  	v0 =	vimm.f32 $1.000000000e+00;
	s15 =	sshrl.u32 s17, $0x3;
	s16 =	simm.s32 $0x1;
	s17 =	simm.s32 $0x80  }
.LBB2_1:
0x13: {  	[tilespmem:$0x15400] =	vst v0  }
0x14: {  	[tilespmem:$0x15410] =	vst v0  }
0x15: {  	[tilespmem:$0x15420] =	vst v0  }
0x16: {  	[tilespmem:$0x15430] =	vst v0  }
0x17: {  	[tilespmem:$0x15440] =	vst v0  }
0x18: {  	[tilespmem:$0x15450] =	vst v0  }
0x19: {  	[tilespmem:$0x15460] =	vst v0  }
0x1a: {  	[tilespmem:$0x15470] =	vst v0  }
0x1b: {  	[tilespmem:s4], [sflag:$0x3] =	stream.linear.gather [hbm4b:s5+s4], $0x1400, $0x38;
	[tilespmem:$0x17F00] =	vst v63  }
0x1c: {  	_ =	swait.ge [sflag:s12], $0x1400  }
0x1d: {  	[sflag:s12] =	ssyncset.done $0x0  }
0x1e: {  	s21 =	simm.s32 $0x1400;
	[sflag:s12] =	ssyncadd.s32 $0xFFFFEC00  }
0x1f: {  	[tilespmem:s21], [sflag:$0x1] =	stream.linear.gather [hbm4b:s6+s4], $0x14000, $0x38;
	[tilespmem:$0x17F00] =	vst v63  }
0x20: {  	[spmem:s14], [sflag:s13] =	dma.local [hbm:s7], $0x500  }
0x21: {  	_ =	swait.ge [sflag:s12], $0x500  }
0x22: {  	[sflag:s12] =	ssyncset.done $0x0  }
0x23: {  	[sflag:s12] =	ssyncadd.s32 $0xFFFFFB00  }
0x24: {  	[spmem:s15], [sflag:s13] =	dma.local [hbm:s8], $0x50  }
0x25: {  	_ =	swait.ge [sflag:s12], $0x50  }
0x26: {  	[sflag:s12] =	ssyncset.done $0x0  }
0x27: {  	[sflag:s12] =	ssyncadd.s32 $0xFFFFFFB0  }
0x28: {  	[bflag:$0x0] =	sbarrier.arrive $0xFFFF  }
0x29: {  	_ =	swait.ge [sflag:s16], $0x14000  }
0x2a: {  	[sflag:s16] =	ssyncset.done $0x0  }
0x2b: {  	s23 =	simm.s32 $0x0;
	[sflag:s16] =	ssyncadd.s32 $0xFFFEC000  }
0x2c: {  	[spmem:s2] =	stream.indirect.scatter.add.f32 [tilespmem:s21], [sflag:$0x1], $0x10, s23, s17, $0xb8;
	[tilespmem:$0x17F00] =	vst v63  }
0x2d: {  	s22 =	simm.s32 $0x1C00;
	s21 =	simm.s32 $0x200  }
.LBB2_2:
0x2e: {  	[spmem:s3] =	stream.indirect.scatter.add.f32 [tilespmem:s18], [sflag:$0x2], $0x1, s23, s17, $0xb8;
	[tilespmem:$0x17F00] =	vst v63  }
0x2f: {  	s23 =	smov.u32 s21;
	p0 =	sne.s32 s21, $0x4E00  }
.Ltmp0:
0x30: {  	s21 =	sadd.s32 $0x200, s21;
	(pc) =	sbr.rel @p0 .LBB2_2-.Ltmp0, $4  }
0x31: {  	_ = 	snop  }
0x32: {  	s23 =	sshra.s32 s23, $0x2  }
0x33: {  	[spmem:s2] =	stream.indirect.scatter.add.f32 [tilespmem:s22], [sflag:$0x1], $0x10, s23, s17, $0xb8;
	[tilespmem:$0x17F00] =	vst v63  }
0x34: {  	s22 =	sadd.s32 $0x800, s22  }
0x35: {  	[spmem:s3] =	stream.indirect.scatter.add.f32 [tilespmem:s18], [sflag:$0x2], $0x1, s23, s17, $0xb8;
	[tilespmem:$0x17F00] =	vst v63  }
0x36: {  	_ =	swait.ge [sflag:s16], $0x14000  }
0x37: {  	[sflag:s16] =	ssyncset.done $0x0  }
0x38: {  	[sflag:s16] =	ssyncadd.s32 $0xFFFEC000  }
0x39: {  	_ =	swait.ge [sflag:s19], $0x1400  }
0x3a: {  	[sflag:s19] =	ssyncset.done $0x0  }
0x3b: {  	[sflag:s19] =	ssyncadd.s32 $0xFFFFEC00  }
0x3c: {  	[bflag:$0x0] =	sbarrier.arrive $0xFFFF  }
0x3d: {  	[hbm:s9], [sflag:s13] =	dma.local [spmem:s14], $0x500  }
0x3e: {  	s20 =	sadd.s32 $0x1, s20;
	_ =	swait.ge [sflag:s12], $0x500  }
0x3f: {  	p0 =	sne.s32 s20, s11;
	[sflag:s12] =	ssyncset.done $0x0  }
.Ltmp1:
0x40: {  	[sflag:s12] =	ssyncadd.s32 $0xFFFFFB00;
	(pc) =	sbr.rel @p0 .LBB2_1-.Ltmp1, $4  }
0x41: {  	[hbm:s10], [sflag:s13] =	dma.local [spmem:s15], $0x50  }
0x42: {  	_ =	swait.ge [sflag:s12], $0x50  }
0x43: {  	[sflag:s12] =	ssyncset.done $0x0  }
0x44: {  	[sflag:s12] =	ssyncadd.s32 $0xFFFFFFB0  }
0x45: {  	_ =	sfence.sel $0x180000  }
0x46: {  	[bflag:$0x0] =	sbarrier.arrive $0xFFFF  }
0x47: {  	p0 =	sne.s32 s0, $0x0;
	_ =	strace $0x9000004A  }
0x48: {  	s0 =	sadd.s32 @!p0 $0x100000, s1;
	[bflag:$0x2] =	sbarrier.arrive $0xFFFF  }
0x49: {  	[sflag:s0] =	ssyncadd.tile.s32 @!p0 $0x1;
	_ =	shalt  }
.Lfunc_end2:
_tile_overlayer_lowered:
.L_overlay_start_2:
0x4a: {  	(tag) =	ssettag $0x2  }
0x4b: {  	s0 =	rddreg [dreg:$0x0];
	s2 =	stileid.u32  }
0x4c: {  	s1 =	rddreg [dreg:$0x1];
	p0 =	sne.s32 s2, $0x0  }
0x4d: {  	s3 =	rddreg [dreg:$0x2];
	[bflag:$0x3] =	sbarrier.arrive $0xFFFF;
	s2 =	simm.s32 @!p0 $0x1C03  }
0x4e: {  	[timem:s3], [sflag:s2] =	dma.local @!p0 [hbm:s0], s1  }
0x4f: {  	s0 =	simm.s32 @!p0 $0x3  }
0x50: {  	_ =	swait.ge @!p0 [sflag:s0], s1  }
0x51: {  	s1 =	ssub.s32 @!p0 $0x0, s1;
	[sflag:s0] =	ssyncset.done @!p0 $0x0  }
0x52: {  	[sflag:s0] =	ssyncadd.s32 @!p0 s1  }
0x53: {  	[bflag:$0x3] =	sbarrier.arrive $0xFFFF  }
0x54: {  	_ =	shalt  }

// kernel: kernel.20.cloned.1.call-start
scs
__scs_entry_jumppad:
0x0: {  	(pc) =	sbr.rel $0x88, $3  }
0x1: {  	(tag) =	ssettag $0x0;
	lr =	simm.s32 $0x1  }
0x2: {  	[smem:$0x3F87] =	sst lr;
	_ =	strace $0xD0000000  }
0x3: {  	_ = 	snop  }
0x4: {  	_ = 	snop  }
0x5: {  	_ = 	snop  }
0x6: {  	_ = 	snop  }
0x7: {  	_ = 	snop  }
__scs_overlays_trampoline_lowered:
0x8: {  	[smem:$0x3F96] =	sst s0  }
0x9: {  	[smem:$0x3F97] =	sst s1  }
0xa: {  	[smem:$0x3F98] =	sst s2  }
0xb: {  	[smem:$0x3F99] =	sst s3  }
0xc: {  	[smem:$0x3F9A] =	sst s4  }
0xd: {  	[smem:$0x3F9B] =	sst s5  }
0xe: {  	[smem:$0x3F9C] =	sst s6  }
0xf: {  	[smem:$0x3F9D] =	sst s7  }
0x10: {  	[smem:$0x3F9E] =	sst s8  }
0x11: {  	[smem:$0x3F9F] =	sst s9;
	s0 =	simm.s32 @!p0 $0x0  }
0x12: {  	s1 =	sld [smem:$0x3F85];
	s0 =	simm.s32 @p0 $0x1  }
0x13: {  	[smem:$0x3FA0] =	sst s0;
	s0 =	simm.s32 @!p1 $0x0  }
0x14: {  	s2 =	sld [smem:$0x3F84];
	s0 =	simm.s32 @p1 $0x1  }
0x15: {  	[smem:$0x3FA1] =	sst s0;
	s0 =	simm.s32 @!p2 $0x0  }
0x16: {  	s3 =	sld [smem:$0x3FDB];
	s0 =	simm.s32 @p2 $0x1  }
0x17: {  	s4 =	simm.s32 $0x1BF5;
	[smem:$0x3FA3] =	sst s0  }
0x18: {  	s0 =	sld [smem:$0x3F86];
	_ =	swait.ge [sflag:s4], $0x0  }
0x19: {  	s7 =	sld [smem:$0x3F87]  }
0x1a: {  	s8 =	sadd.s32 $0xFFFFE003, lr  }
0x1b: {  	s9 =	sadd.s32 $0xFFFFFEF7, lr;
	s5 =	simm.s32 $0xFFFFFFFF;
	p2 =	slt.u32 s8, $0xFFFFF086  }
0x1c: {  	p1 =	slt.u32 s9, $0xF7A;
	s5 =	simm.s32 @!p2 $0x0  }
0x1d: {  	s5 =	simm.s32 @p1 $0x1;
	p0 =	seq.s32 s7, s2  }
0x1e: {  	s7 =	smul.u32 @!p0 $0xF7A, s2;
	p2 =	seq.s32 @!p0 s5, $0x0  }
0x1f: {  	s9 =	smul.u32 $0xF7A, s1;
	s8 =	simm.s32 @!p0 $0x1BF5;
	p2 =	por !p2, p0  }
0x20: {  	[sflag:s8] =	ssyncset.s32 @!p0 $0xFFFFF086;
	s6 =	sadd.s32 @!p0 s3, s7;
	s7 =	simm.s32 @!p0 $0x108  }
0x21: {  	s3 =	sadd.s32 s3, s9;
	s6 =	sadd.s32 @!p0 $0x88, s6;
	s7 =	simm.s32 @p2 $0x1082  }
0x22: {  	[simem:s7], [sflag:s8] =	dma.local @!p0 [hbm:s6], $0xF7A  }
0x23: {  	s9 =	sor.u32 $0xD0000000, s2;
	s6 =	simm.s32 $0x108;
	_ =	swait.ge @!p0 [sflag:s8], $0x0  }
0x24: {  	s3 =	sadd.s32 $0x88, s3;
	s6 =	simm.s32 @!p1 $0x1082;
	[sflag:s4] =	ssyncset.s32 $0xFFFFF086  }
0x25: {  	[simem:s6], [sflag:s4] =	dma.local [hbm:s3], $0xF7A  }
0x26: {  	[smem:$0x3F87] =	sst s1;
	(tag) =	ssettag s2;
	_ =	strace s9  }
0x27: {  	s1 =	sld [smem:$0x3F97]  }
0x28: {  	s2 =	sld [smem:$0x3F98]  }
0x29: {  	s4 =	sld [smem:$0x3F9A]  }
0x2a: {  	p0 =	seq.s32 s5, $0x0;
	s5 =	sld [smem:$0x3F9B]  }
0x2b: {  	s6 =	sld [smem:$0x3F9C]  }
0x2c: {  	s7 =	sld [smem:$0x3F9D]  }
0x2d: {  	s3 =	simm.s32 $0x108;
	s8 =	sld [smem:$0x3F9E]  }
0x2e: {  	s3 =	simm.s32 @!p0 $0x1082;
	s9 =	sld [smem:$0x3F9F]  }
0x2f: {  	lr =	sadd.s32 s0, s3;
	s0 =	sld [smem:$0x3F96]  }
0x30: {  	s3 =	sld [smem:$0x3F99]  }
0x31: {  	[smem:$0x3FA2] =	sst s10  }
0x32: {  	s10 =	sld [smem:$0x3FA0];
	_ =	sdelay $0x3  }
0x33: {  	p0 =	seq.s32 s10, $0x1;
	s10 =	sld [smem:$0x3FA2];
	_ =	sdelay $0x3  }
0x34: {  	[smem:$0x3FA2] =	sst s10  }
0x35: {  	s10 =	sld [smem:$0x3FA1];
	_ =	sdelay $0x3  }
0x36: {  	p1 =	seq.s32 s10, $0x1;
	s10 =	sld [smem:$0x3FA2];
	_ =	sdelay $0x3  }
0x37: {  	[smem:$0x3FA2] =	sst s10  }
0x38: {  	s10 =	sld [smem:$0x3FA3]  }
0x39: {  	_ = 	snop;
	(pc) =	sbr.ind lr, $3  }
0x3a: {  	_ = 	snop  }
0x3b: {  	_ = 	snop  }
0x3c: {  	p2 =	seq.s32 s10, $0x1;
	s10 =	sld [smem:$0x3FA2]  }
0x3d: {  	_ =	shalt  }
0x3e: {  	_ =	shalt  }
0x3f: {  	_ =	shalt  }
0x40: {  	_ =	shalt  }
0x41: {  	_ =	shalt  }
0x42: {  	_ =	shalt  }
0x43: {  	_ =	shalt  }
0x44: {  	_ =	shalt  }
0x45: {  	_ =	shalt  }
0x46: {  	_ =	shalt  }
0x47: {  	_ =	shalt  }
0x48: {  	_ =	shalt  }
0x49: {  	_ =	shalt  }
0x4a: {  	_ =	shalt  }
0x4b: {  	_ =	shalt  }
0x4c: {  	_ =	shalt  }
0x4d: {  	_ =	shalt  }
0x4e: {  	_ =	shalt  }
0x4f: {  	_ =	shalt  }
0x50: {  	_ =	shalt  }
0x51: {  	_ =	shalt  }
0x52: {  	_ =	shalt  }
0x53: {  	_ =	shalt  }
0x54: {  	_ =	shalt  }
0x55: {  	_ =	shalt  }
0x56: {  	_ =	shalt  }
0x57: {  	_ =	shalt  }
0x58: {  	_ =	shalt  }
0x59: {  	_ =	shalt  }
0x5a: {  	_ =	shalt  }
0x5b: {  	_ =	shalt  }
0x5c: {  	_ =	shalt  }
0x5d: {  	_ =	shalt  }
0x5e: {  	_ =	shalt  }
0x5f: {  	_ =	shalt  }
0x60: {  	_ =	shalt  }
0x61: {  	_ =	shalt  }
0x62: {  	_ =	shalt  }
0x63: {  	_ =	shalt  }
0x64: {  	_ =	shalt  }
0x65: {  	_ =	shalt  }
0x66: {  	_ =	shalt  }
0x67: {  	_ =	shalt  }
0x68: {  	_ =	shalt  }
0x69: {  	_ =	shalt  }
0x6a: {  	_ =	shalt  }
0x6b: {  	_ =	shalt  }
0x6c: {  	_ =	shalt  }
0x6d: {  	_ =	shalt  }
0x6e: {  	_ =	shalt  }
0x6f: {  	_ =	shalt  }
0x70: {  	_ =	shalt  }
0x71: {  	_ =	shalt  }
0x72: {  	_ =	shalt  }
0x73: {  	_ =	shalt  }
0x74: {  	_ =	shalt  }
0x75: {  	_ =	shalt  }
0x76: {  	_ =	shalt  }
0x77: {  	_ =	shalt  }
0x78: {  	_ =	shalt  }
0x79: {  	_ =	shalt  }
0x7a: {  	_ =	shalt  }
0x7b: {  	_ =	shalt  }
0x7c: {  	_ =	shalt  }
0x7d: {  	_ =	shalt  }
0x7e: {  	_ =	shalt  }
0x7f: {  	_ =	shalt  }
0x80: {  	_ =	shalt  }
0x81: {  	_ =	shalt  }
0x82: {  	_ =	shalt  }
0x83: {  	_ =	shalt  }
0x84: {  	_ =	shalt  }
0x85: {  	_ =	shalt  }
0x86: {  	_ =	shalt  }
0x87: {  	_ =	shalt  }
.Lfunc_end0:
.L_simem_size_0:
called_computation.2_lowered:
.L_overlay_start_0:
0x88: {  	s2 =	sld [smem:$0x3FD9]  }
0x89: {  	s3 =	sld [smem:$0x3FFE];
	_ =	sdelay $0x1  }
0x8a: {  	s1 =	srdreg.scid  }
0x8b: {  	s0 =	sand.u32 $0x1, s1  }
0x8c: {  	s16 =	sshll.u32 s0, $0xA;
	s2 =	sadd.s32 s3, s2  }
0x8d: {  	s2 =	sadd.s32 s2, s16  }
0x8e: {  	[smem:$0x3FAE] =	sst s2  }
0x8f: {  	_ = 	snop  }
0x90: {  	(tm) =	ssettm $0x1  }
0x91: {  	s17 =	sld [smem:$0x3FFB];
	_ =	sdelay $0x3  }
0x92: {  	_ =	strace s17  }
0x93: {  	s2 =	sld [smem:$0x3FFC];
	_ =	sdelay $0x3  }
0x94: {  	_ =	strace s2  }
0x95: {  	s2 =	sld [smem:$0x3FFD];
	_ =	sdelay $0x3  }
0x96: {  	_ =	strace s2  }
0x97: {  	_ =	strace $0x8FFFFFFF  }
0x98: {  	s18 =	sld [smem:$0x3FDB];
	_ =	sdelay $0x1  }
0x99: {  	s19 =	simm.s32 $_scs_section_size  }
0x9a: {  	s4 =	simm.s32 $_size__tile_overlayer_lowered;
	s5 =	simm.s32 $_tile_overlayer_lowered  }
0x9b: {  	s22 =	simm.s32 $0x1BFF;
	s21 =	sshll.u32 s5, $0x1;
	s2 =	sadd.s32 s19, s18  }
0x9c: {  	s6 =	simm.s32 $0x0;
	s20 =	sshll.u32 s4, $0x1;
	s4 =	sadd.s32 s21, s2  }
0x9d: {  	[timem:s6], [sflag:s22] =	dma.local [hbm:s4], s20  }
0x9e: {  	_ =	swait.ge [sflag:s22], s20  }
0x9f: {  	s3 =	ssub.s32 $0x0, s20;
	[sflag:s22] =	ssyncset.done $0x0  }
0xa0: {  	[sflag:s22] =	ssyncadd.s32 s3;
	_ =	sdelay $0x1  }
0xa1: {  	s23 =	simm.s32 $0x1B8B  }
0xa2: {  	_ =	swait.ge [sflag:s23], $0x1  }
0xa3: {  	[sflag:s23] =	ssyncset.done $0x0  }
0xa4: {  	s25 =	simm.s32 $0x1B8E;
	s24 =	sld [smem:$0x3FFE];
	[sflag:s23] =	ssyncadd.s32 $0xFFFFFFFF  }
0xa5: {  	s26 =	simm.s32 $execute0_lowered;
	[smem:$0x3FD2] =	sst s25  }
0xa6: {  	s4 =	sshll.u32 s26, $0x1;
	_ =	strace $0x8000004C;
	[dreg:$0x1] =	wrdreg $0xFFFFFFFF  }
0xa7: {  	s28 =	simm.s32 $_size_execute0_lowered;
	s2 =	sadd.s32 s2, s4;
	[dreg:$0x0] =	wrdreg $0x0  }
0xa8: {  	s4 =	sshll.u32 s28, $0x1;
	[dreg:$0x2] =	wrdreg s2  }
0xa9: {  	[dreg:$0x3] =	wrdreg s4  }
0xaa: {  	[dreg:$0x4] =	wrdreg $0xC0  }
0xab: {  	_ =	task [dreg:s6], $0x5FFFF  }
0xac: {  	[dreg:$0x1] =	wrdreg $0xFFFFFFFF  }
0xad: {  	[dreg:$0x0] =	wrdreg $0x60  }
0xae: {  	[dreg:$0x2] =	wrdreg s24  }
0xaf: {  	[dreg:$0x3] =	wrdreg $0x9  }
0xb0: {  	_ =	task.clear_ibuf [dreg:s6], $0x4FFFF;
	_ =	strace $0x9000004C  }
0xb1: {  	s29 =	simm.s32 $0x9;
	_ =	strace $0x8000004E  }
0xb2: {  	_ =	swait.ge [sflag:s29], $0x1  }
0xb3: {  	[sflag:s29] =	ssyncadd.s32 $0xFFFFFFFF  }
0xb4: {  	_ =	strace $0x9000004E  }
0xb5: {  	_ =	sfence  }
0xb6: {  	s30 =	sld [smem:$0x0];
	_ =	sdelay $0x2  }
0xb7: {  	s31 =	sshll.u32 s1, $0xD;
	s1 =	sshrl.u32 s1, $0x2  }
0xb8: {  	s3 =	sand.u32 $0x4000, s31;
	s1 =	sadd.s32 s1, s30  }
0xb9: {  	s0 =	sor.u32 s3, s0;
	s1 =	sshll.u32 s1, $0x11  }
0xba: {  	s0 =	sor.u32 s1, s0  }
0xbb: {  	s0 =	sadd.s32 $0x8F2B, s0  }
0xbc: {  	[sflag:s0] =	ssyncadd.remote.s32 $0x1  }
0xbd: {  	_ =	sfence.sel $0xFFFF  }
0xbe: {  	[dreg:$0x0] =	wrdreg $0xFFFFFFFF;
	(pc) =	sbr.abs _section_cstart, $3  }
0xbf: {  	[dreg:$0x1] =	wrdreg $0xFFFFFFFF  }
0xc0: {  	_ =	task.clear_ibuf [dreg:s6], $0x2FFFF;
	_ =	strace $0x9FFFFFFF  }
0xc1: {  	(tm) =	ssettm $0x7FFFFFFF  }
tec
execute0_lowered:
.L_overlay_start_1:
0x0: {  	(tag) =	ssettag $0x1  }
0x1: {  	s2 =	stileid.u32  }
0x2: {  	s4 =	rddreg [dreg:$0x0];
	s15 =	sshll.u32 s2, $0x1;
	s2 =	simm.s32 $0x0  }
0x3: {  	s18 =	simm.s32 $0x1C00;
	[smem:$0x7FF] =	sst s2  }
0x4: {  	s19 =	simm.s32 $0x100;
	_ =	strace $0x8000004D;
	[dreg:$0x5] =	wrdreg s18  }
0x5: {  	s20 =	simm.s32 $0x2400;
	[dreg:$0x6] =	wrdreg s19  }
0x6: {  	s21 =	simm.s32 $0x180;
	[dreg:$0x7] =	wrdreg s20  }
0x7: {  	s22 =	simm.s32 $0x2C00;
	[dreg:$0x8] =	wrdreg s21  }
0x8: {  	s23 =	simm.s32 $0x200;
	[dreg:$0x9] =	wrdreg s22  }
0x9: {  	s24 =	simm.s32 $0x3400;
	[dreg:$0xa] =	wrdreg s23  }
0xa: {  	s25 =	simm.s32 $0x280;
	[dreg:$0xb] =	wrdreg s24  }
0xb: {  	s26 =	simm.s32 $0x3C00;
	[dreg:$0xc] =	wrdreg s25  }
0xc: {  	s28 =	simm.s32 $0x300;
	[dreg:$0xd] =	wrdreg s26  }
0xd: {  	s29 =	simm.s32 $0x4400;
	[dreg:$0xe] =	wrdreg s28  }
0xe: {  	s7 =	simm.s32 $0x5400;
	[dreg:$0xf] =	wrdreg s29  }
0xf: {  	s8 =	simm.s32 $0x480;
	[dreg:$0x13] =	wrdreg s7  }
0x10: {  	s9 =	simm.s32 $0x5C00;
	[dreg:$0x14] =	wrdreg s8  }
0x11: {  	s10 =	simm.s32 $0x500;
	[dreg:$0x15] =	wrdreg s9  }
0x12: {  	s11 =	simm.s32 $0x6400;
	[dreg:$0x16] =	wrdreg s10  }
0x13: {  	s12 =	simm.s32 $0x580;
	[dreg:$0x17] =	wrdreg s11  }
0x14: {  	s0 =	srdreg.scid;
	s13 =	simm.s32 $0x6C00;
	[dreg:$0x18] =	wrdreg s12  }
0x15: {  	s14 =	simm.s32 $0x600;
	s1 =	sand.u32 $0x1, s0;
	[dreg:$0x19] =	wrdreg s13  }
0x16: {  	s0 =	sor.u32 s1, s15;
	s15 =	simm.s32 $0x7400;
	[dreg:$0x1a] =	wrdreg s14  }
0x17: {  	[dreg:$0x1b] =	wrdreg s15;
	s18 =	simm.s32 $0x700  }
0x18: {  	s19 =	simm.s32 $0x8400;
	[dreg:$0x1e] =	wrdreg s18  }
0x19: {  	s20 =	simm.s32 $0x780;
	[dreg:$0x1f] =	wrdreg s19  }
0x1a: {  	s21 =	simm.s32 $0x8C00;
	[smem:$0x7E4] =	sst s20  }
0x1b: {  	s22 =	simm.s32 $0x800;
	[smem:$0x7E3] =	sst s21  }
0x1c: {  	s23 =	simm.s32 $0x9400;
	[smem:$0x7E6] =	sst s22  }
0x1d: {  	s24 =	simm.s32 $0x880;
	[smem:$0x7E5] =	sst s23  }
0x1e: {  	s25 =	simm.s32 $0x9C00;
	[smem:$0x7E7] =	sst s24  }
0x1f: {  	s26 =	simm.s32 $0x900;
	[smem:$0x7E2] =	sst s25  }
0x20: {  	s28 =	simm.s32 $0xA400;
	[smem:$0x7E9] =	sst s26  }
0x21: {  	s29 =	simm.s32 $0x980;
	[smem:$0x7E8] =	sst s28  }
0x22: {  	s7 =	simm.s32 $0xBC00;
	[smem:$0x7EA] =	sst s29  }
0x23: {  	s8 =	simm.s32 $0xB00;
	[smem:$0x7F0] =	sst s7  }
0x24: {  	s9 =	simm.s32 $0xC400;
	[smem:$0x7EC] =	sst s8  }
0x25: {  	s10 =	simm.s32 $0xB80;
	[smem:$0x7EF] =	sst s9  }
0x26: {  	s11 =	simm.s32 $0xCC00;
	[smem:$0x7F7] =	sst s10  }
0x27: {  	s12 =	simm.s32 $0xC00;
	[smem:$0x7F6] =	sst s11  }
0x28: {  	s13 =	simm.s32 $0xD400;
	[smem:$0x7F8] =	sst s12  }
0x29: {  	s14 =	simm.s32 $0xC80;
	[smem:$0x7F3] =	sst s13  }
0x2a: {  	s15 =	simm.s32 $0xDC00;
	[smem:$0x7F9] =	sst s14  }
0x2b: {  	[smem:$0x7F5] =	sst s15;
	s18 =	simm.s32 $0xD80  }
0x2c: {  	s3 =	smul.u32 $0x280, s0;
	s19 =	simm.s32 $0xEC00;
	[smem:$0x7FB] =	sst s18  }
0x2d: {  	s5 =	smul.u32 $0x14000, s0;
	s20 =	simm.s32 $0xE00;
	[smem:$0x7EE] =	sst s19  }
0x2e: {  	s0 =	smul.u32 $0x2800, s0;
	s21 =	simm.s32 $0xF400;
	[smem:$0x7FC] =	sst s20  }
0x2f: {  	s6 =	sadd.s32 $0x19200, s4;
	s23 =	simm.s32 $0xE80;
	[smem:$0x7F4] =	sst s21  }
0x30: {  	s3 =	sadd.s32 s3, s4;
	s0 =	sadd.s32 s6, s0;
	[smem:$0x7FD] =	sst s23  }
0x31: {  	s5 =	sshrl.u32 s5, $0x3;
	s3 =	sadd.s32 $0x14200, s3;
	[dreg:$0x3] =	wrdreg s0  }
0x32: {  	s16 =	sadd.s32 s6, s5;
	s5 =	simm.s32 $0x4C00;
	[dreg:$0x2] =	wrdreg s3  }
0x33: {  	s6 =	simm.s32 $0x400;
	[dreg:$0x11] =	wrdreg s5  }
0x34: {  	s17 =	sadd.s32 $0x1400, s16;
	[dreg:$0x12] =	wrdreg s6  }
0x35: {  	s3 =	simm.s32 $0x380;
	[dreg:$0x4] =	wrdreg s17  }
0x36: {  	s16 =	simm.s32 $0x680;
	[dreg:$0x10] =	wrdreg s3  }
0x37: {  	s5 =	simm.s32 $0xA00;
	[dreg:$0x1c] =	wrdreg s16  }
0x38: {  	s6 =	simm.s32 $0xA80;
	[smem:$0x7F2] =	sst s5  }
0x39: {  	[smem:$0x7F1] =	sst s6  }
0x3a: {  	s17 =	simm.s32 $0x7C00;
	s22 =	rddreg [dreg:$0x2]  }
0x3b: {  	s3 =	simm.s32 $0xAC00;
	[dreg:$0x1d] =	wrdreg s17  }
0x3c: {  	s16 =	simm.s32 $0xD00;
	[smem:$0x7EB] =	sst s3  }
0x3d: {  	[smem:$0x7FA] =	sst s16;
	s17 =	simm.s32 $0xE400  }
0x3e: {  	[tilespmem:s2], [sflag:$0x3] =	stream.linear.gather [hbm4b:s22+s2], $0x1400, $0x38;
	[tilespmem:$0x15400] =	vst v63  }
0x3f: {  	s3 =	simm.s32 $0x3;
	[smem:$0x7ED] =	sst s17  }
0x40: {  	_ =	swait.ge [sflag:s3], $0x1400  }
0x41: {  	s0 =	rddreg [dreg:$0x13]  }
0x42: {  	s7 =	rddreg [dreg:$0xe]  }
0x43: {  	s8 =	sld [smem:$0x7E2]  }
0x44: {  	s9 =	rddreg [dreg:$0xf]  }
0x45: {  	s10 =	sld [smem:$0x7E3]  }
0x46: {  	s11 =	rddreg [dreg:$0xc]  }
0x47: {  	s12 =	rddreg [dreg:$0x1d]  }
0x48: {  	s13 =	rddreg [dreg:$0xb]  }
0x49: {  	s14 =	rddreg [dreg:$0x19]  }
0x4a: {  	s15 =	rddreg [dreg:$0x8]  }
0x4b: {  	s16 =	rddreg [dreg:$0x15]  }
0x4c: {  	s17 =	rddreg [dreg:$0x11]  }
0x4d: {  	s18 =	rddreg [dreg:$0xd]  }
0x4e: {  	s19 =	rddreg [dreg:$0xa]  }
0x4f: {  	s20 =	rddreg [dreg:$0x6]  }
0x50: {  	s21 =	rddreg [dreg:$0x9]  }
0x51: {  	s4 =	sadd.s32 $0x9800, s4;
	s22 =	rddreg [dreg:$0x5]  }
0x52: {  	s5 =	simm.s32 $0x80;
	[sflag:s3] =	ssyncset.done $0x0;
	s23 =	rddreg [dreg:$0x7]  }
0x53: {  	s6 =	simm.s32 $0x1400;
	s24 =	rddreg [dreg:$0x12];
	[sflag:s3] =	ssyncadd.s32 $0xFFFFEC00  }
0x54: {  	[tilespmem:s6], [sflag:$0x1] =	stream.indirect.gather [hbm4b:s4+s5], $0x10, s2, s5, $0xb8;
	[tilespmem:$0x15400] =	vst v63  }
0x55: {  	s25 =	rddreg [dreg:$0x14]  }
0x56: {  	[tilespmem:s22], [sflag:$0x1] =	stream.indirect.gather [hbm4b:s4+s5], $0x10, s5, s5, $0xb8;
	[tilespmem:$0x15400] =	vst v63  }
0x57: {  	s26 =	rddreg [dreg:$0x17]  }
0x58: {  	[tilespmem:s23], [sflag:$0x1] =	stream.indirect.gather [hbm4b:s4+s5], $0x10, s20, s5, $0xb8;
	[tilespmem:$0x15400] =	vst v63  }
0x59: {  	s28 =	rddreg [dreg:$0x16]  }
0x5a: {  	[tilespmem:s21], [sflag:$0x1] =	stream.indirect.gather [hbm4b:s4+s5], $0x10, s15, s5, $0xb8;
	[tilespmem:$0x15400] =	vst v63  }
0x5b: {  	s29 =	rddreg [dreg:$0x18]  }
0x5c: {  	[tilespmem:s13], [sflag:$0x1] =	stream.indirect.gather [hbm4b:s4+s5], $0x10, s19, s5, $0xb8;
	[tilespmem:$0x15400] =	vst v63  }
0x5d: {  	s22 =	rddreg [dreg:$0x10]  }
0x5e: {  	[tilespmem:s18], [sflag:$0x1] =	stream.indirect.gather [hbm4b:s4+s5], $0x10, s11, s5, $0xb8;
	[tilespmem:$0x15400] =	vst v63  }
0x5f: {  	s15 =	sld [smem:$0x7EA]  }
0x60: {  	[tilespmem:s9], [sflag:$0x1] =	stream.indirect.gather [hbm4b:s4+s5], $0x10, s7, s5, $0xb8;
	[tilespmem:$0x15400] =	vst v63  }
0x61: {  	s19 =	rddreg [dreg:$0x1a]  }
0x62: {  	[tilespmem:s17], [sflag:$0x1] =	stream.indirect.gather [hbm4b:s4+s5], $0x10, s22, s5, $0xb8;
	[tilespmem:$0x15400] =	vst v63  }
0x63: {  	s18 =	rddreg [dreg:$0x1b]  }
0x64: {  	[tilespmem:s0], [sflag:$0x1] =	stream.indirect.gather [hbm4b:s4+s5], $0x10, s24, s5, $0xb8;
	[tilespmem:$0x15400] =	vst v63  }
0x65: {  	s11 =	sld [smem:$0x7E7]  }
0x66: {  	[tilespmem:s16], [sflag:$0x1] =	stream.indirect.gather [hbm4b:s4+s5], $0x10, s25, s5, $0xb8;
	[tilespmem:$0x15400] =	vst v63  }
0x67: {  	s22 =	rddreg [dreg:$0x1c]  }
0x68: {  	[tilespmem:s26], [sflag:$0x1] =	stream.indirect.gather [hbm4b:s4+s5], $0x10, s28, s5, $0xb8;
	[tilespmem:$0x15400] =	vst v63  }
0x69: {  	s24 =	rddreg [dreg:$0x1f]  }
0x6a: {  	[tilespmem:s14], [sflag:$0x1] =	stream.indirect.gather [hbm4b:s4+s5], $0x10, s29, s5, $0xb8;
	[tilespmem:$0x15400] =	vst v63  }
0x6b: {  	s25 =	rddreg [dreg:$0x1e]  }
0x6c: {  	[tilespmem:s18], [sflag:$0x1] =	stream.indirect.gather [hbm4b:s4+s5], $0x10, s19, s5, $0xb8;
	[tilespmem:$0x15400] =	vst v63  }
0x6d: {  	s26 =	sld [smem:$0x7E4]  }
0x6e: {  	[tilespmem:s12], [sflag:$0x1] =	stream.indirect.gather [hbm4b:s4+s5], $0x10, s22, s5, $0xb8;
	[tilespmem:$0x15400] =	vst v63  }
0x6f: {  	s28 =	sld [smem:$0x7E5]  }
0x70: {  	[tilespmem:s24], [sflag:$0x1] =	stream.indirect.gather [hbm4b:s4+s5], $0x10, s25, s5, $0xb8;
	[tilespmem:$0x15400] =	vst v63  }
0x71: {  	s29 =	sld [smem:$0x7E6]  }
0x72: {  	[tilespmem:s10], [sflag:$0x1] =	stream.indirect.gather [hbm4b:s4+s5], $0x10, s26, s5, $0xb8;
	[tilespmem:$0x15400] =	vst v63  }
0x73: {  	s14 =	sld [smem:$0x7E9]  }
0x74: {  	[tilespmem:s28], [sflag:$0x1] =	stream.indirect.gather [hbm4b:s4+s5], $0x10, s29, s5, $0xb8;
	[tilespmem:$0x15400] =	vst v63  }
0x75: {  	s12 =	sld [smem:$0x7E8]  }
0x76: {  	[tilespmem:s8], [sflag:$0x1] =	stream.indirect.gather [hbm4b:s4+s5], $0x10, s11, s5, $0xb8;
	[tilespmem:$0x15400] =	vst v63  }
0x77: {  	s16 =	sld [smem:$0x7EB]  }
0x78: {  	[tilespmem:s12], [sflag:$0x1] =	stream.indirect.gather [hbm4b:s4+s5], $0x10, s14, s5, $0xb8;
	[tilespmem:$0x15400] =	vst v63  }
0x79: {  	s7 =	simm.s32 $0x1  }
0x7a: {  	[tilespmem:s16], [sflag:$0x1] =	stream.indirect.gather [hbm4b:s4+s5], $0x10, s15, s5, $0xb8;
	[tilespmem:$0x15400] =	vst v63  }
0x7b: {  	_ =	swait.ge [sflag:s7], $0xA000  }
0x7c: {  	s17 =	sld [smem:$0x7EC]  }
0x7d: {  	s9 =	sld [smem:$0x7ED]  }
0x7e: {  	s10 =	sld [smem:$0x7EE]  }
0x7f: {  	s19 =	sld [smem:$0x7EF]  }
0x80: {  	s20 =	sld [smem:$0x7F0]  }
0x81: {  	s21 =	sld [smem:$0x7F1]  }
0x82: {  	s22 =	sld [smem:$0x7F2]  }
0x83: {  	s23 =	rddreg [dreg:$0x3]  }
0x84: {  	[sflag:s7] =	ssyncset.done $0x0;
	s24 =	sld [smem:$0x7F3]  }
0x85: {  	s18 =	sld [smem:$0x7F4];
	[sflag:s7] =	ssyncadd.s32 $0xFFFF6000  }
0x86: {  	[hbm4b:s23+s2] =	stream.linear.scatter [tilespmem:s6], [sflag:$0x2], $0xA000, $0x38;
	[tilespmem:$0x15400] =	vst v63  }
0x87: {  	s8 =	simm.s32 $0xB400;
	s25 =	sld [smem:$0x7F5]  }
0x88: {  	[tilespmem:s8], [sflag:$0x1] =	stream.indirect.gather [hbm4b:s4+s5], $0x10, s22, s5, $0xb8;
	[tilespmem:$0x15400] =	vst v63  }
0x89: {  	s26 =	sld [smem:$0x7F6]  }
0x8a: {  	[tilespmem:s20], [sflag:$0x1] =	stream.indirect.gather [hbm4b:s4+s5], $0x10, s21, s5, $0xb8;
	[tilespmem:$0x15400] =	vst v63  }
0x8b: {  	s29 =	sld [smem:$0x7F7]  }
0x8c: {  	[tilespmem:s19], [sflag:$0x1] =	stream.indirect.gather [hbm4b:s4+s5], $0x10, s17, s5, $0xb8;
	[tilespmem:$0x15400] =	vst v63  }
0x8d: {  	s17 =	sld [smem:$0x7F8]  }
0x8e: {  	[tilespmem:s26], [sflag:$0x1] =	stream.indirect.gather [hbm4b:s4+s5], $0x10, s29, s5, $0xb8;
	[tilespmem:$0x15400] =	vst v63  }
0x8f: {  	s20 =	sld [smem:$0x7F9]  }
0x90: {  	[tilespmem:s24], [sflag:$0x1] =	stream.indirect.gather [hbm4b:s4+s5], $0x10, s17, s5, $0xb8;
	[tilespmem:$0x15400] =	vst v63  }
0x91: {  	s1 =	ssub.s32 $0x2, s1;
	s23 =	sld [smem:$0x7FA]  }
0x92: {  	[tilespmem:s25], [sflag:$0x1] =	stream.indirect.gather [hbm4b:s4+s5], $0x10, s20, s5, $0xb8;
	[tilespmem:$0x15400] =	vst v63  }
0x93: {  	s28 =	sshrl.u32 s1, $0x1;
	s26 =	sld [smem:$0x7FB]  }
0x94: {  	[tilespmem:s9], [sflag:$0x1] =	stream.indirect.gather [hbm4b:s4+s5], $0x10, s23, s5, $0xb8;
	[tilespmem:$0x15400] =	vst v63  }
0x95: {  	s12 =	ssub.s32 s1, s28;
	s28 =	sld [smem:$0x7FC]  }
0x96: {  	[tilespmem:s10], [sflag:$0x1] =	stream.indirect.gather [hbm4b:s4+s5], $0x10, s26, s5, $0xb8;
	[tilespmem:$0x15400] =	vst v63  }
0x97: {  	s0 =	smax.u32 s12, $0x1;
	s29 =	sld [smem:$0x7FD]  }
0x98: {  	[tilespmem:s18], [sflag:$0x1] =	stream.indirect.gather [hbm4b:s4+s5], $0x10, s28, s5, $0xb8;
	[tilespmem:$0x15400] =	vst v63  }
0x99: {  	p0 =	sne.s32 s0, $0x1;
	s19 =	simm.s32 $0xFC00  }
0x9a: {  	[tilespmem:s19], [sflag:$0x1] =	stream.indirect.gather [hbm4b:s4+s5], $0x10, s29, s5, $0xb8;
	[tilespmem:$0x15400] =	vst v63  }
.Ltmp0:
0x9b: {  	s30 =	simm.s32 $0xF80;
	s31 =	simm.s32 $0x10C00;
	(pc) =	sbr.rel @!p0 .LBB2_2-.Ltmp0, $4  }
0x9c: {  	s1 =	sadd.s32 $0xFFFFFFFF, s0;
	s22 =	simm.s32 $0x10400;
	s21 =	simm.s32 $0xF00  }
0x9d: {  	[tilespmem:s22], [sflag:$0x1] =	stream.indirect.gather [hbm4b:s4+s5], $0x10, s21, s5, $0xb8;
	[tilespmem:$0x15400] =	vst v63  }
0x9e: {  	s24 =	simm.s32 $0xF80;
	s25 =	simm.s32 $0x10C00;
	s21 =	simm.s32 $0x2  }
0x9f: {  	[tilespmem:s25], [sflag:$0x1] =	stream.indirect.gather [hbm4b:s4+s5], $0x10, s24, s5, $0xb8;
	[tilespmem:$0x15400] =	vst v63  }
.LBB2_1:
0xa0: {  	s0 =	simm.s32 $0x1000;
	s9 =	simm.s32 $0x11400  }
0xa1: {  	[tilespmem:s9], [sflag:$0x1] =	stream.indirect.gather [hbm4b:s4+s5], $0x10, s0, s5, $0xb8;
	[tilespmem:$0x15400] =	vst v63  }
0xa2: {  	s28 =	simm.s32 $0x1080;
	s29 =	simm.s32 $0x11C00  }
0xa3: {  	[tilespmem:s29], [sflag:$0x1] =	stream.indirect.gather [hbm4b:s4+s5], $0x10, s28, s5, $0xb8;
	[tilespmem:$0x15400] =	vst v63  }
0xa4: {  	s10 =	simm.s32 $0x12400;
	s9 =	simm.s32 $0x1100  }
0xa5: {  	[tilespmem:s10], [sflag:$0x1] =	stream.indirect.gather [hbm4b:s4+s5], $0x10, s9, s5, $0xb8;
	[tilespmem:$0x15400] =	vst v63  }
0xa6: {  	s11 =	simm.s32 $0x1180;
	s12 =	simm.s32 $0x12C00  }
0xa7: {  	[tilespmem:s12], [sflag:$0x1] =	stream.indirect.gather [hbm4b:s4+s5], $0x10, s11, s5, $0xb8;
	[tilespmem:$0x15400] =	vst v63  }
0xa8: {  	s13 =	simm.s32 $0x1200;
	s14 =	simm.s32 $0x13400  }
0xa9: {  	[tilespmem:s14], [sflag:$0x1] =	stream.indirect.gather [hbm4b:s4+s5], $0x10, s13, s5, $0xb8;
	[tilespmem:$0x15400] =	vst v63  }
0xaa: {  	s15 =	simm.s32 $0x1280;
	s16 =	simm.s32 $0x13C00  }
0xab: {  	[tilespmem:s16], [sflag:$0x1] =	stream.indirect.gather [hbm4b:s4+s5], $0x10, s15, s5, $0xb8;
	[tilespmem:$0x15400] =	vst v63  }
0xac: {  	s17 =	simm.s32 $0x1300;
	s18 =	simm.s32 $0x14400  }
0xad: {  	[tilespmem:s18], [sflag:$0x1] =	stream.indirect.gather [hbm4b:s4+s5], $0x10, s17, s5, $0xb8;
	[tilespmem:$0x15400] =	vst v63  }
0xae: {  	s19 =	simm.s32 $0x1380;
	s20 =	simm.s32 $0x14C00  }
0xaf: {  	[tilespmem:s20], [sflag:$0x1] =	stream.indirect.gather [hbm4b:s4+s5], $0x10, s19, s5, $0xb8;
	[tilespmem:$0x15400] =	vst v63  }
0xb0: {  	_ =	swait.ge [sflag:s7], $0xA000  }
0xb1: {  	[sflag:s7] =	ssyncset.done $0x0  }
0xb2: {  	s22 =	rddreg [dreg:$0x4];
	[sflag:s7] =	ssyncadd.s32 $0xFFFF6000  }
0xb3: {  	[hbm4b:s22+s2] =	stream.linear.scatter [tilespmem:s8], [sflag:$0x2], $0xA000, $0x38;
	[tilespmem:$0x15400] =	vst v63  }
0xb4: {  	_ =	swait.ge [sflag:s21], $0xA000  }
0xb5: {  	[sflag:s21] =	ssyncset.done $0x0  }
0xb6: {  	[sflag:s21] =	ssyncadd.s32 $0xFFFF6000  }
0xb7: {  	_ =	swait.ge [sflag:s21], $0xA000  }
0xb8: {  	[sflag:s21] =	ssyncset.done $0x0  }
0xb9: {  	s23 =	rddreg [dreg:$0x2];
	[sflag:s21] =	ssyncadd.s32 $0xFFFF6000  }
0xba: {  	[tilespmem:s2], [sflag:$0x3] =	stream.linear.gather [hbm4b:s23+s2], $0x1400, $0x38;
	[tilespmem:$0x15400] =	vst v63  }
0xbb: {  	_ =	swait.ge [sflag:s3], $0x1400  }
0xbc: {  	s11 =	rddreg [dreg:$0x13]  }
0xbd: {  	s13 =	rddreg [dreg:$0xe]  }
0xbe: {  	s0 =	sld [smem:$0x7E2]  }
0xbf: {  	s14 =	rddreg [dreg:$0xf]  }
0xc0: {  	s9 =	sld [smem:$0x7E3]  }
0xc1: {  	s15 =	rddreg [dreg:$0xc]  }
0xc2: {  	s10 =	rddreg [dreg:$0x1d]  }
0xc3: {  	s16 =	rddreg [dreg:$0xb]  }
0xc4: {  	s12 =	rddreg [dreg:$0x19]  }
0xc5: {  	s17 =	rddreg [dreg:$0x8]  }
0xc6: {  	s18 =	rddreg [dreg:$0x15]  }
0xc7: {  	s19 =	rddreg [dreg:$0x11]  }
0xc8: {  	s20 =	rddreg [dreg:$0xd]  }
0xc9: {  	s22 =	rddreg [dreg:$0xa]  }
0xca: {  	s23 =	rddreg [dreg:$0x6]  }
0xcb: {  	s24 =	rddreg [dreg:$0x9]  }
0xcc: {  	s25 =	rddreg [dreg:$0x5]  }
0xcd: {  	[sflag:s3] =	ssyncset.done $0x0;
	s26 =	rddreg [dreg:$0x7]  }
0xce: {  	s28 =	rddreg [dreg:$0x10];
	[sflag:s3] =	ssyncadd.s32 $0xFFFFEC00  }
0xcf: {  	[tilespmem:s6], [sflag:$0x1] =	stream.indirect.gather [hbm4b:s4+s5], $0x10, s2, s5, $0xb8;
	[tilespmem:$0x15400] =	vst v63  }
0xd0: {  	s29 =	rddreg [dreg:$0x12]  }
0xd1: {  	[tilespmem:s25], [sflag:$0x1] =	stream.indirect.gather [hbm4b:s4+s5], $0x10, s5, s5, $0xb8;
	[tilespmem:$0x15400] =	vst v63  }
0xd2: {  	s25 =	rddreg [dreg:$0x14]  }
0xd3: {  	[tilespmem:s26], [sflag:$0x1] =	stream.indirect.gather [hbm4b:s4+s5], $0x10, s23, s5, $0xb8;
	[tilespmem:$0x15400] =	vst v63  }
0xd4: {  	s23 =	rddreg [dreg:$0x17]  }
0xd5: {  	[tilespmem:s24], [sflag:$0x1] =	stream.indirect.gather [hbm4b:s4+s5], $0x10, s17, s5, $0xb8;
	[tilespmem:$0x15400] =	vst v63  }
0xd6: {  	s26 =	rddreg [dreg:$0x1b]  }
0xd7: {  	[tilespmem:s16], [sflag:$0x1] =	stream.indirect.gather [hbm4b:s4+s5], $0x10, s22, s5, $0xb8;
	[tilespmem:$0x15400] =	vst v63  }
0xd8: {  	s24 =	rddreg [dreg:$0x16]  }
0xd9: {  	[tilespmem:s20], [sflag:$0x1] =	stream.indirect.gather [hbm4b:s4+s5], $0x10, s15, s5, $0xb8;
	[tilespmem:$0x15400] =	vst v63  }
0xda: {  	s16 =	rddreg [dreg:$0x18]  }
0xdb: {  	[tilespmem:s14], [sflag:$0x1] =	stream.indirect.gather [hbm4b:s4+s5], $0x10, s13, s5, $0xb8;
	[tilespmem:$0x15400] =	vst v63  }
0xdc: {  	s22 =	rddreg [dreg:$0x1e]  }
0xdd: {  	[tilespmem:s19], [sflag:$0x1] =	stream.indirect.gather [hbm4b:s4+s5], $0x10, s28, s5, $0xb8;
	[tilespmem:$0x15400] =	vst v63  }
0xde: {  	s20 =	rddreg [dreg:$0x1f]  }
0xdf: {  	[tilespmem:s11], [sflag:$0x1] =	stream.indirect.gather [hbm4b:s4+s5], $0x10, s29, s5, $0xb8;
	[tilespmem:$0x15400] =	vst v63  }
0xe0: {  	s15 =	sld [smem:$0x7EA]  }
0xe1: {  	[tilespmem:s18], [sflag:$0x1] =	stream.indirect.gather [hbm4b:s4+s5], $0x10, s25, s5, $0xb8;
	[tilespmem:$0x15400] =	vst v63  }
0xe2: {  	s14 =	rddreg [dreg:$0x1a]  }
0xe3: {  	[tilespmem:s23], [sflag:$0x1] =	stream.indirect.gather [hbm4b:s4+s5], $0x10, s24, s5, $0xb8;
	[tilespmem:$0x15400] =	vst v63  }
0xe4: {  	s19 =	rddreg [dreg:$0x1c]  }
0xe5: {  	[tilespmem:s12], [sflag:$0x1] =	stream.indirect.gather [hbm4b:s4+s5], $0x10, s16, s5, $0xb8;
	[tilespmem:$0x15400] =	vst v63  }
0xe6: {  	s28 =	sld [smem:$0x7E7]  }
0xe7: {  	[tilespmem:s26], [sflag:$0x1] =	stream.indirect.gather [hbm4b:s4+s5], $0x10, s14, s5, $0xb8;
	[tilespmem:$0x15400] =	vst v63  }
0xe8: {  	s25 =	sld [smem:$0x7E5]  }
0xe9: {  	[tilespmem:s10], [sflag:$0x1] =	stream.indirect.gather [hbm4b:s4+s5], $0x10, s19, s5, $0xb8;
	[tilespmem:$0x15400] =	vst v63  }
0xea: {  	s24 =	sld [smem:$0x7E4]  }
0xeb: {  	[tilespmem:s20], [sflag:$0x1] =	stream.indirect.gather [hbm4b:s4+s5], $0x10, s22, s5, $0xb8;
	[tilespmem:$0x15400] =	vst v63  }
0xec: {  	s26 =	sld [smem:$0x7E6]  }
0xed: {  	[tilespmem:s9], [sflag:$0x1] =	stream.indirect.gather [hbm4b:s4+s5], $0x10, s24, s5, $0xb8;
	[tilespmem:$0x15400] =	vst v63  }
0xee: {  	s29 =	sld [smem:$0x7E8]  }
0xef: {  	[tilespmem:s25], [sflag:$0x1] =	stream.indirect.gather [hbm4b:s4+s5], $0x10, s26, s5, $0xb8;
	[tilespmem:$0x15400] =	vst v63  }
0xf0: {  	s14 =	sld [smem:$0x7E9]  }
0xf1: {  	[tilespmem:s0], [sflag:$0x1] =	stream.indirect.gather [hbm4b:s4+s5], $0x10, s28, s5, $0xb8;
	[tilespmem:$0x15400] =	vst v63  }
0xf2: {  	s16 =	sld [smem:$0x7EB]  }
0xf3: {  	[tilespmem:s29], [sflag:$0x1] =	stream.indirect.gather [hbm4b:s4+s5], $0x10, s14, s5, $0xb8;
	[tilespmem:$0x15400] =	vst v63  }
0xf4: {  	_ = 	snop  }
0xf5: {  	[tilespmem:s16], [sflag:$0x1] =	stream.indirect.gather [hbm4b:s4+s5], $0x10, s15, s5, $0xb8;
	[tilespmem:$0x15400] =	vst v63  }
0xf6: {  	_ =	swait.ge [sflag:s7], $0xA000  }
0xf7: {  	s17 =	sld [smem:$0x7EC]  }
0xf8: {  	s10 =	sld [smem:$0x7ED]  }
0xf9: {  	s11 =	sld [smem:$0x7EE]  }
0xfa: {  	s18 =	sld [smem:$0x7EF]  }
0xfb: {  	s20 =	sld [smem:$0x7F0]  }
0xfc: {  	s22 =	sld [smem:$0x7F1]  }
0xfd: {  	s23 =	sld [smem:$0x7F2]  }
0xfe: {  	s24 =	rddreg [dreg:$0x3]  }
0xff: {  	[sflag:s7] =	ssyncset.done $0x0;
	s25 =	sld [smem:$0x7F3]  }
0x100: {  	s26 =	sld [smem:$0x7F4];
	[sflag:s7] =	ssyncadd.s32 $0xFFFF6000  }
0x101: {  	[hbm4b:s24+s2] =	stream.linear.scatter [tilespmem:s6], [sflag:$0x2], $0xA000, $0x38;
	[tilespmem:$0x15400] =	vst v63  }
0x102: {  	s28 =	sld [smem:$0x7F5]  }
0x103: {  	[tilespmem:s8], [sflag:$0x1] =	stream.indirect.gather [hbm4b:s4+s5], $0x10, s23, s5, $0xb8;
	[tilespmem:$0x15400] =	vst v63  }
0x104: {  	s29 =	sld [smem:$0x7F6]  }
0x105: {  	[tilespmem:s20], [sflag:$0x1] =	stream.indirect.gather [hbm4b:s4+s5], $0x10, s22, s5, $0xb8;
	[tilespmem:$0x15400] =	vst v63  }
0x106: {  	s19 =	sld [smem:$0x7F7]  }
0x107: {  	[tilespmem:s18], [sflag:$0x1] =	stream.indirect.gather [hbm4b:s4+s5], $0x10, s17, s5, $0xb8;
	[tilespmem:$0x15400] =	vst v63  }
0x108: {  	s20 =	sld [smem:$0x7F8]  }
0x109: {  	[tilespmem:s29], [sflag:$0x1] =	stream.indirect.gather [hbm4b:s4+s5], $0x10, s19, s5, $0xb8;
	[tilespmem:$0x15400] =	vst v63  }
0x10a: {  	s22 =	sld [smem:$0x7F9]  }
0x10b: {  	[tilespmem:s25], [sflag:$0x1] =	stream.indirect.gather [hbm4b:s4+s5], $0x10, s20, s5, $0xb8;
	[tilespmem:$0x15400] =	vst v63  }
0x10c: {  	s23 =	sld [smem:$0x7FA]  }
0x10d: {  	[tilespmem:s28], [sflag:$0x1] =	stream.indirect.gather [hbm4b:s4+s5], $0x10, s22, s5, $0xb8;
	[tilespmem:$0x15400] =	vst v63  }
0x10e: {  	s24 =	sld [smem:$0x7FB]  }
0x10f: {  	[tilespmem:s10], [sflag:$0x1] =	stream.indirect.gather [hbm4b:s4+s5], $0x10, s23, s5, $0xb8;
	[tilespmem:$0x15400] =	vst v63  }
0x110: {  	s25 =	sld [smem:$0x7FC]  }
0x111: {  	[tilespmem:s11], [sflag:$0x1] =	stream.indirect.gather [hbm4b:s4+s5], $0x10, s24, s5, $0xb8;
	[tilespmem:$0x15400] =	vst v63  }
0x112: {  	s0 =	sld [smem:$0x7FD]  }
0x113: {  	[tilespmem:s26], [sflag:$0x1] =	stream.indirect.gather [hbm4b:s4+s5], $0x10, s25, s5, $0xb8;
	[tilespmem:$0x15400] =	vst v63  }
0x114: {  	p0 =	sne.s32 s1, $0x1;
	s26 =	simm.s32 $0xFC00  }
0x115: {  	[tilespmem:s26], [sflag:$0x1] =	stream.indirect.gather [hbm4b:s4+s5], $0x10, s0, s5, $0xb8;
	[tilespmem:$0x15400] =	vst v63  }
.Ltmp1:
0x116: {  	_ = 	snop;
	(pc) =	sbr.rel @p0 .LBB2_1-.Ltmp1, $4  }
0x117: {  	s29 =	simm.s32 $0x10400;
	s28 =	simm.s32 $0xF00  }
0x118: {  	[tilespmem:s29], [sflag:$0x1] =	stream.indirect.gather [hbm4b:s4+s5], $0x10, s28, s5, $0xb8;
	[tilespmem:$0x15400] =	vst v63  }
0x119: {  	s1 =	sadd.s32 $0xFFFFFFFF, s1  }
0x11a: {  	[tilespmem:s31], [sflag:$0x1] =	stream.indirect.gather [hbm4b:s4+s5], $0x10, s30, s5, $0xb8;
	[tilespmem:$0x15400] =	vst v63  }
.LBB2_2:
0x11b: {  	s0 =	simm.s32 $0x1000;
	s1 =	simm.s32 $0x11400  }
0x11c: {  	[tilespmem:s1], [sflag:$0x1] =	stream.indirect.gather [hbm4b:s4+s5], $0x10, s0, s5, $0xb8;
	[tilespmem:$0x15400] =	vst v63  }
0x11d: {  	s14 =	simm.s32 $0x1080;
	s15 =	simm.s32 $0x11C00  }
0x11e: {  	[tilespmem:s15], [sflag:$0x1] =	stream.indirect.gather [hbm4b:s4+s5], $0x10, s14, s5, $0xb8;
	[tilespmem:$0x15400] =	vst v63  }
0x11f: {  	s16 =	simm.s32 $0x1100;
	s17 =	simm.s32 $0x12400  }
0x120: {  	[tilespmem:s17], [sflag:$0x1] =	stream.indirect.gather [hbm4b:s4+s5], $0x10, s16, s5, $0xb8;
	[tilespmem:$0x15400] =	vst v63  }
0x121: {  	s18 =	simm.s32 $0x1180;
	s19 =	simm.s32 $0x12C00  }
0x122: {  	[tilespmem:s19], [sflag:$0x1] =	stream.indirect.gather [hbm4b:s4+s5], $0x10, s18, s5, $0xb8;
	[tilespmem:$0x15400] =	vst v63  }
0x123: {  	s20 =	simm.s32 $0x1200;
	s22 =	simm.s32 $0x13400  }
0x124: {  	[tilespmem:s22], [sflag:$0x1] =	stream.indirect.gather [hbm4b:s4+s5], $0x10, s20, s5, $0xb8;
	[tilespmem:$0x15400] =	vst v63  }
0x125: {  	s23 =	simm.s32 $0x1280;
	s24 =	simm.s32 $0x13C00  }
0x126: {  	[tilespmem:s24], [sflag:$0x1] =	stream.indirect.gather [hbm4b:s4+s5], $0x10, s23, s5, $0xb8;
	[tilespmem:$0x15400] =	vst v63  }
0x127: {  	s25 =	simm.s32 $0x1300;
	s26 =	simm.s32 $0x14400  }
0x128: {  	[tilespmem:s26], [sflag:$0x1] =	stream.indirect.gather [hbm4b:s4+s5], $0x10, s25, s5, $0xb8;
	[tilespmem:$0x15400] =	vst v63  }
0x129: {  	s28 =	simm.s32 $0x1380;
	s29 =	simm.s32 $0x14C00  }
0x12a: {  	[tilespmem:s29], [sflag:$0x1] =	stream.indirect.gather [hbm4b:s4+s5], $0x10, s28, s5, $0xb8;
	[tilespmem:$0x15400] =	vst v63  }
0x12b: {  	_ =	swait.ge [sflag:s7], $0xA000  }
0x12c: {  	[sflag:s7] =	ssyncset.done $0x0  }
0x12d: {  	s30 =	rddreg [dreg:$0x4];
	[sflag:s7] =	ssyncadd.s32 $0xFFFF6000  }
0x12e: {  	[hbm4b:s30+s2] =	stream.linear.scatter [tilespmem:s8], [sflag:$0x2], $0xA000, $0x38;
	[tilespmem:$0x15400] =	vst v63  }
0x12f: {  	_ =	swait.ge [sflag:s21], $0xA000  }
0x130: {  	[sflag:s21] =	ssyncset.done $0x0  }
0x131: {  	[sflag:s21] =	ssyncadd.s32 $0xFFFF6000  }
0x132: {  	_ =	swait.ge [sflag:s21], $0xA000  }
0x133: {  	[sflag:s21] =	ssyncset.done $0x0  }
0x134: {  	[sflag:s21] =	ssyncadd.s32 $0xFFFF6000  }
0x135: {  	_ =	sfence.sel $0x180000  }
0x136: {  	[bflag:$0x0] =	sbarrier.arrive $0xFFFF  }
0x137: {  	_ =	strace $0x9000004D  }
0x138: {  	s31 =	stileid.u32;
	[bflag:$0x2] =	sbarrier.arrive $0xFFFF  }
0x139: {  	p0 =	sne.s32 s31, $0x0;
	s0 =	rddreg [dreg:$0x1]  }
0x13a: {  	s0 =	sadd.s32 @!p0 $0x100000, s0  }
0x13b: {  	[sflag:s0] =	ssyncadd.tile.s32 @!p0 $0x1;
	_ =	shalt  }
.Lfunc_end2:
_tile_overlayer_lowered:
.L_overlay_start_2:
0x13c: {  	(tag) =	ssettag $0x2  }
0x13d: {  	s0 =	rddreg [dreg:$0x0];
	s2 =	stileid.u32  }
0x13e: {  	s1 =	rddreg [dreg:$0x1];
	p0 =	sne.s32 s2, $0x0  }
0x13f: {  	s3 =	rddreg [dreg:$0x2];
	[bflag:$0x3] =	sbarrier.arrive $0xFFFF;
	s2 =	simm.s32 @!p0 $0x1C03  }
0x140: {  	[timem:s3], [sflag:s2] =	dma.local @!p0 [hbm:s0], s1  }
0x141: {  	s0 =	simm.s32 @!p0 $0x3  }
0x142: {  	_ =	swait.ge @!p0 [sflag:s0], s1  }
0x143: {  	s1 =	ssub.s32 @!p0 $0x0, s1;
	[sflag:s0] =	ssyncset.done @!p0 $0x0  }
0x144: {  	[sflag:s0] =	ssyncadd.s32 @!p0 s1  }
0x145: {  	[bflag:$0x3] =	sbarrier.arrive $0xFFFF  }
0x146: {  	_ =	shalt  }

// kernel: kernel.23.cloned.1.call-start
scs
__scs_entry_jumppad:
0x0: {  	(pc) =	sbr.rel $0x88, $3  }
0x1: {  	(tag) =	ssettag $0x0;
	lr =	simm.s32 $0x1  }
0x2: {  	[smem:$0x3F87] =	sst lr;
	_ =	strace $0xD0000000  }
0x3: {  	_ = 	snop  }
0x4: {  	_ = 	snop  }
0x5: {  	_ = 	snop  }
0x6: {  	_ = 	snop  }
0x7: {  	_ = 	snop  }
__scs_overlays_trampoline_lowered:
0x8: {  	[smem:$0x3F96] =	sst s0  }
0x9: {  	[smem:$0x3F97] =	sst s1  }
0xa: {  	[smem:$0x3F98] =	sst s2  }
0xb: {  	[smem:$0x3F99] =	sst s3  }
0xc: {  	[smem:$0x3F9A] =	sst s4  }
0xd: {  	[smem:$0x3F9B] =	sst s5  }
0xe: {  	[smem:$0x3F9C] =	sst s6  }
0xf: {  	[smem:$0x3F9D] =	sst s7  }
0x10: {  	[smem:$0x3F9E] =	sst s8  }
0x11: {  	[smem:$0x3F9F] =	sst s9;
	s0 =	simm.s32 @!p0 $0x0  }
0x12: {  	s1 =	sld [smem:$0x3F85];
	s0 =	simm.s32 @p0 $0x1  }
0x13: {  	[smem:$0x3FA0] =	sst s0;
	s0 =	simm.s32 @!p1 $0x0  }
0x14: {  	s2 =	sld [smem:$0x3F84];
	s0 =	simm.s32 @p1 $0x1  }
0x15: {  	[smem:$0x3FA1] =	sst s0;
	s0 =	simm.s32 @!p2 $0x0  }
0x16: {  	s3 =	sld [smem:$0x3FDB];
	s0 =	simm.s32 @p2 $0x1  }
0x17: {  	s4 =	simm.s32 $0x1BF5;
	[smem:$0x3FA3] =	sst s0  }
0x18: {  	s0 =	sld [smem:$0x3F86];
	_ =	swait.ge [sflag:s4], $0x0  }
0x19: {  	s7 =	sld [smem:$0x3F87]  }
0x1a: {  	s8 =	sadd.s32 $0xFFFFE003, lr  }
0x1b: {  	s9 =	sadd.s32 $0xFFFFFEF7, lr;
	s5 =	simm.s32 $0xFFFFFFFF;
	p2 =	slt.u32 s8, $0xFFFFF086  }
0x1c: {  	p1 =	slt.u32 s9, $0xF7A;
	s5 =	simm.s32 @!p2 $0x0  }
0x1d: {  	s5 =	simm.s32 @p1 $0x1;
	p0 =	seq.s32 s7, s2  }
0x1e: {  	s7 =	smul.u32 @!p0 $0xF7A, s2;
	p2 =	seq.s32 @!p0 s5, $0x0  }
0x1f: {  	s9 =	smul.u32 $0xF7A, s1;
	s8 =	simm.s32 @!p0 $0x1BF5;
	p2 =	por !p2, p0  }
0x20: {  	[sflag:s8] =	ssyncset.s32 @!p0 $0xFFFFF086;
	s6 =	sadd.s32 @!p0 s3, s7;
	s7 =	simm.s32 @!p0 $0x108  }
0x21: {  	s3 =	sadd.s32 s3, s9;
	s6 =	sadd.s32 @!p0 $0x88, s6;
	s7 =	simm.s32 @p2 $0x1082  }
0x22: {  	[simem:s7], [sflag:s8] =	dma.local @!p0 [hbm:s6], $0xF7A  }
0x23: {  	s9 =	sor.u32 $0xD0000000, s2;
	s6 =	simm.s32 $0x108;
	_ =	swait.ge @!p0 [sflag:s8], $0x0  }
0x24: {  	s3 =	sadd.s32 $0x88, s3;
	s6 =	simm.s32 @!p1 $0x1082;
	[sflag:s4] =	ssyncset.s32 $0xFFFFF086  }
0x25: {  	[simem:s6], [sflag:s4] =	dma.local [hbm:s3], $0xF7A  }
0x26: {  	[smem:$0x3F87] =	sst s1;
	(tag) =	ssettag s2;
	_ =	strace s9  }
0x27: {  	s1 =	sld [smem:$0x3F97]  }
0x28: {  	s2 =	sld [smem:$0x3F98]  }
0x29: {  	s4 =	sld [smem:$0x3F9A]  }
0x2a: {  	p0 =	seq.s32 s5, $0x0;
	s5 =	sld [smem:$0x3F9B]  }
0x2b: {  	s6 =	sld [smem:$0x3F9C]  }
0x2c: {  	s7 =	sld [smem:$0x3F9D]  }
0x2d: {  	s3 =	simm.s32 $0x108;
	s8 =	sld [smem:$0x3F9E]  }
0x2e: {  	s3 =	simm.s32 @!p0 $0x1082;
	s9 =	sld [smem:$0x3F9F]  }
0x2f: {  	lr =	sadd.s32 s0, s3;
	s0 =	sld [smem:$0x3F96]  }
0x30: {  	s3 =	sld [smem:$0x3F99]  }
0x31: {  	[smem:$0x3FA2] =	sst s10  }
0x32: {  	s10 =	sld [smem:$0x3FA0];
	_ =	sdelay $0x3  }
0x33: {  	p0 =	seq.s32 s10, $0x1;
	s10 =	sld [smem:$0x3FA2];
	_ =	sdelay $0x3  }
0x34: {  	[smem:$0x3FA2] =	sst s10  }
0x35: {  	s10 =	sld [smem:$0x3FA1];
	_ =	sdelay $0x3  }
0x36: {  	p1 =	seq.s32 s10, $0x1;
	s10 =	sld [smem:$0x3FA2];
	_ =	sdelay $0x3  }
0x37: {  	[smem:$0x3FA2] =	sst s10  }
0x38: {  	s10 =	sld [smem:$0x3FA3]  }
0x39: {  	_ = 	snop;
	(pc) =	sbr.ind lr, $3  }
0x3a: {  	_ = 	snop  }
0x3b: {  	_ = 	snop  }
0x3c: {  	p2 =	seq.s32 s10, $0x1;
	s10 =	sld [smem:$0x3FA2]  }
0x3d: {  	_ =	shalt  }
0x3e: {  	_ =	shalt  }
0x3f: {  	_ =	shalt  }
0x40: {  	_ =	shalt  }
0x41: {  	_ =	shalt  }
0x42: {  	_ =	shalt  }
0x43: {  	_ =	shalt  }
0x44: {  	_ =	shalt  }
0x45: {  	_ =	shalt  }
0x46: {  	_ =	shalt  }
0x47: {  	_ =	shalt  }
0x48: {  	_ =	shalt  }
0x49: {  	_ =	shalt  }
0x4a: {  	_ =	shalt  }
0x4b: {  	_ =	shalt  }
0x4c: {  	_ =	shalt  }
0x4d: {  	_ =	shalt  }
0x4e: {  	_ =	shalt  }
0x4f: {  	_ =	shalt  }
0x50: {  	_ =	shalt  }
0x51: {  	_ =	shalt  }
0x52: {  	_ =	shalt  }
0x53: {  	_ =	shalt  }
0x54: {  	_ =	shalt  }
0x55: {  	_ =	shalt  }
0x56: {  	_ =	shalt  }
0x57: {  	_ =	shalt  }
0x58: {  	_ =	shalt  }
0x59: {  	_ =	shalt  }
0x5a: {  	_ =	shalt  }
0x5b: {  	_ =	shalt  }
0x5c: {  	_ =	shalt  }
0x5d: {  	_ =	shalt  }
0x5e: {  	_ =	shalt  }
0x5f: {  	_ =	shalt  }
0x60: {  	_ =	shalt  }
0x61: {  	_ =	shalt  }
0x62: {  	_ =	shalt  }
0x63: {  	_ =	shalt  }
0x64: {  	_ =	shalt  }
0x65: {  	_ =	shalt  }
0x66: {  	_ =	shalt  }
0x67: {  	_ =	shalt  }
0x68: {  	_ =	shalt  }
0x69: {  	_ =	shalt  }
0x6a: {  	_ =	shalt  }
0x6b: {  	_ =	shalt  }
0x6c: {  	_ =	shalt  }
0x6d: {  	_ =	shalt  }
0x6e: {  	_ =	shalt  }
0x6f: {  	_ =	shalt  }
0x70: {  	_ =	shalt  }
0x71: {  	_ =	shalt  }
0x72: {  	_ =	shalt  }
0x73: {  	_ =	shalt  }
0x74: {  	_ =	shalt  }
0x75: {  	_ =	shalt  }
0x76: {  	_ =	shalt  }
0x77: {  	_ =	shalt  }
0x78: {  	_ =	shalt  }
0x79: {  	_ =	shalt  }
0x7a: {  	_ =	shalt  }
0x7b: {  	_ =	shalt  }
0x7c: {  	_ =	shalt  }
0x7d: {  	_ =	shalt  }
0x7e: {  	_ =	shalt  }
0x7f: {  	_ =	shalt  }
0x80: {  	_ =	shalt  }
0x81: {  	_ =	shalt  }
0x82: {  	_ =	shalt  }
0x83: {  	_ =	shalt  }
0x84: {  	_ =	shalt  }
0x85: {  	_ =	shalt  }
0x86: {  	_ =	shalt  }
0x87: {  	_ =	shalt  }
.Lfunc_end0:
.L_simem_size_0:
called_computation.3_lowered:
.L_overlay_start_0:
0x88: {  	s2 =	sld [smem:$0x3FD9]  }
0x89: {  	s3 =	sld [smem:$0x3FFE];
	_ =	sdelay $0x1  }
0x8a: {  	s1 =	srdreg.scid  }
0x8b: {  	s0 =	sand.u32 $0x1, s1  }
0x8c: {  	s16 =	sshll.u32 s0, $0xA;
	s2 =	sadd.s32 s3, s2  }
0x8d: {  	s2 =	sadd.s32 s2, s16  }
0x8e: {  	[smem:$0x3FAE] =	sst s2  }
0x8f: {  	_ = 	snop  }
0x90: {  	(tm) =	ssettm $0x1  }
0x91: {  	s17 =	sld [smem:$0x3FFB];
	_ =	sdelay $0x3  }
0x92: {  	_ =	strace s17  }
0x93: {  	s2 =	sld [smem:$0x3FFC];
	_ =	sdelay $0x3  }
0x94: {  	_ =	strace s2  }
0x95: {  	s2 =	sld [smem:$0x3FFD];
	_ =	sdelay $0x3  }
0x96: {  	_ =	strace s2  }
0x97: {  	_ =	strace $0x8FFFFFFF  }
0x98: {  	s18 =	sld [smem:$0x3FDB];
	_ =	sdelay $0x1  }
0x99: {  	s19 =	simm.s32 $_scs_section_size  }
0x9a: {  	s4 =	simm.s32 $_size__tile_overlayer_lowered;
	s5 =	simm.s32 $_tile_overlayer_lowered  }
0x9b: {  	s22 =	simm.s32 $0x1BFF;
	s21 =	sshll.u32 s5, $0x1;
	s2 =	sadd.s32 s19, s18  }
0x9c: {  	s6 =	simm.s32 $0x0;
	s20 =	sshll.u32 s4, $0x1;
	s4 =	sadd.s32 s21, s2  }
0x9d: {  	[timem:s6], [sflag:s22] =	dma.local [hbm:s4], s20  }
0x9e: {  	_ =	swait.ge [sflag:s22], s20  }
0x9f: {  	s3 =	ssub.s32 $0x0, s20;
	[sflag:s22] =	ssyncset.done $0x0  }
0xa0: {  	[sflag:s22] =	ssyncadd.s32 s3;
	_ =	sdelay $0x1  }
0xa1: {  	s23 =	simm.s32 $0x1B8B  }
0xa2: {  	_ =	swait.ge [sflag:s23], $0x1  }
0xa3: {  	[sflag:s23] =	ssyncset.done $0x0  }
0xa4: {  	s25 =	simm.s32 $0x1B8E;
	s24 =	sld [smem:$0x3FFE];
	[sflag:s23] =	ssyncadd.s32 $0xFFFFFFFF  }
0xa5: {  	s26 =	simm.s32 $execute0_lowered;
	[smem:$0x3FD2] =	sst s25  }
0xa6: {  	s4 =	sshll.u32 s26, $0x1;
	_ =	strace $0x8000004F;
	[dreg:$0x1] =	wrdreg $0xFFFFFFFF  }
0xa7: {  	s28 =	simm.s32 $_size_execute0_lowered;
	s2 =	sadd.s32 s2, s4;
	[dreg:$0x0] =	wrdreg $0x0  }
0xa8: {  	s4 =	sshll.u32 s28, $0x1;
	[dreg:$0x2] =	wrdreg s2  }
0xa9: {  	[dreg:$0x3] =	wrdreg s4  }
0xaa: {  	[dreg:$0x4] =	wrdreg $0xC0  }
0xab: {  	_ =	task [dreg:s6], $0x5FFFF  }
0xac: {  	[dreg:$0x1] =	wrdreg $0xFFFFFFFF  }
0xad: {  	[dreg:$0x0] =	wrdreg $0x60  }
0xae: {  	[dreg:$0x2] =	wrdreg s24  }
0xaf: {  	[dreg:$0x3] =	wrdreg $0x154800  }
0xb0: {  	[dreg:$0x4] =	wrdreg $0x17C800  }
0xb1: {  	[dreg:$0x5] =	wrdreg $0x9  }
0xb2: {  	_ =	task.clear_ibuf [dreg:s6], $0x6FFFF;
	_ =	strace $0x9000004F  }
0xb3: {  	s29 =	simm.s32 $0x9;
	_ =	strace $0x80000051  }
0xb4: {  	_ =	swait.ge [sflag:s29], $0x1  }
0xb5: {  	[sflag:s29] =	ssyncadd.s32 $0xFFFFFFFF  }
0xb6: {  	_ =	strace $0x90000051  }
0xb7: {  	_ =	sfence  }
0xb8: {  	s30 =	sld [smem:$0x0];
	_ =	sdelay $0x2  }
0xb9: {  	s31 =	sshll.u32 s1, $0xD;
	s1 =	sshrl.u32 s1, $0x2  }
0xba: {  	s3 =	sand.u32 $0x4000, s31;
	s1 =	sadd.s32 s1, s30  }
0xbb: {  	s0 =	sor.u32 s3, s0;
	s1 =	sshll.u32 s1, $0x11  }
0xbc: {  	s0 =	sor.u32 s1, s0  }
0xbd: {  	s0 =	sadd.s32 $0x8F2B, s0  }
0xbe: {  	[sflag:s0] =	ssyncadd.remote.s32 $0x1  }
0xbf: {  	_ =	sfence.sel $0xFFFF  }
0xc0: {  	[dreg:$0x0] =	wrdreg $0xFFFFFFFF;
	(pc) =	sbr.abs _section_cstart, $3  }
0xc1: {  	[dreg:$0x1] =	wrdreg $0xFFFFFFFF  }
0xc2: {  	_ =	task.clear_ibuf [dreg:s6], $0x2FFFF;
	_ =	strace $0x9FFFFFFF  }
0xc3: {  	(tm) =	ssettm $0x7FFFFFFF  }
tec
execute0_lowered:
.L_overlay_start_1:
0x0: {  	(tag) =	ssettag $0x1  }
0x1: {  	s6 =	rddreg [dreg:$0x0]  }
0x2: {  	s1 =	srdreg.scid;
	s2 =	rddreg [dreg:$0x1]  }
0x3: {  	s0 =	stileid.u32;
	s3 =	rddreg [dreg:$0x2]  }
0x4: {  	s4 =	simm.s32 $0x0;
	s18 =	simm.s32 $0x15400;
	s9 =	smul.u32 $0x2800, s0  }
0x5: {  	s5 =	sand.u32 $0x1, s1;
	s30 =	sshll.u32 s0, $0x1;
	s10 =	smul.u32 $0x280, s0  }
0x6: {  	s19 =	simm.s32 $0x2;
	s1 =	sor.u32 s5, s30;
	s11 =	smul.u32 $0x2800, s5  }
0x7: {  	s20 =	simm.s32 $0x0;
	[smem:$0x7FF] =	sst s4;
	s7 =	smul.u32 $0x2800, s1  }
0x8: {  	s31 =	sshll.u32 s0, $0x6;
	s5 =	ssub.s32 $0x2, s5;
	s8 =	smul.u32 $0x280, s1  }
0x9: {  	s1 =	rddreg [dreg:$0x3];
	_ =	strace $0x80000050;
	s12 =	sshrl.u32 s9, $0x3  }
0xa: {  	s13 =	sshrl.u32 s10, $0x3;
	s15 =	sshrl.u32 s5, $0x1;
	s16 =	sadd.s32 s9, s2  }
0xb: {  	s17 =	sadd.s32 s10, s3;
	s12 =	sadd.s32 s12, s6;
	s11 =	sadd.s32 s10, s11  }
0xc: {  	s13 =	sadd.s32 s13, s6;
	s15 =	ssub.s32 s5, s15;
	s7 =	sadd.s32 s7, s6  }
0xd: {  	s8 =	sadd.s32 s8, s6;
	s14 =	sshll.u32 s11, $0x1;
	s11 =	sshrl.u32 s11, $0x3  }
0xe: {  	s14 =	sadd.s32 s14, s6;
	s11 =	sadd.s32 s11, s6;
	s5 =	sadd.s32 $0xE800, s8  }
0xf: {  	s6 =	sadd.s32 $0x13800, s7;
	s7 =	sadd.s32 $0x4200, s12;
	s8 =	sadd.s32 $0x9200, s13  }
0x10: {  	s12 =	simm.s32 $0x3;
	s13 =	sor.u32 $0x1C03, s31;
	s9 =	sadd.s32 $0x63800, s14  }
0x11: {  	s10 =	sadd.s32 $0x9800, s11;
	s11 =	smax.u32 s15, $0x1;
	s14 =	sshrl.u32 s16, $0x3  }
0x12: {  	v0 =	vimm.f32 $1.000000000e+00;
	s15 =	sshrl.u32 s17, $0x3;
	s16 =	simm.s32 $0x1;
	s17 =	simm.s32 $0x80  }
.LBB2_1:
0x13: {  	[tilespmem:$0x15400] =	vst v0  }
0x14: {  	[tilespmem:$0x15410] =	vst v0  }
0x15: {  	[tilespmem:$0x15420] =	vst v0  }
0x16: {  	[tilespmem:$0x15430] =	vst v0  }
0x17: {  	[tilespmem:$0x15440] =	vst v0  }
0x18: {  	[tilespmem:$0x15450] =	vst v0  }
0x19: {  	[tilespmem:$0x15460] =	vst v0  }
0x1a: {  	[tilespmem:$0x15470] =	vst v0  }
0x1b: {  	[tilespmem:s4], [sflag:$0x3] =	stream.linear.gather [hbm4b:s5+s4], $0x1400, $0x38;
	[tilespmem:$0x17F00] =	vst v63  }
0x1c: {  	_ =	swait.ge [sflag:s12], $0x1400  }
0x1d: {  	[sflag:s12] =	ssyncset.done $0x0  }
0x1e: {  	s21 =	simm.s32 $0x1400;
	[sflag:s12] =	ssyncadd.s32 $0xFFFFEC00  }
0x1f: {  	[tilespmem:s21], [sflag:$0x1] =	stream.linear.gather [hbm4b:s6+s4], $0x14000, $0x38;
	[tilespmem:$0x17F00] =	vst v63  }
0x20: {  	[spmem:s14], [sflag:s13] =	dma.local [hbm:s7], $0x500  }
0x21: {  	_ =	swait.ge [sflag:s12], $0x500  }
0x22: {  	[sflag:s12] =	ssyncset.done $0x0  }
0x23: {  	[sflag:s12] =	ssyncadd.s32 $0xFFFFFB00  }
0x24: {  	[spmem:s15], [sflag:s13] =	dma.local [hbm:s8], $0x50  }
0x25: {  	_ =	swait.ge [sflag:s12], $0x50  }
0x26: {  	[sflag:s12] =	ssyncset.done $0x0  }
0x27: {  	[sflag:s12] =	ssyncadd.s32 $0xFFFFFFB0  }
0x28: {  	[bflag:$0x0] =	sbarrier.arrive $0xFFFF  }
0x29: {  	_ =	swait.ge [sflag:s16], $0x14000  }
0x2a: {  	[sflag:s16] =	ssyncset.done $0x0  }
0x2b: {  	s23 =	simm.s32 $0x0;
	[sflag:s16] =	ssyncadd.s32 $0xFFFEC000  }
0x2c: {  	[spmem:s2] =	stream.indirect.scatter.add.f32 [tilespmem:s21], [sflag:$0x1], $0x10, s23, s17, $0xb8;
	[tilespmem:$0x17F00] =	vst v63  }
0x2d: {  	s22 =	simm.s32 $0x1C00;
	s21 =	simm.s32 $0x200  }
.LBB2_2:
0x2e: {  	[spmem:s3] =	stream.indirect.scatter.add.f32 [tilespmem:s18], [sflag:$0x2], $0x1, s23, s17, $0xb8;
	[tilespmem:$0x17F00] =	vst v63  }
0x2f: {  	s23 =	smov.u32 s21;
	p0 =	sne.s32 s21, $0x4E00  }
.Ltmp0:
0x30: {  	s21 =	sadd.s32 $0x200, s21;
	(pc) =	sbr.rel @p0 .LBB2_2-.Ltmp0, $4  }
0x31: {  	_ = 	snop  }
0x32: {  	s23 =	sshra.s32 s23, $0x2  }
0x33: {  	[spmem:s2] =	stream.indirect.scatter.add.f32 [tilespmem:s22], [sflag:$0x1], $0x10, s23, s17, $0xb8;
	[tilespmem:$0x17F00] =	vst v63  }
0x34: {  	s22 =	sadd.s32 $0x800, s22  }
0x35: {  	[spmem:s3] =	stream.indirect.scatter.add.f32 [tilespmem:s18], [sflag:$0x2], $0x1, s23, s17, $0xb8;
	[tilespmem:$0x17F00] =	vst v63  }
0x36: {  	_ =	swait.ge [sflag:s16], $0x14000  }
0x37: {  	[sflag:s16] =	ssyncset.done $0x0  }
0x38: {  	[sflag:s16] =	ssyncadd.s32 $0xFFFEC000  }
0x39: {  	_ =	swait.ge [sflag:s19], $0x1400  }
0x3a: {  	[sflag:s19] =	ssyncset.done $0x0  }
0x3b: {  	[sflag:s19] =	ssyncadd.s32 $0xFFFFEC00  }
0x3c: {  	[bflag:$0x0] =	sbarrier.arrive $0xFFFF  }
0x3d: {  	[hbm:s9], [sflag:s13] =	dma.local [spmem:s14], $0x500  }
0x3e: {  	s20 =	sadd.s32 $0x1, s20;
	_ =	swait.ge [sflag:s12], $0x500  }
0x3f: {  	p0 =	sne.s32 s20, s11;
	[sflag:s12] =	ssyncset.done $0x0  }
.Ltmp1:
0x40: {  	[sflag:s12] =	ssyncadd.s32 $0xFFFFFB00;
	(pc) =	sbr.rel @p0 .LBB2_1-.Ltmp1, $4  }
0x41: {  	[hbm:s10], [sflag:s13] =	dma.local [spmem:s15], $0x50  }
0x42: {  	_ =	swait.ge [sflag:s12], $0x50  }
0x43: {  	[sflag:s12] =	ssyncset.done $0x0  }
0x44: {  	[sflag:s12] =	ssyncadd.s32 $0xFFFFFFB0  }
0x45: {  	_ =	sfence.sel $0x180000  }
0x46: {  	[bflag:$0x0] =	sbarrier.arrive $0xFFFF  }
0x47: {  	p0 =	sne.s32 s0, $0x0;
	_ =	strace $0x90000050  }
0x48: {  	s0 =	sadd.s32 @!p0 $0x100000, s1;
	[bflag:$0x2] =	sbarrier.arrive $0xFFFF  }
0x49: {  	[sflag:s0] =	ssyncadd.tile.s32 @!p0 $0x1;
	_ =	shalt  }
.Lfunc_end2:
_tile_overlayer_lowered:
.L_overlay_start_2:
0x4a: {  	(tag) =	ssettag $0x2  }
0x4b: {  	s0 =	rddreg [dreg:$0x0];
	s2 =	stileid.u32  }
0x4c: {  	s1 =	rddreg [dreg:$0x1];
	p0 =	sne.s32 s2, $0x0  }
0x4d: {  	s3 =	rddreg [dreg:$0x2];
	[bflag:$0x3] =	sbarrier.arrive $0xFFFF;
	s2 =	simm.s32 @!p0 $0x1C03  }
0x4e: {  	[timem:s3], [sflag:s2] =	dma.local @!p0 [hbm:s0], s1  }
0x4f: {  	s0 =	simm.s32 @!p0 $0x3  }
0x50: {  	_ =	swait.ge @!p0 [sflag:s0], s1  }
0x51: {  	s1 =	ssub.s32 @!p0 $0x0, s1;
	[sflag:s0] =	ssyncset.done @!p0 $0x0  }
0x52: {  	[sflag:s0] =	ssyncadd.s32 @!p0 s1  }
0x53: {  	[bflag:$0x3] =	sbarrier.arrive $0xFFFF  }
0x54: {  	_ =	shalt  }

// kernel: kernel.26.cloned.1.call-start
scs
__scs_entry_jumppad:
0x0: {  	(pc) =	sbr.rel $0x88, $3  }
0x1: {  	(tag) =	ssettag $0x0;
	lr =	simm.s32 $0x1  }
0x2: {  	[smem:$0x3F87] =	sst lr;
	_ =	strace $0xD0000000  }
0x3: {  	_ = 	snop  }
0x4: {  	_ = 	snop  }
0x5: {  	_ = 	snop  }
0x6: {  	_ = 	snop  }
0x7: {  	_ = 	snop  }
__scs_overlays_trampoline_lowered:
0x8: {  	[smem:$0x3F96] =	sst s0  }
0x9: {  	[smem:$0x3F97] =	sst s1  }
0xa: {  	[smem:$0x3F98] =	sst s2  }
0xb: {  	[smem:$0x3F99] =	sst s3  }
0xc: {  	[smem:$0x3F9A] =	sst s4  }
0xd: {  	[smem:$0x3F9B] =	sst s5  }
0xe: {  	[smem:$0x3F9C] =	sst s6  }
0xf: {  	[smem:$0x3F9D] =	sst s7  }
0x10: {  	[smem:$0x3F9E] =	sst s8  }
0x11: {  	[smem:$0x3F9F] =	sst s9;
	s0 =	simm.s32 @!p0 $0x0  }
0x12: {  	s1 =	sld [smem:$0x3F85];
	s0 =	simm.s32 @p0 $0x1  }
0x13: {  	[smem:$0x3FA0] =	sst s0;
	s0 =	simm.s32 @!p1 $0x0  }
0x14: {  	s2 =	sld [smem:$0x3F84];
	s0 =	simm.s32 @p1 $0x1  }
0x15: {  	[smem:$0x3FA1] =	sst s0;
	s0 =	simm.s32 @!p2 $0x0  }
0x16: {  	s3 =	sld [smem:$0x3FDB];
	s0 =	simm.s32 @p2 $0x1  }
0x17: {  	s4 =	simm.s32 $0x1BF5;
	[smem:$0x3FA3] =	sst s0  }
0x18: {  	s0 =	sld [smem:$0x3F86];
	_ =	swait.ge [sflag:s4], $0x0  }
0x19: {  	s7 =	sld [smem:$0x3F87]  }
0x1a: {  	s8 =	sadd.s32 $0xFFFFE003, lr  }
0x1b: {  	s9 =	sadd.s32 $0xFFFFFEF7, lr;
	s5 =	simm.s32 $0xFFFFFFFF;
	p2 =	slt.u32 s8, $0xFFFFF086  }
0x1c: {  	p1 =	slt.u32 s9, $0xF7A;
	s5 =	simm.s32 @!p2 $0x0  }
0x1d: {  	s5 =	simm.s32 @p1 $0x1;
	p0 =	seq.s32 s7, s2  }
0x1e: {  	s7 =	smul.u32 @!p0 $0xF7A, s2;
	p2 =	seq.s32 @!p0 s5, $0x0  }
0x1f: {  	s9 =	smul.u32 $0xF7A, s1;
	s8 =	simm.s32 @!p0 $0x1BF5;
	p2 =	por !p2, p0  }
0x20: {  	[sflag:s8] =	ssyncset.s32 @!p0 $0xFFFFF086;
	s6 =	sadd.s32 @!p0 s3, s7;
	s7 =	simm.s32 @!p0 $0x108  }
0x21: {  	s3 =	sadd.s32 s3, s9;
	s6 =	sadd.s32 @!p0 $0x88, s6;
	s7 =	simm.s32 @p2 $0x1082  }
0x22: {  	[simem:s7], [sflag:s8] =	dma.local @!p0 [hbm:s6], $0xF7A  }
0x23: {  	s9 =	sor.u32 $0xD0000000, s2;
	s6 =	simm.s32 $0x108;
	_ =	swait.ge @!p0 [sflag:s8], $0x0  }
0x24: {  	s3 =	sadd.s32 $0x88, s3;
	s6 =	simm.s32 @!p1 $0x1082;
	[sflag:s4] =	ssyncset.s32 $0xFFFFF086  }
0x25: {  	[simem:s6], [sflag:s4] =	dma.local [hbm:s3], $0xF7A  }
0x26: {  	[smem:$0x3F87] =	sst s1;
	(tag) =	ssettag s2;
	_ =	strace s9  }
0x27: {  	s1 =	sld [smem:$0x3F97]  }
0x28: {  	s2 =	sld [smem:$0x3F98]  }
0x29: {  	s4 =	sld [smem:$0x3F9A]  }
0x2a: {  	p0 =	seq.s32 s5, $0x0;
	s5 =	sld [smem:$0x3F9B]  }
0x2b: {  	s6 =	sld [smem:$0x3F9C]  }
0x2c: {  	s7 =	sld [smem:$0x3F9D]  }
0x2d: {  	s3 =	simm.s32 $0x108;
	s8 =	sld [smem:$0x3F9E]  }
0x2e: {  	s3 =	simm.s32 @!p0 $0x1082;
	s9 =	sld [smem:$0x3F9F]  }
0x2f: {  	lr =	sadd.s32 s0, s3;
	s0 =	sld [smem:$0x3F96]  }
0x30: {  	s3 =	sld [smem:$0x3F99]  }
0x31: {  	[smem:$0x3FA2] =	sst s10  }
0x32: {  	s10 =	sld [smem:$0x3FA0];
	_ =	sdelay $0x3  }
0x33: {  	p0 =	seq.s32 s10, $0x1;
	s10 =	sld [smem:$0x3FA2];
	_ =	sdelay $0x3  }
0x34: {  	[smem:$0x3FA2] =	sst s10  }
0x35: {  	s10 =	sld [smem:$0x3FA1];
	_ =	sdelay $0x3  }
0x36: {  	p1 =	seq.s32 s10, $0x1;
	s10 =	sld [smem:$0x3FA2];
	_ =	sdelay $0x3  }
0x37: {  	[smem:$0x3FA2] =	sst s10  }
0x38: {  	s10 =	sld [smem:$0x3FA3]  }
0x39: {  	_ = 	snop;
	(pc) =	sbr.ind lr, $3  }
0x3a: {  	_ = 	snop  }
0x3b: {  	_ = 	snop  }
0x3c: {  	p2 =	seq.s32 s10, $0x1;
	s10 =	sld [smem:$0x3FA2]  }
0x3d: {  	_ =	shalt  }
0x3e: {  	_ =	shalt  }
0x3f: {  	_ =	shalt  }
0x40: {  	_ =	shalt  }
0x41: {  	_ =	shalt  }
0x42: {  	_ =	shalt  }
0x43: {  	_ =	shalt  }
0x44: {  	_ =	shalt  }
0x45: {  	_ =	shalt  }
0x46: {  	_ =	shalt  }
0x47: {  	_ =	shalt  }
0x48: {  	_ =	shalt  }
0x49: {  	_ =	shalt  }
0x4a: {  	_ =	shalt  }
0x4b: {  	_ =	shalt  }
0x4c: {  	_ =	shalt  }
0x4d: {  	_ =	shalt  }
0x4e: {  	_ =	shalt  }
0x4f: {  	_ =	shalt  }
0x50: {  	_ =	shalt  }
0x51: {  	_ =	shalt  }
0x52: {  	_ =	shalt  }
0x53: {  	_ =	shalt  }
0x54: {  	_ =	shalt  }
0x55: {  	_ =	shalt  }
0x56: {  	_ =	shalt  }
0x57: {  	_ =	shalt  }
0x58: {  	_ =	shalt  }
0x59: {  	_ =	shalt  }
0x5a: {  	_ =	shalt  }
0x5b: {  	_ =	shalt  }
0x5c: {  	_ =	shalt  }
0x5d: {  	_ =	shalt  }
0x5e: {  	_ =	shalt  }
0x5f: {  	_ =	shalt  }
0x60: {  	_ =	shalt  }
0x61: {  	_ =	shalt  }
0x62: {  	_ =	shalt  }
0x63: {  	_ =	shalt  }
0x64: {  	_ =	shalt  }
0x65: {  	_ =	shalt  }
0x66: {  	_ =	shalt  }
0x67: {  	_ =	shalt  }
0x68: {  	_ =	shalt  }
0x69: {  	_ =	shalt  }
0x6a: {  	_ =	shalt  }
0x6b: {  	_ =	shalt  }
0x6c: {  	_ =	shalt  }
0x6d: {  	_ =	shalt  }
0x6e: {  	_ =	shalt  }
0x6f: {  	_ =	shalt  }
0x70: {  	_ =	shalt  }
0x71: {  	_ =	shalt  }
0x72: {  	_ =	shalt  }
0x73: {  	_ =	shalt  }
0x74: {  	_ =	shalt  }
0x75: {  	_ =	shalt  }
0x76: {  	_ =	shalt  }
0x77: {  	_ =	shalt  }
0x78: {  	_ =	shalt  }
0x79: {  	_ =	shalt  }
0x7a: {  	_ =	shalt  }
0x7b: {  	_ =	shalt  }
0x7c: {  	_ =	shalt  }
0x7d: {  	_ =	shalt  }
0x7e: {  	_ =	shalt  }
0x7f: {  	_ =	shalt  }
0x80: {  	_ =	shalt  }
0x81: {  	_ =	shalt  }
0x82: {  	_ =	shalt  }
0x83: {  	_ =	shalt  }
0x84: {  	_ =	shalt  }
0x85: {  	_ =	shalt  }
0x86: {  	_ =	shalt  }
0x87: {  	_ =	shalt  }
.Lfunc_end0:
.L_simem_size_0:
called_computation.4_lowered:
.L_overlay_start_0:
0x88: {  	s2 =	sld [smem:$0x3FD9]  }
0x89: {  	s3 =	sld [smem:$0x3FFE];
	_ =	sdelay $0x1  }
0x8a: {  	s1 =	srdreg.scid  }
0x8b: {  	s0 =	sand.u32 $0x1, s1  }
0x8c: {  	s16 =	sshll.u32 s0, $0xA;
	s2 =	sadd.s32 s3, s2  }
0x8d: {  	s2 =	sadd.s32 s2, s16  }
0x8e: {  	[smem:$0x3FAE] =	sst s2  }
0x8f: {  	_ = 	snop  }
0x90: {  	(tm) =	ssettm $0x1  }
0x91: {  	s17 =	sld [smem:$0x3FFB];
	_ =	sdelay $0x3  }
0x92: {  	_ =	strace s17  }
0x93: {  	s2 =	sld [smem:$0x3FFC];
	_ =	sdelay $0x3  }
0x94: {  	_ =	strace s2  }
0x95: {  	s2 =	sld [smem:$0x3FFD];
	_ =	sdelay $0x3  }
0x96: {  	_ =	strace s2  }
0x97: {  	_ =	strace $0x8FFFFFFF  }
0x98: {  	s18 =	sld [smem:$0x3FDB];
	_ =	sdelay $0x1  }
0x99: {  	s19 =	simm.s32 $_scs_section_size  }
0x9a: {  	s4 =	simm.s32 $_size__tile_overlayer_lowered;
	s5 =	simm.s32 $_tile_overlayer_lowered  }
0x9b: {  	s22 =	simm.s32 $0x1BFF;
	s21 =	sshll.u32 s5, $0x1;
	s2 =	sadd.s32 s19, s18  }
0x9c: {  	s6 =	simm.s32 $0x0;
	s20 =	sshll.u32 s4, $0x1;
	s4 =	sadd.s32 s21, s2  }
0x9d: {  	[timem:s6], [sflag:s22] =	dma.local [hbm:s4], s20  }
0x9e: {  	_ =	swait.ge [sflag:s22], s20  }
0x9f: {  	s3 =	ssub.s32 $0x0, s20;
	[sflag:s22] =	ssyncset.done $0x0  }
0xa0: {  	[sflag:s22] =	ssyncadd.s32 s3;
	_ =	sdelay $0x1  }
0xa1: {  	s23 =	simm.s32 $0x1B8B  }
0xa2: {  	_ =	swait.ge [sflag:s23], $0x1  }
0xa3: {  	[sflag:s23] =	ssyncset.done $0x0  }
0xa4: {  	s25 =	simm.s32 $0x1B8E;
	s24 =	sld [smem:$0x3FFE];
	[sflag:s23] =	ssyncadd.s32 $0xFFFFFFFF  }
0xa5: {  	s26 =	simm.s32 $execute0_lowered;
	[smem:$0x3FD2] =	sst s25  }
0xa6: {  	s4 =	sshll.u32 s26, $0x1;
	_ =	strace $0x80000052;
	[dreg:$0x1] =	wrdreg $0xFFFFFFFF  }
0xa7: {  	s28 =	simm.s32 $_size_execute0_lowered;
	s2 =	sadd.s32 s2, s4;
	[dreg:$0x0] =	wrdreg $0x0  }
0xa8: {  	s4 =	sshll.u32 s28, $0x1;
	[dreg:$0x2] =	wrdreg s2  }
0xa9: {  	[dreg:$0x3] =	wrdreg s4  }
0xaa: {  	[dreg:$0x4] =	wrdreg $0xC0  }
0xab: {  	_ =	task [dreg:s6], $0x5FFFF  }
0xac: {  	[dreg:$0x1] =	wrdreg $0xFFFFFFFF  }
0xad: {  	[dreg:$0x0] =	wrdreg $0x60  }
0xae: {  	[dreg:$0x2] =	wrdreg s24  }
0xaf: {  	[dreg:$0x3] =	wrdreg $0x9  }
0xb0: {  	_ =	task.clear_ibuf [dreg:s6], $0x4FFFF;
	_ =	strace $0x90000052  }
0xb1: {  	s29 =	simm.s32 $0x9;
	_ =	strace $0x80000054  }
0xb2: {  	_ =	swait.ge [sflag:s29], $0x1  }
0xb3: {  	[sflag:s29] =	ssyncadd.s32 $0xFFFFFFFF  }
0xb4: {  	_ =	strace $0x90000054  }
0xb5: {  	_ =	sfence  }
0xb6: {  	s30 =	sld [smem:$0x0];
	_ =	sdelay $0x2  }
0xb7: {  	s31 =	sshll.u32 s1, $0xD;
	s1 =	sshrl.u32 s1, $0x2  }
0xb8: {  	s3 =	sand.u32 $0x4000, s31;
	s1 =	sadd.s32 s1, s30  }
0xb9: {  	s0 =	sor.u32 s3, s0;
	s1 =	sshll.u32 s1, $0x11  }
0xba: {  	s0 =	sor.u32 s1, s0  }
0xbb: {  	s0 =	sadd.s32 $0x8F2B, s0  }
0xbc: {  	[sflag:s0] =	ssyncadd.remote.s32 $0x1  }
0xbd: {  	_ =	sfence.sel $0xFFFF  }
0xbe: {  	[dreg:$0x0] =	wrdreg $0xFFFFFFFF;
	(pc) =	sbr.abs _section_cstart, $3  }
0xbf: {  	[dreg:$0x1] =	wrdreg $0xFFFFFFFF  }
0xc0: {  	_ =	task.clear_ibuf [dreg:s6], $0x2FFFF;
	_ =	strace $0x9FFFFFFF  }
0xc1: {  	(tm) =	ssettm $0x7FFFFFFF  }
tec
execute0_lowered:
.L_overlay_start_1:
0x0: {  	(tag) =	ssettag $0x1  }
0x1: {  	s2 =	stileid.u32  }
0x2: {  	s4 =	rddreg [dreg:$0x0];
	s15 =	sshll.u32 s2, $0x1;
	s2 =	simm.s32 $0x0  }
0x3: {  	s18 =	simm.s32 $0x1C00;
	[smem:$0x7FF] =	sst s2  }
0x4: {  	s19 =	simm.s32 $0x100;
	_ =	strace $0x80000053;
	[dreg:$0x5] =	wrdreg s18  }
0x5: {  	s20 =	simm.s32 $0x2400;
	[dreg:$0x6] =	wrdreg s19  }
0x6: {  	s21 =	simm.s32 $0x180;
	[dreg:$0x7] =	wrdreg s20  }
0x7: {  	s22 =	simm.s32 $0x2C00;
	[dreg:$0x8] =	wrdreg s21  }
0x8: {  	s23 =	simm.s32 $0x200;
	[dreg:$0x9] =	wrdreg s22  }
0x9: {  	s24 =	simm.s32 $0x3400;
	[dreg:$0xa] =	wrdreg s23  }
0xa: {  	s25 =	simm.s32 $0x280;
	[dreg:$0xb] =	wrdreg s24  }
0xb: {  	s26 =	simm.s32 $0x3C00;
	[dreg:$0xc] =	wrdreg s25  }
0xc: {  	s28 =	simm.s32 $0x300;
	[dreg:$0xd] =	wrdreg s26  }
0xd: {  	s29 =	simm.s32 $0x4400;
	[dreg:$0xe] =	wrdreg s28  }
0xe: {  	s7 =	simm.s32 $0x5400;
	[dreg:$0xf] =	wrdreg s29  }
0xf: {  	s8 =	simm.s32 $0x480;
	[dreg:$0x13] =	wrdreg s7  }
0x10: {  	s9 =	simm.s32 $0x5C00;
	[dreg:$0x14] =	wrdreg s8  }
0x11: {  	s10 =	simm.s32 $0x500;
	[dreg:$0x15] =	wrdreg s9  }
0x12: {  	s11 =	simm.s32 $0x6400;
	[dreg:$0x16] =	wrdreg s10  }
0x13: {  	s12 =	simm.s32 $0x580;
	[dreg:$0x17] =	wrdreg s11  }
0x14: {  	s0 =	srdreg.scid;
	s13 =	simm.s32 $0x6C00;
	[dreg:$0x18] =	wrdreg s12  }
0x15: {  	s14 =	simm.s32 $0x600;
	s1 =	sand.u32 $0x1, s0;
	[dreg:$0x19] =	wrdreg s13  }
0x16: {  	s0 =	sor.u32 s1, s15;
	s15 =	simm.s32 $0x7400;
	[dreg:$0x1a] =	wrdreg s14  }
0x17: {  	[dreg:$0x1b] =	wrdreg s15;
	s18 =	simm.s32 $0x700  }
0x18: {  	s19 =	simm.s32 $0x8400;
	[dreg:$0x1e] =	wrdreg s18  }
0x19: {  	s20 =	simm.s32 $0x780;
	[dreg:$0x1f] =	wrdreg s19  }
0x1a: {  	s21 =	simm.s32 $0x8C00;
	[smem:$0x7E4] =	sst s20  }
0x1b: {  	s22 =	simm.s32 $0x800;
	[smem:$0x7E3] =	sst s21  }
0x1c: {  	s23 =	simm.s32 $0x9400;
	[smem:$0x7E6] =	sst s22  }
0x1d: {  	s24 =	simm.s32 $0x880;
	[smem:$0x7E5] =	sst s23  }
0x1e: {  	s25 =	simm.s32 $0x9C00;
	[smem:$0x7E7] =	sst s24  }
0x1f: {  	s26 =	simm.s32 $0x900;
	[smem:$0x7E2] =	sst s25  }
0x20: {  	s28 =	simm.s32 $0xA400;
	[smem:$0x7E9] =	sst s26  }
0x21: {  	s29 =	simm.s32 $0x980;
	[smem:$0x7E8] =	sst s28  }
0x22: {  	s7 =	simm.s32 $0xBC00;
	[smem:$0x7EA] =	sst s29  }
0x23: {  	s8 =	simm.s32 $0xB00;
	[smem:$0x7F0] =	sst s7  }
0x24: {  	s9 =	simm.s32 $0xC400;
	[smem:$0x7EC] =	sst s8  }
0x25: {  	s10 =	simm.s32 $0xB80;
	[smem:$0x7EF] =	sst s9  }
0x26: {  	s11 =	simm.s32 $0xCC00;
	[smem:$0x7F7] =	sst s10  }
0x27: {  	s12 =	simm.s32 $0xC00;
	[smem:$0x7F6] =	sst s11  }
0x28: {  	s13 =	simm.s32 $0xD400;
	[smem:$0x7F8] =	sst s12  }
0x29: {  	s14 =	simm.s32 $0xC80;
	[smem:$0x7F3] =	sst s13  }
0x2a: {  	s15 =	simm.s32 $0xDC00;
	[smem:$0x7F9] =	sst s14  }
0x2b: {  	[smem:$0x7F5] =	sst s15;
	s18 =	simm.s32 $0xD80  }
0x2c: {  	s3 =	smul.u32 $0x280, s0;
	s19 =	simm.s32 $0xEC00;
	[smem:$0x7FB] =	sst s18  }
0x2d: {  	s5 =	smul.u32 $0x14000, s0;
	s20 =	simm.s32 $0xE00;
	[smem:$0x7EE] =	sst s19  }
0x2e: {  	s0 =	smul.u32 $0x2800, s0;
	s21 =	simm.s32 $0xF400;
	[smem:$0x7FC] =	sst s20  }
0x2f: {  	s6 =	sadd.s32 $0xE800, s4;
	s23 =	simm.s32 $0xE80;
	[smem:$0x7F4] =	sst s21  }
0x30: {  	s3 =	sadd.s32 s3, s4;
	s0 =	sadd.s32 s6, s0;
	[smem:$0x7FD] =	sst s23  }
0x31: {  	s5 =	sshrl.u32 s5, $0x3;
	s3 =	sadd.s32 $0x6D800, s3;
	[dreg:$0x3] =	wrdreg s0  }
0x32: {  	s16 =	sadd.s32 s6, s5;
	s5 =	simm.s32 $0x4C00;
	[dreg:$0x2] =	wrdreg s3  }
0x33: {  	s6 =	simm.s32 $0x400;
	[dreg:$0x11] =	wrdreg s5  }
0x34: {  	s17 =	sadd.s32 $0x1400, s16;
	[dreg:$0x12] =	wrdreg s6  }
0x35: {  	s3 =	simm.s32 $0x380;
	[dreg:$0x4] =	wrdreg s17  }
0x36: {  	s16 =	simm.s32 $0x680;
	[dreg:$0x10] =	wrdreg s3  }
0x37: {  	s5 =	simm.s32 $0xA00;
	[dreg:$0x1c] =	wrdreg s16  }
0x38: {  	s6 =	simm.s32 $0xA80;
	[smem:$0x7F2] =	sst s5  }
0x39: {  	[smem:$0x7F1] =	sst s6  }
0x3a: {  	s17 =	simm.s32 $0x7C00;
	s22 =	rddreg [dreg:$0x2]  }
0x3b: {  	s3 =	simm.s32 $0xAC00;
	[dreg:$0x1d] =	wrdreg s17  }
0x3c: {  	s16 =	simm.s32 $0xD00;
	[smem:$0x7EB] =	sst s3  }
0x3d: {  	[smem:$0x7FA] =	sst s16;
	s17 =	simm.s32 $0xE400  }
0x3e: {  	[tilespmem:s2], [sflag:$0x3] =	stream.linear.gather [hbm4b:s22+s2], $0x1400, $0x38;
	[tilespmem:$0x15400] =	vst v63  }
0x3f: {  	s3 =	simm.s32 $0x3;
	[smem:$0x7ED] =	sst s17  }
0x40: {  	_ =	swait.ge [sflag:s3], $0x1400  }
0x41: {  	s0 =	rddreg [dreg:$0x13]  }
0x42: {  	s7 =	rddreg [dreg:$0xe]  }
0x43: {  	s8 =	sld [smem:$0x7E2]  }
0x44: {  	s9 =	rddreg [dreg:$0xf]  }
0x45: {  	s10 =	sld [smem:$0x7E3]  }
0x46: {  	s11 =	rddreg [dreg:$0xc]  }
0x47: {  	s12 =	rddreg [dreg:$0x1d]  }
0x48: {  	s13 =	rddreg [dreg:$0xb]  }
0x49: {  	s14 =	rddreg [dreg:$0x19]  }
0x4a: {  	s15 =	rddreg [dreg:$0x8]  }
0x4b: {  	s16 =	rddreg [dreg:$0x15]  }
0x4c: {  	s17 =	rddreg [dreg:$0x11]  }
0x4d: {  	s18 =	rddreg [dreg:$0xd]  }
0x4e: {  	s19 =	rddreg [dreg:$0xa]  }
0x4f: {  	s20 =	rddreg [dreg:$0x6]  }
0x50: {  	s21 =	rddreg [dreg:$0x9]  }
0x51: {  	s4 =	sadd.s32 $0x9800, s4;
	s22 =	rddreg [dreg:$0x5]  }
0x52: {  	s5 =	simm.s32 $0x80;
	[sflag:s3] =	ssyncset.done $0x0;
	s23 =	rddreg [dreg:$0x7]  }
0x53: {  	s6 =	simm.s32 $0x1400;
	s24 =	rddreg [dreg:$0x12];
	[sflag:s3] =	ssyncadd.s32 $0xFFFFEC00  }
0x54: {  	[tilespmem:s6], [sflag:$0x1] =	stream.indirect.gather [hbm4b:s4+s5], $0x10, s2, s5, $0xb8;
	[tilespmem:$0x15400] =	vst v63  }
0x55: {  	s25 =	rddreg [dreg:$0x14]  }
0x56: {  	[tilespmem:s22], [sflag:$0x1] =	stream.indirect.gather [hbm4b:s4+s5], $0x10, s5, s5, $0xb8;
	[tilespmem:$0x15400] =	vst v63  }
0x57: {  	s26 =	rddreg [dreg:$0x17]  }
0x58: {  	[tilespmem:s23], [sflag:$0x1] =	stream.indirect.gather [hbm4b:s4+s5], $0x10, s20, s5, $0xb8;
	[tilespmem:$0x15400] =	vst v63  }
0x59: {  	s28 =	rddreg [dreg:$0x16]  }
0x5a: {  	[tilespmem:s21], [sflag:$0x1] =	stream.indirect.gather [hbm4b:s4+s5], $0x10, s15, s5, $0xb8;
	[tilespmem:$0x15400] =	vst v63  }
0x5b: {  	s29 =	rddreg [dreg:$0x18]  }
0x5c: {  	[tilespmem:s13], [sflag:$0x1] =	stream.indirect.gather [hbm4b:s4+s5], $0x10, s19, s5, $0xb8;
	[tilespmem:$0x15400] =	vst v63  }
0x5d: {  	s22 =	rddreg [dreg:$0x10]  }
0x5e: {  	[tilespmem:s18], [sflag:$0x1] =	stream.indirect.gather [hbm4b:s4+s5], $0x10, s11, s5, $0xb8;
	[tilespmem:$0x15400] =	vst v63  }
0x5f: {  	s15 =	sld [smem:$0x7EA]  }
0x60: {  	[tilespmem:s9], [sflag:$0x1] =	stream.indirect.gather [hbm4b:s4+s5], $0x10, s7, s5, $0xb8;
	[tilespmem:$0x15400] =	vst v63  }
0x61: {  	s19 =	rddreg [dreg:$0x1a]  }
0x62: {  	[tilespmem:s17], [sflag:$0x1] =	stream.indirect.gather [hbm4b:s4+s5], $0x10, s22, s5, $0xb8;
	[tilespmem:$0x15400] =	vst v63  }
0x63: {  	s18 =	rddreg [dreg:$0x1b]  }
0x64: {  	[tilespmem:s0], [sflag:$0x1] =	stream.indirect.gather [hbm4b:s4+s5], $0x10, s24, s5, $0xb8;
	[tilespmem:$0x15400] =	vst v63  }
0x65: {  	s11 =	sld [smem:$0x7E7]  }
0x66: {  	[tilespmem:s16], [sflag:$0x1] =	stream.indirect.gather [hbm4b:s4+s5], $0x10, s25, s5, $0xb8;
	[tilespmem:$0x15400] =	vst v63  }
0x67: {  	s22 =	rddreg [dreg:$0x1c]  }
0x68: {  	[tilespmem:s26], [sflag:$0x1] =	stream.indirect.gather [hbm4b:s4+s5], $0x10, s28, s5, $0xb8;
	[tilespmem:$0x15400] =	vst v63  }
0x69: {  	s24 =	rddreg [dreg:$0x1f]  }
0x6a: {  	[tilespmem:s14], [sflag:$0x1] =	stream.indirect.gather [hbm4b:s4+s5], $0x10, s29, s5, $0xb8;
	[tilespmem:$0x15400] =	vst v63  }
0x6b: {  	s25 =	rddreg [dreg:$0x1e]  }
0x6c: {  	[tilespmem:s18], [sflag:$0x1] =	stream.indirect.gather [hbm4b:s4+s5], $0x10, s19, s5, $0xb8;
	[tilespmem:$0x15400] =	vst v63  }
0x6d: {  	s26 =	sld [smem:$0x7E4]  }
0x6e: {  	[tilespmem:s12], [sflag:$0x1] =	stream.indirect.gather [hbm4b:s4+s5], $0x10, s22, s5, $0xb8;
	[tilespmem:$0x15400] =	vst v63  }
0x6f: {  	s28 =	sld [smem:$0x7E5]  }
0x70: {  	[tilespmem:s24], [sflag:$0x1] =	stream.indirect.gather [hbm4b:s4+s5], $0x10, s25, s5, $0xb8;
	[tilespmem:$0x15400] =	vst v63  }
0x71: {  	s29 =	sld [smem:$0x7E6]  }
0x72: {  	[tilespmem:s10], [sflag:$0x1] =	stream.indirect.gather [hbm4b:s4+s5], $0x10, s26, s5, $0xb8;
	[tilespmem:$0x15400] =	vst v63  }
0x73: {  	s14 =	sld [smem:$0x7E9]  }
0x74: {  	[tilespmem:s28], [sflag:$0x1] =	stream.indirect.gather [hbm4b:s4+s5], $0x10, s29, s5, $0xb8;
	[tilespmem:$0x15400] =	vst v63  }
0x75: {  	s12 =	sld [smem:$0x7E8]  }
0x76: {  	[tilespmem:s8], [sflag:$0x1] =	stream.indirect.gather [hbm4b:s4+s5], $0x10, s11, s5, $0xb8;
	[tilespmem:$0x15400] =	vst v63  }
0x77: {  	s16 =	sld [smem:$0x7EB]  }
0x78: {  	[tilespmem:s12], [sflag:$0x1] =	stream.indirect.gather [hbm4b:s4+s5], $0x10, s14, s5, $0xb8;
	[tilespmem:$0x15400] =	vst v63  }
0x79: {  	s7 =	simm.s32 $0x1  }
0x7a: {  	[tilespmem:s16], [sflag:$0x1] =	stream.indirect.gather [hbm4b:s4+s5], $0x10, s15, s5, $0xb8;
	[tilespmem:$0x15400] =	vst v63  }
0x7b: {  	_ =	swait.ge [sflag:s7], $0xA000  }
0x7c: {  	s17 =	sld [smem:$0x7EC]  }
0x7d: {  	s9 =	sld [smem:$0x7ED]  }
0x7e: {  	s10 =	sld [smem:$0x7EE]  }
0x7f: {  	s19 =	sld [smem:$0x7EF]  }
0x80: {  	s20 =	sld [smem:$0x7F0]  }
0x81: {  	s21 =	sld [smem:$0x7F1]  }
0x82: {  	s22 =	sld [smem:$0x7F2]  }
0x83: {  	s23 =	rddreg [dreg:$0x3]  }
0x84: {  	[sflag:s7] =	ssyncset.done $0x0;
	s24 =	sld [smem:$0x7F3]  }
0x85: {  	s18 =	sld [smem:$0x7F4];
	[sflag:s7] =	ssyncadd.s32 $0xFFFF6000  }
0x86: {  	[hbm4b:s23+s2] =	stream.linear.scatter [tilespmem:s6], [sflag:$0x2], $0xA000, $0x38;
	[tilespmem:$0x15400] =	vst v63  }
0x87: {  	s8 =	simm.s32 $0xB400;
	s25 =	sld [smem:$0x7F5]  }
0x88: {  	[tilespmem:s8], [sflag:$0x1] =	stream.indirect.gather [hbm4b:s4+s5], $0x10, s22, s5, $0xb8;
	[tilespmem:$0x15400] =	vst v63  }
0x89: {  	s26 =	sld [smem:$0x7F6]  }
0x8a: {  	[tilespmem:s20], [sflag:$0x1] =	stream.indirect.gather [hbm4b:s4+s5], $0x10, s21, s5, $0xb8;
	[tilespmem:$0x15400] =	vst v63  }
0x8b: {  	s29 =	sld [smem:$0x7F7]  }
0x8c: {  	[tilespmem:s19], [sflag:$0x1] =	stream.indirect.gather [hbm4b:s4+s5], $0x10, s17, s5, $0xb8;
	[tilespmem:$0x15400] =	vst v63  }
0x8d: {  	s17 =	sld [smem:$0x7F8]  }
0x8e: {  	[tilespmem:s26], [sflag:$0x1] =	stream.indirect.gather [hbm4b:s4+s5], $0x10, s29, s5, $0xb8;
	[tilespmem:$0x15400] =	vst v63  }
0x8f: {  	s20 =	sld [smem:$0x7F9]  }
0x90: {  	[tilespmem:s24], [sflag:$0x1] =	stream.indirect.gather [hbm4b:s4+s5], $0x10, s17, s5, $0xb8;
	[tilespmem:$0x15400] =	vst v63  }
0x91: {  	s1 =	ssub.s32 $0x2, s1;
	s23 =	sld [smem:$0x7FA]  }
0x92: {  	[tilespmem:s25], [sflag:$0x1] =	stream.indirect.gather [hbm4b:s4+s5], $0x10, s20, s5, $0xb8;
	[tilespmem:$0x15400] =	vst v63  }
0x93: {  	s28 =	sshrl.u32 s1, $0x1;
	s26 =	sld [smem:$0x7FB]  }
0x94: {  	[tilespmem:s9], [sflag:$0x1] =	stream.indirect.gather [hbm4b:s4+s5], $0x10, s23, s5, $0xb8;
	[tilespmem:$0x15400] =	vst v63  }
0x95: {  	s12 =	ssub.s32 s1, s28;
	s28 =	sld [smem:$0x7FC]  }
0x96: {  	[tilespmem:s10], [sflag:$0x1] =	stream.indirect.gather [hbm4b:s4+s5], $0x10, s26, s5, $0xb8;
	[tilespmem:$0x15400] =	vst v63  }
0x97: {  	s0 =	smax.u32 s12, $0x1;
	s29 =	sld [smem:$0x7FD]  }
0x98: {  	[tilespmem:s18], [sflag:$0x1] =	stream.indirect.gather [hbm4b:s4+s5], $0x10, s28, s5, $0xb8;
	[tilespmem:$0x15400] =	vst v63  }
0x99: {  	p0 =	sne.s32 s0, $0x1;
	s19 =	simm.s32 $0xFC00  }
0x9a: {  	[tilespmem:s19], [sflag:$0x1] =	stream.indirect.gather [hbm4b:s4+s5], $0x10, s29, s5, $0xb8;
	[tilespmem:$0x15400] =	vst v63  }
.Ltmp0:
0x9b: {  	s30 =	simm.s32 $0xF80;
	s31 =	simm.s32 $0x10C00;
	(pc) =	sbr.rel @!p0 .LBB2_2-.Ltmp0, $4  }
0x9c: {  	s1 =	sadd.s32 $0xFFFFFFFF, s0;
	s22 =	simm.s32 $0x10400;
	s21 =	simm.s32 $0xF00  }
0x9d: {  	[tilespmem:s22], [sflag:$0x1] =	stream.indirect.gather [hbm4b:s4+s5], $0x10, s21, s5, $0xb8;
	[tilespmem:$0x15400] =	vst v63  }
0x9e: {  	s24 =	simm.s32 $0xF80;
	s25 =	simm.s32 $0x10C00;
	s21 =	simm.s32 $0x2  }
0x9f: {  	[tilespmem:s25], [sflag:$0x1] =	stream.indirect.gather [hbm4b:s4+s5], $0x10, s24, s5, $0xb8;
	[tilespmem:$0x15400] =	vst v63  }
.LBB2_1:
0xa0: {  	s0 =	simm.s32 $0x1000;
	s9 =	simm.s32 $0x11400  }
0xa1: {  	[tilespmem:s9], [sflag:$0x1] =	stream.indirect.gather [hbm4b:s4+s5], $0x10, s0, s5, $0xb8;
	[tilespmem:$0x15400] =	vst v63  }
0xa2: {  	s28 =	simm.s32 $0x1080;
	s29 =	simm.s32 $0x11C00  }
0xa3: {  	[tilespmem:s29], [sflag:$0x1] =	stream.indirect.gather [hbm4b:s4+s5], $0x10, s28, s5, $0xb8;
	[tilespmem:$0x15400] =	vst v63  }
0xa4: {  	s10 =	simm.s32 $0x12400;
	s9 =	simm.s32 $0x1100  }
0xa5: {  	[tilespmem:s10], [sflag:$0x1] =	stream.indirect.gather [hbm4b:s4+s5], $0x10, s9, s5, $0xb8;
	[tilespmem:$0x15400] =	vst v63  }
0xa6: {  	s11 =	simm.s32 $0x1180;
	s12 =	simm.s32 $0x12C00  }
0xa7: {  	[tilespmem:s12], [sflag:$0x1] =	stream.indirect.gather [hbm4b:s4+s5], $0x10, s11, s5, $0xb8;
	[tilespmem:$0x15400] =	vst v63  }
0xa8: {  	s13 =	simm.s32 $0x1200;
	s14 =	simm.s32 $0x13400  }
0xa9: {  	[tilespmem:s14], [sflag:$0x1] =	stream.indirect.gather [hbm4b:s4+s5], $0x10, s13, s5, $0xb8;
	[tilespmem:$0x15400] =	vst v63  }
0xaa: {  	s15 =	simm.s32 $0x1280;
	s16 =	simm.s32 $0x13C00  }
0xab: {  	[tilespmem:s16], [sflag:$0x1] =	stream.indirect.gather [hbm4b:s4+s5], $0x10, s15, s5, $0xb8;
	[tilespmem:$0x15400] =	vst v63  }
0xac: {  	s17 =	simm.s32 $0x1300;
	s18 =	simm.s32 $0x14400  }
0xad: {  	[tilespmem:s18], [sflag:$0x1] =	stream.indirect.gather [hbm4b:s4+s5], $0x10, s17, s5, $0xb8;
	[tilespmem:$0x15400] =	vst v63  }
0xae: {  	s19 =	simm.s32 $0x1380;
	s20 =	simm.s32 $0x14C00  }
0xaf: {  	[tilespmem:s20], [sflag:$0x1] =	stream.indirect.gather [hbm4b:s4+s5], $0x10, s19, s5, $0xb8;
	[tilespmem:$0x15400] =	vst v63  }
0xb0: {  	_ =	swait.ge [sflag:s7], $0xA000  }
0xb1: {  	[sflag:s7] =	ssyncset.done $0x0  }
0xb2: {  	s22 =	rddreg [dreg:$0x4];
	[sflag:s7] =	ssyncadd.s32 $0xFFFF6000  }
0xb3: {  	[hbm4b:s22+s2] =	stream.linear.scatter [tilespmem:s8], [sflag:$0x2], $0xA000, $0x38;
	[tilespmem:$0x15400] =	vst v63  }
0xb4: {  	_ =	swait.ge [sflag:s21], $0xA000  }
0xb5: {  	[sflag:s21] =	ssyncset.done $0x0  }
0xb6: {  	[sflag:s21] =	ssyncadd.s32 $0xFFFF6000  }
0xb7: {  	_ =	swait.ge [sflag:s21], $0xA000  }
0xb8: {  	[sflag:s21] =	ssyncset.done $0x0  }
0xb9: {  	s23 =	rddreg [dreg:$0x2];
	[sflag:s21] =	ssyncadd.s32 $0xFFFF6000  }
0xba: {  	[tilespmem:s2], [sflag:$0x3] =	stream.linear.gather [hbm4b:s23+s2], $0x1400, $0x38;
	[tilespmem:$0x15400] =	vst v63  }
0xbb: {  	_ =	swait.ge [sflag:s3], $0x1400  }
0xbc: {  	s11 =	rddreg [dreg:$0x13]  }
0xbd: {  	s13 =	rddreg [dreg:$0xe]  }
0xbe: {  	s0 =	sld [smem:$0x7E2]  }
0xbf: {  	s14 =	rddreg [dreg:$0xf]  }
0xc0: {  	s9 =	sld [smem:$0x7E3]  }
0xc1: {  	s15 =	rddreg [dreg:$0xc]  }
0xc2: {  	s10 =	rddreg [dreg:$0x1d]  }
0xc3: {  	s16 =	rddreg [dreg:$0xb]  }
0xc4: {  	s12 =	rddreg [dreg:$0x19]  }
0xc5: {  	s17 =	rddreg [dreg:$0x8]  }
0xc6: {  	s18 =	rddreg [dreg:$0x15]  }
0xc7: {  	s19 =	rddreg [dreg:$0x11]  }
0xc8: {  	s20 =	rddreg [dreg:$0xd]  }
0xc9: {  	s22 =	rddreg [dreg:$0xa]  }
0xca: {  	s23 =	rddreg [dreg:$0x6]  }
0xcb: {  	s24 =	rddreg [dreg:$0x9]  }
0xcc: {  	s25 =	rddreg [dreg:$0x5]  }
0xcd: {  	[sflag:s3] =	ssyncset.done $0x0;
	s26 =	rddreg [dreg:$0x7]  }
0xce: {  	s28 =	rddreg [dreg:$0x10];
	[sflag:s3] =	ssyncadd.s32 $0xFFFFEC00  }
0xcf: {  	[tilespmem:s6], [sflag:$0x1] =	stream.indirect.gather [hbm4b:s4+s5], $0x10, s2, s5, $0xb8;
	[tilespmem:$0x15400] =	vst v63  }
0xd0: {  	s29 =	rddreg [dreg:$0x12]  }
0xd1: {  	[tilespmem:s25], [sflag:$0x1] =	stream.indirect.gather [hbm4b:s4+s5], $0x10, s5, s5, $0xb8;
	[tilespmem:$0x15400] =	vst v63  }
0xd2: {  	s25 =	rddreg [dreg:$0x14]  }
0xd3: {  	[tilespmem:s26], [sflag:$0x1] =	stream.indirect.gather [hbm4b:s4+s5], $0x10, s23, s5, $0xb8;
	[tilespmem:$0x15400] =	vst v63  }
0xd4: {  	s23 =	rddreg [dreg:$0x17]  }
0xd5: {  	[tilespmem:s24], [sflag:$0x1] =	stream.indirect.gather [hbm4b:s4+s5], $0x10, s17, s5, $0xb8;
	[tilespmem:$0x15400] =	vst v63  }
0xd6: {  	s26 =	rddreg [dreg:$0x1b]  }
0xd7: {  	[tilespmem:s16], [sflag:$0x1] =	stream.indirect.gather [hbm4b:s4+s5], $0x10, s22, s5, $0xb8;
	[tilespmem:$0x15400] =	vst v63  }
0xd8: {  	s24 =	rddreg [dreg:$0x16]  }
0xd9: {  	[tilespmem:s20], [sflag:$0x1] =	stream.indirect.gather [hbm4b:s4+s5], $0x10, s15, s5, $0xb8;
	[tilespmem:$0x15400] =	vst v63  }
0xda: {  	s16 =	rddreg [dreg:$0x18]  }
0xdb: {  	[tilespmem:s14], [sflag:$0x1] =	stream.indirect.gather [hbm4b:s4+s5], $0x10, s13, s5, $0xb8;
	[tilespmem:$0x15400] =	vst v63  }
0xdc: {  	s22 =	rddreg [dreg:$0x1e]  }
0xdd: {  	[tilespmem:s19], [sflag:$0x1] =	stream.indirect.gather [hbm4b:s4+s5], $0x10, s28, s5, $0xb8;
	[tilespmem:$0x15400] =	vst v63  }
0xde: {  	s20 =	rddreg [dreg:$0x1f]  }
0xdf: {  	[tilespmem:s11], [sflag:$0x1] =	stream.indirect.gather [hbm4b:s4+s5], $0x10, s29, s5, $0xb8;
	[tilespmem:$0x15400] =	vst v63  }
0xe0: {  	s15 =	sld [smem:$0x7EA]  }
0xe1: {  	[tilespmem:s18], [sflag:$0x1] =	stream.indirect.gather [hbm4b:s4+s5], $0x10, s25, s5, $0xb8;
	[tilespmem:$0x15400] =	vst v63  }
0xe2: {  	s14 =	rddreg [dreg:$0x1a]  }
0xe3: {  	[tilespmem:s23], [sflag:$0x1] =	stream.indirect.gather [hbm4b:s4+s5], $0x10, s24, s5, $0xb8;
	[tilespmem:$0x15400] =	vst v63  }
0xe4: {  	s19 =	rddreg [dreg:$0x1c]  }
0xe5: {  	[tilespmem:s12], [sflag:$0x1] =	stream.indirect.gather [hbm4b:s4+s5], $0x10, s16, s5, $0xb8;
	[tilespmem:$0x15400] =	vst v63  }
0xe6: {  	s28 =	sld [smem:$0x7E7]  }
0xe7: {  	[tilespmem:s26], [sflag:$0x1] =	stream.indirect.gather [hbm4b:s4+s5], $0x10, s14, s5, $0xb8;
	[tilespmem:$0x15400] =	vst v63  }
0xe8: {  	s25 =	sld [smem:$0x7E5]  }
0xe9: {  	[tilespmem:s10], [sflag:$0x1] =	stream.indirect.gather [hbm4b:s4+s5], $0x10, s19, s5, $0xb8;
	[tilespmem:$0x15400] =	vst v63  }
0xea: {  	s24 =	sld [smem:$0x7E4]  }
0xeb: {  	[tilespmem:s20], [sflag:$0x1] =	stream.indirect.gather [hbm4b:s4+s5], $0x10, s22, s5, $0xb8;
	[tilespmem:$0x15400] =	vst v63  }
0xec: {  	s26 =	sld [smem:$0x7E6]  }
0xed: {  	[tilespmem:s9], [sflag:$0x1] =	stream.indirect.gather [hbm4b:s4+s5], $0x10, s24, s5, $0xb8;
	[tilespmem:$0x15400] =	vst v63  }
0xee: {  	s29 =	sld [smem:$0x7E8]  }
0xef: {  	[tilespmem:s25], [sflag:$0x1] =	stream.indirect.gather [hbm4b:s4+s5], $0x10, s26, s5, $0xb8;
	[tilespmem:$0x15400] =	vst v63  }
0xf0: {  	s14 =	sld [smem:$0x7E9]  }
0xf1: {  	[tilespmem:s0], [sflag:$0x1] =	stream.indirect.gather [hbm4b:s4+s5], $0x10, s28, s5, $0xb8;
	[tilespmem:$0x15400] =	vst v63  }
0xf2: {  	s16 =	sld [smem:$0x7EB]  }
0xf3: {  	[tilespmem:s29], [sflag:$0x1] =	stream.indirect.gather [hbm4b:s4+s5], $0x10, s14, s5, $0xb8;
	[tilespmem:$0x15400] =	vst v63  }
0xf4: {  	_ = 	snop  }
0xf5: {  	[tilespmem:s16], [sflag:$0x1] =	stream.indirect.gather [hbm4b:s4+s5], $0x10, s15, s5, $0xb8;
	[tilespmem:$0x15400] =	vst v63  }
0xf6: {  	_ =	swait.ge [sflag:s7], $0xA000  }
0xf7: {  	s17 =	sld [smem:$0x7EC]  }
0xf8: {  	s10 =	sld [smem:$0x7ED]  }
0xf9: {  	s11 =	sld [smem:$0x7EE]  }
0xfa: {  	s18 =	sld [smem:$0x7EF]  }
0xfb: {  	s20 =	sld [smem:$0x7F0]  }
0xfc: {  	s22 =	sld [smem:$0x7F1]  }
0xfd: {  	s23 =	sld [smem:$0x7F2]  }
0xfe: {  	s24 =	rddreg [dreg:$0x3]  }
0xff: {  	[sflag:s7] =	ssyncset.done $0x0;
	s25 =	sld [smem:$0x7F3]  }
0x100: {  	s26 =	sld [smem:$0x7F4];
	[sflag:s7] =	ssyncadd.s32 $0xFFFF6000  }
0x101: {  	[hbm4b:s24+s2] =	stream.linear.scatter [tilespmem:s6], [sflag:$0x2], $0xA000, $0x38;
	[tilespmem:$0x15400] =	vst v63  }
0x102: {  	s28 =	sld [smem:$0x7F5]  }
0x103: {  	[tilespmem:s8], [sflag:$0x1] =	stream.indirect.gather [hbm4b:s4+s5], $0x10, s23, s5, $0xb8;
	[tilespmem:$0x15400] =	vst v63  }
0x104: {  	s29 =	sld [smem:$0x7F6]  }
0x105: {  	[tilespmem:s20], [sflag:$0x1] =	stream.indirect.gather [hbm4b:s4+s5], $0x10, s22, s5, $0xb8;
	[tilespmem:$0x15400] =	vst v63  }
0x106: {  	s19 =	sld [smem:$0x7F7]  }
0x107: {  	[tilespmem:s18], [sflag:$0x1] =	stream.indirect.gather [hbm4b:s4+s5], $0x10, s17, s5, $0xb8;
	[tilespmem:$0x15400] =	vst v63  }
0x108: {  	s20 =	sld [smem:$0x7F8]  }
0x109: {  	[tilespmem:s29], [sflag:$0x1] =	stream.indirect.gather [hbm4b:s4+s5], $0x10, s19, s5, $0xb8;
	[tilespmem:$0x15400] =	vst v63  }
0x10a: {  	s22 =	sld [smem:$0x7F9]  }
0x10b: {  	[tilespmem:s25], [sflag:$0x1] =	stream.indirect.gather [hbm4b:s4+s5], $0x10, s20, s5, $0xb8;
	[tilespmem:$0x15400] =	vst v63  }
0x10c: {  	s23 =	sld [smem:$0x7FA]  }
0x10d: {  	[tilespmem:s28], [sflag:$0x1] =	stream.indirect.gather [hbm4b:s4+s5], $0x10, s22, s5, $0xb8;
	[tilespmem:$0x15400] =	vst v63  }
0x10e: {  	s24 =	sld [smem:$0x7FB]  }
0x10f: {  	[tilespmem:s10], [sflag:$0x1] =	stream.indirect.gather [hbm4b:s4+s5], $0x10, s23, s5, $0xb8;
	[tilespmem:$0x15400] =	vst v63  }
0x110: {  	s25 =	sld [smem:$0x7FC]  }
0x111: {  	[tilespmem:s11], [sflag:$0x1] =	stream.indirect.gather [hbm4b:s4+s5], $0x10, s24, s5, $0xb8;
	[tilespmem:$0x15400] =	vst v63  }
0x112: {  	s0 =	sld [smem:$0x7FD]  }
0x113: {  	[tilespmem:s26], [sflag:$0x1] =	stream.indirect.gather [hbm4b:s4+s5], $0x10, s25, s5, $0xb8;
	[tilespmem:$0x15400] =	vst v63  }
0x114: {  	p0 =	sne.s32 s1, $0x1;
	s26 =	simm.s32 $0xFC00  }
0x115: {  	[tilespmem:s26], [sflag:$0x1] =	stream.indirect.gather [hbm4b:s4+s5], $0x10, s0, s5, $0xb8;
	[tilespmem:$0x15400] =	vst v63  }
.Ltmp1:
0x116: {  	_ = 	snop;
	(pc) =	sbr.rel @p0 .LBB2_1-.Ltmp1, $4  }
0x117: {  	s29 =	simm.s32 $0x10400;
	s28 =	simm.s32 $0xF00  }
0x118: {  	[tilespmem:s29], [sflag:$0x1] =	stream.indirect.gather [hbm4b:s4+s5], $0x10, s28, s5, $0xb8;
	[tilespmem:$0x15400] =	vst v63  }
0x119: {  	s1 =	sadd.s32 $0xFFFFFFFF, s1  }
0x11a: {  	[tilespmem:s31], [sflag:$0x1] =	stream.indirect.gather [hbm4b:s4+s5], $0x10, s30, s5, $0xb8;
	[tilespmem:$0x15400] =	vst v63  }
.LBB2_2:
0x11b: {  	s0 =	simm.s32 $0x1000;
	s1 =	simm.s32 $0x11400  }
0x11c: {  	[tilespmem:s1], [sflag:$0x1] =	stream.indirect.gather [hbm4b:s4+s5], $0x10, s0, s5, $0xb8;
	[tilespmem:$0x15400] =	vst v63  }
0x11d: {  	s14 =	simm.s32 $0x1080;
	s15 =	simm.s32 $0x11C00  }
0x11e: {  	[tilespmem:s15], [sflag:$0x1] =	stream.indirect.gather [hbm4b:s4+s5], $0x10, s14, s5, $0xb8;
	[tilespmem:$0x15400] =	vst v63  }
0x11f: {  	s16 =	simm.s32 $0x1100;
	s17 =	simm.s32 $0x12400  }
0x120: {  	[tilespmem:s17], [sflag:$0x1] =	stream.indirect.gather [hbm4b:s4+s5], $0x10, s16, s5, $0xb8;
	[tilespmem:$0x15400] =	vst v63  }
0x121: {  	s18 =	simm.s32 $0x1180;
	s19 =	simm.s32 $0x12C00  }
0x122: {  	[tilespmem:s19], [sflag:$0x1] =	stream.indirect.gather [hbm4b:s4+s5], $0x10, s18, s5, $0xb8;
	[tilespmem:$0x15400] =	vst v63  }
0x123: {  	s20 =	simm.s32 $0x1200;
	s22 =	simm.s32 $0x13400  }
0x124: {  	[tilespmem:s22], [sflag:$0x1] =	stream.indirect.gather [hbm4b:s4+s5], $0x10, s20, s5, $0xb8;
	[tilespmem:$0x15400] =	vst v63  }
0x125: {  	s23 =	simm.s32 $0x1280;
	s24 =	simm.s32 $0x13C00  }
0x126: {  	[tilespmem:s24], [sflag:$0x1] =	stream.indirect.gather [hbm4b:s4+s5], $0x10, s23, s5, $0xb8;
	[tilespmem:$0x15400] =	vst v63  }
0x127: {  	s25 =	simm.s32 $0x1300;
	s26 =	simm.s32 $0x14400  }
0x128: {  	[tilespmem:s26], [sflag:$0x1] =	stream.indirect.gather [hbm4b:s4+s5], $0x10, s25, s5, $0xb8;
	[tilespmem:$0x15400] =	vst v63  }
0x129: {  	s28 =	simm.s32 $0x1380;
	s29 =	simm.s32 $0x14C00  }
0x12a: {  	[tilespmem:s29], [sflag:$0x1] =	stream.indirect.gather [hbm4b:s4+s5], $0x10, s28, s5, $0xb8;
	[tilespmem:$0x15400] =	vst v63  }
0x12b: {  	_ =	swait.ge [sflag:s7], $0xA000  }
0x12c: {  	[sflag:s7] =	ssyncset.done $0x0  }
0x12d: {  	s30 =	rddreg [dreg:$0x4];
	[sflag:s7] =	ssyncadd.s32 $0xFFFF6000  }
0x12e: {  	[hbm4b:s30+s2] =	stream.linear.scatter [tilespmem:s8], [sflag:$0x2], $0xA000, $0x38;
	[tilespmem:$0x15400] =	vst v63  }
0x12f: {  	_ =	swait.ge [sflag:s21], $0xA000  }
0x130: {  	[sflag:s21] =	ssyncset.done $0x0  }
0x131: {  	[sflag:s21] =	ssyncadd.s32 $0xFFFF6000  }
0x132: {  	_ =	swait.ge [sflag:s21], $0xA000  }
0x133: {  	[sflag:s21] =	ssyncset.done $0x0  }
0x134: {  	[sflag:s21] =	ssyncadd.s32 $0xFFFF6000  }
0x135: {  	_ =	sfence.sel $0x180000  }
0x136: {  	[bflag:$0x0] =	sbarrier.arrive $0xFFFF  }
0x137: {  	_ =	strace $0x90000053  }
0x138: {  	s31 =	stileid.u32;
	[bflag:$0x2] =	sbarrier.arrive $0xFFFF  }
0x139: {  	p0 =	sne.s32 s31, $0x0;
	s0 =	rddreg [dreg:$0x1]  }
0x13a: {  	s0 =	sadd.s32 @!p0 $0x100000, s0  }
0x13b: {  	[sflag:s0] =	ssyncadd.tile.s32 @!p0 $0x1;
	_ =	shalt  }
.Lfunc_end2:
_tile_overlayer_lowered:
.L_overlay_start_2:
0x13c: {  	(tag) =	ssettag $0x2  }
0x13d: {  	s0 =	rddreg [dreg:$0x0];
	s2 =	stileid.u32  }
0x13e: {  	s1 =	rddreg [dreg:$0x1];
	p0 =	sne.s32 s2, $0x0  }
0x13f: {  	s3 =	rddreg [dreg:$0x2];
	[bflag:$0x3] =	sbarrier.arrive $0xFFFF;
	s2 =	simm.s32 @!p0 $0x1C03  }
0x140: {  	[timem:s3], [sflag:s2] =	dma.local @!p0 [hbm:s0], s1  }
0x141: {  	s0 =	simm.s32 @!p0 $0x3  }
0x142: {  	_ =	swait.ge @!p0 [sflag:s0], s1  }
0x143: {  	s1 =	ssub.s32 @!p0 $0x0, s1;
	[sflag:s0] =	ssyncset.done @!p0 $0x0  }
0x144: {  	[sflag:s0] =	ssyncadd.s32 @!p0 s1  }
0x145: {  	[bflag:$0x3] =	sbarrier.arrive $0xFFFF  }
0x146: {  	_ =	shalt  }

// kernel: kernel.29.cloned.1.call-start
scs
__scs_entry_jumppad:
0x0: {  	(pc) =	sbr.rel $0x88, $3  }
0x1: {  	(tag) =	ssettag $0x0;
	lr =	simm.s32 $0x1  }
0x2: {  	[smem:$0x3F87] =	sst lr;
	_ =	strace $0xD0000000  }
0x3: {  	_ = 	snop  }
0x4: {  	_ = 	snop  }
0x5: {  	_ = 	snop  }
0x6: {  	_ = 	snop  }
0x7: {  	_ = 	snop  }
__scs_overlays_trampoline_lowered:
0x8: {  	[smem:$0x3F96] =	sst s0  }
0x9: {  	[smem:$0x3F97] =	sst s1  }
0xa: {  	[smem:$0x3F98] =	sst s2  }
0xb: {  	[smem:$0x3F99] =	sst s3  }
0xc: {  	[smem:$0x3F9A] =	sst s4  }
0xd: {  	[smem:$0x3F9B] =	sst s5  }
0xe: {  	[smem:$0x3F9C] =	sst s6  }
0xf: {  	[smem:$0x3F9D] =	sst s7  }
0x10: {  	[smem:$0x3F9E] =	sst s8  }
0x11: {  	[smem:$0x3F9F] =	sst s9;
	s0 =	simm.s32 @!p0 $0x0  }
0x12: {  	s1 =	sld [smem:$0x3F85];
	s0 =	simm.s32 @p0 $0x1  }
0x13: {  	[smem:$0x3FA0] =	sst s0;
	s0 =	simm.s32 @!p1 $0x0  }
0x14: {  	s2 =	sld [smem:$0x3F84];
	s0 =	simm.s32 @p1 $0x1  }
0x15: {  	[smem:$0x3FA1] =	sst s0;
	s0 =	simm.s32 @!p2 $0x0  }
0x16: {  	s3 =	sld [smem:$0x3FDB];
	s0 =	simm.s32 @p2 $0x1  }
0x17: {  	s4 =	simm.s32 $0x1BF5;
	[smem:$0x3FA3] =	sst s0  }
0x18: {  	s0 =	sld [smem:$0x3F86];
	_ =	swait.ge [sflag:s4], $0x0  }
0x19: {  	s7 =	sld [smem:$0x3F87]  }
0x1a: {  	s8 =	sadd.s32 $0xFFFFE003, lr  }
0x1b: {  	s9 =	sadd.s32 $0xFFFFFEF7, lr;
	s5 =	simm.s32 $0xFFFFFFFF;
	p2 =	slt.u32 s8, $0xFFFFF086  }
0x1c: {  	p1 =	slt.u32 s9, $0xF7A;
	s5 =	simm.s32 @!p2 $0x0  }
0x1d: {  	s5 =	simm.s32 @p1 $0x1;
	p0 =	seq.s32 s7, s2  }
0x1e: {  	s7 =	smul.u32 @!p0 $0xF7A, s2;
	p2 =	seq.s32 @!p0 s5, $0x0  }
0x1f: {  	s9 =	smul.u32 $0xF7A, s1;
	s8 =	simm.s32 @!p0 $0x1BF5;
	p2 =	por !p2, p0  }
0x20: {  	[sflag:s8] =	ssyncset.s32 @!p0 $0xFFFFF086;
	s6 =	sadd.s32 @!p0 s3, s7;
	s7 =	simm.s32 @!p0 $0x108  }
0x21: {  	s3 =	sadd.s32 s3, s9;
	s6 =	sadd.s32 @!p0 $0x88, s6;
	s7 =	simm.s32 @p2 $0x1082  }
0x22: {  	[simem:s7], [sflag:s8] =	dma.local @!p0 [hbm:s6], $0xF7A  }
0x23: {  	s9 =	sor.u32 $0xD0000000, s2;
	s6 =	simm.s32 $0x108;
	_ =	swait.ge @!p0 [sflag:s8], $0x0  }
0x24: {  	s3 =	sadd.s32 $0x88, s3;
	s6 =	simm.s32 @!p1 $0x1082;
	[sflag:s4] =	ssyncset.s32 $0xFFFFF086  }
0x25: {  	[simem:s6], [sflag:s4] =	dma.local [hbm:s3], $0xF7A  }
0x26: {  	[smem:$0x3F87] =	sst s1;
	(tag) =	ssettag s2;
	_ =	strace s9  }
0x27: {  	s1 =	sld [smem:$0x3F97]  }
0x28: {  	s2 =	sld [smem:$0x3F98]  }
0x29: {  	s4 =	sld [smem:$0x3F9A]  }
0x2a: {  	p0 =	seq.s32 s5, $0x0;
	s5 =	sld [smem:$0x3F9B]  }
0x2b: {  	s6 =	sld [smem:$0x3F9C]  }
0x2c: {  	s7 =	sld [smem:$0x3F9D]  }
0x2d: {  	s3 =	simm.s32 $0x108;
	s8 =	sld [smem:$0x3F9E]  }
0x2e: {  	s3 =	simm.s32 @!p0 $0x1082;
	s9 =	sld [smem:$0x3F9F]  }
0x2f: {  	lr =	sadd.s32 s0, s3;
	s0 =	sld [smem:$0x3F96]  }
0x30: {  	s3 =	sld [smem:$0x3F99]  }
0x31: {  	[smem:$0x3FA2] =	sst s10  }
0x32: {  	s10 =	sld [smem:$0x3FA0];
	_ =	sdelay $0x3  }
0x33: {  	p0 =	seq.s32 s10, $0x1;
	s10 =	sld [smem:$0x3FA2];
	_ =	sdelay $0x3  }
0x34: {  	[smem:$0x3FA2] =	sst s10  }
0x35: {  	s10 =	sld [smem:$0x3FA1];
	_ =	sdelay $0x3  }
0x36: {  	p1 =	seq.s32 s10, $0x1;
	s10 =	sld [smem:$0x3FA2];
	_ =	sdelay $0x3  }
0x37: {  	[smem:$0x3FA2] =	sst s10  }
0x38: {  	s10 =	sld [smem:$0x3FA3]  }
0x39: {  	_ = 	snop;
	(pc) =	sbr.ind lr, $3  }
0x3a: {  	_ = 	snop  }
0x3b: {  	_ = 	snop  }
0x3c: {  	p2 =	seq.s32 s10, $0x1;
	s10 =	sld [smem:$0x3FA2]  }
0x3d: {  	_ =	shalt  }
0x3e: {  	_ =	shalt  }
0x3f: {  	_ =	shalt  }
0x40: {  	_ =	shalt  }
0x41: {  	_ =	shalt  }
0x42: {  	_ =	shalt  }
0x43: {  	_ =	shalt  }
0x44: {  	_ =	shalt  }
0x45: {  	_ =	shalt  }
0x46: {  	_ =	shalt  }
0x47: {  	_ =	shalt  }
0x48: {  	_ =	shalt  }
0x49: {  	_ =	shalt  }
0x4a: {  	_ =	shalt  }
0x4b: {  	_ =	shalt  }
0x4c: {  	_ =	shalt  }
0x4d: {  	_ =	shalt  }
0x4e: {  	_ =	shalt  }
0x4f: {  	_ =	shalt  }
0x50: {  	_ =	shalt  }
0x51: {  	_ =	shalt  }
0x52: {  	_ =	shalt  }
0x53: {  	_ =	shalt  }
0x54: {  	_ =	shalt  }
0x55: {  	_ =	shalt  }
0x56: {  	_ =	shalt  }
0x57: {  	_ =	shalt  }
0x58: {  	_ =	shalt  }
0x59: {  	_ =	shalt  }
0x5a: {  	_ =	shalt  }
0x5b: {  	_ =	shalt  }
0x5c: {  	_ =	shalt  }
0x5d: {  	_ =	shalt  }
0x5e: {  	_ =	shalt  }
0x5f: {  	_ =	shalt  }
0x60: {  	_ =	shalt  }
0x61: {  	_ =	shalt  }
0x62: {  	_ =	shalt  }
0x63: {  	_ =	shalt  }
0x64: {  	_ =	shalt  }
0x65: {  	_ =	shalt  }
0x66: {  	_ =	shalt  }
0x67: {  	_ =	shalt  }
0x68: {  	_ =	shalt  }
0x69: {  	_ =	shalt  }
0x6a: {  	_ =	shalt  }
0x6b: {  	_ =	shalt  }
0x6c: {  	_ =	shalt  }
0x6d: {  	_ =	shalt  }
0x6e: {  	_ =	shalt  }
0x6f: {  	_ =	shalt  }
0x70: {  	_ =	shalt  }
0x71: {  	_ =	shalt  }
0x72: {  	_ =	shalt  }
0x73: {  	_ =	shalt  }
0x74: {  	_ =	shalt  }
0x75: {  	_ =	shalt  }
0x76: {  	_ =	shalt  }
0x77: {  	_ =	shalt  }
0x78: {  	_ =	shalt  }
0x79: {  	_ =	shalt  }
0x7a: {  	_ =	shalt  }
0x7b: {  	_ =	shalt  }
0x7c: {  	_ =	shalt  }
0x7d: {  	_ =	shalt  }
0x7e: {  	_ =	shalt  }
0x7f: {  	_ =	shalt  }
0x80: {  	_ =	shalt  }
0x81: {  	_ =	shalt  }
0x82: {  	_ =	shalt  }
0x83: {  	_ =	shalt  }
0x84: {  	_ =	shalt  }
0x85: {  	_ =	shalt  }
0x86: {  	_ =	shalt  }
0x87: {  	_ =	shalt  }
.Lfunc_end0:
.L_simem_size_0:
called_computation.5_lowered:
.L_overlay_start_0:
0x88: {  	s2 =	sld [smem:$0x3FD9]  }
0x89: {  	s3 =	sld [smem:$0x3FFE];
	_ =	sdelay $0x1  }
0x8a: {  	s1 =	srdreg.scid  }
0x8b: {  	s0 =	sand.u32 $0x1, s1  }
0x8c: {  	s16 =	sshll.u32 s0, $0xA;
	s2 =	sadd.s32 s3, s2  }
0x8d: {  	s2 =	sadd.s32 s2, s16  }
0x8e: {  	[smem:$0x3FAE] =	sst s2  }
0x8f: {  	_ = 	snop  }
0x90: {  	(tm) =	ssettm $0x1  }
0x91: {  	s17 =	sld [smem:$0x3FFB];
	_ =	sdelay $0x3  }
0x92: {  	_ =	strace s17  }
0x93: {  	s2 =	sld [smem:$0x3FFC];
	_ =	sdelay $0x3  }
0x94: {  	_ =	strace s2  }
0x95: {  	s2 =	sld [smem:$0x3FFD];
	_ =	sdelay $0x3  }
0x96: {  	_ =	strace s2  }
0x97: {  	_ =	strace $0x8FFFFFFF  }
0x98: {  	s18 =	sld [smem:$0x3FDB];
	_ =	sdelay $0x1  }
0x99: {  	s19 =	simm.s32 $_scs_section_size  }
0x9a: {  	s4 =	simm.s32 $_size__tile_overlayer_lowered;
	s5 =	simm.s32 $_tile_overlayer_lowered  }
0x9b: {  	s22 =	simm.s32 $0x1BFF;
	s21 =	sshll.u32 s5, $0x1;
	s2 =	sadd.s32 s19, s18  }
0x9c: {  	s6 =	simm.s32 $0x0;
	s20 =	sshll.u32 s4, $0x1;
	s4 =	sadd.s32 s21, s2  }
0x9d: {  	[timem:s6], [sflag:s22] =	dma.local [hbm:s4], s20  }
0x9e: {  	_ =	swait.ge [sflag:s22], s20  }
0x9f: {  	s3 =	ssub.s32 $0x0, s20;
	[sflag:s22] =	ssyncset.done $0x0  }
0xa0: {  	[sflag:s22] =	ssyncadd.s32 s3;
	_ =	sdelay $0x1  }
0xa1: {  	s23 =	simm.s32 $0x1B8B  }
0xa2: {  	_ =	swait.ge [sflag:s23], $0x1  }
0xa3: {  	[sflag:s23] =	ssyncset.done $0x0  }
0xa4: {  	s25 =	simm.s32 $0x1B8E;
	s24 =	sld [smem:$0x3FFE];
	[sflag:s23] =	ssyncadd.s32 $0xFFFFFFFF  }
0xa5: {  	s26 =	simm.s32 $execute0_lowered;
	[smem:$0x3FD2] =	sst s25  }
0xa6: {  	s4 =	sshll.u32 s26, $0x1;
	_ =	strace $0x80000055;
	[dreg:$0x1] =	wrdreg $0xFFFFFFFF  }
0xa7: {  	s28 =	simm.s32 $_size_execute0_lowered;
	s2 =	sadd.s32 s2, s4;
	[dreg:$0x0] =	wrdreg $0x0  }
0xa8: {  	s4 =	sshll.u32 s28, $0x1;
	[dreg:$0x2] =	wrdreg s2  }
0xa9: {  	[dreg:$0x3] =	wrdreg s4  }
0xaa: {  	[dreg:$0x4] =	wrdreg $0xC0  }
0xab: {  	_ =	task [dreg:s6], $0x5FFFF  }
0xac: {  	[dreg:$0x1] =	wrdreg $0xFFFFFFFF  }
0xad: {  	[dreg:$0x0] =	wrdreg $0x60  }
0xae: {  	[dreg:$0x2] =	wrdreg s24  }
0xaf: {  	[dreg:$0x3] =	wrdreg $0x28800  }
0xb0: {  	[dreg:$0x4] =	wrdreg $0x2B000  }
0xb1: {  	[dreg:$0x5] =	wrdreg $0x9  }
0xb2: {  	_ =	task.clear_ibuf [dreg:s6], $0x6FFFF;
	_ =	strace $0x90000055  }
0xb3: {  	s29 =	simm.s32 $0x9;
	_ =	strace $0x80000057  }
0xb4: {  	_ =	swait.ge [sflag:s29], $0x1  }
0xb5: {  	[sflag:s29] =	ssyncadd.s32 $0xFFFFFFFF  }
0xb6: {  	_ =	strace $0x90000057  }
0xb7: {  	_ =	sfence  }
0xb8: {  	s30 =	sld [smem:$0x0];
	_ =	sdelay $0x2  }
0xb9: {  	s31 =	sshll.u32 s1, $0xD;
	s1 =	sshrl.u32 s1, $0x2  }
0xba: {  	s3 =	sand.u32 $0x4000, s31;
	s1 =	sadd.s32 s1, s30  }
0xbb: {  	s0 =	sor.u32 s3, s0;
	s1 =	sshll.u32 s1, $0x11  }
0xbc: {  	s0 =	sor.u32 s1, s0  }
0xbd: {  	s0 =	sadd.s32 $0x8F2B, s0  }
0xbe: {  	[sflag:s0] =	ssyncadd.remote.s32 $0x1  }
0xbf: {  	_ =	sfence.sel $0xFFFF  }
0xc0: {  	[dreg:$0x0] =	wrdreg $0xFFFFFFFF;
	(pc) =	sbr.abs _section_cstart, $3  }
0xc1: {  	[dreg:$0x1] =	wrdreg $0xFFFFFFFF  }
0xc2: {  	_ =	task.clear_ibuf [dreg:s6], $0x2FFFF;
	_ =	strace $0x9FFFFFFF  }
0xc3: {  	(tm) =	ssettm $0x7FFFFFFF  }
tec
execute0_lowered:
.L_overlay_start_1:
0x0: {  	(tag) =	ssettag $0x1  }
0x1: {  	s1 =	srdreg.scid;
	s5 =	rddreg [dreg:$0x0]  }
0x2: {  	s0 =	stileid.u32;
	s2 =	rddreg [dreg:$0x1]  }
0x3: {  	s3 =	rddreg [dreg:$0x2];
	s4 =	simm.s32 $0x0;
	s12 =	simm.s32 $0x1400  }
0x4: {  	s16 =	simm.s32 $0x1;
	s17 =	simm.s32 $0x80;
	s18 =	simm.s32 $0x2800  }
0x5: {  	s19 =	simm.s32 $0x2;
	s20 =	simm.s32 $0x0;
	s6 =	sand.u32 $0x1, s1  }
0x6: {  	s31 =	sshll.u32 s0, $0x1;
	s8 =	smul.u32 $0x280, s0;
	[smem:$0x7FF] =	sst s4  }
0x7: {  	s13 =	sshll.u32 s0, $0x6;
	s1 =	sor.u32 s6, s31;
	s9 =	smul.u32 $0x2800, s6  }
0x8: {  	s6 =	ssub.s32 $0x2, s6;
	s13 =	sor.u32 $0x1C03, s13;
	s7 =	smul.u32 $0x280, s1  }
0x9: {  	s1 =	rddreg [dreg:$0x3];
	_ =	strace $0x80000056;
	s10 =	sshrl.u32 s8, $0x3  }
0xa: {  	s11 =	sshrl.u32 s6, $0x1;
	s14 =	sadd.s32 s8, s2;
	s15 =	sadd.s32 s8, s3  }
0xb: {  	s9 =	sadd.s32 s8, s9;
	s10 =	sadd.s32 s10, s5;
	s11 =	ssub.s32 s6, s11  }
0xc: {  	s14 =	sshrl.u32 s14, $0x3;
	s7 =	sadd.s32 s7, s5;
	s9 =	sshrl.u32 s9, $0x3  }
0xd: {  	s15 =	sshrl.u32 s15, $0x3;
	s9 =	sadd.s32 s9, s5;
	s5 =	sadd.s32 $0x5E800, s7  }
0xe: {  	s6 =	sadd.s32 $0x9800, s7;
	s7 =	sadd.s32 $0x9200, s10;
	s10 =	smax.u32 s11, $0x1  }
0xf: {  	v0 =	vimm.f32 $1.000000000e+00;
	s11 =	simm.s32 $0x3;
	s8 =	sadd.s32 $0xE800, s9;
	s9 =	sadd.s32 $0xF200, s9  }
.LBB2_1:
0x10: {  	[tilespmem:$0x2800] =	vst v0  }
0x11: {  	[tilespmem:$0x2810] =	vst v0  }
0x12: {  	[tilespmem:$0x2820] =	vst v0  }
0x13: {  	[tilespmem:$0x2830] =	vst v0  }
0x14: {  	[tilespmem:$0x2840] =	vst v0  }
0x15: {  	[tilespmem:$0x2850] =	vst v0  }
0x16: {  	[tilespmem:$0x2860] =	vst v0  }
0x17: {  	[tilespmem:$0x2870] =	vst v0  }
0x18: {  	[tilespmem:s4], [sflag:$0x3] =	stream.linear.gather [hbm4b:s5+s4], $0x1400, $0x38;
	[tilespmem:$0x2D80] =	vst v63  }
0x19: {  	_ =	swait.ge [sflag:s11], $0x1400  }
0x1a: {  	[sflag:s11] =	ssyncset.done $0x0  }
0x1b: {  	[sflag:s11] =	ssyncadd.s32 $0xFFFFEC00  }
0x1c: {  	[tilespmem:s12], [sflag:$0x1] =	stream.linear.gather [hbm4b:s6+s4], $0x1400, $0x38;
	[tilespmem:$0x2D80] =	vst v63  }
0x1d: {  	[spmem:s14], [sflag:s13] =	dma.local [hbm:s7], $0x50  }
0x1e: {  	_ =	swait.ge [sflag:s11], $0x50  }
0x1f: {  	[sflag:s11] =	ssyncset.done $0x0  }
0x20: {  	[sflag:s11] =	ssyncadd.s32 $0xFFFFFFB0  }
0x21: {  	[spmem:s15], [sflag:s13] =	dma.local [hbm:s7], $0x50  }
0x22: {  	_ =	swait.ge [sflag:s11], $0x50  }
0x23: {  	[sflag:s11] =	ssyncset.done $0x0  }
0x24: {  	[sflag:s11] =	ssyncadd.s32 $0xFFFFFFB0  }
0x25: {  	[bflag:$0x0] =	sbarrier.arrive $0xFFFF  }
0x26: {  	_ =	swait.ge [sflag:s16], $0x1400  }
0x27: {  	[sflag:s16] =	ssyncset.done $0x0  }
0x28: {  	s22 =	simm.s32 $0x0;
	s21 =	simm.s32 $0x1400;
	[sflag:s16] =	ssyncadd.s32 $0xFFFFEC00  }
0x29: {  	[spmem:s2] =	stream.indirect.scatter.add.f32 [tilespmem:s21], [sflag:$0x1], $0x1, s22, s17, $0xb8;
	[tilespmem:$0x2D80] =	vst v63  }
0x2a: {  	s21 =	simm.s32 $0x200  }
.LBB2_2:
0x2b: {  	[spmem:s3] =	stream.indirect.scatter.add.f32 [tilespmem:s18], [sflag:$0x2], $0x1, s22, s17, $0xb8;
	[tilespmem:$0x2D80] =	vst v63  }
0x2c: {  	p0 =	sne.s32 s21, $0x4E00  }
.Ltmp0:
0x2d: {  	s22 =	smov.u32 s21;
	(pc) =	sbr.rel @p0 .LBB2_2-.Ltmp0, $4  }
0x2e: {  	s21 =	sadd.s32 $0x200, s21  }
0x2f: {  	s22 =	sshra.s32 s22, $0x2  }
0x30: {  	s23 =	sadd.s32 $0x1400, s22  }
0x31: {  	[spmem:s2] =	stream.indirect.scatter.add.f32 [tilespmem:s23], [sflag:$0x1], $0x1, s22, s17, $0xb8;
	[tilespmem:$0x2D80] =	vst v63  }
0x32: {  	[spmem:s3] =	stream.indirect.scatter.add.f32 [tilespmem:s18], [sflag:$0x2], $0x1, s22, s17, $0xb8;
	[tilespmem:$0x2D80] =	vst v63  }
0x33: {  	_ =	swait.ge [sflag:s16], $0x1400  }
0x34: {  	[sflag:s16] =	ssyncset.done $0x0  }
0x35: {  	[sflag:s16] =	ssyncadd.s32 $0xFFFFEC00  }
0x36: {  	_ =	swait.ge [sflag:s19], $0x1400  }
0x37: {  	[sflag:s19] =	ssyncset.done $0x0  }
0x38: {  	[sflag:s19] =	ssyncadd.s32 $0xFFFFEC00  }
0x39: {  	[bflag:$0x0] =	sbarrier.arrive $0xFFFF  }
0x3a: {  	[hbm:s8], [sflag:s13] =	dma.local [spmem:s14], $0x50  }
0x3b: {  	s20 =	sadd.s32 $0x1, s20;
	_ =	swait.ge [sflag:s11], $0x50  }
0x3c: {  	p0 =	sne.s32 s20, s10;
	[sflag:s11] =	ssyncset.done $0x0  }
.Ltmp1:
0x3d: {  	[sflag:s11] =	ssyncadd.s32 $0xFFFFFFB0;
	(pc) =	sbr.rel @p0 .LBB2_1-.Ltmp1, $4  }
0x3e: {  	[hbm:s9], [sflag:s13] =	dma.local [spmem:s15], $0x50  }
0x3f: {  	_ =	swait.ge [sflag:s11], $0x50  }
0x40: {  	[sflag:s11] =	ssyncset.done $0x0  }
0x41: {  	[sflag:s11] =	ssyncadd.s32 $0xFFFFFFB0  }
0x42: {  	_ =	sfence.sel $0x180000  }
0x43: {  	[bflag:$0x0] =	sbarrier.arrive $0xFFFF  }
0x44: {  	p0 =	sne.s32 s0, $0x0;
	_ =	strace $0x90000056  }
0x45: {  	s0 =	sadd.s32 @!p0 $0x100000, s1;
	[bflag:$0x2] =	sbarrier.arrive $0xFFFF  }
0x46: {  	[sflag:s0] =	ssyncadd.tile.s32 @!p0 $0x1;
	_ =	shalt  }
.Lfunc_end2:
_tile_overlayer_lowered:
.L_overlay_start_2:
0x47: {  	(tag) =	ssettag $0x2  }
0x48: {  	s0 =	rddreg [dreg:$0x0];
	s2 =	stileid.u32  }
0x49: {  	s1 =	rddreg [dreg:$0x1];
	p0 =	sne.s32 s2, $0x0  }
0x4a: {  	s3 =	rddreg [dreg:$0x2];
	[bflag:$0x3] =	sbarrier.arrive $0xFFFF;
	s2 =	simm.s32 @!p0 $0x1C03  }
0x4b: {  	[timem:s3], [sflag:s2] =	dma.local @!p0 [hbm:s0], s1  }
0x4c: {  	s0 =	simm.s32 @!p0 $0x3  }
0x4d: {  	_ =	swait.ge @!p0 [sflag:s0], s1  }
0x4e: {  	s1 =	ssub.s32 @!p0 $0x0, s1;
	[sflag:s0] =	ssyncset.done @!p0 $0x0  }
0x4f: {  	[sflag:s0] =	ssyncadd.s32 @!p0 s1  }
0x50: {  	[bflag:$0x3] =	sbarrier.arrive $0xFFFF  }
0x51: {  	_ =	shalt  }

</sc_bundles>
